<compile_context>
chip_gen: v7x
topology: tpu7x:2x2x1
jax: 0.10.2.dev20260603
libtpu: 0.0.44.dev20260713+nightly
codegen_flags: <defaults>
</compile_context>

<pallas_src>
import functools

import jax
import jax.numpy as jnp
from jax import lax
from jax.experimental import pallas as pl
from jax.experimental.pallas import tpu as pltpu
from jax.experimental.pallas import tpu_sc as plsc

_K = 1024
_D = 32
_P = 1024
_B = 32
_NSPLIT = 2
_HB = _B // _NSPLIT
_TPI = 32 // _HB
_HPX = _P // _TPI
_N_ELEMS = float(_B * _D * _P)
_COMMIT = 0.25
_LANES = 16


def _argmin_body(x_ref, emb_ref, idx_ref, loss_ref):
    i = pl.program_id(0)
    x = x_ref[0]
    emb = emb_ref[...]

    x2 = jnp.sum(x * x, axis=0, keepdims=True)
    e2 = jnp.sum(emb * emb, axis=1, keepdims=True)
    dots2 = lax.dot_general(
        2.0 * emb, x, (((1,), (0,)), ((), ())),
        preferred_element_type=jnp.float32)
    dist = (x2 + e2) - dots2

    dmin = jnp.min(dist, axis=0, keepdims=True)
    iota_k = lax.broadcasted_iota(jnp.int32, (_K, _P), 0)
    idx = jnp.min(jnp.where(dist == dmin, iota_k, _K), axis=0)
    idx_ref[...] = idx.reshape(8, 128)

    part = jnp.sum(dmin)
    loss_ref[0, 0] = jnp.where(i == 0, 0.0, loss_ref[0, 0]) + part


def _sc_gather(emb_hbm, idx_hbm, out_hbm, emb_v, idx_v, col_v):
    tid = lax.axis_index("s") * 2 + lax.axis_index("c")
    img = tid // _TPI
    off = (tid % _TPI) * _HPX
    pltpu.sync_copy(emb_hbm, emb_v)
    pltpu.sync_copy(idx_hbm.at[pl.ds(img * _P + off, _HPX)], idx_v)

    @plsc.parallel_loop(0, _HPX // _LANES, unroll=8)
    def chunk(p):
        base = p * _LANES
        addrs = idx_v[pl.ds(base, _LANES)] * _D
        for c in range(_D):
            col_v[c, pl.ds(base, _LANES)] = plsc.load_gather(
                emb_v, [addrs + c])

    pltpu.sync_copy(col_v, out_hbm.at[img, :, pl.ds(off, _HPX)])


def _tc_half(z_r, emb_weight, h):
    return pl.pallas_call(
        _argmin_body,
        grid=(_HB,),
        in_specs=[
            pl.BlockSpec((1, _D, _P), lambda i, h=h: (h * _HB + i, 0, 0)),
            pl.BlockSpec((_K, _D), lambda i: (0, 0)),
        ],
        out_specs=[
            pl.BlockSpec((8, 128), lambda i: (i, 0)),
            pl.BlockSpec((1, 1), lambda i: (0, 0),
                         memory_space=pltpu.SMEM),
        ],
        out_shape=[
            jax.ShapeDtypeStruct((8 * _HB, 128), jnp.int32),
            jax.ShapeDtypeStruct((1, 1), jnp.float32),
        ],
    )(z_r, emb_weight)


def kernel(z_e, emb_weight):
    B, C, H, W = z_e.shape
    z_r = z_e.reshape(B, C, H * W)
    emb_flat = emb_weight.reshape(-1)

    mesh = plsc.VectorSubcoreMesh(core_axis_name="c", subcore_axis_name="s")
    gather = functools.partial(
        pl.kernel, mesh=mesh,
        compiler_params=pltpu.CompilerParams(needs_layout_passes=False),
        out_type=jax.ShapeDtypeStruct((_HB, C, H * W), jnp.float32),
        scratch_types=[
            pltpu.VMEM((_K * _D,), jnp.float32),
            pltpu.VMEM((_HPX,), jnp.int32),
            pltpu.VMEM((_D, _HPX), jnp.float32),
        ],
    )(_sc_gather)

    chunks = []
    losses = []
    for h in range(_NSPLIT):
        idx2, lpart = _tc_half(z_r, emb_weight, h)
        chunks.append(gather(emb_flat, idx2.reshape(-1)))
        losses.append(lpart[0, 0])

    z_q = jnp.concatenate(chunks, axis=0)
    loss = sum(losses) * ((1.0 + _COMMIT) / _N_ELEMS)
    return z_q.reshape(B, C, H, W), loss

# --- scband reference (transcript-rebuilt; emitter-appended) ---
"""Pipeline reference for scband-vector-quantizer-17025250361846 (READ-ONLY COPY).

The authoritative reference and input builder live on the scoring server;
editing this copy changes nothing except your own understanding.
"""

import jax, jax.numpy as jnp
import numpy as np

NUM_EMBEDDINGS = 1024
EMBEDDING_DIM = 32
COMMITMENT_COST = 0.25


def setup_inputs(seed: int = 0) -> dict:
    key = jax.random.key(seed)
    k1, k2 = jax.random.split(key)
    z_e = jax.random.normal(k1, (32, 32, 32, 32), dtype=jnp.float32)
    # nn.Embedding weight initialized uniform(-1/K, 1/K)
    emb_weight = jax.random.uniform(
        k2, (NUM_EMBEDDINGS, EMBEDDING_DIM), dtype=jnp.float32,
        minval=-1.0 / NUM_EMBEDDINGS, maxval=1.0 / NUM_EMBEDDINGS)
    return {"z_e": z_e, "emb_weight": emb_weight}


def reference(z_e, emb_weight):
    B, C, H, W = z_e.shape
    # (B,C,H,W) -> (B,H,W,C) -> (B*H*W, C)
    flat = jnp.transpose(z_e, (0, 2, 3, 1)).reshape(-1, EMBEDDING_DIM)
    x2 = jnp.sum(flat ** 2, axis=1, keepdims=True)
    e2 = jnp.sum(emb_weight ** 2, axis=1)
    distances = x2 + e2 - 2.0 * jnp.matmul(flat, emb_weight.T)
    encoding_indices = jnp.argmin(distances, axis=1)
    # one_hot @ weight is exactly a row gather; use SparseCore-friendly gather
    quantised = jnp.take(emb_weight, encoding_indices, axis=0).reshape(B, H, W, C)
    z_q = jnp.transpose(quantised, (0, 3, 1, 2))
    e_latent_loss = jnp.mean((jax.lax.stop_gradient(z_q) - z_e) ** 2)
    q_latent_loss = jnp.mean((z_q - jax.lax.stop_gradient(z_e)) ** 2)
    loss = q_latent_loss + COMMITMENT_COST * e_latent_loss
    z_q_st = z_e + jax.lax.stop_gradient(z_q - z_e)
    return (z_q_st, loss)

if __name__ == "__main__":
    import jax
    _d = setup_inputs()
    print(jax.jit(kernel)(*tuple(_d.values())))

</pallas_src>

<mosaic_0001>
#map = affine_map<(d0, d1) -> (0)>
#map1 = affine_map<(d0, d1) -> (0, 0, 0)>
module attributes {stable_mosaic.version = 14 : i64} {
  func.func @_sc_gather(%arg0: i32, %arg1: i32, %arg2: memref<32768xf32, #tpu.memory_space<hbm>>, %arg3: memref<16384xi32, #tpu.memory_space<hbm>>, %arg4: memref<16x32x1024xf32, #tpu.memory_space<hbm>>, %arg5: memref<32768xf32, #tpu.memory_space<vmem>>, %arg6: memref<512xi32, #tpu.memory_space<vmem>>, %arg7: memref<32x512xf32, #tpu.memory_space<vmem>>) attributes {dimension_semantics = [#tpu.dimension_semantics<core_parallel>, #tpu.dimension_semantics<subcore_parallel>], iteration_bounds = array<i64: 2, 16>, scalar_prefetch = 0 : i64, scratch_operands = 3 : i64, tpu.core_type = #tpu.core_type<sc_vector_subcore>, window_params = [{transform_indices = #map}, {transform_indices = #map}, {transform_indices = #map1}]} {
    %mul3A = arith.constant 2 : i32
    %mul3A_0 = arith.muli %arg1, %mul3A : i32
    %add3A = arith.addi %mul3A_0, %arg0 : i32
    %jit3A = arith.constant 2 : i32
    %div3A = arith.divsi %add3A, %jit3A : i32
    %sign3A = arith.constant 0 : i32
    %sign3A_1 = arith.cmpi sgt, %add3A, %sign3A : i32
    %sign3A_2 = arith.extui %sign3A_1 : i1 to i32
    %sign3A_3 = arith.constant 0 : i32
    %sign3A_4 = arith.cmpi slt, %add3A, %sign3A_3 : i32
    %sign3A_5 = arith.extui %sign3A_4 : i1 to i32
    %sign3A_6 = arith.subi %sign3A_2, %sign3A_5 : i32
    %sign3A_7 = arith.constant 0 : i32
    %sign3A_8 = arith.cmpi sgt, %jit3A, %sign3A_7 : i32
    %sign3A_9 = arith.extui %sign3A_8 : i1 to i32
    %sign3A_10 = arith.constant 0 : i32
    %sign3A_11 = arith.cmpi slt, %jit3A, %sign3A_10 : i32
    %sign3A_12 = arith.extui %sign3A_11 : i1 to i32
    %sign3A_13 = arith.subi %sign3A_9, %sign3A_12 : i32
    %ne3A = arith.cmpi ne, %sign3A_6, %sign3A_13 : i32
    %rem3A = arith.remsi %add3A, %jit3A : i32
    %ne3A_14 = arith.constant 0 : i32
    %ne3A_15 = arith.cmpi ne, %rem3A, %ne3A_14 : i32
    %and3A = arith.andi %ne3A, %ne3A_15 : i1
    %sub3A = arith.constant 1 : i32
    %sub3A_16 = arith.subi %div3A, %sub3A : i32
    %select_n3A = arith.select %and3A, %sub3A_16, %div3A : i32
    %jit3A_17 = arith.constant 2 : i32
    %eq3A = arith.constant 0 : i32
    %eq3A_18 = arith.cmpi eq, %jit3A_17, %eq3A : i32
    %jit3A_19 = arith.constant 1 : i32
    %select_n3A_20 = arith.select %eq3A_18, %jit3A_19, %jit3A_17 : i32
    %rem3A_21 = arith.remsi %add3A, %select_n3A_20 : i32
    %ne3A_22 = arith.constant 0 : i32
    %ne3A_23 = arith.cmpi ne, %rem3A_21, %ne3A_22 : i32
    %lt3A = arith.constant 0 : i32
    %lt3A_24 = arith.cmpi slt, %rem3A_21, %lt3A : i32
    %lt3A_25 = arith.constant 0 : i32
    %lt3A_26 = arith.cmpi slt, %select_n3A_20, %lt3A_25 : i32
    %ne3A_27 = arith.xori %lt3A_24, %lt3A_26 : i1
    %and3A_28 = arith.andi %ne3A_27, %ne3A_23 : i1
    %add3A_29 = arith.addi %rem3A_21, %select_n3A_20 : i32
    %select_n3A_30 = arith.select %and3A_28, %add3A_29, %rem3A_21 : i32
    %mul3A_31 = arith.constant 512 : i32
    %mul3A_32 = arith.muli %select_n3A_30, %mul3A_31 : i32
    "tpu.region"() ({
      %run_scoped3A = tpu.sem_alloc : memref<!tpu.dma_semaphore, #tpu.memory_space<semaphore_mem>>
      tpu.enqueue_dma source(%arg2 : memref<32768xf32, #tpu.memory_space<hbm>>) target(%arg5 : memref<32768xf32, #tpu.memory_space<vmem>>) target_semaphore(%run_scoped3A : memref<!tpu.dma_semaphore, #tpu.memory_space<semaphore_mem>>)
      tpu.wait_dma2 semaphore(%run_scoped3A : memref<!tpu.dma_semaphore, #tpu.memory_space<semaphore_mem>>) src(%arg2 : memref<32768xf32, #tpu.memory_space<hbm>>) dst(%arg5 : memref<32768xf32, #tpu.memory_space<vmem>>)
      tpu.yield
    }) : () -> ()
    %mul3A_33 = arith.constant 1024 : i32
    %mul3A_34 = arith.muli %select_n3A, %mul3A_33 : i32
    %add3A_35 = arith.addi %mul3A_34, %mul3A_32 : i32
    "tpu.region"() ({
      %run_scoped3A = tpu.sem_alloc : memref<!tpu.dma_semaphore, #tpu.memory_space<semaphore_mem>>
      %dma_start3A = tpu.memref_slice %arg3[%add3A_35] : memref<16384xi32, #tpu.memory_space<hbm>> -> memref<512xi32, #tpu.memory_space<hbm>>
      %dma_start3A_38 = tpu.memref_slice %arg3[%add3A_35] : memref<16384xi32, #tpu.memory_space<hbm>> -> memref<512xi32, #tpu.memory_space<hbm>>
      tpu.enqueue_dma source(%dma_start3A_38 : memref<512xi32, #tpu.memory_space<hbm>>) target(%arg6 : memref<512xi32, #tpu.memory_space<vmem>>) target_semaphore(%run_scoped3A : memref<!tpu.dma_semaphore, #tpu.memory_space<semaphore_mem>>)
      %dma_wait3A = tpu.memref_slice %arg3[%add3A_35] : memref<16384xi32, #tpu.memory_space<hbm>> -> memref<512xi32, #tpu.memory_space<hbm>>
      %dma_wait3A_39 = tpu.memref_slice %arg3[%add3A_35] : memref<16384xi32, #tpu.memory_space<hbm>> -> memref<512xi32, #tpu.memory_space<hbm>>
      tpu.wait_dma2 semaphore(%run_scoped3A : memref<!tpu.dma_semaphore, #tpu.memory_space<semaphore_mem>>) src(%dma_wait3A_39 : memref<512xi32, #tpu.memory_space<hbm>>) dst(%arg6 : memref<512xi32, #tpu.memory_space<vmem>>)
      tpu.yield
    }) : () -> ()
    %parallel_loop3A = arith.constant 0 : i32
    %parallel_loop3A_36 = arith.constant 32 : i32
    %parallel_loop3A_37 = arith.constant 1 : i32
    scf.for %parallel_loop3A_38 = %parallel_loop3A to %parallel_loop3A_36 step %parallel_loop3A_37  : i32 {
      %parallel_loop3A_39 = arith.constant 16 : i32
      %parallel_loop3A_40 = arith.muli %parallel_loop3A_38, %parallel_loop3A_39 : i32
      %parallel_loop3A_41 = arith.index_cast %parallel_loop3A_40 : i32 to index
      %parallel_loop3A_42 = tpu.vector_load %arg6[%parallel_loop3A_41] {strides = array<i32>} : memref<512xi32, #tpu.memory_space<vmem>>, vector<16xi32>,
      %parallel_loop3A_43 = arith.constant 32 : i32
      %parallel_loop3A_44 = vector.broadcast %parallel_loop3A_43 : i32 to vector<16xi32>
      %parallel_loop3A_45 = arith.muli %parallel_loop3A_42, %parallel_loop3A_44 : vector<16xi32>
      %parallel_loop3A_46 = arith.constant 0 : i32
      %parallel_loop3A_47 = vector.broadcast %parallel_loop3A_46 : i32 to vector<16xi32>
      %parallel_loop3A_48 = arith.addi %parallel_loop3A_45, %parallel_loop3A_47 : vector<16xi32>
      %parallel_loop3A_49 = tpu.vector_load_idx %arg5[%parallel_loop3A_48] : memref<32768xf32, #tpu.memory_space<vmem>>[vector<16xi32>], vector<16xf32>,
      %parallel_loop3A_50 = arith.constant 0 : i32
      %parallel_loop3A_51 = arith.index_cast %parallel_loop3A_50 : i32 to index
      %parallel_loop3A_52 = arith.index_cast %parallel_loop3A_40 : i32 to index
      %parallel_loop3A_53 = tpu.vector_load %arg7[%parallel_loop3A_51, %parallel_loop3A_52] {strides = array<i32>} : memref<32x512xf32, #tpu.memory_space<vmem>>, vector<16xf32>,
      tpu.vector_store %arg7[%parallel_loop3A_51, %parallel_loop3A_52], %parallel_loop3A_49 {strides = array<i32>} : memref<32x512xf32, #tpu.memory_space<vmem>>, vector<16xf32>,
      %parallel_loop3A_54 = arith.constant 1 : i32
      %parallel_loop3A_55 = vector.broadcast %parallel_loop3A_54 : i32 to vector<16xi32>
      %parallel_loop3A_56 = arith.addi %parallel_loop3A_45, %parallel_loop3A_55 : vector<16xi32>
      %parallel_loop3A_57 = tpu.vector_load_idx %arg5[%parallel_loop3A_56] : memref<32768xf32, #tpu.memory_space<vmem>>[vector<16xi32>], vector<16xf32>,
      %parallel_loop3A_58 = arith.constant 1 : i32
      %parallel_loop3A_59 = arith.index_cast %parallel_loop3A_58 : i32 to index
      %parallel_loop3A_60 = arith.index_cast %parallel_loop3A_40 : i32 to index
      %parallel_loop3A_61 = tpu.vector_load %arg7[%parallel_loop3A_59, %parallel_loop3A_60] {strides = array<i32>} : memref<32x512xf32, #tpu.memory_space<vmem>>, vector<16xf32>,
      tpu.vector_store %arg7[%parallel_loop3A_59, %parallel_loop3A_60], %parallel_loop3A_57 {strides = array<i32>} : memref<32x512xf32, #tpu.memory_space<vmem>>, vector<16xf32>,
      %parallel_loop3A_62 = arith.constant 2 : i32
      %parallel_loop3A_63 = vector.broadcast %parallel_loop3A_62 : i32 to vector<16xi32>
      %parallel_loop3A_64 = arith.addi %parallel_loop3A_45, %parallel_loop3A_63 : vector<16xi32>
      %parallel_loop3A_65 = tpu.vector_load_idx %arg5[%parallel_loop3A_64] : memref<32768xf32, #tpu.memory_space<vmem>>[vector<16xi32>], vector<16xf32>,
      %parallel_loop3A_66 = arith.constant 2 : i32
      %parallel_loop3A_67 = arith.index_cast %parallel_loop3A_66 : i32 to index
      %parallel_loop3A_68 = arith.index_cast %parallel_loop3A_40 : i32 to index
      %parallel_loop3A_69 = tpu.vector_load %arg7[%parallel_loop3A_67, %parallel_loop3A_68] {strides = array<i32>} : memref<32x512xf32, #tpu.memory_space<vmem>>, vector<16xf32>,
      tpu.vector_store %arg7[%parallel_loop3A_67, %parallel_loop3A_68], %parallel_loop3A_65 {strides = array<i32>} : memref<32x512xf32, #tpu.memory_space<vmem>>, vector<16xf32>,
      %parallel_loop3A_70 = arith.constant 3 : i32
      %parallel_loop3A_71 = vector.broadcast %parallel_loop3A_70 : i32 to vector<16xi32>
      %parallel_loop3A_72 = arith.addi %parallel_loop3A_45, %parallel_loop3A_71 : vector<16xi32>
      %parallel_loop3A_73 = tpu.vector_load_idx %arg5[%parallel_loop3A_72] : memref<32768xf32, #tpu.memory_space<vmem>>[vector<16xi32>], vector<16xf32>,
      %parallel_loop3A_74 = arith.constant 3 : i32
      %parallel_loop3A_75 = arith.index_cast %parallel_loop3A_74 : i32 to index
      %parallel_loop3A_76 = arith.index_cast %parallel_loop3A_40 : i32 to index
      %parallel_loop3A_77 = tpu.vector_load %arg7[%parallel_loop3A_75, %parallel_loop3A_76] {strides = array<i32>} : memref<32x512xf32, #tpu.memory_space<vmem>>, vector<16xf32>,
      tpu.vector_store %arg7[%parallel_loop3A_75, %parallel_loop3A_76], %parallel_loop3A_73 {strides = array<i32>} : memref<32x512xf32, #tpu.memory_space<vmem>>, vector<16xf32>,
      %parallel_loop3A_78 = arith.constant 4 : i32
      %parallel_loop3A_79 = vector.broadcast %parallel_loop3A_78 : i32 to vector<16xi32>
      %parallel_loop3A_80 = arith.addi %parallel_loop3A_45, %parallel_loop3A_79 : vector<16xi32>
      %parallel_loop3A_81 = tpu.vector_load_idx %arg5[%parallel_loop3A_80] : memref<32768xf32, #tpu.memory_space<vmem>>[vector<16xi32>], vector<16xf32>,
      %parallel_loop3A_82 = arith.constant 4 : i32
      %parallel_loop3A_83 = arith.index_cast %parallel_loop3A_82 : i32 to index
      %parallel_loop3A_84 = arith.index_cast %parallel_loop3A_40 : i32 to index
      %parallel_loop3A_85 = tpu.vector_load %arg7[%parallel_loop3A_83, %parallel_loop3A_84] {strides = array<i32>} : memref<32x512xf32, #tpu.memory_space<vmem>>, vector<16xf32>,
      tpu.vector_store %arg7[%parallel_loop3A_83, %parallel_loop3A_84], %parallel_loop3A_81 {strides = array<i32>} : memref<32x512xf32, #tpu.memory_space<vmem>>, vector<16xf32>,
      %parallel_loop3A_86 = arith.constant 5 : i32
      %parallel_loop3A_87 = vector.broadcast %parallel_loop3A_86 : i32 to vector<16xi32>
      %parallel_loop3A_88 = arith.addi %parallel_loop3A_45, %parallel_loop3A_87 : vector<16xi32>
      %parallel_loop3A_89 = tpu.vector_load_idx %arg5[%parallel_loop3A_88] : memref<32768xf32, #tpu.memory_space<vmem>>[vector<16xi32>], vector<16xf32>,
      %parallel_loop3A_90 = arith.constant 5 : i32
      %parallel_loop3A_91 = arith.index_cast %parallel_loop3A_90 : i32 to index
      %parallel_loop3A_92 = arith.index_cast %parallel_loop3A_40 : i32 to index
      %parallel_loop3A_93 = tpu.vector_load %arg7[%parallel_loop3A_91, %parallel_loop3A_92] {strides = array<i32>} : memref<32x512xf32, #tpu.memory_space<vmem>>, vector<16xf32>,
      tpu.vector_store %arg7[%parallel_loop3A_91, %parallel_loop3A_92], %parallel_loop3A_89 {strides = array<i32>} : memref<32x512xf32, #tpu.memory_space<vmem>>, vector<16xf32>,
      %parallel_loop3A_94 = arith.constant 6 : i32
      %parallel_loop3A_95 = vector.broadcast %parallel_loop3A_94 : i32 to vector<16xi32>
      %parallel_loop3A_96 = arith.addi %parallel_loop3A_45, %parallel_loop3A_95 : vector<16xi32>
      %parallel_loop3A_97 = tpu.vector_load_idx %arg5[%parallel_loop3A_96] : memref<32768xf32, #tpu.memory_space<vmem>>[vector<16xi32>], vector<16xf32>,
      %parallel_loop3A_98 = arith.constant 6 : i32
      %parallel_loop3A_99 = arith.index_cast %parallel_loop3A_98 : i32 to index
      %parallel_loop3A_100 = arith.index_cast %parallel_loop3A_40 : i32 to index
      %parallel_loop3A_101 = tpu.vector_load %arg7[%parallel_loop3A_99, %parallel_loop3A_100] {strides = array<i32>} : memref<32x512xf32, #tpu.memory_space<vmem>>, vector<16xf32>,
      tpu.vector_store %arg7[%parallel_loop3A_99, %parallel_loop3A_100], %parallel_loop3A_97 {strides = array<i32>} : memref<32x512xf32, #tpu.memory_space<vmem>>, vector<16xf32>,
      %parallel_loop3A_102 = arith.constant 7 : i32
      %parallel_loop3A_103 = vector.broadcast %parallel_loop3A_102 : i32 to vector<16xi32>
      %parallel_loop3A_104 = arith.addi %parallel_loop3A_45, %parallel_loop3A_103 : vector<16xi32>
      %parallel_loop3A_105 = tpu.vector_load_idx %arg5[%parallel_loop3A_104] : memref<32768xf32, #tpu.memory_space<vmem>>[vector<16xi32>], vector<16xf32>,
      %parallel_loop3A_106 = arith.constant 7 : i32
      %parallel_loop3A_107 = arith.index_cast %parallel_loop3A_106 : i32 to index
      %parallel_loop3A_108 = arith.index_cast %parallel_loop3A_40 : i32 to index
      %parallel_loop3A_109 = tpu.vector_load %arg7[%parallel_loop3A_107, %parallel_loop3A_108] {strides = array<i32>} : memref<32x512xf32, #tpu.memory_space<vmem>>, vector<16xf32>,
      tpu.vector_store %arg7[%parallel_loop3A_107, %parallel_loop3A_108], %parallel_loop3A_105 {strides = array<i32>} : memref<32x512xf32, #tpu.memory_space<vmem>>, vector<16xf32>,
      %parallel_loop3A_110 = arith.constant 8 : i32
      %parallel_loop3A_111 = vector.broadcast %parallel_loop3A_110 : i32 to vector<16xi32>
      %parallel_loop3A_112 = arith.addi %parallel_loop3A_45, %parallel_loop3A_111 : vector<16xi32>
      %parallel_loop3A_113 = tpu.vector_load_idx %arg5[%parallel_loop3A_112] : memref<32768xf32, #tpu.memory_space<vmem>>[vector<16xi32>], vector<16xf32>,
      %parallel_loop3A_114 = arith.constant 8 : i32
      %parallel_loop3A_115 = arith.index_cast %parallel_loop3A_114 : i32 to index
      %parallel_loop3A_116 = arith.index_cast %parallel_loop3A_40 : i32 to index
      %parallel_loop3A_117 = tpu.vector_load %arg7[%parallel_loop3A_115, %parallel_loop3A_116] {strides = array<i32>} : memref<32x512xf32, #tpu.memory_space<vmem>>, vector<16xf32>,
      tpu.vector_store %arg7[%parallel_loop3A_115, %parallel_loop3A_116], %parallel_loop3A_113 {strides = array<i32>} : memref<32x512xf32, #tpu.memory_space<vmem>>, vector<16xf32>,
      %parallel_loop3A_118 = arith.constant 9 : i32
      %parallel_loop3A_119 = vector.broadcast %parallel_loop3A_118 : i32 to vector<16xi32>
      %parallel_loop3A_120 = arith.addi %parallel_loop3A_45, %parallel_loop3A_119 : vector<16xi32>
      %parallel_loop3A_121 = tpu.vector_load_idx %arg5[%parallel_loop3A_120] : memref<32768xf32, #tpu.memory_space<vmem>>[vector<16xi32>], vector<16xf32>,
      %parallel_loop3A_122 = arith.constant 9 : i32
      %parallel_loop3A_123 = arith.index_cast %parallel_loop3A_122 : i32 to index
      %parallel_loop3A_124 = arith.index_cast %parallel_loop3A_40 : i32 to index
      %parallel_loop3A_125 = tpu.vector_load %arg7[%parallel_loop3A_123, %parallel_loop3A_124] {strides = array<i32>} : memref<32x512xf32, #tpu.memory_space<vmem>>, vector<16xf32>,
      tpu.vector_store %arg7[%parallel_loop3A_123, %parallel_loop3A_124], %parallel_loop3A_121 {strides = array<i32>} : memref<32x512xf32, #tpu.memory_space<vmem>>, vector<16xf32>,
      %parallel_loop3A_126 = arith.constant 10 : i32
      %parallel_loop3A_127 = vector.broadcast %parallel_loop3A_126 : i32 to vector<16xi32>
      %parallel_loop3A_128 = arith.addi %parallel_loop3A_45, %parallel_loop3A_127 : vector<16xi32>
      %parallel_loop3A_129 = tpu.vector_load_idx %arg5[%parallel_loop3A_128] : memref<32768xf32, #tpu.memory_space<vmem>>[vector<16xi32>], vector<16xf32>,
      %parallel_loop3A_130 = arith.constant 10 : i32
      %parallel_loop3A_131 = arith.index_cast %parallel_loop3A_130 : i32 to index
      %parallel_loop3A_132 = arith.index_cast %parallel_loop3A_40 : i32 to index
      %parallel_loop3A_133 = tpu.vector_load %arg7[%parallel_loop3A_131, %parallel_loop3A_132] {strides = array<i32>} : memref<32x512xf32, #tpu.memory_space<vmem>>, vector<16xf32>,
      tpu.vector_store %arg7[%parallel_loop3A_131, %parallel_loop3A_132], %parallel_loop3A_129 {strides = array<i32>} : memref<32x512xf32, #tpu.memory_space<vmem>>, vector<16xf32>,
      %parallel_loop3A_134 = arith.constant 11 : i32
      %parallel_loop3A_135 = vector.broadcast %parallel_loop3A_134 : i32 to vector<16xi32>
      %parallel_loop3A_136 = arith.addi %parallel_loop3A_45, %parallel_loop3A_135 : vector<16xi32>
      %parallel_loop3A_137 = tpu.vector_load_idx %arg5[%parallel_loop3A_136] : memref<32768xf32, #tpu.memory_space<vmem>>[vector<16xi32>], vector<16xf32>,
      %parallel_loop3A_138 = arith.constant 11 : i32
      %parallel_loop3A_139 = arith.index_cast %parallel_loop3A_138 : i32 to index
      %parallel_loop3A_140 = arith.index_cast %parallel_loop3A_40 : i32 to index
      %parallel_loop3A_141 = tpu.vector_load %arg7[%parallel_loop3A_139, %parallel_loop3A_140] {strides = array<i32>} : memref<32x512xf32, #tpu.memory_space<vmem>>, vector<16xf32>,
      tpu.vector_store %arg7[%parallel_loop3A_139, %parallel_loop3A_140], %parallel_loop3A_137 {strides = array<i32>} : memref<32x512xf32, #tpu.memory_space<vmem>>, vector<16xf32>,
      %parallel_loop3A_142 = arith.constant 12 : i32
      %parallel_loop3A_143 = vector.broadcast %parallel_loop3A_142 : i32 to vector<16xi32>
      %parallel_loop3A_144 = arith.addi %parallel_loop3A_45, %parallel_loop3A_143 : vector<16xi32>
      %parallel_loop3A_145 = tpu.vector_load_idx %arg5[%parallel_loop3A_144] : memref<32768xf32, #tpu.memory_space<vmem>>[vector<16xi32>], vector<16xf32>,
      %parallel_loop3A_146 = arith.constant 12 : i32
      %parallel_loop3A_147 = arith.index_cast %parallel_loop3A_146 : i32 to index
      %parallel_loop3A_148 = arith.index_cast %parallel_loop3A_40 : i32 to index
      %parallel_loop3A_149 = tpu.vector_load %arg7[%parallel_loop3A_147, %parallel_loop3A_148] {strides = array<i32>} : memref<32x512xf32, #tpu.memory_space<vmem>>, vector<16xf32>,
      tpu.vector_store %arg7[%parallel_loop3A_147, %parallel_loop3A_148], %parallel_loop3A_145 {strides = array<i32>} : memref<32x512xf32, #tpu.memory_space<vmem>>, vector<16xf32>,
      %parallel_loop3A_150 = arith.constant 13 : i32
      %parallel_loop3A_151 = vector.broadcast %parallel_loop3A_150 : i32 to vector<16xi32>
      %parallel_loop3A_152 = arith.addi %parallel_loop3A_45, %parallel_loop3A_151 : vector<16xi32>
      %parallel_loop3A_153 = tpu.vector_load_idx %arg5[%parallel_loop3A_152] : memref<32768xf32, #tpu.memory_space<vmem>>[vector<16xi32>], vector<16xf32>,
      %parallel_loop3A_154 = arith.constant 13 : i32
      %parallel_loop3A_155 = arith.index_cast %parallel_loop3A_154 : i32 to index
      %parallel_loop3A_156 = arith.index_cast %parallel_loop3A_40 : i32 to index
      %parallel_loop3A_157 = tpu.vector_load %arg7[%parallel_loop3A_155, %parallel_loop3A_156] {strides = array<i32>} : memref<32x512xf32, #tpu.memory_space<vmem>>, vector<16xf32>,
      tpu.vector_store %arg7[%parallel_loop3A_155, %parallel_loop3A_156], %parallel_loop3A_153 {strides = array<i32>} : memref<32x512xf32, #tpu.memory_space<vmem>>, vector<16xf32>,
      %parallel_loop3A_158 = arith.constant 14 : i32
      %parallel_loop3A_159 = vector.broadcast %parallel_loop3A_158 : i32 to vector<16xi32>
      %parallel_loop3A_160 = arith.addi %parallel_loop3A_45, %parallel_loop3A_159 : vector<16xi32>
      %parallel_loop3A_161 = tpu.vector_load_idx %arg5[%parallel_loop3A_160] : memref<32768xf32, #tpu.memory_space<vmem>>[vector<16xi32>], vector<16xf32>,
      %parallel_loop3A_162 = arith.constant 14 : i32
      %parallel_loop3A_163 = arith.index_cast %parallel_loop3A_162 : i32 to index
      %parallel_loop3A_164 = arith.index_cast %parallel_loop3A_40 : i32 to index
      %parallel_loop3A_165 = tpu.vector_load %arg7[%parallel_loop3A_163, %parallel_loop3A_164] {strides = array<i32>} : memref<32x512xf32, #tpu.memory_space<vmem>>, vector<16xf32>,
      tpu.vector_store %arg7[%parallel_loop3A_163, %parallel_loop3A_164], %parallel_loop3A_161 {strides = array<i32>} : memref<32x512xf32, #tpu.memory_space<vmem>>, vector<16xf32>,
      %parallel_loop3A_166 = arith.constant 15 : i32
      %parallel_loop3A_167 = vector.broadcast %parallel_loop3A_166 : i32 to vector<16xi32>
      %parallel_loop3A_168 = arith.addi %parallel_loop3A_45, %parallel_loop3A_167 : vector<16xi32>
      %parallel_loop3A_169 = tpu.vector_load_idx %arg5[%parallel_loop3A_168] : memref<32768xf32, #tpu.memory_space<vmem>>[vector<16xi32>], vector<16xf32>,
      %parallel_loop3A_170 = arith.constant 15 : i32
      %parallel_loop3A_171 = arith.index_cast %parallel_loop3A_170 : i32 to index
      %parallel_loop3A_172 = arith.index_cast %parallel_loop3A_40 : i32 to index
      %parallel_loop3A_173 = tpu.vector_load %arg7[%parallel_loop3A_171, %parallel_loop3A_172] {strides = array<i32>} : memref<32x512xf32, #tpu.memory_space<vmem>>, vector<16xf32>,
      tpu.vector_store %arg7[%parallel_loop3A_171, %parallel_loop3A_172], %parallel_loop3A_169 {strides = array<i32>} : memref<32x512xf32, #tpu.memory_space<vmem>>, vector<16xf32>,
      %parallel_loop3A_174 = arith.constant 16 : i32
      %parallel_loop3A_175 = vector.broadcast %parallel_loop3A_174 : i32 to vector<16xi32>
      %parallel_loop3A_176 = arith.addi %parallel_loop3A_45, %parallel_loop3A_175 : vector<16xi32>
      %parallel_loop3A_177 = tpu.vector_load_idx %arg5[%parallel_loop3A_176] : memref<32768xf32, #tpu.memory_space<vmem>>[vector<16xi32>], vector<16xf32>,
      %parallel_loop3A_178 = arith.constant 16 : i32
      %parallel_loop3A_179 = arith.index_cast %parallel_loop3A_178 : i32 to index
      %parallel_loop3A_180 = arith.index_cast %parallel_loop3A_40 : i32 to index
      %parallel_loop3A_181 = tpu.vector_load %arg7[%parallel_loop3A_179, %parallel_loop3A_180] {strides = array<i32>} : memref<32x512xf32, #tpu.memory_space<vmem>>, vector<16xf32>,
      tpu.vector_store %arg7[%parallel_loop3A_179, %parallel_loop3A_180], %parallel_loop3A_177 {strides = array<i32>} : memref<32x512xf32, #tpu.memory_space<vmem>>, vector<16xf32>,
      %parallel_loop3A_182 = arith.constant 17 : i32
      %parallel_loop3A_183 = vector.broadcast %parallel_loop3A_182 : i32 to vector<16xi32>
      %parallel_loop3A_184 = arith.addi %parallel_loop3A_45, %parallel_loop3A_183 : vector<16xi32>
      %parallel_loop3A_185 = tpu.vector_load_idx %arg5[%parallel_loop3A_184] : memref<32768xf32, #tpu.memory_space<vmem>>[vector<16xi32>], vector<16xf32>,
      %parallel_loop3A_186 = arith.constant 17 : i32
      %parallel_loop3A_187 = arith.index_cast %parallel_loop3A_186 : i32 to index
      %parallel_loop3A_188 = arith.index_cast %parallel_loop3A_40 : i32 to index
      %parallel_loop3A_189 = tpu.vector_load %arg7[%parallel_loop3A_187, %parallel_loop3A_188] {strides = array<i32>} : memref<32x512xf32, #tpu.memory_space<vmem>>, vector<16xf32>,
      tpu.vector_store %arg7[%parallel_loop3A_187, %parallel_loop3A_188], %parallel_loop3A_185 {strides = array<i32>} : memref<32x512xf32, #tpu.memory_space<vmem>>, vector<16xf32>,
      %parallel_loop3A_190 = arith.constant 18 : i32
      %parallel_loop3A_191 = vector.broadcast %parallel_loop3A_190 : i32 to vector<16xi32>
      %parallel_loop3A_192 = arith.addi %parallel_loop3A_45, %parallel_loop3A_191 : vector<16xi32>
      %parallel_loop3A_193 = tpu.vector_load_idx %arg5[%parallel_loop3A_192] : memref<32768xf32, #tpu.memory_space<vmem>>[vector<16xi32>], vector<16xf32>,
      %parallel_loop3A_194 = arith.constant 18 : i32
      %parallel_loop3A_195 = arith.index_cast %parallel_loop3A_194 : i32 to index
      %parallel_loop3A_196 = arith.index_cast %parallel_loop3A_40 : i32 to index
      %parallel_loop3A_197 = tpu.vector_load %arg7[%parallel_loop3A_195, %parallel_loop3A_196] {strides = array<i32>} : memref<32x512xf32, #tpu.memory_space<vmem>>, vector<16xf32>,
      tpu.vector_store %arg7[%parallel_loop3A_195, %parallel_loop3A_196], %parallel_loop3A_193 {strides = array<i32>} : memref<32x512xf32, #tpu.memory_space<vmem>>, vector<16xf32>,
      %parallel_loop3A_198 = arith.constant 19 : i32
      %parallel_loop3A_199 = vector.broadcast %parallel_loop3A_198 : i32 to vector<16xi32>
      %parallel_loop3A_200 = arith.addi %parallel_loop3A_45, %parallel_loop3A_199 : vector<16xi32>
      %parallel_loop3A_201 = tpu.vector_load_idx %arg5[%parallel_loop3A_200] : memref<32768xf32, #tpu.memory_space<vmem>>[vector<16xi32>], vector<16xf32>,
      %parallel_loop3A_202 = arith.constant 19 : i32
      %parallel_loop3A_203 = arith.index_cast %parallel_loop3A_202 : i32 to index
      %parallel_loop3A_204 = arith.index_cast %parallel_loop3A_40 : i32 to index
      %parallel_loop3A_205 = tpu.vector_load %arg7[%parallel_loop3A_203, %parallel_loop3A_204] {strides = array<i32>} : memref<32x512xf32, #tpu.memory_space<vmem>>, vector<16xf32>,
      tpu.vector_store %arg7[%parallel_loop3A_203, %parallel_loop3A_204], %parallel_loop3A_201 {strides = array<i32>} : memref<32x512xf32, #tpu.memory_space<vmem>>, vector<16xf32>,
      %parallel_loop3A_206 = arith.constant 20 : i32
      %parallel_loop3A_207 = vector.broadcast %parallel_loop3A_206 : i32 to vector<16xi32>
      %parallel_loop3A_208 = arith.addi %parallel_loop3A_45, %parallel_loop3A_207 : vector<16xi32>
      %parallel_loop3A_209 = tpu.vector_load_idx %arg5[%parallel_loop3A_208] : memref<32768xf32, #tpu.memory_space<vmem>>[vector<16xi32>], vector<16xf32>,
      %parallel_loop3A_210 = arith.constant 20 : i32
      %parallel_loop3A_211 = arith.index_cast %parallel_loop3A_210 : i32 to index
      %parallel_loop3A_212 = arith.index_cast %parallel_loop3A_40 : i32 to index
      %parallel_loop3A_213 = tpu.vector_load %arg7[%parallel_loop3A_211, %parallel_loop3A_212] {strides = array<i32>} : memref<32x512xf32, #tpu.memory_space<vmem>>, vector<16xf32>,
      tpu.vector_store %arg7[%parallel_loop3A_211, %parallel_loop3A_212], %parallel_loop3A_209 {strides = array<i32>} : memref<32x512xf32, #tpu.memory_space<vmem>>, vector<16xf32>,
      %parallel_loop3A_214 = arith.constant 21 : i32
      %parallel_loop3A_215 = vector.broadcast %parallel_loop3A_214 : i32 to vector<16xi32>
      %parallel_loop3A_216 = arith.addi %parallel_loop3A_45, %parallel_loop3A_215 : vector<16xi32>
      %parallel_loop3A_217 = tpu.vector_load_idx %arg5[%parallel_loop3A_216] : memref<32768xf32, #tpu.memory_space<vmem>>[vector<16xi32>], vector<16xf32>,
      %parallel_loop3A_218 = arith.constant 21 : i32
      %parallel_loop3A_219 = arith.index_cast %parallel_loop3A_218 : i32 to index
      %parallel_loop3A_220 = arith.index_cast %parallel_loop3A_40 : i32 to index
      %parallel_loop3A_221 = tpu.vector_load %arg7[%parallel_loop3A_219, %parallel_loop3A_220] {strides = array<i32>} : memref<32x512xf32, #tpu.memory_space<vmem>>, vector<16xf32>,
      tpu.vector_store %arg7[%parallel_loop3A_219, %parallel_loop3A_220], %parallel_loop3A_217 {strides = array<i32>} : memref<32x512xf32, #tpu.memory_space<vmem>>, vector<16xf32>,
      %parallel_loop3A_222 = arith.constant 22 : i32
      %parallel_loop3A_223 = vector.broadcast %parallel_loop3A_222 : i32 to vector<16xi32>
      %parallel_loop3A_224 = arith.addi %parallel_loop3A_45, %parallel_loop3A_223 : vector<16xi32>
      %parallel_loop3A_225 = tpu.vector_load_idx %arg5[%parallel_loop3A_224] : memref<32768xf32, #tpu.memory_space<vmem>>[vector<16xi32>], vector<16xf32>,
      %parallel_loop3A_226 = arith.constant 22 : i32
      %parallel_loop3A_227 = arith.index_cast %parallel_loop3A_226 : i32 to index
      %parallel_loop3A_228 = arith.index_cast %parallel_loop3A_40 : i32 to index
      %parallel_loop3A_229 = tpu.vector_load %arg7[%parallel_loop3A_227, %parallel_loop3A_228] {strides = array<i32>} : memref<32x512xf32, #tpu.memory_space<vmem>>, vector<16xf32>,
      tpu.vector_store %arg7[%parallel_loop3A_227, %parallel_loop3A_228], %parallel_loop3A_225 {strides = array<i32>} : memref<32x512xf32, #tpu.memory_space<vmem>>, vector<16xf32>,
      %parallel_loop3A_230 = arith.constant 23 : i32
      %parallel_loop3A_231 = vector.broadcast %parallel_loop3A_230 : i32 to vector<16xi32>
      %parallel_loop3A_232 = arith.addi %parallel_loop3A_45, %parallel_loop3A_231 : vector<16xi32>
      %parallel_loop3A_233 = tpu.vector_load_idx %arg5[%parallel_loop3A_232] : memref<32768xf32, #tpu.memory_space<vmem>>[vector<16xi32>], vector<16xf32>,
      %parallel_loop3A_234 = arith.constant 23 : i32
      %parallel_loop3A_235 = arith.index_cast %parallel_loop3A_234 : i32 to index
      %parallel_loop3A_236 = arith.index_cast %parallel_loop3A_40 : i32 to index
      %parallel_loop3A_237 = tpu.vector_load %arg7[%parallel_loop3A_235, %parallel_loop3A_236] {strides = array<i32>} : memref<32x512xf32, #tpu.memory_space<vmem>>, vector<16xf32>,
      tpu.vector_store %arg7[%parallel_loop3A_235, %parallel_loop3A_236], %parallel_loop3A_233 {strides = array<i32>} : memref<32x512xf32, #tpu.memory_space<vmem>>, vector<16xf32>,
      %parallel_loop3A_238 = arith.constant 24 : i32
      %parallel_loop3A_239 = vector.broadcast %parallel_loop3A_238 : i32 to vector<16xi32>
      %parallel_loop3A_240 = arith.addi %parallel_loop3A_45, %parallel_loop3A_239 : vector<16xi32>
      %parallel_loop3A_241 = tpu.vector_load_idx %arg5[%parallel_loop3A_240] : memref<32768xf32, #tpu.memory_space<vmem>>[vector<16xi32>], vector<16xf32>,
      %parallel_loop3A_242 = arith.constant 24 : i32
      %parallel_loop3A_243 = arith.index_cast %parallel_loop3A_242 : i32 to index
      %parallel_loop3A_244 = arith.index_cast %parallel_loop3A_40 : i32 to index
      %parallel_loop3A_245 = tpu.vector_load %arg7[%parallel_loop3A_243, %parallel_loop3A_244] {strides = array<i32>} : memref<32x512xf32, #tpu.memory_space<vmem>>, vector<16xf32>,
      tpu.vector_store %arg7[%parallel_loop3A_243, %parallel_loop3A_244], %parallel_loop3A_241 {strides = array<i32>} : memref<32x512xf32, #tpu.memory_space<vmem>>, vector<16xf32>,
      %parallel_loop3A_246 = arith.constant 25 : i32
      %parallel_loop3A_247 = vector.broadcast %parallel_loop3A_246 : i32 to vector<16xi32>
      %parallel_loop3A_248 = arith.addi %parallel_loop3A_45, %parallel_loop3A_247 : vector<16xi32>
      %parallel_loop3A_249 = tpu.vector_load_idx %arg5[%parallel_loop3A_248] : memref<32768xf32, #tpu.memory_space<vmem>>[vector<16xi32>], vector<16xf32>,
      %parallel_loop3A_250 = arith.constant 25 : i32
      %parallel_loop3A_251 = arith.index_cast %parallel_loop3A_250 : i32 to index
      %parallel_loop3A_252 = arith.index_cast %parallel_loop3A_40 : i32 to index
      %parallel_loop3A_253 = tpu.vector_load %arg7[%parallel_loop3A_251, %parallel_loop3A_252] {strides = array<i32>} : memref<32x512xf32, #tpu.memory_space<vmem>>, vector<16xf32>,
      tpu.vector_store %arg7[%parallel_loop3A_251, %parallel_loop3A_252], %parallel_loop3A_249 {strides = array<i32>} : memref<32x512xf32, #tpu.memory_space<vmem>>, vector<16xf32>,
      %parallel_loop3A_254 = arith.constant 26 : i32
      %parallel_loop3A_255 = vector.broadcast %parallel_loop3A_254 : i32 to vector<16xi32>
      %parallel_loop3A_256 = arith.addi %parallel_loop3A_45, %parallel_loop3A_255 : vector<16xi32>
      %parallel_loop3A_257 = tpu.vector_load_idx %arg5[%parallel_loop3A_256] : memref<32768xf32, #tpu.memory_space<vmem>>[vector<16xi32>], vector<16xf32>,
      %parallel_loop3A_258 = arith.constant 26 : i32
      %parallel_loop3A_259 = arith.index_cast %parallel_loop3A_258 : i32 to index
      %parallel_loop3A_260 = arith.index_cast %parallel_loop3A_40 : i32 to index
      %parallel_loop3A_261 = tpu.vector_load %arg7[%parallel_loop3A_259, %parallel_loop3A_260] {strides = array<i32>} : memref<32x512xf32, #tpu.memory_space<vmem>>, vector<16xf32>,
      tpu.vector_store %arg7[%parallel_loop3A_259, %parallel_loop3A_260], %parallel_loop3A_257 {strides = array<i32>} : memref<32x512xf32, #tpu.memory_space<vmem>>, vector<16xf32>,
      %parallel_loop3A_262 = arith.constant 27 : i32
      %parallel_loop3A_263 = vector.broadcast %parallel_loop3A_262 : i32 to vector<16xi32>
      %parallel_loop3A_264 = arith.addi %parallel_loop3A_45, %parallel_loop3A_263 : vector<16xi32>
      %parallel_loop3A_265 = tpu.vector_load_idx %arg5[%parallel_loop3A_264] : memref<32768xf32, #tpu.memory_space<vmem>>[vector<16xi32>], vector<16xf32>,
      %parallel_loop3A_266 = arith.constant 27 : i32
      %parallel_loop3A_267 = arith.index_cast %parallel_loop3A_266 : i32 to index
      %parallel_loop3A_268 = arith.index_cast %parallel_loop3A_40 : i32 to index
      %parallel_loop3A_269 = tpu.vector_load %arg7[%parallel_loop3A_267, %parallel_loop3A_268] {strides = array<i32>} : memref<32x512xf32, #tpu.memory_space<vmem>>, vector<16xf32>,
      tpu.vector_store %arg7[%parallel_loop3A_267, %parallel_loop3A_268], %parallel_loop3A_265 {strides = array<i32>} : memref<32x512xf32, #tpu.memory_space<vmem>>, vector<16xf32>,
      %parallel_loop3A_270 = arith.constant 28 : i32
      %parallel_loop3A_271 = vector.broadcast %parallel_loop3A_270 : i32 to vector<16xi32>
      %parallel_loop3A_272 = arith.addi %parallel_loop3A_45, %parallel_loop3A_271 : vector<16xi32>
      %parallel_loop3A_273 = tpu.vector_load_idx %arg5[%parallel_loop3A_272] : memref<32768xf32, #tpu.memory_space<vmem>>[vector<16xi32>], vector<16xf32>,
      %parallel_loop3A_274 = arith.constant 28 : i32
      %parallel_loop3A_275 = arith.index_cast %parallel_loop3A_274 : i32 to index
      %parallel_loop3A_276 = arith.index_cast %parallel_loop3A_40 : i32 to index
      %parallel_loop3A_277 = tpu.vector_load %arg7[%parallel_loop3A_275, %parallel_loop3A_276] {strides = array<i32>} : memref<32x512xf32, #tpu.memory_space<vmem>>, vector<16xf32>,
      tpu.vector_store %arg7[%parallel_loop3A_275, %parallel_loop3A_276], %parallel_loop3A_273 {strides = array<i32>} : memref<32x512xf32, #tpu.memory_space<vmem>>, vector<16xf32>,
      %parallel_loop3A_278 = arith.constant 29 : i32
      %parallel_loop3A_279 = vector.broadcast %parallel_loop3A_278 : i32 to vector<16xi32>
      %parallel_loop3A_280 = arith.addi %parallel_loop3A_45, %parallel_loop3A_279 : vector<16xi32>
      %parallel_loop3A_281 = tpu.vector_load_idx %arg5[%parallel_loop3A_280] : memref<32768xf32, #tpu.memory_space<vmem>>[vector<16xi32>], vector<16xf32>,
      %parallel_loop3A_282 = arith.constant 29 : i32
      %parallel_loop3A_283 = arith.index_cast %parallel_loop3A_282 : i32 to index
      %parallel_loop3A_284 = arith.index_cast %parallel_loop3A_40 : i32 to index
      %parallel_loop3A_285 = tpu.vector_load %arg7[%parallel_loop3A_283, %parallel_loop3A_284] {strides = array<i32>} : memref<32x512xf32, #tpu.memory_space<vmem>>, vector<16xf32>,
      tpu.vector_store %arg7[%parallel_loop3A_283, %parallel_loop3A_284], %parallel_loop3A_281 {strides = array<i32>} : memref<32x512xf32, #tpu.memory_space<vmem>>, vector<16xf32>,
      %parallel_loop3A_286 = arith.constant 30 : i32
      %parallel_loop3A_287 = vector.broadcast %parallel_loop3A_286 : i32 to vector<16xi32>
      %parallel_loop3A_288 = arith.addi %parallel_loop3A_45, %parallel_loop3A_287 : vector<16xi32>
      %parallel_loop3A_289 = tpu.vector_load_idx %arg5[%parallel_loop3A_288] : memref<32768xf32, #tpu.memory_space<vmem>>[vector<16xi32>], vector<16xf32>,
      %parallel_loop3A_290 = arith.constant 30 : i32
      %parallel_loop3A_291 = arith.index_cast %parallel_loop3A_290 : i32 to index
      %parallel_loop3A_292 = arith.index_cast %parallel_loop3A_40 : i32 to index
      %parallel_loop3A_293 = tpu.vector_load %arg7[%parallel_loop3A_291, %parallel_loop3A_292] {strides = array<i32>} : memref<32x512xf32, #tpu.memory_space<vmem>>, vector<16xf32>,
      tpu.vector_store %arg7[%parallel_loop3A_291, %parallel_loop3A_292], %parallel_loop3A_289 {strides = array<i32>} : memref<32x512xf32, #tpu.memory_space<vmem>>, vector<16xf32>,
      %parallel_loop3A_294 = arith.constant 31 : i32
      %parallel_loop3A_295 = vector.broadcast %parallel_loop3A_294 : i32 to vector<16xi32>
      %parallel_loop3A_296 = arith.addi %parallel_loop3A_45, %parallel_loop3A_295 : vector<16xi32>
      %parallel_loop3A_297 = tpu.vector_load_idx %arg5[%parallel_loop3A_296] : memref<32768xf32, #tpu.memory_space<vmem>>[vector<16xi32>], vector<16xf32>,
      %parallel_loop3A_298 = arith.constant 31 : i32
      %parallel_loop3A_299 = arith.index_cast %parallel_loop3A_298 : i32 to index
      %parallel_loop3A_300 = arith.index_cast %parallel_loop3A_40 : i32 to index
      %parallel_loop3A_301 = tpu.vector_load %arg7[%parallel_loop3A_299, %parallel_loop3A_300] {strides = array<i32>} : memref<32x512xf32, #tpu.memory_space<vmem>>, vector<16xf32>,
      tpu.vector_store %arg7[%parallel_loop3A_299, %parallel_loop3A_300], %parallel_loop3A_297 {strides = array<i32>} : memref<32x512xf32, #tpu.memory_space<vmem>>, vector<16xf32>,
    } {sc.loop_unroll_factor = 8 : i64, sc.parallel_access}
    "tpu.region"() ({
      %run_scoped3A = tpu.sem_alloc : memref<!tpu.dma_semaphore, #tpu.memory_space<semaphore_mem>>
      %dma_start3A = arith.constant 0 : i32
      %dma_start3A_38 = tpu.memref_slice %arg4[%select_n3A, %dma_start3A, %mul3A_32] : memref<16x32x1024xf32, #tpu.memory_space<hbm>> -> memref<1x32x512xf32, #tpu.memory_space<hbm>>
      %dma_start3A_39 = tpu.memref_squeeze %dma_start3A_38 : memref<1x32x512xf32, #tpu.memory_space<hbm>> -> memref<32x512xf32, #tpu.memory_space<hbm>>
      %dma_start3A_40 = arith.constant 0 : i32
      %dma_start3A_41 = tpu.memref_slice %arg4[%select_n3A, %dma_start3A_40, %mul3A_32] : memref<16x32x1024xf32, #tpu.memory_space<hbm>> -> memref<1x32x512xf32, #tpu.memory_space<hbm>>
      %dma_start3A_42 = tpu.memref_squeeze %dma_start3A_41 : memref<1x32x512xf32, #tpu.memory_space<hbm>> -> memref<32x512xf32, #tpu.memory_space<hbm>>
      tpu.enqueue_dma source(%arg7 : memref<32x512xf32, #tpu.memory_space<vmem>>) target(%dma_start3A_42 : memref<32x512xf32, #tpu.memory_space<hbm>>) target_semaphore(%run_scoped3A : memref<!tpu.dma_semaphore, #tpu.memory_space<semaphore_mem>>)
      %dma_wait3A = arith.constant 0 : i32
      %dma_wait3A_43 = tpu.memref_slice %arg4[%select_n3A, %dma_wait3A, %mul3A_32] : memref<16x32x1024xf32, #tpu.memory_space<hbm>> -> memref<1x32x512xf32, #tpu.memory_space<hbm>>
      %dma_wait3A_44 = tpu.memref_squeeze %dma_wait3A_43 : memref<1x32x512xf32, #tpu.memory_space<hbm>> -> memref<32x512xf32, #tpu.memory_space<hbm>>
      %dma_wait3A_45 = arith.constant 0 : i32
      %dma_wait3A_46 = tpu.memref_slice %arg4[%select_n3A, %dma_wait3A_45, %mul3A_32] : memref<16x32x1024xf32, #tpu.memory_space<hbm>> -> memref<1x32x512xf32, #tpu.memory_space<hbm>>
      %dma_wait3A_47 = tpu.memref_squeeze %dma_wait3A_46 : memref<1x32x512xf32, #tpu.memory_space<hbm>> -> memref<32x512xf32, #tpu.memory_space<hbm>>
      tpu.wait_dma2 semaphore(%run_scoped3A : memref<!tpu.dma_semaphore, #tpu.memory_space<semaphore_mem>>) src(%arg7 : memref<32x512xf32, #tpu.memory_space<vmem>>) dst(%dma_wait3A_47 : memref<32x512xf32, #tpu.memory_space<hbm>>)
      tpu.yield
    }) : () -> ()
    return
  }
}

#map = affine_map<(d0, d1) -> (0)>
#map1 = affine_map<(d0, d1) -> (0, 0, 0)>
module attributes {stable_mosaic.version = 14 : i64} {
  func.func @_sc_gather(%arg0: i32, %arg1: i32, %arg2: memref<32768xf32, #tpu.memory_space<hbm>>, %arg3: memref<16384xi32, #tpu.memory_space<hbm>>, %arg4: memref<16x32x1024xf32, #tpu.memory_space<hbm>>, %arg5: memref<32768xf32, #tpu.memory_space<vmem>>, %arg6: memref<512xi32, #tpu.memory_space<vmem>>, %arg7: memref<32x512xf32, #tpu.memory_space<vmem>>) attributes {dimension_semantics = [#tpu.dimension_semantics<core_parallel>, #tpu.dimension_semantics<subcore_parallel>], iteration_bounds = array<i64: 2, 16>, scalar_prefetch = 0 : i64, scratch_operands = 3 : i64, tpu.core_type = #tpu.core_type<sc_vector_subcore>, window_params = [{transform_indices = #map}, {transform_indices = #map}, {transform_indices = #map1}]} {
    %mul3A = arith.constant 2 : i32
    %mul3A_0 = arith.muli %arg1, %mul3A : i32
    %add3A = arith.addi %mul3A_0, %arg0 : i32
    %jit3A = arith.constant 2 : i32
    %div3A = arith.divsi %add3A, %jit3A : i32
    %sign3A = arith.constant 0 : i32
    %sign3A_1 = arith.cmpi sgt, %add3A, %sign3A : i32
    %sign3A_2 = arith.extui %sign3A_1 : i1 to i32
    %sign3A_3 = arith.constant 0 : i32
    %sign3A_4 = arith.cmpi slt, %add3A, %sign3A_3 : i32
    %sign3A_5 = arith.extui %sign3A_4 : i1 to i32
    %sign3A_6 = arith.subi %sign3A_2, %sign3A_5 : i32
    %sign3A_7 = arith.constant 0 : i32
    %sign3A_8 = arith.cmpi sgt, %jit3A, %sign3A_7 : i32
    %sign3A_9 = arith.extui %sign3A_8 : i1 to i32
    %sign3A_10 = arith.constant 0 : i32
    %sign3A_11 = arith.cmpi slt, %jit3A, %sign3A_10 : i32
    %sign3A_12 = arith.extui %sign3A_11 : i1 to i32
    %sign3A_13 = arith.subi %sign3A_9, %sign3A_12 : i32
    %ne3A = arith.cmpi ne, %sign3A_6, %sign3A_13 : i32
    %rem3A = arith.remsi %add3A, %jit3A : i32
    %ne3A_14 = arith.constant 0 : i32
    %ne3A_15 = arith.cmpi ne, %rem3A, %ne3A_14 : i32
    %and3A = arith.andi %ne3A, %ne3A_15 : i1
    %sub3A = arith.constant 1 : i32
    %sub3A_16 = arith.subi %div3A, %sub3A : i32
    %select_n3A = arith.select %and3A, %sub3A_16, %div3A : i32
    %jit3A_17 = arith.constant 2 : i32
    %eq3A = arith.constant 0 : i32
    %eq3A_18 = arith.cmpi eq, %jit3A_17, %eq3A : i32
    %jit3A_19 = arith.constant 1 : i32
    %select_n3A_20 = arith.select %eq3A_18, %jit3A_19, %jit3A_17 : i32
    %rem3A_21 = arith.remsi %add3A, %select_n3A_20 : i32
    %ne3A_22 = arith.constant 0 : i32
    %ne3A_23 = arith.cmpi ne, %rem3A_21, %ne3A_22 : i32
    %lt3A = arith.constant 0 : i32
    %lt3A_24 = arith.cmpi slt, %rem3A_21, %lt3A : i32
    %lt3A_25 = arith.constant 0 : i32
    %lt3A_26 = arith.cmpi slt, %select_n3A_20, %lt3A_25 : i32
    %ne3A_27 = arith.xori %lt3A_24, %lt3A_26 : i1
    %and3A_28 = arith.andi %ne3A_27, %ne3A_23 : i1
    %add3A_29 = arith.addi %rem3A_21, %select_n3A_20 : i32
    %select_n3A_30 = arith.select %and3A_28, %add3A_29, %rem3A_21 : i32
    %mul3A_31 = arith.constant 512 : i32
    %mul3A_32 = arith.muli %select_n3A_30, %mul3A_31 : i32
    "tpu.region"() ({
      %run_scoped3A = tpu.sem_alloc : memref<!tpu.dma_semaphore, #tpu.memory_space<semaphore_mem>>
      tpu.enqueue_dma source(%arg2 : memref<32768xf32, #tpu.memory_space<hbm>>) target(%arg5 : memref<32768xf32, #tpu.memory_space<vmem>>) target_semaphore(%run_scoped3A : memref<!tpu.dma_semaphore, #tpu.memory_space<semaphore_mem>>)
      tpu.wait_dma2 semaphore(%run_scoped3A : memref<!tpu.dma_semaphore, #tpu.memory_space<semaphore_mem>>) src(%arg2 : memref<32768xf32, #tpu.memory_space<hbm>>) dst(%arg5 : memref<32768xf32, #tpu.memory_space<vmem>>)
      tpu.yield
    }) : () -> ()
    %mul3A_33 = arith.constant 1024 : i32
    %mul3A_34 = arith.muli %select_n3A, %mul3A_33 : i32
    %add3A_35 = arith.addi %mul3A_34, %mul3A_32 : i32
    "tpu.region"() ({
      %run_scoped3A = tpu.sem_alloc : memref<!tpu.dma_semaphore, #tpu.memory_space<semaphore_mem>>
      %dma_start3A = tpu.memref_slice %arg3[%add3A_35] : memref<16384xi32, #tpu.memory_space<hbm>> -> memref<512xi32, #tpu.memory_space<hbm>>
      %dma_start3A_38 = tpu.memref_slice %arg3[%add3A_35] : memref<16384xi32, #tpu.memory_space<hbm>> -> memref<512xi32, #tpu.memory_space<hbm>>
      tpu.enqueue_dma source(%dma_start3A_38 : memref<512xi32, #tpu.memory_space<hbm>>) target(%arg6 : memref<512xi32, #tpu.memory_space<vmem>>) target_semaphore(%run_scoped3A : memref<!tpu.dma_semaphore, #tpu.memory_space<semaphore_mem>>)
      %dma_wait3A = tpu.memref_slice %arg3[%add3A_35] : memref<16384xi32, #tpu.memory_space<hbm>> -> memref<512xi32, #tpu.memory_space<hbm>>
      %dma_wait3A_39 = tpu.memref_slice %arg3[%add3A_35] : memref<16384xi32, #tpu.memory_space<hbm>> -> memref<512xi32, #tpu.memory_space<hbm>>
      tpu.wait_dma2 semaphore(%run_scoped3A : memref<!tpu.dma_semaphore, #tpu.memory_space<semaphore_mem>>) src(%dma_wait3A_39 : memref<512xi32, #tpu.memory_space<hbm>>) dst(%arg6 : memref<512xi32, #tpu.memory_space<vmem>>)
      tpu.yield
    }) : () -> ()
    %parallel_loop3A = arith.constant 0 : i32
    %parallel_loop3A_36 = arith.constant 32 : i32
    %parallel_loop3A_37 = arith.constant 1 : i32
    scf.for %parallel_loop3A_38 = %parallel_loop3A to %parallel_loop3A_36 step %parallel_loop3A_37  : i32 {
      %parallel_loop3A_39 = arith.constant 16 : i32
      %parallel_loop3A_40 = arith.muli %parallel_loop3A_38, %parallel_loop3A_39 : i32
      %parallel_loop3A_41 = arith.index_cast %parallel_loop3A_40 : i32 to index
      %parallel_loop3A_42 = tpu.vector_load %arg6[%parallel_loop3A_41] {strides = array<i32>} : memref<512xi32, #tpu.memory_space<vmem>>, vector<16xi32>,
      %parallel_loop3A_43 = arith.constant 32 : i32
      %parallel_loop3A_44 = vector.broadcast %parallel_loop3A_43 : i32 to vector<16xi32>
      %parallel_loop3A_45 = arith.muli %parallel_loop3A_42, %parallel_loop3A_44 : vector<16xi32>
      %parallel_loop3A_46 = arith.constant 0 : i32
      %parallel_loop3A_47 = vector.broadcast %parallel_loop3A_46 : i32 to vector<16xi32>
      %parallel_loop3A_48 = arith.addi %parallel_loop3A_45, %parallel_loop3A_47 : vector<16xi32>
      %parallel_loop3A_49 = tpu.vector_load_idx %arg5[%parallel_loop3A_48] : memref<32768xf32, #tpu.memory_space<vmem>>[vector<16xi32>], vector<16xf32>,
      %parallel_loop3A_50 = arith.constant 0 : i32
      %parallel_loop3A_51 = arith.index_cast %parallel_loop3A_50 : i32 to index
      %parallel_loop3A_52 = arith.index_cast %parallel_loop3A_40 : i32 to index
      %parallel_loop3A_53 = tpu.vector_load %arg7[%parallel_loop3A_51, %parallel_loop3A_52] {strides = array<i32>} : memref<32x512xf32, #tpu.memory_space<vmem>>, vector<16xf32>,
      tpu.vector_store %arg7[%parallel_loop3A_51, %parallel_loop3A_52], %parallel_loop3A_49 {strides = array<i32>} : memref<32x512xf32, #tpu.memory_space<vmem>>, vector<16xf32>,
      %parallel_loop3A_54 = arith.constant 1 : i32
      %parallel_loop3A_55 = vector.broadcast %parallel_loop3A_54 : i32 to vector<16xi32>
      %parallel_loop3A_56 = arith.addi %parallel_loop3A_45, %parallel_loop3A_55 : vector<16xi32>
      %parallel_loop3A_57 = tpu.vector_load_idx %arg5[%parallel_loop3A_56] : memref<32768xf32, #tpu.memory_space<vmem>>[vector<16xi32>], vector<16xf32>,
      %parallel_loop3A_58 = arith.constant 1 : i32
      %parallel_loop3A_59 = arith.index_cast %parallel_loop3A_58 : i32 to index
      %parallel_loop3A_60 = arith.index_cast %parallel_loop3A_40 : i32 to index
      %parallel_loop3A_61 = tpu.vector_load %arg7[%parallel_loop3A_59, %parallel_loop3A_60] {strides = array<i32>} : memref<32x512xf32, #tpu.memory_space<vmem>>, vector<16xf32>,
      tpu.vector_store %arg7[%parallel_loop3A_59, %parallel_loop3A_60], %parallel_loop3A_57 {strides = array<i32>} : memref<32x512xf32, #tpu.memory_space<vmem>>, vector<16xf32>,
      %parallel_loop3A_62 = arith.constant 2 : i32
      %parallel_loop3A_63 = vector.broadcast %parallel_loop3A_62 : i32 to vector<16xi32>
      %parallel_loop3A_64 = arith.addi %parallel_loop3A_45, %parallel_loop3A_63 : vector<16xi32>
      %parallel_loop3A_65 = tpu.vector_load_idx %arg5[%parallel_loop3A_64] : memref<32768xf32, #tpu.memory_space<vmem>>[vector<16xi32>], vector<16xf32>,
      %parallel_loop3A_66 = arith.constant 2 : i32
      %parallel_loop3A_67 = arith.index_cast %parallel_loop3A_66 : i32 to index
      %parallel_loop3A_68 = arith.index_cast %parallel_loop3A_40 : i32 to index
      %parallel_loop3A_69 = tpu.vector_load %arg7[%parallel_loop3A_67, %parallel_loop3A_68] {strides = array<i32>} : memref<32x512xf32, #tpu.memory_space<vmem>>, vector<16xf32>,
      tpu.vector_store %arg7[%parallel_loop3A_67, %parallel_loop3A_68], %parallel_loop3A_65 {strides = array<i32>} : memref<32x512xf32, #tpu.memory_space<vmem>>, vector<16xf32>,
      %parallel_loop3A_70 = arith.constant 3 : i32
      %parallel_loop3A_71 = vector.broadcast %parallel_loop3A_70 : i32 to vector<16xi32>
      %parallel_loop3A_72 = arith.addi %parallel_loop3A_45, %parallel_loop3A_71 : vector<16xi32>
      %parallel_loop3A_73 = tpu.vector_load_idx %arg5[%parallel_loop3A_72] : memref<32768xf32, #tpu.memory_space<vmem>>[vector<16xi32>], vector<16xf32>,
      %parallel_loop3A_74 = arith.constant 3 : i32
      %parallel_loop3A_75 = arith.index_cast %parallel_loop3A_74 : i32 to index
      %parallel_loop3A_76 = arith.index_cast %parallel_loop3A_40 : i32 to index
      %parallel_loop3A_77 = tpu.vector_load %arg7[%parallel_loop3A_75, %parallel_loop3A_76] {strides = array<i32>} : memref<32x512xf32, #tpu.memory_space<vmem>>, vector<16xf32>,
      tpu.vector_store %arg7[%parallel_loop3A_75, %parallel_loop3A_76], %parallel_loop3A_73 {strides = array<i32>} : memref<32x512xf32, #tpu.memory_space<vmem>>, vector<16xf32>,
      %parallel_loop3A_78 = arith.constant 4 : i32
      %parallel_loop3A_79 = vector.broadcast %parallel_loop3A_78 : i32 to vector<16xi32>
      %parallel_loop3A_80 = arith.addi %parallel_loop3A_45, %parallel_loop3A_79 : vector<16xi32>
      %parallel_loop3A_81 = tpu.vector_load_idx %arg5[%parallel_loop3A_80] : memref<32768xf32, #tpu.memory_space<vmem>>[vector<16xi32>], vector<16xf32>,
      %parallel_loop3A_82 = arith.constant 4 : i32
      %parallel_loop3A_83 = arith.index_cast %parallel_loop3A_82 : i32 to index
      %parallel_loop3A_84 = arith.index_cast %parallel_loop3A_40 : i32 to index
      %parallel_loop3A_85 = tpu.vector_load %arg7[%parallel_loop3A_83, %parallel_loop3A_84] {strides = array<i32>} : memref<32x512xf32, #tpu.memory_space<vmem>>, vector<16xf32>,
      tpu.vector_store %arg7[%parallel_loop3A_83, %parallel_loop3A_84], %parallel_loop3A_81 {strides = array<i32>} : memref<32x512xf32, #tpu.memory_space<vmem>>, vector<16xf32>,
      %parallel_loop3A_86 = arith.constant 5 : i32
      %parallel_loop3A_87 = vector.broadcast %parallel_loop3A_86 : i32 to vector<16xi32>
      %parallel_loop3A_88 = arith.addi %parallel_loop3A_45, %parallel_loop3A_87 : vector<16xi32>
      %parallel_loop3A_89 = tpu.vector_load_idx %arg5[%parallel_loop3A_88] : memref<32768xf32, #tpu.memory_space<vmem>>[vector<16xi32>], vector<16xf32>,
      %parallel_loop3A_90 = arith.constant 5 : i32
      %parallel_loop3A_91 = arith.index_cast %parallel_loop3A_90 : i32 to index
      %parallel_loop3A_92 = arith.index_cast %parallel_loop3A_40 : i32 to index
      %parallel_loop3A_93 = tpu.vector_load %arg7[%parallel_loop3A_91, %parallel_loop3A_92] {strides = array<i32>} : memref<32x512xf32, #tpu.memory_space<vmem>>, vector<16xf32>,
      tpu.vector_store %arg7[%parallel_loop3A_91, %parallel_loop3A_92], %parallel_loop3A_89 {strides = array<i32>} : memref<32x512xf32, #tpu.memory_space<vmem>>, vector<16xf32>,
      %parallel_loop3A_94 = arith.constant 6 : i32
      %parallel_loop3A_95 = vector.broadcast %parallel_loop3A_94 : i32 to vector<16xi32>
      %parallel_loop3A_96 = arith.addi %parallel_loop3A_45, %parallel_loop3A_95 : vector<16xi32>
      %parallel_loop3A_97 = tpu.vector_load_idx %arg5[%parallel_loop3A_96] : memref<32768xf32, #tpu.memory_space<vmem>>[vector<16xi32>], vector<16xf32>,
      %parallel_loop3A_98 = arith.constant 6 : i32
      %parallel_loop3A_99 = arith.index_cast %parallel_loop3A_98 : i32 to index
      %parallel_loop3A_100 = arith.index_cast %parallel_loop3A_40 : i32 to index
      %parallel_loop3A_101 = tpu.vector_load %arg7[%parallel_loop3A_99, %parallel_loop3A_100] {strides = array<i32>} : memref<32x512xf32, #tpu.memory_space<vmem>>, vector<16xf32>,
      tpu.vector_store %arg7[%parallel_loop3A_99, %parallel_loop3A_100], %parallel_loop3A_97 {strides = array<i32>} : memref<32x512xf32, #tpu.memory_space<vmem>>, vector<16xf32>,
      %parallel_loop3A_102 = arith.constant 7 : i32
      %parallel_loop3A_103 = vector.broadcast %parallel_loop3A_102 : i32 to vector<16xi32>
      %parallel_loop3A_104 = arith.addi %parallel_loop3A_45, %parallel_loop3A_103 : vector<16xi32>
      %parallel_loop3A_105 = tpu.vector_load_idx %arg5[%parallel_loop3A_104] : memref<32768xf32, #tpu.memory_space<vmem>>[vector<16xi32>], vector<16xf32>,
      %parallel_loop3A_106 = arith.constant 7 : i32
      %parallel_loop3A_107 = arith.index_cast %parallel_loop3A_106 : i32 to index
      %parallel_loop3A_108 = arith.index_cast %parallel_loop3A_40 : i32 to index
      %parallel_loop3A_109 = tpu.vector_load %arg7[%parallel_loop3A_107, %parallel_loop3A_108] {strides = array<i32>} : memref<32x512xf32, #tpu.memory_space<vmem>>, vector<16xf32>,
      tpu.vector_store %arg7[%parallel_loop3A_107, %parallel_loop3A_108], %parallel_loop3A_105 {strides = array<i32>} : memref<32x512xf32, #tpu.memory_space<vmem>>, vector<16xf32>,
      %parallel_loop3A_110 = arith.constant 8 : i32
      %parallel_loop3A_111 = vector.broadcast %parallel_loop3A_110 : i32 to vector<16xi32>
      %parallel_loop3A_112 = arith.addi %parallel_loop3A_45, %parallel_loop3A_111 : vector<16xi32>
      %parallel_loop3A_113 = tpu.vector_load_idx %arg5[%parallel_loop3A_112] : memref<32768xf32, #tpu.memory_space<vmem>>[vector<16xi32>], vector<16xf32>,
      %parallel_loop3A_114 = arith.constant 8 : i32
      %parallel_loop3A_115 = arith.index_cast %parallel_loop3A_114 : i32 to index
      %parallel_loop3A_116 = arith.index_cast %parallel_loop3A_40 : i32 to index
      %parallel_loop3A_117 = tpu.vector_load %arg7[%parallel_loop3A_115, %parallel_loop3A_116] {strides = array<i32>} : memref<32x512xf32, #tpu.memory_space<vmem>>, vector<16xf32>,
      tpu.vector_store %arg7[%parallel_loop3A_115, %parallel_loop3A_116], %parallel_loop3A_113 {strides = array<i32>} : memref<32x512xf32, #tpu.memory_space<vmem>>, vector<16xf32>,
      %parallel_loop3A_118 = arith.constant 9 : i32
      %parallel_loop3A_119 = vector.broadcast %parallel_loop3A_118 : i32 to vector<16xi32>
      %parallel_loop3A_120 = arith.addi %parallel_loop3A_45, %parallel_loop3A_119 : vector<16xi32>
      %parallel_loop3A_121 = tpu.vector_load_idx %arg5[%parallel_loop3A_120] : memref<32768xf32, #tpu.memory_space<vmem>>[vector<16xi32>], vector<16xf32>,
      %parallel_loop3A_122 = arith.constant 9 : i32
      %parallel_loop3A_123 = arith.index_cast %parallel_loop3A_122 : i32 to index
      %parallel_loop3A_124 = arith.index_cast %parallel_loop3A_40 : i32 to index
      %parallel_loop3A_125 = tpu.vector_load %arg7[%parallel_loop3A_123, %parallel_loop3A_124] {strides = array<i32>} : memref<32x512xf32, #tpu.memory_space<vmem>>, vector<16xf32>,
      tpu.vector_store %arg7[%parallel_loop3A_123, %parallel_loop3A_124], %parallel_loop3A_121 {strides = array<i32>} : memref<32x512xf32, #tpu.memory_space<vmem>>, vector<16xf32>,
      %parallel_loop3A_126 = arith.constant 10 : i32
      %parallel_loop3A_127 = vector.broadcast %parallel_loop3A_126 : i32 to vector<16xi32>
      %parallel_loop3A_128 = arith.addi %parallel_loop3A_45, %parallel_loop3A_127 : vector<16xi32>
      %parallel_loop3A_129 = tpu.vector_load_idx %arg5[%parallel_loop3A_128] : memref<32768xf32, #tpu.memory_space<vmem>>[vector<16xi32>], vector<16xf32>,
      %parallel_loop3A_130 = arith.constant 10 : i32
      %parallel_loop3A_131 = arith.index_cast %parallel_loop3A_130 : i32 to index
      %parallel_loop3A_132 = arith.index_cast %parallel_loop3A_40 : i32 to index
      %parallel_loop3A_133 = tpu.vector_load %arg7[%parallel_loop3A_131, %parallel_loop3A_132] {strides = array<i32>} : memref<32x512xf32, #tpu.memory_space<vmem>>, vector<16xf32>,
      tpu.vector_store %arg7[%parallel_loop3A_131, %parallel_loop3A_132], %parallel_loop3A_129 {strides = array<i32>} : memref<32x512xf32, #tpu.memory_space<vmem>>, vector<16xf32>,
      %parallel_loop3A_134 = arith.constant 11 : i32
      %parallel_loop3A_135 = vector.broadcast %parallel_loop3A_134 : i32 to vector<16xi32>
      %parallel_loop3A_136 = arith.addi %parallel_loop3A_45, %parallel_loop3A_135 : vector<16xi32>
      %parallel_loop3A_137 = tpu.vector_load_idx %arg5[%parallel_loop3A_136] : memref<32768xf32, #tpu.memory_space<vmem>>[vector<16xi32>], vector<16xf32>,
      %parallel_loop3A_138 = arith.constant 11 : i32
      %parallel_loop3A_139 = arith.index_cast %parallel_loop3A_138 : i32 to index
      %parallel_loop3A_140 = arith.index_cast %parallel_loop3A_40 : i32 to index
      %parallel_loop3A_141 = tpu.vector_load %arg7[%parallel_loop3A_139, %parallel_loop3A_140] {strides = array<i32>} : memref<32x512xf32, #tpu.memory_space<vmem>>, vector<16xf32>,
      tpu.vector_store %arg7[%parallel_loop3A_139, %parallel_loop3A_140], %parallel_loop3A_137 {strides = array<i32>} : memref<32x512xf32, #tpu.memory_space<vmem>>, vector<16xf32>,
      %parallel_loop3A_142 = arith.constant 12 : i32
      %parallel_loop3A_143 = vector.broadcast %parallel_loop3A_142 : i32 to vector<16xi32>
      %parallel_loop3A_144 = arith.addi %parallel_loop3A_45, %parallel_loop3A_143 : vector<16xi32>
      %parallel_loop3A_145 = tpu.vector_load_idx %arg5[%parallel_loop3A_144] : memref<32768xf32, #tpu.memory_space<vmem>>[vector<16xi32>], vector<16xf32>,
      %parallel_loop3A_146 = arith.constant 12 : i32
      %parallel_loop3A_147 = arith.index_cast %parallel_loop3A_146 : i32 to index
      %parallel_loop3A_148 = arith.index_cast %parallel_loop3A_40 : i32 to index
      %parallel_loop3A_149 = tpu.vector_load %arg7[%parallel_loop3A_147, %parallel_loop3A_148] {strides = array<i32>} : memref<32x512xf32, #tpu.memory_space<vmem>>, vector<16xf32>,
      tpu.vector_store %arg7[%parallel_loop3A_147, %parallel_loop3A_148], %parallel_loop3A_145 {strides = array<i32>} : memref<32x512xf32, #tpu.memory_space<vmem>>, vector<16xf32>,
      %parallel_loop3A_150 = arith.constant 13 : i32
      %parallel_loop3A_151 = vector.broadcast %parallel_loop3A_150 : i32 to vector<16xi32>
      %parallel_loop3A_152 = arith.addi %parallel_loop3A_45, %parallel_loop3A_151 : vector<16xi32>
      %parallel_loop3A_153 = tpu.vector_load_idx %arg5[%parallel_loop3A_152] : memref<32768xf32, #tpu.memory_space<vmem>>[vector<16xi32>], vector<16xf32>,
      %parallel_loop3A_154 = arith.constant 13 : i32
      %parallel_loop3A_155 = arith.index_cast %parallel_loop3A_154 : i32 to index
      %parallel_loop3A_156 = arith.index_cast %parallel_loop3A_40 : i32 to index
      %parallel_loop3A_157 = tpu.vector_load %arg7[%parallel_loop3A_155, %parallel_loop3A_156] {strides = array<i32>} : memref<32x512xf32, #tpu.memory_space<vmem>>, vector<16xf32>,
      tpu.vector_store %arg7[%parallel_loop3A_155, %parallel_loop3A_156], %parallel_loop3A_153 {strides = array<i32>} : memref<32x512xf32, #tpu.memory_space<vmem>>, vector<16xf32>,
      %parallel_loop3A_158 = arith.constant 14 : i32
      %parallel_loop3A_159 = vector.broadcast %parallel_loop3A_158 : i32 to vector<16xi32>
      %parallel_loop3A_160 = arith.addi %parallel_loop3A_45, %parallel_loop3A_159 : vector<16xi32>
      %parallel_loop3A_161 = tpu.vector_load_idx %arg5[%parallel_loop3A_160] : memref<32768xf32, #tpu.memory_space<vmem>>[vector<16xi32>], vector<16xf32>,
      %parallel_loop3A_162 = arith.constant 14 : i32
      %parallel_loop3A_163 = arith.index_cast %parallel_loop3A_162 : i32 to index
      %parallel_loop3A_164 = arith.index_cast %parallel_loop3A_40 : i32 to index
      %parallel_loop3A_165 = tpu.vector_load %arg7[%parallel_loop3A_163, %parallel_loop3A_164] {strides = array<i32>} : memref<32x512xf32, #tpu.memory_space<vmem>>, vector<16xf32>,
      tpu.vector_store %arg7[%parallel_loop3A_163, %parallel_loop3A_164], %parallel_loop3A_161 {strides = array<i32>} : memref<32x512xf32, #tpu.memory_space<vmem>>, vector<16xf32>,
      %parallel_loop3A_166 = arith.constant 15 : i32
      %parallel_loop3A_167 = vector.broadcast %parallel_loop3A_166 : i32 to vector<16xi32>
      %parallel_loop3A_168 = arith.addi %parallel_loop3A_45, %parallel_loop3A_167 : vector<16xi32>
      %parallel_loop3A_169 = tpu.vector_load_idx %arg5[%parallel_loop3A_168] : memref<32768xf32, #tpu.memory_space<vmem>>[vector<16xi32>], vector<16xf32>,
      %parallel_loop3A_170 = arith.constant 15 : i32
      %parallel_loop3A_171 = arith.index_cast %parallel_loop3A_170 : i32 to index
      %parallel_loop3A_172 = arith.index_cast %parallel_loop3A_40 : i32 to index
      %parallel_loop3A_173 = tpu.vector_load %arg7[%parallel_loop3A_171, %parallel_loop3A_172] {strides = array<i32>} : memref<32x512xf32, #tpu.memory_space<vmem>>, vector<16xf32>,
      tpu.vector_store %arg7[%parallel_loop3A_171, %parallel_loop3A_172], %parallel_loop3A_169 {strides = array<i32>} : memref<32x512xf32, #tpu.memory_space<vmem>>, vector<16xf32>,
      %parallel_loop3A_174 = arith.constant 16 : i32
      %parallel_loop3A_175 = vector.broadcast %parallel_loop3A_174 : i32 to vector<16xi32>
      %parallel_loop3A_176 = arith.addi %parallel_loop3A_45, %parallel_loop3A_175 : vector<16xi32>
      %parallel_loop3A_177 = tpu.vector_load_idx %arg5[%parallel_loop3A_176] : memref<32768xf32, #tpu.memory_space<vmem>>[vector<16xi32>], vector<16xf32>,
      %parallel_loop3A_178 = arith.constant 16 : i32
      %parallel_loop3A_179 = arith.index_cast %parallel_loop3A_178 : i32 to index
      %parallel_loop3A_180 = arith.index_cast %parallel_loop3A_40 : i32 to index
      %parallel_loop3A_181 = tpu.vector_load %arg7[%parallel_loop3A_179, %parallel_loop3A_180] {strides = array<i32>} : memref<32x512xf32, #tpu.memory_space<vmem>>, vector<16xf32>,
      tpu.vector_store %arg7[%parallel_loop3A_179, %parallel_loop3A_180], %parallel_loop3A_177 {strides = array<i32>} : memref<32x512xf32, #tpu.memory_space<vmem>>, vector<16xf32>,
      %parallel_loop3A_182 = arith.constant 17 : i32
      %parallel_loop3A_183 = vector.broadcast %parallel_loop3A_182 : i32 to vector<16xi32>
      %parallel_loop3A_184 = arith.addi %parallel_loop3A_45, %parallel_loop3A_183 : vector<16xi32>
      %parallel_loop3A_185 = tpu.vector_load_idx %arg5[%parallel_loop3A_184] : memref<32768xf32, #tpu.memory_space<vmem>>[vector<16xi32>], vector<16xf32>,
      %parallel_loop3A_186 = arith.constant 17 : i32
      %parallel_loop3A_187 = arith.index_cast %parallel_loop3A_186 : i32 to index
      %parallel_loop3A_188 = arith.index_cast %parallel_loop3A_40 : i32 to index
      %parallel_loop3A_189 = tpu.vector_load %arg7[%parallel_loop3A_187, %parallel_loop3A_188] {strides = array<i32>} : memref<32x512xf32, #tpu.memory_space<vmem>>, vector<16xf32>,
      tpu.vector_store %arg7[%parallel_loop3A_187, %parallel_loop3A_188], %parallel_loop3A_185 {strides = array<i32>} : memref<32x512xf32, #tpu.memory_space<vmem>>, vector<16xf32>,
      %parallel_loop3A_190 = arith.constant 18 : i32
      %parallel_loop3A_191 = vector.broadcast %parallel_loop3A_190 : i32 to vector<16xi32>
      %parallel_loop3A_192 = arith.addi %parallel_loop3A_45, %parallel_loop3A_191 : vector<16xi32>
      %parallel_loop3A_193 = tpu.vector_load_idx %arg5[%parallel_loop3A_192] : memref<32768xf32, #tpu.memory_space<vmem>>[vector<16xi32>], vector<16xf32>,
      %parallel_loop3A_194 = arith.constant 18 : i32
      %parallel_loop3A_195 = arith.index_cast %parallel_loop3A_194 : i32 to index
      %parallel_loop3A_196 = arith.index_cast %parallel_loop3A_40 : i32 to index
      %parallel_loop3A_197 = tpu.vector_load %arg7[%parallel_loop3A_195, %parallel_loop3A_196] {strides = array<i32>} : memref<32x512xf32, #tpu.memory_space<vmem>>, vector<16xf32>,
      tpu.vector_store %arg7[%parallel_loop3A_195, %parallel_loop3A_196], %parallel_loop3A_193 {strides = array<i32>} : memref<32x512xf32, #tpu.memory_space<vmem>>, vector<16xf32>,
      %parallel_loop3A_198 = arith.constant 19 : i32
      %parallel_loop3A_199 = vector.broadcast %parallel_loop3A_198 : i32 to vector<16xi32>
      %parallel_loop3A_200 = arith.addi %parallel_loop3A_45, %parallel_loop3A_199 : vector<16xi32>
      %parallel_loop3A_201 = tpu.vector_load_idx %arg5[%parallel_loop3A_200] : memref<32768xf32, #tpu.memory_space<vmem>>[vector<16xi32>], vector<16xf32>,
      %parallel_loop3A_202 = arith.constant 19 : i32
      %parallel_loop3A_203 = arith.index_cast %parallel_loop3A_202 : i32 to index
      %parallel_loop3A_204 = arith.index_cast %parallel_loop3A_40 : i32 to index
      %parallel_loop3A_205 = tpu.vector_load %arg7[%parallel_loop3A_203, %parallel_loop3A_204] {strides = array<i32>} : memref<32x512xf32, #tpu.memory_space<vmem>>, vector<16xf32>,
      tpu.vector_store %arg7[%parallel_loop3A_203, %parallel_loop3A_204], %parallel_loop3A_201 {strides = array<i32>} : memref<32x512xf32, #tpu.memory_space<vmem>>, vector<16xf32>,
      %parallel_loop3A_206 = arith.constant 20 : i32
      %parallel_loop3A_207 = vector.broadcast %parallel_loop3A_206 : i32 to vector<16xi32>
      %parallel_loop3A_208 = arith.addi %parallel_loop3A_45, %parallel_loop3A_207 : vector<16xi32>
      %parallel_loop3A_209 = tpu.vector_load_idx %arg5[%parallel_loop3A_208] : memref<32768xf32, #tpu.memory_space<vmem>>[vector<16xi32>], vector<16xf32>,
      %parallel_loop3A_210 = arith.constant 20 : i32
      %parallel_loop3A_211 = arith.index_cast %parallel_loop3A_210 : i32 to index
      %parallel_loop3A_212 = arith.index_cast %parallel_loop3A_40 : i32 to index
      %parallel_loop3A_213 = tpu.vector_load %arg7[%parallel_loop3A_211, %parallel_loop3A_212] {strides = array<i32>} : memref<32x512xf32, #tpu.memory_space<vmem>>, vector<16xf32>,
      tpu.vector_store %arg7[%parallel_loop3A_211, %parallel_loop3A_212], %parallel_loop3A_209 {strides = array<i32>} : memref<32x512xf32, #tpu.memory_space<vmem>>, vector<16xf32>,
      %parallel_loop3A_214 = arith.constant 21 : i32
      %parallel_loop3A_215 = vector.broadcast %parallel_loop3A_214 : i32 to vector<16xi32>
      %parallel_loop3A_216 = arith.addi %parallel_loop3A_45, %parallel_loop3A_215 : vector<16xi32>
      %parallel_loop3A_217 = tpu.vector_load_idx %arg5[%parallel_loop3A_216] : memref<32768xf32, #tpu.memory_space<vmem>>[vector<16xi32>], vector<16xf32>,
      %parallel_loop3A_218 = arith.constant 21 : i32
      %parallel_loop3A_219 = arith.index_cast %parallel_loop3A_218 : i32 to index
      %parallel_loop3A_220 = arith.index_cast %parallel_loop3A_40 : i32 to index
      %parallel_loop3A_221 = tpu.vector_load %arg7[%parallel_loop3A_219, %parallel_loop3A_220] {strides = array<i32>} : memref<32x512xf32, #tpu.memory_space<vmem>>, vector<16xf32>,
      tpu.vector_store %arg7[%parallel_loop3A_219, %parallel_loop3A_220], %parallel_loop3A_217 {strides = array<i32>} : memref<32x512xf32, #tpu.memory_space<vmem>>, vector<16xf32>,
      %parallel_loop3A_222 = arith.constant 22 : i32
      %parallel_loop3A_223 = vector.broadcast %parallel_loop3A_222 : i32 to vector<16xi32>
      %parallel_loop3A_224 = arith.addi %parallel_loop3A_45, %parallel_loop3A_223 : vector<16xi32>
      %parallel_loop3A_225 = tpu.vector_load_idx %arg5[%parallel_loop3A_224] : memref<32768xf32, #tpu.memory_space<vmem>>[vector<16xi32>], vector<16xf32>,
      %parallel_loop3A_226 = arith.constant 22 : i32
      %parallel_loop3A_227 = arith.index_cast %parallel_loop3A_226 : i32 to index
      %parallel_loop3A_228 = arith.index_cast %parallel_loop3A_40 : i32 to index
      %parallel_loop3A_229 = tpu.vector_load %arg7[%parallel_loop3A_227, %parallel_loop3A_228] {strides = array<i32>} : memref<32x512xf32, #tpu.memory_space<vmem>>, vector<16xf32>,
      tpu.vector_store %arg7[%parallel_loop3A_227, %parallel_loop3A_228], %parallel_loop3A_225 {strides = array<i32>} : memref<32x512xf32, #tpu.memory_space<vmem>>, vector<16xf32>,
      %parallel_loop3A_230 = arith.constant 23 : i32
      %parallel_loop3A_231 = vector.broadcast %parallel_loop3A_230 : i32 to vector<16xi32>
      %parallel_loop3A_232 = arith.addi %parallel_loop3A_45, %parallel_loop3A_231 : vector<16xi32>
      %parallel_loop3A_233 = tpu.vector_load_idx %arg5[%parallel_loop3A_232] : memref<32768xf32, #tpu.memory_space<vmem>>[vector<16xi32>], vector<16xf32>,
      %parallel_loop3A_234 = arith.constant 23 : i32
      %parallel_loop3A_235 = arith.index_cast %parallel_loop3A_234 : i32 to index
      %parallel_loop3A_236 = arith.index_cast %parallel_loop3A_40 : i32 to index
      %parallel_loop3A_237 = tpu.vector_load %arg7[%parallel_loop3A_235, %parallel_loop3A_236] {strides = array<i32>} : memref<32x512xf32, #tpu.memory_space<vmem>>, vector<16xf32>,
      tpu.vector_store %arg7[%parallel_loop3A_235, %parallel_loop3A_236], %parallel_loop3A_233 {strides = array<i32>} : memref<32x512xf32, #tpu.memory_space<vmem>>, vector<16xf32>,
      %parallel_loop3A_238 = arith.constant 24 : i32
      %parallel_loop3A_239 = vector.broadcast %parallel_loop3A_238 : i32 to vector<16xi32>
      %parallel_loop3A_240 = arith.addi %parallel_loop3A_45, %parallel_loop3A_239 : vector<16xi32>
      %parallel_loop3A_241 = tpu.vector_load_idx %arg5[%parallel_loop3A_240] : memref<32768xf32, #tpu.memory_space<vmem>>[vector<16xi32>], vector<16xf32>,
      %parallel_loop3A_242 = arith.constant 24 : i32
      %parallel_loop3A_243 = arith.index_cast %parallel_loop3A_242 : i32 to index
      %parallel_loop3A_244 = arith.index_cast %parallel_loop3A_40 : i32 to index
      %parallel_loop3A_245 = tpu.vector_load %arg7[%parallel_loop3A_243, %parallel_loop3A_244] {strides = array<i32>} : memref<32x512xf32, #tpu.memory_space<vmem>>, vector<16xf32>,
      tpu.vector_store %arg7[%parallel_loop3A_243, %parallel_loop3A_244], %parallel_loop3A_241 {strides = array<i32>} : memref<32x512xf32, #tpu.memory_space<vmem>>, vector<16xf32>,
      %parallel_loop3A_246 = arith.constant 25 : i32
      %parallel_loop3A_247 = vector.broadcast %parallel_loop3A_246 : i32 to vector<16xi32>
      %parallel_loop3A_248 = arith.addi %parallel_loop3A_45, %parallel_loop3A_247 : vector<16xi32>
      %parallel_loop3A_249 = tpu.vector_load_idx %arg5[%parallel_loop3A_248] : memref<32768xf32, #tpu.memory_space<vmem>>[vector<16xi32>], vector<16xf32>,
      %parallel_loop3A_250 = arith.constant 25 : i32
      %parallel_loop3A_251 = arith.index_cast %parallel_loop3A_250 : i32 to index
      %parallel_loop3A_252 = arith.index_cast %parallel_loop3A_40 : i32 to index
      %parallel_loop3A_253 = tpu.vector_load %arg7[%parallel_loop3A_251, %parallel_loop3A_252] {strides = array<i32>} : memref<32x512xf32, #tpu.memory_space<vmem>>, vector<16xf32>,
      tpu.vector_store %arg7[%parallel_loop3A_251, %parallel_loop3A_252], %parallel_loop3A_249 {strides = array<i32>} : memref<32x512xf32, #tpu.memory_space<vmem>>, vector<16xf32>,
      %parallel_loop3A_254 = arith.constant 26 : i32
      %parallel_loop3A_255 = vector.broadcast %parallel_loop3A_254 : i32 to vector<16xi32>
      %parallel_loop3A_256 = arith.addi %parallel_loop3A_45, %parallel_loop3A_255 : vector<16xi32>
      %parallel_loop3A_257 = tpu.vector_load_idx %arg5[%parallel_loop3A_256] : memref<32768xf32, #tpu.memory_space<vmem>>[vector<16xi32>], vector<16xf32>,
      %parallel_loop3A_258 = arith.constant 26 : i32
      %parallel_loop3A_259 = arith.index_cast %parallel_loop3A_258 : i32 to index
      %parallel_loop3A_260 = arith.index_cast %parallel_loop3A_40 : i32 to index
      %parallel_loop3A_261 = tpu.vector_load %arg7[%parallel_loop3A_259, %parallel_loop3A_260] {strides = array<i32>} : memref<32x512xf32, #tpu.memory_space<vmem>>, vector<16xf32>,
      tpu.vector_store %arg7[%parallel_loop3A_259, %parallel_loop3A_260], %parallel_loop3A_257 {strides = array<i32>} : memref<32x512xf32, #tpu.memory_space<vmem>>, vector<16xf32>,
      %parallel_loop3A_262 = arith.constant 27 : i32
      %parallel_loop3A_263 = vector.broadcast %parallel_loop3A_262 : i32 to vector<16xi32>
      %parallel_loop3A_264 = arith.addi %parallel_loop3A_45, %parallel_loop3A_263 : vector<16xi32>
      %parallel_loop3A_265 = tpu.vector_load_idx %arg5[%parallel_loop3A_264] : memref<32768xf32, #tpu.memory_space<vmem>>[vector<16xi32>], vector<16xf32>,
      %parallel_loop3A_266 = arith.constant 27 : i32
      %parallel_loop3A_267 = arith.index_cast %parallel_loop3A_266 : i32 to index
      %parallel_loop3A_268 = arith.index_cast %parallel_loop3A_40 : i32 to index
      %parallel_loop3A_269 = tpu.vector_load %arg7[%parallel_loop3A_267, %parallel_loop3A_268] {strides = array<i32>} : memref<32x512xf32, #tpu.memory_space<vmem>>, vector<16xf32>,
      tpu.vector_store %arg7[%parallel_loop3A_267, %parallel_loop3A_268], %parallel_loop3A_265 {strides = array<i32>} : memref<32x512xf32, #tpu.memory_space<vmem>>, vector<16xf32>,
      %parallel_loop3A_270 = arith.constant 28 : i32
      %parallel_loop3A_271 = vector.broadcast %parallel_loop3A_270 : i32 to vector<16xi32>
      %parallel_loop3A_272 = arith.addi %parallel_loop3A_45, %parallel_loop3A_271 : vector<16xi32>
      %parallel_loop3A_273 = tpu.vector_load_idx %arg5[%parallel_loop3A_272] : memref<32768xf32, #tpu.memory_space<vmem>>[vector<16xi32>], vector<16xf32>,
      %parallel_loop3A_274 = arith.constant 28 : i32
      %parallel_loop3A_275 = arith.index_cast %parallel_loop3A_274 : i32 to index
      %parallel_loop3A_276 = arith.index_cast %parallel_loop3A_40 : i32 to index
      %parallel_loop3A_277 = tpu.vector_load %arg7[%parallel_loop3A_275, %parallel_loop3A_276] {strides = array<i32>} : memref<32x512xf32, #tpu.memory_space<vmem>>, vector<16xf32>,
      tpu.vector_store %arg7[%parallel_loop3A_275, %parallel_loop3A_276], %parallel_loop3A_273 {strides = array<i32>} : memref<32x512xf32, #tpu.memory_space<vmem>>, vector<16xf32>,
      %parallel_loop3A_278 = arith.constant 29 : i32
      %parallel_loop3A_279 = vector.broadcast %parallel_loop3A_278 : i32 to vector<16xi32>
      %parallel_loop3A_280 = arith.addi %parallel_loop3A_45, %parallel_loop3A_279 : vector<16xi32>
      %parallel_loop3A_281 = tpu.vector_load_idx %arg5[%parallel_loop3A_280] : memref<32768xf32, #tpu.memory_space<vmem>>[vector<16xi32>], vector<16xf32>,
      %parallel_loop3A_282 = arith.constant 29 : i32
      %parallel_loop3A_283 = arith.index_cast %parallel_loop3A_282 : i32 to index
      %parallel_loop3A_284 = arith.index_cast %parallel_loop3A_40 : i32 to index
      %parallel_loop3A_285 = tpu.vector_load %arg7[%parallel_loop3A_283, %parallel_loop3A_284] {strides = array<i32>} : memref<32x512xf32, #tpu.memory_space<vmem>>, vector<16xf32>,
      tpu.vector_store %arg7[%parallel_loop3A_283, %parallel_loop3A_284], %parallel_loop3A_281 {strides = array<i32>} : memref<32x512xf32, #tpu.memory_space<vmem>>, vector<16xf32>,
      %parallel_loop3A_286 = arith.constant 30 : i32
      %parallel_loop3A_287 = vector.broadcast %parallel_loop3A_286 : i32 to vector<16xi32>
      %parallel_loop3A_288 = arith.addi %parallel_loop3A_45, %parallel_loop3A_287 : vector<16xi32>
      %parallel_loop3A_289 = tpu.vector_load_idx %arg5[%parallel_loop3A_288] : memref<32768xf32, #tpu.memory_space<vmem>>[vector<16xi32>], vector<16xf32>,
      %parallel_loop3A_290 = arith.constant 30 : i32
      %parallel_loop3A_291 = arith.index_cast %parallel_loop3A_290 : i32 to index
      %parallel_loop3A_292 = arith.index_cast %parallel_loop3A_40 : i32 to index
      %parallel_loop3A_293 = tpu.vector_load %arg7[%parallel_loop3A_291, %parallel_loop3A_292] {strides = array<i32>} : memref<32x512xf32, #tpu.memory_space<vmem>>, vector<16xf32>,
      tpu.vector_store %arg7[%parallel_loop3A_291, %parallel_loop3A_292], %parallel_loop3A_289 {strides = array<i32>} : memref<32x512xf32, #tpu.memory_space<vmem>>, vector<16xf32>,
      %parallel_loop3A_294 = arith.constant 31 : i32
      %parallel_loop3A_295 = vector.broadcast %parallel_loop3A_294 : i32 to vector<16xi32>
      %parallel_loop3A_296 = arith.addi %parallel_loop3A_45, %parallel_loop3A_295 : vector<16xi32>
      %parallel_loop3A_297 = tpu.vector_load_idx %arg5[%parallel_loop3A_296] : memref<32768xf32, #tpu.memory_space<vmem>>[vector<16xi32>], vector<16xf32>,
      %parallel_loop3A_298 = arith.constant 31 : i32
      %parallel_loop3A_299 = arith.index_cast %parallel_loop3A_298 : i32 to index
      %parallel_loop3A_300 = arith.index_cast %parallel_loop3A_40 : i32 to index
      %parallel_loop3A_301 = tpu.vector_load %arg7[%parallel_loop3A_299, %parallel_loop3A_300] {strides = array<i32>} : memref<32x512xf32, #tpu.memory_space<vmem>>, vector<16xf32>,
      tpu.vector_store %arg7[%parallel_loop3A_299, %parallel_loop3A_300], %parallel_loop3A_297 {strides = array<i32>} : memref<32x512xf32, #tpu.memory_space<vmem>>, vector<16xf32>,
    } {sc.loop_unroll_factor = 8 : i64, sc.parallel_access}
    "tpu.region"() ({
      %run_scoped3A = tpu.sem_alloc : memref<!tpu.dma_semaphore, #tpu.memory_space<semaphore_mem>>
      %dma_start3A = arith.constant 0 : i32
      %dma_start3A_38 = tpu.memref_slice %arg4[%select_n3A, %dma_start3A, %mul3A_32] : memref<16x32x1024xf32, #tpu.memory_space<hbm>> -> memref<1x32x512xf32, #tpu.memory_space<hbm>>
      %dma_start3A_39 = tpu.memref_squeeze %dma_start3A_38 : memref<1x32x512xf32, #tpu.memory_space<hbm>> -> memref<32x512xf32, #tpu.memory_space<hbm>>
      %dma_start3A_40 = arith.constant 0 : i32
      %dma_start3A_41 = tpu.memref_slice %arg4[%select_n3A, %dma_start3A_40, %mul3A_32] : memref<16x32x1024xf32, #tpu.memory_space<hbm>> -> memref<1x32x512xf32, #tpu.memory_space<hbm>>
      %dma_start3A_42 = tpu.memref_squeeze %dma_start3A_41 : memref<1x32x512xf32, #tpu.memory_space<hbm>> -> memref<32x512xf32, #tpu.memory_space<hbm>>
      tpu.enqueue_dma source(%arg7 : memref<32x512xf32, #tpu.memory_space<vmem>>) target(%dma_start3A_42 : memref<32x512xf32, #tpu.memory_space<hbm>>) target_semaphore(%run_scoped3A : memref<!tpu.dma_semaphore, #tpu.memory_space<semaphore_mem>>)
      %dma_wait3A = arith.constant 0 : i32
      %dma_wait3A_43 = tpu.memref_slice %arg4[%select_n3A, %dma_wait3A, %mul3A_32] : memref<16x32x1024xf32, #tpu.memory_space<hbm>> -> memref<1x32x512xf32, #tpu.memory_space<hbm>>
      %dma_wait3A_44 = tpu.memref_squeeze %dma_wait3A_43 : memref<1x32x512xf32, #tpu.memory_space<hbm>> -> memref<32x512xf32, #tpu.memory_space<hbm>>
      %dma_wait3A_45 = arith.constant 0 : i32
      %dma_wait3A_46 = tpu.memref_slice %arg4[%select_n3A, %dma_wait3A_45, %mul3A_32] : memref<16x32x1024xf32, #tpu.memory_space<hbm>> -> memref<1x32x512xf32, #tpu.memory_space<hbm>>
      %dma_wait3A_47 = tpu.memref_squeeze %dma_wait3A_46 : memref<1x32x512xf32, #tpu.memory_space<hbm>> -> memref<32x512xf32, #tpu.memory_space<hbm>>
      tpu.wait_dma2 semaphore(%run_scoped3A : memref<!tpu.dma_semaphore, #tpu.memory_space<semaphore_mem>>) src(%arg7 : memref<32x512xf32, #tpu.memory_space<vmem>>) dst(%dma_wait3A_47 : memref<32x512xf32, #tpu.memory_space<hbm>>)
      tpu.yield
    }) : () -> ()
    return
  }
}

module attributes {stable_mosaic.version = 14 : i64} {
  func.func @_argmin_body(%arg0: i32, %arg1: memref<1x32x1024xf32, #tpu.memory_space<vmem>>, %arg2: memref<1024x32xf32, #tpu.memory_space<vmem>>, %arg3: memref<8x128xi32, #tpu.memory_space<vmem>>, %arg4: memref<1x1xf32, #tpu.memory_space<smem>>) attributes {dimension_semantics = [#tpu.dimension_semantics<arbitrary>], iteration_bounds = array<i64: 16>, scalar_prefetch = 0 : i64, scratch_operands = 0 : i64, tpu.core_type = #tpu.core_type<tc>, window_params = [{transform_indices = @transform_0, window_bounds = array<i64: 1, 32, 1024>}, {pipeline_mode = #tpu.pipeline_mode<synchronous>, transform_indices = @transform_1, window_bounds = array<i64: 1024, 32>}, {transform_indices = @transform_2, window_bounds = array<i64: 8, 128>}, {transform_indices = @transform_3, window_bounds = array<i64: 1, 1>}]} {
    %get3A = arith.constant 0 : index
    %get3A_0 = arith.constant 0 : index
    %get3A_1 = arith.constant 0 : index
    %get3A_2 = vector.load %arg1[%get3A, %get3A_0, %get3A_1] : memref<1x32x1024xf32, #tpu.memory_space<vmem>>, vector<1x32x1024xf32>
    %get3A_3 = vector.shape_cast %get3A_2 : vector<1x32x1024xf32> to vector<32x1024xf32>
    %get3A_4 = arith.constant 0 : index
    %get3A_5 = arith.constant 0 : index
    %get3A_6 = vector.load %arg2[%get3A_4, %get3A_5] : memref<1024x32xf32, #tpu.memory_space<vmem>>, vector<1024x32xf32>
    %mul3A = arith.mulf %get3A_3, %get3A_3 : vector<32x1024xf32>
    %reduce_sum3A = arith.constant dense<0.000000e+00> : vector<1024xf32>
    %reduce_sum3A_7 = vector.multi_reduction <add>, %mul3A, %reduce_sum3A [0] : vector<32x1024xf32> to vector<1024xf32>
    %broadcast_in_dim3A = vector.shape_cast %reduce_sum3A_7 : vector<1024xf32> to vector<1x1024xf32>
    %mul3A_8 = arith.mulf %get3A_6, %get3A_6 : vector<1024x32xf32>
    %reduce_sum3A_9 = arith.constant dense<0.000000e+00> : vector<1024xf32>
    %reduce_sum3A_10 = vector.multi_reduction <add>, %mul3A_8, %reduce_sum3A_9 [1] : vector<1024x32xf32> to vector<1024xf32>
    %broadcast_in_dim3A_11 = vector.shape_cast %reduce_sum3A_10 : vector<1024xf32> to vector<1024x1xf32>
    %mul3A_12 = arith.constant 2.000000e+00 : f32
    %mul3A_13 = vector.broadcast %mul3A_12 : f32 to vector<1024x32xf32>
    %mul3A_14 = arith.mulf %mul3A_13, %get3A_6 : vector<1024x32xf32>
    %dot_general3A = arith.constant dense<0.000000e+00> : vector<1024x1024xf32>
    %dot_general3A_15 = tpu.matmul %mul3A_14, %get3A_3, %dot_general3A {dimension_numbers = #tpu.dot_dimension_numbers<[1], [0], [0], [1], [0, 0, 1, 1], [], []>, transpose_lhs_hint = false} : vector<1024x32xf32>, vector<32x1024xf32>, vector<1024x1024xf32> -> vector<1024x1024xf32>
    %add3A = vector.broadcast %broadcast_in_dim3A : vector<1x1024xf32> to vector<1024x1024xf32>
    %add3A_16 = vector.broadcast %broadcast_in_dim3A_11 : vector<1024x1xf32> to vector<1024x1024xf32>
    %add3A_17 = arith.addf %add3A, %add3A_16 : vector<1024x1024xf32>
    %sub3A = arith.subf %add3A_17, %dot_general3A_15 : vector<1024x1024xf32>
    %reduce_min3A = arith.constant dense<0x7F800000> : vector<1024xf32>
    %reduce_min3A_18 = vector.multi_reduction <minimumf>, %sub3A, %reduce_min3A [0] : vector<1024x1024xf32> to vector<1024xf32>
    %broadcast_in_dim3A_19 = vector.shape_cast %reduce_min3A_18 : vector<1024xf32> to vector<1x1024xf32>
    %iota3A = tpu.iota {dimensions = array<i32: 0>} : vector<1024x1024xi32>
    %eq3A = vector.broadcast %broadcast_in_dim3A_19 : vector<1x1024xf32> to vector<1024x1024xf32>
    %eq3A_20 = arith.cmpf oeq, %sub3A, %eq3A : vector<1024x1024xf32>
    %jit3A = arith.constant 1024 : i32
    %broadcast_in_dim3A_21 = vector.broadcast %jit3A : i32 to vector<1024x1024xi32>
    %select_n3A = arith.select %eq3A_20, %iota3A, %broadcast_in_dim3A_21 : vector<1024x1024xi1>, vector<1024x1024xi32>
    %reduce_min3A_22 = arith.constant dense<2147483647> : vector<1024xi32>
    %reduce_min3A_23 = vector.multi_reduction <minsi>, %select_n3A, %reduce_min3A_22 [0] : vector<1024x1024xi32> to vector<1024xi32>
    %reshape3A = vector.shape_cast %reduce_min3A_23 : vector<1024xi32> to vector<8x128xi32>
    %swap3A = arith.constant 0 : index
    %swap3A_24 = arith.constant 0 : index
    %swap3A_25 = vector.load %arg3[%swap3A, %swap3A_24] : memref<8x128xi32, #tpu.memory_space<vmem>>, vector<8x128xi32>
    tpu.vector_store %arg3[%swap3A, %swap3A_24], %reshape3A {strides = array<i32>} : memref<8x128xi32, #tpu.memory_space<vmem>>, vector<8x128xi32>,
    %reduce_sum3A_26 = vector.shape_cast %broadcast_in_dim3A_19 : vector<1x1024xf32> to vector<1x1x1024xf32>
    %reduce_sum3A_27 = arith.constant dense<0.000000e+00> : vector<1xf32>
    %reduce_sum3A_28 = vector.multi_reduction <add>, %reduce_sum3A_26, %reduce_sum3A_27 [1, 2] : vector<1x1x1024xf32> to vector<1xf32>
    %reduce_sum3A_29 = vector.shape_cast %reduce_sum3A_28 : vector<1xf32> to vector<1x1x1xf32>
    %reduce_sum3A_30 = vector.extract %reduce_sum3A_29[0, 0, 0] : f32 from vector<1x1x1xf32>
    %eq3A_31 = arith.constant 0 : i32
    %eq3A_32 = arith.cmpi eq, %arg0, %eq3A_31 : i32
    %get3A_33 = arith.constant 0 : index
    %get3A_34 = arith.constant 0 : index
    %get3A_35 = memref.load %arg4[%get3A_33, %get3A_34] : memref<1x1xf32, #tpu.memory_space<smem>>
    %jit3A_36 = arith.constant 0.000000e+00 : f32
    %select_n3A_37 = arith.select %eq3A_32, %jit3A_36, %get3A_35 : f32
    %add3A_38 = arith.addf %select_n3A_37, %reduce_sum3A_30 : f32
    %swap3A_39 = arith.constant 0 : index
    %swap3A_40 = arith.constant 0 : index
    %swap3A_41 = memref.load %arg4[%swap3A_39, %swap3A_40] : memref<1x1xf32, #tpu.memory_space<smem>>
    memref.store %add3A_38, %arg4[%swap3A_39, %swap3A_40] : memref<1x1xf32, #tpu.memory_space<smem>>
    return
  }
  func.func @transform_0(%arg0: i32) -> (i32, i32, i32) {
    %add3A = arith.constant 16 : i32
    %add3A_0 = arith.addi %add3A, %arg0 : i32
    %c0_i32 = arith.constant 0 : i32
    %c0_i32_1 = arith.constant 0 : i32
    %c0_i32_2 = arith.constant 0 : i32
    return %add3A_0, %c0_i32, %c0_i32_1 : i32, i32, i32
  }
  func.func @transform_1(%arg0: i32) -> (i32, i32) {
    %c0_i32 = arith.constant 0 : i32
    %c0_i32_0 = arith.constant 0 : i32
    %c0_i32_1 = arith.constant 0 : i32
    return %c0_i32, %c0_i32_0 : i32, i32
  }
  func.func @transform_2(%arg0: i32) -> (i32, i32) {
    %c0_i32 = arith.constant 0 : i32
    %c0_i32_0 = arith.constant 0 : i32
    return %arg0, %c0_i32 : i32, i32
  }
  func.func @transform_3(%arg0: i32) -> (i32, i32) {
    %c0_i32 = arith.constant 0 : i32
    %c0_i32_0 = arith.constant 0 : i32
    %c0_i32_1 = arith.constant 0 : i32
    return %c0_i32, %c0_i32_0 : i32, i32
  }
}

module attributes {stable_mosaic.version = 14 : i64} {
  func.func @_argmin_body(%arg0: i32, %arg1: memref<1x32x1024xf32, #tpu.memory_space<vmem>>, %arg2: memref<1024x32xf32, #tpu.memory_space<vmem>>, %arg3: memref<8x128xi32, #tpu.memory_space<vmem>>, %arg4: memref<1x1xf32, #tpu.memory_space<smem>>) attributes {dimension_semantics = [#tpu.dimension_semantics<arbitrary>], iteration_bounds = array<i64: 16>, scalar_prefetch = 0 : i64, scratch_operands = 0 : i64, tpu.core_type = #tpu.core_type<tc>, window_params = [{transform_indices = @transform_0, window_bounds = array<i64: 1, 32, 1024>}, {pipeline_mode = #tpu.pipeline_mode<synchronous>, transform_indices = @transform_1, window_bounds = array<i64: 1024, 32>}, {transform_indices = @transform_2, window_bounds = array<i64: 8, 128>}, {transform_indices = @transform_3, window_bounds = array<i64: 1, 1>}]} {
    %get3A = arith.constant 0 : index
    %get3A_0 = arith.constant 0 : index
    %get3A_1 = arith.constant 0 : index
    %get3A_2 = vector.load %arg1[%get3A, %get3A_0, %get3A_1] : memref<1x32x1024xf32, #tpu.memory_space<vmem>>, vector<1x32x1024xf32>
    %get3A_3 = vector.shape_cast %get3A_2 : vector<1x32x1024xf32> to vector<32x1024xf32>
    %get3A_4 = arith.constant 0 : index
    %get3A_5 = arith.constant 0 : index
    %get3A_6 = vector.load %arg2[%get3A_4, %get3A_5] : memref<1024x32xf32, #tpu.memory_space<vmem>>, vector<1024x32xf32>
    %mul3A = arith.mulf %get3A_3, %get3A_3 : vector<32x1024xf32>
    %reduce_sum3A = arith.constant dense<0.000000e+00> : vector<1024xf32>
    %reduce_sum3A_7 = vector.multi_reduction <add>, %mul3A, %reduce_sum3A [0] : vector<32x1024xf32> to vector<1024xf32>
    %broadcast_in_dim3A = vector.shape_cast %reduce_sum3A_7 : vector<1024xf32> to vector<1x1024xf32>
    %mul3A_8 = arith.mulf %get3A_6, %get3A_6 : vector<1024x32xf32>
    %reduce_sum3A_9 = arith.constant dense<0.000000e+00> : vector<1024xf32>
    %reduce_sum3A_10 = vector.multi_reduction <add>, %mul3A_8, %reduce_sum3A_9 [1] : vector<1024x32xf32> to vector<1024xf32>
    %broadcast_in_dim3A_11 = vector.shape_cast %reduce_sum3A_10 : vector<1024xf32> to vector<1024x1xf32>
    %mul3A_12 = arith.constant 2.000000e+00 : f32
    %mul3A_13 = vector.broadcast %mul3A_12 : f32 to vector<1024x32xf32>
    %mul3A_14 = arith.mulf %mul3A_13, %get3A_6 : vector<1024x32xf32>
    %dot_general3A = arith.constant dense<0.000000e+00> : vector<1024x1024xf32>
    %dot_general3A_15 = tpu.matmul %mul3A_14, %get3A_3, %dot_general3A {dimension_numbers = #tpu.dot_dimension_numbers<[1], [0], [0], [1], [0, 0, 1, 1], [], []>, transpose_lhs_hint = false} : vector<1024x32xf32>, vector<32x1024xf32>, vector<1024x1024xf32> -> vector<1024x1024xf32>
    %add3A = vector.broadcast %broadcast_in_dim3A : vector<1x1024xf32> to vector<1024x1024xf32>
    %add3A_16 = vector.broadcast %broadcast_in_dim3A_11 : vector<1024x1xf32> to vector<1024x1024xf32>
    %add3A_17 = arith.addf %add3A, %add3A_16 : vector<1024x1024xf32>
    %sub3A = arith.subf %add3A_17, %dot_general3A_15 : vector<1024x1024xf32>
    %reduce_min3A = arith.constant dense<0x7F800000> : vector<1024xf32>
    %reduce_min3A_18 = vector.multi_reduction <minimumf>, %sub3A, %reduce_min3A [0] : vector<1024x1024xf32> to vector<1024xf32>
    %broadcast_in_dim3A_19 = vector.shape_cast %reduce_min3A_18 : vector<1024xf32> to vector<1x1024xf32>
    %iota3A = tpu.iota {dimensions = array<i32: 0>} : vector<1024x1024xi32>
    %eq3A = vector.broadcast %broadcast_in_dim3A_19 : vector<1x1024xf32> to vector<1024x1024xf32>
    %eq3A_20 = arith.cmpf oeq, %sub3A, %eq3A : vector<1024x1024xf32>
    %jit3A = arith.constant 1024 : i32
    %broadcast_in_dim3A_21 = vector.broadcast %jit3A : i32 to vector<1024x1024xi32>
    %select_n3A = arith.select %eq3A_20, %iota3A, %broadcast_in_dim3A_21 : vector<1024x1024xi1>, vector<1024x1024xi32>
    %reduce_min3A_22 = arith.constant dense<2147483647> : vector<1024xi32>
    %reduce_min3A_23 = vector.multi_reduction <minsi>, %select_n3A, %reduce_min3A_22 [0] : vector<1024x1024xi32> to vector<1024xi32>
    %reshape3A = vector.shape_cast %reduce_min3A_23 : vector<1024xi32> to vector<8x128xi32>
    %swap3A = arith.constant 0 : index
    %swap3A_24 = arith.constant 0 : index
    %swap3A_25 = vector.load %arg3[%swap3A, %swap3A_24] : memref<8x128xi32, #tpu.memory_space<vmem>>, vector<8x128xi32>
    tpu.vector_store %arg3[%swap3A, %swap3A_24], %reshape3A {strides = array<i32>} : memref<8x128xi32, #tpu.memory_space<vmem>>, vector<8x128xi32>,
    %reduce_sum3A_26 = vector.shape_cast %broadcast_in_dim3A_19 : vector<1x1024xf32> to vector<1x1x1024xf32>
    %reduce_sum3A_27 = arith.constant dense<0.000000e+00> : vector<1xf32>
    %reduce_sum3A_28 = vector.multi_reduction <add>, %reduce_sum3A_26, %reduce_sum3A_27 [1, 2] : vector<1x1x1024xf32> to vector<1xf32>
    %reduce_sum3A_29 = vector.shape_cast %reduce_sum3A_28 : vector<1xf32> to vector<1x1x1xf32>
    %reduce_sum3A_30 = vector.extract %reduce_sum3A_29[0, 0, 0] : f32 from vector<1x1x1xf32>
    %eq3A_31 = arith.constant 0 : i32
    %eq3A_32 = arith.cmpi eq, %arg0, %eq3A_31 : i32
    %get3A_33 = arith.constant 0 : index
    %get3A_34 = arith.constant 0 : index
    %get3A_35 = memref.load %arg4[%get3A_33, %get3A_34] : memref<1x1xf32, #tpu.memory_space<smem>>
    %jit3A_36 = arith.constant 0.000000e+00 : f32
    %select_n3A_37 = arith.select %eq3A_32, %jit3A_36, %get3A_35 : f32
    %add3A_38 = arith.addf %select_n3A_37, %reduce_sum3A_30 : f32
    %swap3A_39 = arith.constant 0 : index
    %swap3A_40 = arith.constant 0 : index
    %swap3A_41 = memref.load %arg4[%swap3A_39, %swap3A_40] : memref<1x1xf32, #tpu.memory_space<smem>>
    memref.store %add3A_38, %arg4[%swap3A_39, %swap3A_40] : memref<1x1xf32, #tpu.memory_space<smem>>
    return
  }
  func.func @transform_0(%arg0: i32) -> (i32, i32, i32) {
    %add3A = arith.constant 0 : i32
    %add3A_0 = arith.addi %add3A, %arg0 : i32
    %c0_i32 = arith.constant 0 : i32
    %c0_i32_1 = arith.constant 0 : i32
    %c0_i32_2 = arith.constant 0 : i32
    return %add3A_0, %c0_i32, %c0_i32_1 : i32, i32, i32
  }
  func.func @transform_1(%arg0: i32) -> (i32, i32) {
    %c0_i32 = arith.constant 0 : i32
    %c0_i32_0 = arith.constant 0 : i32
    %c0_i32_1 = arith.constant 0 : i32
    return %c0_i32, %c0_i32_0 : i32, i32
  }
  func.func @transform_2(%arg0: i32) -> (i32, i32) {
    %c0_i32 = arith.constant 0 : i32
    %c0_i32_0 = arith.constant 0 : i32
    return %arg0, %c0_i32 : i32, i32
  }
  func.func @transform_3(%arg0: i32) -> (i32, i32) {
    %c0_i32 = arith.constant 0 : i32
    %c0_i32_0 = arith.constant 0 : i32
    %c0_i32_1 = arith.constant 0 : i32
    return %c0_i32, %c0_i32_0 : i32, i32
  }
}

</mosaic_0001>

<sc_bundles>
// kernel: kernel.6.cloned.1.call-start
scs
__scs_entry_jumppad:
0x0: {  	(pc) =	sbr.rel $0x88, $3  }
0x1: {  	(tag) =	ssettag $0x0;
	lr =	simm.s32 $0x1  }
0x2: {  	[smem:$0x3F9F] =	sst lr;
	_ =	strace $0xD0000000  }
0x3: {  	_ = 	snop  }
0x4: {  	_ = 	snop  }
0x5: {  	_ = 	snop  }
0x6: {  	_ = 	snop  }
0x7: {  	_ = 	snop  }
__scs_overlays_trampoline_lowered:
0x8: {  	[smem:$0x3FAE] =	sst s0  }
0x9: {  	[smem:$0x3FAF] =	sst s1  }
0xa: {  	[smem:$0x3FB0] =	sst s2  }
0xb: {  	[smem:$0x3FB1] =	sst s3  }
0xc: {  	[smem:$0x3FB2] =	sst s4  }
0xd: {  	[smem:$0x3FB3] =	sst s5  }
0xe: {  	[smem:$0x3FB4] =	sst s6  }
0xf: {  	[smem:$0x3FB5] =	sst s7  }
0x10: {  	[smem:$0x3FB6] =	sst s8  }
0x11: {  	[smem:$0x3FB7] =	sst s9;
	s0 =	simm.s32 @!p0 $0x0  }
0x12: {  	s1 =	sld [smem:$0x3F9D];
	s0 =	simm.s32 @p0 $0x1  }
0x13: {  	[smem:$0x3FB8] =	sst s0;
	s0 =	simm.s32 @!p1 $0x0  }
0x14: {  	s2 =	sld [smem:$0x3F9C];
	s0 =	simm.s32 @p1 $0x1  }
0x15: {  	[smem:$0x3FB9] =	sst s0;
	s0 =	simm.s32 @!p2 $0x0  }
0x16: {  	s3 =	sld [smem:$0x3FDB];
	s0 =	simm.s32 @p2 $0x1  }
0x17: {  	s4 =	simm.s32 $0x1BF5;
	[smem:$0x3FBB] =	sst s0  }
0x18: {  	s0 =	sld [smem:$0x3F9E];
	_ =	swait.ge [sflag:s4], $0x0  }
0x19: {  	s7 =	sld [smem:$0x3F9F]  }
0x1a: {  	s8 =	sadd.s32 $0xFFFFE003, lr  }
0x1b: {  	s9 =	sadd.s32 $0xFFFFFEF7, lr;
	s5 =	simm.s32 $0xFFFFFFFF;
	p2 =	slt.u32 s8, $0xFFFFF086  }
0x1c: {  	p1 =	slt.u32 s9, $0xF7A;
	s5 =	simm.s32 @!p2 $0x0  }
0x1d: {  	s5 =	simm.s32 @p1 $0x1;
	p0 =	seq.s32 s7, s2  }
0x1e: {  	s7 =	smul.u32 @!p0 $0xF7A, s2;
	p2 =	seq.s32 @!p0 s5, $0x0  }
0x1f: {  	s9 =	smul.u32 $0xF7A, s1;
	s8 =	simm.s32 @!p0 $0x1BF5;
	p2 =	por !p2, p0  }
0x20: {  	[sflag:s8] =	ssyncset.s32 @!p0 $0xFFFFF086;
	s6 =	sadd.s32 @!p0 s3, s7;
	s7 =	simm.s32 @!p0 $0x108  }
0x21: {  	s3 =	sadd.s32 s3, s9;
	s6 =	sadd.s32 @!p0 $0x88, s6;
	s7 =	simm.s32 @p2 $0x1082  }
0x22: {  	[simem:s7], [sflag:s8] =	dma.local @!p0 [hbm:s6], $0xF7A  }
0x23: {  	s9 =	sor.u32 $0xD0000000, s2;
	s6 =	simm.s32 $0x108;
	_ =	swait.ge @!p0 [sflag:s8], $0x0  }
0x24: {  	s3 =	sadd.s32 $0x88, s3;
	s6 =	simm.s32 @!p1 $0x1082;
	[sflag:s4] =	ssyncset.s32 $0xFFFFF086  }
0x25: {  	[simem:s6], [sflag:s4] =	dma.local [hbm:s3], $0xF7A  }
0x26: {  	[smem:$0x3F9F] =	sst s1;
	(tag) =	ssettag s2;
	_ =	strace s9  }
0x27: {  	s1 =	sld [smem:$0x3FAF]  }
0x28: {  	s2 =	sld [smem:$0x3FB0]  }
0x29: {  	s4 =	sld [smem:$0x3FB2]  }
0x2a: {  	p0 =	seq.s32 s5, $0x0;
	s5 =	sld [smem:$0x3FB3]  }
0x2b: {  	s6 =	sld [smem:$0x3FB4]  }
0x2c: {  	s7 =	sld [smem:$0x3FB5]  }
0x2d: {  	s3 =	simm.s32 $0x108;
	s8 =	sld [smem:$0x3FB6]  }
0x2e: {  	s3 =	simm.s32 @!p0 $0x1082;
	s9 =	sld [smem:$0x3FB7]  }
0x2f: {  	lr =	sadd.s32 s0, s3;
	s0 =	sld [smem:$0x3FAE]  }
0x30: {  	s3 =	sld [smem:$0x3FB1]  }
0x31: {  	[smem:$0x3FBA] =	sst s10  }
0x32: {  	s10 =	sld [smem:$0x3FB8];
	_ =	sdelay $0x3  }
0x33: {  	p0 =	seq.s32 s10, $0x1;
	s10 =	sld [smem:$0x3FBA];
	_ =	sdelay $0x3  }
0x34: {  	[smem:$0x3FBA] =	sst s10  }
0x35: {  	s10 =	sld [smem:$0x3FB9];
	_ =	sdelay $0x3  }
0x36: {  	p1 =	seq.s32 s10, $0x1;
	s10 =	sld [smem:$0x3FBA];
	_ =	sdelay $0x3  }
0x37: {  	[smem:$0x3FBA] =	sst s10  }
0x38: {  	s10 =	sld [smem:$0x3FBB]  }
0x39: {  	_ = 	snop;
	(pc) =	sbr.ind lr, $3  }
0x3a: {  	_ = 	snop  }
0x3b: {  	_ = 	snop  }
0x3c: {  	p2 =	seq.s32 s10, $0x1;
	s10 =	sld [smem:$0x3FBA]  }
0x3d: {  	_ =	shalt  }
0x3e: {  	_ =	shalt  }
0x3f: {  	_ =	shalt  }
0x40: {  	_ =	shalt  }
0x41: {  	_ =	shalt  }
0x42: {  	_ =	shalt  }
0x43: {  	_ =	shalt  }
0x44: {  	_ =	shalt  }
0x45: {  	_ =	shalt  }
0x46: {  	_ =	shalt  }
0x47: {  	_ =	shalt  }
0x48: {  	_ =	shalt  }
0x49: {  	_ =	shalt  }
0x4a: {  	_ =	shalt  }
0x4b: {  	_ =	shalt  }
0x4c: {  	_ =	shalt  }
0x4d: {  	_ =	shalt  }
0x4e: {  	_ =	shalt  }
0x4f: {  	_ =	shalt  }
0x50: {  	_ =	shalt  }
0x51: {  	_ =	shalt  }
0x52: {  	_ =	shalt  }
0x53: {  	_ =	shalt  }
0x54: {  	_ =	shalt  }
0x55: {  	_ =	shalt  }
0x56: {  	_ =	shalt  }
0x57: {  	_ =	shalt  }
0x58: {  	_ =	shalt  }
0x59: {  	_ =	shalt  }
0x5a: {  	_ =	shalt  }
0x5b: {  	_ =	shalt  }
0x5c: {  	_ =	shalt  }
0x5d: {  	_ =	shalt  }
0x5e: {  	_ =	shalt  }
0x5f: {  	_ =	shalt  }
0x60: {  	_ =	shalt  }
0x61: {  	_ =	shalt  }
0x62: {  	_ =	shalt  }
0x63: {  	_ =	shalt  }
0x64: {  	_ =	shalt  }
0x65: {  	_ =	shalt  }
0x66: {  	_ =	shalt  }
0x67: {  	_ =	shalt  }
0x68: {  	_ =	shalt  }
0x69: {  	_ =	shalt  }
0x6a: {  	_ =	shalt  }
0x6b: {  	_ =	shalt  }
0x6c: {  	_ =	shalt  }
0x6d: {  	_ =	shalt  }
0x6e: {  	_ =	shalt  }
0x6f: {  	_ =	shalt  }
0x70: {  	_ =	shalt  }
0x71: {  	_ =	shalt  }
0x72: {  	_ =	shalt  }
0x73: {  	_ =	shalt  }
0x74: {  	_ =	shalt  }
0x75: {  	_ =	shalt  }
0x76: {  	_ =	shalt  }
0x77: {  	_ =	shalt  }
0x78: {  	_ =	shalt  }
0x79: {  	_ =	shalt  }
0x7a: {  	_ =	shalt  }
0x7b: {  	_ =	shalt  }
0x7c: {  	_ =	shalt  }
0x7d: {  	_ =	shalt  }
0x7e: {  	_ =	shalt  }
0x7f: {  	_ =	shalt  }
0x80: {  	_ =	shalt  }
0x81: {  	_ =	shalt  }
0x82: {  	_ =	shalt  }
0x83: {  	_ =	shalt  }
0x84: {  	_ =	shalt  }
0x85: {  	_ =	shalt  }
0x86: {  	_ =	shalt  }
0x87: {  	_ =	shalt  }
.Lfunc_end0:
.L_simem_size_0:
called_computation_lowered:
.L_overlay_start_0:
0x88: {  	s2 =	sld [smem:$0x3FD9]  }
0x89: {  	s3 =	sld [smem:$0x3FFE];
	_ =	sdelay $0x1  }
0x8a: {  	s1 =	srdreg.scid  }
0x8b: {  	s0 =	sand.u32 $0x1, s1  }
0x8c: {  	s16 =	sshll.u32 s0, $0xA;
	s2 =	sadd.s32 s3, s2  }
0x8d: {  	s2 =	sadd.s32 s2, s16  }
0x8e: {  	[smem:$0x3FC6] =	sst s2  }
0x8f: {  	_ = 	snop  }
0x90: {  	(tm) =	ssettm $0x1  }
0x91: {  	s17 =	sld [smem:$0x3FFB];
	_ =	sdelay $0x3  }
0x92: {  	_ =	strace s17  }
0x93: {  	s2 =	sld [smem:$0x3FFC];
	_ =	sdelay $0x3  }
0x94: {  	_ =	strace s2  }
0x95: {  	s2 =	sld [smem:$0x3FFD];
	_ =	sdelay $0x3  }
0x96: {  	_ =	strace s2  }
0x97: {  	_ =	strace $0x8FFFFFFF  }
0x98: {  	s18 =	sld [smem:$0x3FDB];
	_ =	sdelay $0x1  }
0x99: {  	s19 =	simm.s32 $_scs_section_size  }
0x9a: {  	s4 =	simm.s32 $_size__tile_overlayer_lowered;
	s5 =	simm.s32 $_tile_overlayer_lowered  }
0x9b: {  	s22 =	simm.s32 $0x1BFF;
	s21 =	sshll.u32 s5, $0x1;
	s2 =	sadd.s32 s19, s18  }
0x9c: {  	s6 =	simm.s32 $0x0;
	s20 =	sshll.u32 s4, $0x1;
	s4 =	sadd.s32 s21, s2  }
0x9d: {  	[timem:s6], [sflag:s22] =	dma.local [hbm:s4], s20  }
0x9e: {  	_ =	swait.ge [sflag:s22], s20  }
0x9f: {  	s3 =	ssub.s32 $0x0, s20;
	[sflag:s22] =	ssyncset.done $0x0  }
0xa0: {  	[sflag:s22] =	ssyncadd.s32 s3;
	_ =	sdelay $0x1  }
0xa1: {  	s23 =	simm.s32 $0x1B8B  }
0xa2: {  	_ =	swait.ge [sflag:s23], $0x1  }
0xa3: {  	[sflag:s23] =	ssyncset.done $0x0  }
0xa4: {  	s25 =	simm.s32 $0x1B8E;
	s24 =	sld [smem:$0x3FFE];
	[sflag:s23] =	ssyncadd.s32 $0xFFFFFFFF  }
0xa5: {  	s26 =	simm.s32 $execute0_lowered;
	[smem:$0x3FD2] =	sst s25  }
0xa6: {  	s4 =	sshll.u32 s26, $0x1;
	_ =	strace $0x80000046;
	[dreg:$0x1] =	wrdreg $0xFFFFFFFF  }
0xa7: {  	s28 =	simm.s32 $_size_execute0_lowered;
	s2 =	sadd.s32 s2, s4;
	[dreg:$0x0] =	wrdreg $0x0  }
0xa8: {  	s4 =	sshll.u32 s28, $0x1;
	[dreg:$0x2] =	wrdreg s2  }
0xa9: {  	[dreg:$0x3] =	wrdreg s4  }
0xaa: {  	[dreg:$0x4] =	wrdreg $0xC0  }
0xab: {  	_ =	task [dreg:s6], $0x5FFFF  }
0xac: {  	[dreg:$0x1] =	wrdreg $0xFFFFFFFF  }
0xad: {  	[dreg:$0x0] =	wrdreg $0x60  }
0xae: {  	[dreg:$0x2] =	wrdreg s24  }
0xaf: {  	[dreg:$0x3] =	wrdreg $0x9  }
0xb0: {  	_ =	task.clear_ibuf [dreg:s6], $0x4FFFF;
	_ =	strace $0x90000046  }
0xb1: {  	s29 =	simm.s32 $0x9;
	_ =	strace $0x80000048  }
0xb2: {  	_ =	swait.ge [sflag:s29], $0x1  }
0xb3: {  	[sflag:s29] =	ssyncadd.s32 $0xFFFFFFFF  }
0xb4: {  	_ =	strace $0x90000048  }
0xb5: {  	_ =	sfence  }
0xb6: {  	s30 =	sld [smem:$0x0];
	_ =	sdelay $0x2  }
0xb7: {  	s31 =	sshll.u32 s1, $0xD;
	s1 =	sshrl.u32 s1, $0x2  }
0xb8: {  	s3 =	sand.u32 $0x4000, s31;
	s1 =	sadd.s32 s1, s30  }
0xb9: {  	s0 =	sor.u32 s3, s0;
	s1 =	sshll.u32 s1, $0x11  }
0xba: {  	s0 =	sor.u32 s1, s0  }
0xbb: {  	s0 =	sadd.s32 $0x8F2B, s0  }
0xbc: {  	[sflag:s0] =	ssyncadd.remote.s32 $0x1  }
0xbd: {  	_ =	sfence.sel $0xFFFF  }
0xbe: {  	[dreg:$0x0] =	wrdreg $0xFFFFFFFF;
	(pc) =	sbr.abs _section_cstart, $3  }
0xbf: {  	[dreg:$0x1] =	wrdreg $0xFFFFFFFF  }
0xc0: {  	_ =	task.clear_ibuf [dreg:s6], $0x2FFFF;
	_ =	strace $0x9FFFFFFF  }
0xc1: {  	(tm) =	ssettm $0x7FFFFFFF  }
tec
execute0_lowered:
.L_overlay_start_1:
0x0: {  	(tag) =	ssettag $0x1  }
0x1: {  	s1 =	srdreg.scid;
	s0 =	stileid.u32  }
0x2: {  	s3 =	simm.s32 $0x1;
	s6 =	rddreg [dreg:$0x0];
	s5 =	sand.u32 $0x1, s1  }
0x3: {  	s2 =	simm.s32 $0x0;
	s10 =	simm.s32 $0x2000;
	s1 =	sor.u32 s5, s0  }
0x4: {  	s11 =	simm.s32 $0x8200;
	p1 =	seq.s32 s5, $0x1;
	p0 =	seq.s32 s1, $0x0  }
0x5: {  	s12 =	simm.s32 $0x0;
	[smem:$0x7FF] =	sst s2;
	p0 =	por !p0, !p1  }
0x6: {  	s8 =	sshll.u32 s5, $0x9;
	s5 =	ssub.s32 $0x2, s5;
	p0 =	por !p0, !p0  }
0x7: {  	s1 =	rddreg [dreg:$0x1];
	s30 =	sshrl.u32 s5, $0x1;
	s3 =	simm.s32 @!p0 $0x0  }
0x8: {  	_ =	strace $0x80000047;
	s31 =	ssub.s32 s5, s30;
	s7 =	ssub.s32 s0, s3  }
0x9: {  	s3 =	sadd.s32 $0x1000, s6;
	s4 =	sshll.u32 s7, $0xA;
	s7 =	sshll.u32 s7, $0xC  }
0xa: {  	s9 =	sor.u32 s8, s4;
	s8 =	sadd.s32 s8, s6;
	s7 =	sand.u32 $0x1FFFF000, s7  }
0xb: {  	s4 =	simm.s32 $0x1;
	s9 =	sshrl.u32 s9, $0x3;
	s7 =	sadd.s32 s7, s8  }
0xc: {  	s8 =	simm.s32 $0x8000;
	s6 =	sadd.s32 s9, s6;
	s9 =	simm.s32 $0x1000  }
0xd: {  	s5 =	sadd.s32 $0x2200, s6;
	s6 =	sadd.s32 $0x2A00, s7;
	s7 =	smax.u32 s31, $0x1  }
.LBB2_1:
0xe: {  	[tilespmem:s2], [sflag:$0x1] =	stream.linear.gather [hbm4b:s3+s2], $0x8000, $0x38;
	[tilespmem:$0xC200] =	vst v63  }
0xf: {  	_ =	swait.ge [sflag:s4], $0x8000  }
0x10: {  	[sflag:s4] =	ssyncset.done $0x0  }
0x11: {  	[sflag:s4] =	ssyncadd.s32 $0xFFFF8000  }
0x12: {  	[tilespmem:s8], [sflag:$0x1] =	stream.linear.gather [hbm4b:s5+s2], $0x200, $0x38;
	[tilespmem:$0xC200] =	vst v63  }
0x13: {  	_ =	swait.ge [sflag:s4], $0x200  }
0x14: {  	s13 =	simm.s32 $0x0;
	[sflag:s4] =	ssyncset.done $0x0  }
0x15: {  	s14 =	sand.u32 $0x3FFFFFF0, s13;
	[sflag:s4] =	ssyncadd.s32 $0xFFFFFE00  }
0x16: {  	v0 =	vld [tilespmem:s14+$0x8000];
	_ =	sdelay $0x4  }
0x17: {  	v1 =	vshll.u32 v0, $0x5;
	_ =	sdelay $0x4  }
0x18: {  	v0 =	vld.idx.msk [tilespmem:v1+s2+$0x0], $0xffff  }
0x19: {  	v2 =	vor.u32 $0x1, v1;
	_ =	sdelay $0x1  }
0x1a: {  	s31 =	simm.s32 $0x0  }
0x1b: {  	s13 =	sand.u32 $0x3FFFFF80, s31  }
0x1c: {  	[tilespmem:s13+$0x8200] =	vst v0  }
0x1d: {  	v0 =	vld.idx.msk [tilespmem:v2+s2+$0x0], $0xffff  }
0x1e: {  	v2 =	vor.u32 $0x2, v1;
	_ =	sdelay $0x3  }
0x1f: {  	[tilespmem:s13+$0x8280] =	vst v0  }
0x20: {  	v0 =	vld.idx.msk [tilespmem:v2+s2+$0x0], $0xffff  }
0x21: {  	v2 =	vor.u32 $0x3, v1;
	_ =	sdelay $0x3  }
0x22: {  	[tilespmem:s13+$0x8300] =	vst v0  }
0x23: {  	v0 =	vld.idx.msk [tilespmem:v2+s2+$0x0], $0xffff  }
0x24: {  	v2 =	vor.u32 $0x4, v1;
	_ =	sdelay $0x3  }
0x25: {  	[tilespmem:s13+$0x8380] =	vst v0  }
0x26: {  	v0 =	vld.idx.msk [tilespmem:v2+s2+$0x0], $0xffff  }
0x27: {  	v2 =	vor.u32 $0x5, v1;
	_ =	sdelay $0x3  }
0x28: {  	[tilespmem:s13+$0x8400] =	vst v0  }
0x29: {  	v0 =	vld.idx.msk [tilespmem:v2+s2+$0x0], $0xffff  }
0x2a: {  	v2 =	vor.u32 $0x6, v1;
	_ =	sdelay $0x3  }
0x2b: {  	[tilespmem:s13+$0x8480] =	vst v0  }
0x2c: {  	v0 =	vld.idx.msk [tilespmem:v2+s2+$0x0], $0xffff  }
0x2d: {  	v2 =	vor.u32 $0x7, v1;
	_ =	sdelay $0x2  }
0x2e: {  	v3 =	vld [tilespmem:s14+$0x8010]  }
0x2f: {  	v4 =	vld [tilespmem:s14+$0x8020];
	[tilespmem:s13+$0x8500] =	vst v0  }
0x30: {  	v0 =	vld.idx.msk [tilespmem:v2+s2+$0x0], $0xffff  }
0x31: {  	v2 =	vor.u32 $0x8, v1;
	_ =	sdelay $0x1  }
0x32: {  	v5 =	vld [tilespmem:s14+$0x8030]  }
0x33: {  	v7 =	vld [tilespmem:s14+$0x8040]  }
0x34: {  	v20 =	vshll.u32 v3, $0x5;
	v3 =	vld [tilespmem:s14+$0x8060];
	v21 =	vshll.u32 v4, $0x5;
	[tilespmem:s13+$0x8580] =	vst v0  }
0x35: {  	v0 =	vld.idx.msk [tilespmem:v2+s2+$0x0], $0xffff  }
0x36: {  	v2 =	vor.u32 $0x9, v1;
	_ =	sdelay $0x1  }
0x37: {  	v22 =	vshll.u32 v7, $0x5  }
0x38: {  	v24 =	vshll.u32 v5, $0x5;
	v4 =	vshll.u32 v3, $0x5;
	v3 =	vld.idx.msk [tilespmem:v21+s2+$0x0], $0xffff  }
0x39: {  	[tilespmem:s13+$0x9200] =	vst v0;
	v0 =	vld [tilespmem:s14+$0x8070]  }
0x3a: {  	v10 =	vor.u32 $0x1, v21;
	v2 =	vld.idx.msk [tilespmem:v2+s2+$0x0], $0xffff  }
0x3b: {  	v8 =	vld [tilespmem:s14+$0x8050];
	v6 =	vor.u32 $0xA, v1  }
0x3c: {  	v11 =	vld.idx.msk [tilespmem:v22+s2+$0x0], $0xffff  }
0x3d: {  	v13 =	vor.u32 $0x1, v22;
	v9 =	vld.idx.msk [tilespmem:v24+s2+$0x0], $0xffff  }
0x3e: {  	v14 =	vld.idx.msk [tilespmem:v4+s2+$0x0], $0xffff;
	[tilespmem:s13+$0x8220] =	vst v3  }
0x3f: {  	v3 =	vld.idx.msk [tilespmem:v10+s2+$0x0], $0xffff;
	v50 =	vshll.u32 v0, $0x5;
	[tilespmem:s13+$0x9280] =	vst v2  }
0x40: {  	v2 =	vld.idx.msk [tilespmem:v6+s2+$0x0], $0xffff  }
0x41: {  	[tilespmem:s13+$0x8240] =	vst v11;
	v11 =	vor.u32 $0x2, v21;
	v6 =	vld.idx.msk [tilespmem:v20+s2+$0x0], $0xffff  }
0x42: {  	v15 =	vshll.u32 v8, $0x5;
	v8 =	vor.u32 $0x1, v20;
	v13 =	vld.idx.msk [tilespmem:v13+s2+$0x0], $0xffff  }
0x43: {  	[tilespmem:s13+$0x8230] =	vst v9  }
0x44: {  	v12 =	vor.u32 $0x1, v24;
	[tilespmem:s13+$0x8260] =	vst v14;
	v5 =	vld.idx.msk [tilespmem:v50+s2+$0x0], $0xffff  }
0x45: {  	[tilespmem:s13+$0x82A0] =	vst v3;
	v7 =	vor.u32 $0x1, v50  }
0x46: {  	v14 =	vor.u32 $0x2, v22;
	v3 =	vld.idx.msk [tilespmem:v11+s2+$0x0], $0xffff;
	[tilespmem:s13+$0x8210] =	vst v6  }
0x47: {  	[tilespmem:s13+$0x82C0] =	vst v13;
	v13 =	vor.u32 $0x3, v21;
	v8 =	vld.idx.msk [tilespmem:v8+s2+$0x0], $0xffff  }
0x48: {  	v10 =	vor.u32 $0x2, v20;
	[tilespmem:s13+$0x9300] =	vst v2;
	v2 =	vld.idx.msk [tilespmem:v15+s2+$0x0], $0xffff  }
0x49: {  	v12 =	vld.idx.msk [tilespmem:v12+s2+$0x0], $0xffff;
	[tilespmem:s13+$0x8270] =	vst v5;
	v5 =	vor.u32 $0x1, v15  }
0x4a: {  	v6 =	vld.idx.msk [tilespmem:v7+s2+$0x0], $0xffff;
	v7 =	vor.u32 $0x1, v4  }
0x4b: {  	v14 =	vld.idx.msk [tilespmem:v14+s2+$0x0], $0xffff;
	[tilespmem:s13+$0x8320] =	vst v3;
	v9 =	vor.u32 $0x2, v50  }
0x4c: {  	v3 =	vld.idx.msk [tilespmem:v13+s2+$0x0], $0xffff;
	[tilespmem:s13+$0x8290] =	vst v8  }
0x4d: {  	[tilespmem:s13+$0x8250] =	vst v2;
	v2 =	vor.u32 $0x2, v24;
	v10 =	vld.idx.msk [tilespmem:v10+s2+$0x0], $0xffff  }
0x4e: {  	[tilespmem:s13+$0x82B0] =	vst v12;
	v12 =	vor.u32 $0x3, v20;
	v5 =	vld.idx.msk [tilespmem:v5+s2+$0x0], $0xffff  }
0x4f: {  	v7 =	vld.idx.msk [tilespmem:v7+s2+$0x0], $0xffff;
	[tilespmem:s13+$0x82F0] =	vst v6;
	v6 =	vor.u32 $0x2, v15  }
0x50: {  	v8 =	vld.idx.msk [tilespmem:v9+s2+$0x0], $0xffff;
	v9 =	vor.u32 $0x2, v4  }
0x51: {  	[tilespmem:s13+$0x8340] =	vst v14;
	v14 =	vor.u32 $0x4, v21  }
0x52: {  	v11 =	vor.u32 $0x3, v50;
	v2 =	vld.idx.msk [tilespmem:v2+s2+$0x0], $0xffff;
	[tilespmem:s13+$0x8310] =	vst v10  }
0x53: {  	[tilespmem:s13+$0x82D0] =	vst v5;
	v5 =	vor.u32 $0x3, v24;
	v12 =	vld.idx.msk [tilespmem:v12+s2+$0x0], $0xffff  }
0x54: {  	v6 =	vld.idx.msk [tilespmem:v6+s2+$0x0], $0xffff;
	[tilespmem:s13+$0x82E0] =	vst v7;
	v7 =	vor.u32 $0x3, v22  }
0x55: {  	v13 =	vor.u32 $0x4, v20;
	[tilespmem:s13+$0x83A0] =	vst v3;
	v9 =	vld.idx.msk [tilespmem:v9+s2+$0x0], $0xffff  }
0x56: {  	v3 =	vld.idx.msk [tilespmem:v14+s2+$0x0], $0xffff;
	[tilespmem:s13+$0x8370] =	vst v8;
	v8 =	vor.u32 $0x3, v15  }
0x57: {  	[tilespmem:s13+$0x8330] =	vst v2;
	v10 =	vld.idx.msk [tilespmem:v11+s2+$0x0], $0xffff;
	v11 =	vor.u32 $0x3, v4  }
0x58: {  	v2 =	vor.u32 $0x4, v50;
	v5 =	vld.idx.msk [tilespmem:v5+s2+$0x0], $0xffff;
	[tilespmem:s13+$0x8390] =	vst v12  }
0x59: {  	v7 =	vld.idx.msk [tilespmem:v7+s2+$0x0], $0xffff;
	[tilespmem:s13+$0x8350] =	vst v6;
	v6 =	vor.u32 $0x4, v24  }
0x5a: {  	v13 =	vld.idx.msk [tilespmem:v13+s2+$0x0], $0xffff;
	[tilespmem:s13+$0x8360] =	vst v9;
	v9 =	vor.u32 $0x4, v22  }
0x5b: {  	v14 =	vor.u32 $0x5, v20;
	[tilespmem:s13+$0x8420] =	vst v3;
	v8 =	vld.idx.msk [tilespmem:v8+s2+$0x0], $0xffff  }
0x5c: {  	v11 =	vld.idx.msk [tilespmem:v11+s2+$0x0], $0xffff;
	[tilespmem:s13+$0x83F0] =	vst v10;
	v10 =	vor.u32 $0x4, v15  }
0x5d: {  	v12 =	vor.u32 $0x4, v4;
	v2 =	vld.idx.msk [tilespmem:v2+s2+$0x0], $0xffff;
	[tilespmem:s13+$0x83B0] =	vst v5  }
0x5e: {  	v5 =	vor.u32 $0x5, v50;
	v6 =	vld.idx.msk [tilespmem:v6+s2+$0x0], $0xffff;
	[tilespmem:s13+$0x83C0] =	vst v7  }
0x5f: {  	v7 =	vor.u32 $0x5, v21;
	[tilespmem:s13+$0x8410] =	vst v13;
	v9 =	vld.idx.msk [tilespmem:v9+s2+$0x0], $0xffff  }
0x60: {  	[tilespmem:s13+$0x83D0] =	vst v8;
	v8 =	vor.u32 $0x5, v24;
	v14 =	vld.idx.msk [tilespmem:v14+s2+$0x0], $0xffff  }
0x61: {  	v10 =	vld.idx.msk [tilespmem:v10+s2+$0x0], $0xffff;
	[tilespmem:s13+$0x83E0] =	vst v11;
	v11 =	vor.u32 $0x5, v22  }
0x62: {  	v12 =	vld.idx.msk [tilespmem:v12+s2+$0x0], $0xffff;
	[tilespmem:s13+$0x8470] =	vst v2;
	v2 =	vor.u32 $0x5, v15  }
0x63: {  	v13 =	vor.u32 $0x5, v4;
	v5 =	vld.idx.msk [tilespmem:v5+s2+$0x0], $0xffff;
	[tilespmem:s13+$0x8430] =	vst v6  }
0x64: {  	v3 =	vld.idx.msk [tilespmem:v7+s2+$0x0], $0xffff;
	v6 =	vor.u32 $0x6, v50;
	[tilespmem:s13+$0x8440] =	vst v9  }
0x65: {  	v7 =	vor.u32 $0x6, v20;
	v8 =	vld.idx.msk [tilespmem:v8+s2+$0x0], $0xffff;
	[tilespmem:s13+$0x8490] =	vst v14  }
0x66: {  	v9 =	vor.u32 $0x6, v21;
	v11 =	vld.idx.msk [tilespmem:v11+s2+$0x0], $0xffff;
	[tilespmem:s13+$0x8450] =	vst v10  }
0x67: {  	v10 =	vor.u32 $0x6, v24;
	v2 =	vld.idx.msk [tilespmem:v2+s2+$0x0], $0xffff;
	[tilespmem:s13+$0x8460] =	vst v12  }
0x68: {  	v12 =	vor.u32 $0x6, v22;
	v13 =	vld.idx.msk [tilespmem:v13+s2+$0x0], $0xffff;
	[tilespmem:s13+$0x84F0] =	vst v5  }
0x69: {  	v5 =	vor.u32 $0x6, v15;
	v6 =	vld.idx.msk [tilespmem:v6+s2+$0x0], $0xffff;
	[tilespmem:s13+$0x84A0] =	vst v3  }
0x6a: {  	v14 =	vor.u32 $0x6, v4;
	v7 =	vld.idx.msk [tilespmem:v7+s2+$0x0], $0xffff;
	[tilespmem:s13+$0x84B0] =	vst v8  }
0x6b: {  	v3 =	vld.idx.msk [tilespmem:v9+s2+$0x0], $0xffff;
	v8 =	vor.u32 $0x7, v50;
	[tilespmem:s13+$0x84C0] =	vst v11  }
0x6c: {  	v9 =	vor.u32 $0x7, v20;
	v10 =	vld.idx.msk [tilespmem:v10+s2+$0x0], $0xffff;
	[tilespmem:s13+$0x84D0] =	vst v2  }
0x6d: {  	v11 =	vor.u32 $0x7, v21;
	v12 =	vld.idx.msk [tilespmem:v12+s2+$0x0], $0xffff;
	[tilespmem:s13+$0x84E0] =	vst v13  }
0x6e: {  	v2 =	vor.u32 $0x7, v24;
	v5 =	vld.idx.msk [tilespmem:v5+s2+$0x0], $0xffff;
	[tilespmem:s13+$0x8570] =	vst v6  }
0x6f: {  	v13 =	vor.u32 $0x7, v22;
	v14 =	vld.idx.msk [tilespmem:v14+s2+$0x0], $0xffff;
	[tilespmem:s13+$0x8510] =	vst v7  }
0x70: {  	v6 =	vor.u32 $0x7, v15;
	v7 =	vld.idx.msk [tilespmem:v8+s2+$0x0], $0xffff;
	[tilespmem:s13+$0x8520] =	vst v3  }
0x71: {  	v8 =	vor.u32 $0x7, v4;
	v9 =	vld.idx.msk [tilespmem:v9+s2+$0x0], $0xffff;
	[tilespmem:s13+$0x8530] =	vst v10  }
0x72: {  	v3 =	vld.idx.msk [tilespmem:v11+s2+$0x0], $0xffff;
	v10 =	vor.u32 $0x8, v50;
	[tilespmem:s13+$0x8540] =	vst v12  }
0x73: {  	v11 =	vor.u32 $0x8, v20;
	v2 =	vld.idx.msk [tilespmem:v2+s2+$0x0], $0xffff;
	[tilespmem:s13+$0x8550] =	vst v5  }
0x74: {  	v12 =	vor.u32 $0x8, v21;
	v13 =	vld.idx.msk [tilespmem:v13+s2+$0x0], $0xffff;
	[tilespmem:s13+$0x8560] =	vst v14  }
0x75: {  	v5 =	vor.u32 $0x8, v24;
	v6 =	vld.idx.msk [tilespmem:v6+s2+$0x0], $0xffff;
	[tilespmem:s13+$0x85F0] =	vst v7  }
0x76: {  	v14 =	vor.u32 $0x8, v22;
	v8 =	vld.idx.msk [tilespmem:v8+s2+$0x0], $0xffff;
	[tilespmem:s13+$0x8590] =	vst v9  }
0x77: {  	v7 =	vor.u32 $0x8, v15;
	v9 =	vld.idx.msk [tilespmem:v10+s2+$0x0], $0xffff;
	[tilespmem:s13+$0x85A0] =	vst v3  }
0x78: {  	v10 =	vor.u32 $0x8, v4;
	v11 =	vld.idx.msk [tilespmem:v11+s2+$0x0], $0xffff;
	[tilespmem:s13+$0x85B0] =	vst v2  }
0x79: {  	v3 =	vld.idx.msk [tilespmem:v12+s2+$0x0], $0xffff;
	v2 =	vor.u32 $0x9, v50;
	[tilespmem:s13+$0x85C0] =	vst v13  }
0x7a: {  	v12 =	vor.u32 $0x9, v20;
	v5 =	vld.idx.msk [tilespmem:v5+s2+$0x0], $0xffff;
	[tilespmem:s13+$0x85D0] =	vst v6  }
0x7b: {  	v13 =	vor.u32 $0x9, v21;
	v14 =	vld.idx.msk [tilespmem:v14+s2+$0x0], $0xffff;
	[tilespmem:s13+$0x85E0] =	vst v8  }
0x7c: {  	v6 =	vor.u32 $0x9, v24;
	v7 =	vld.idx.msk [tilespmem:v7+s2+$0x0], $0xffff;
	[tilespmem:s13+$0x9270] =	vst v9  }
0x7d: {  	v8 =	vor.u32 $0x9, v22;
	v10 =	vld.idx.msk [tilespmem:v10+s2+$0x0], $0xffff;
	[tilespmem:s13+$0x9210] =	vst v11  }
0x7e: {  	v9 =	vor.u32 $0x9, v15;
	v2 =	vld.idx.msk [tilespmem:v2+s2+$0x0], $0xffff;
	[tilespmem:s13+$0x9220] =	vst v3  }
0x7f: {  	v11 =	vor.u32 $0x9, v4;
	v12 =	vld.idx.msk [tilespmem:v12+s2+$0x0], $0xffff;
	[tilespmem:s13+$0x9230] =	vst v5  }
0x80: {  	v3 =	vld.idx.msk [tilespmem:v13+s2+$0x0], $0xffff;
	v5 =	vor.u32 $0xA, v50;
	[tilespmem:s13+$0x9240] =	vst v14  }
0x81: {  	v13 =	vor.u32 $0xA, v20;
	v6 =	vld.idx.msk [tilespmem:v6+s2+$0x0], $0xffff;
	[tilespmem:s13+$0x9250] =	vst v7  }
0x82: {  	v14 =	vor.u32 $0xA, v21;
	v8 =	vld.idx.msk [tilespmem:v8+s2+$0x0], $0xffff;
	[tilespmem:s13+$0x9260] =	vst v10  }
0x83: {  	v7 =	vor.u32 $0xA, v24;
	v9 =	vld.idx.msk [tilespmem:v9+s2+$0x0], $0xffff;
	[tilespmem:s13+$0x92F0] =	vst v2  }
0x84: {  	v10 =	vor.u32 $0xA, v22;
	v11 =	vld.idx.msk [tilespmem:v11+s2+$0x0], $0xffff;
	[tilespmem:s13+$0x9290] =	vst v12  }
0x85: {  	v2 =	vor.u32 $0xA, v15;
	v5 =	vld.idx.msk [tilespmem:v5+s2+$0x0], $0xffff;
	[tilespmem:s13+$0x92A0] =	vst v3  }
0x86: {  	v12 =	vor.u32 $0xA, v4;
	v13 =	vld.idx.msk [tilespmem:v13+s2+$0x0], $0xffff;
	[tilespmem:s13+$0x92B0] =	vst v6  }
0x87: {  	v3 =	vld.idx.msk [tilespmem:v14+s2+$0x0], $0xffff;
	v6 =	vor.u32 $0xB, v50;
	[tilespmem:s13+$0x92C0] =	vst v8  }
0x88: {  	v14 =	vor.u32 $0xB, v20;
	v7 =	vld.idx.msk [tilespmem:v7+s2+$0x0], $0xffff;
	[tilespmem:s13+$0x92D0] =	vst v9  }
0x89: {  	v8 =	vor.u32 $0xB, v21;
	v10 =	vld.idx.msk [tilespmem:v10+s2+$0x0], $0xffff;
	[tilespmem:s13+$0x92E0] =	vst v11  }
0x8a: {  	v9 =	vor.u32 $0xB, v24;
	v2 =	vld.idx.msk [tilespmem:v2+s2+$0x0], $0xffff;
	[tilespmem:s13+$0x9370] =	vst v5  }
0x8b: {  	v11 =	vor.u32 $0xB, v22;
	v12 =	vld.idx.msk [tilespmem:v12+s2+$0x0], $0xffff;
	[tilespmem:s13+$0x9310] =	vst v13  }
0x8c: {  	v5 =	vor.u32 $0xB, v15;
	v6 =	vld.idx.msk [tilespmem:v6+s2+$0x0], $0xffff;
	[tilespmem:s13+$0x9320] =	vst v3  }
0x8d: {  	v13 =	vor.u32 $0xB, v4;
	v14 =	vld.idx.msk [tilespmem:v14+s2+$0x0], $0xffff;
	[tilespmem:s13+$0x9330] =	vst v7  }
0x8e: {  	v3 =	vld.idx.msk [tilespmem:v8+s2+$0x0], $0xffff;
	v7 =	vor.u32 $0xC, v50;
	[tilespmem:s13+$0x9340] =	vst v10  }
0x8f: {  	v8 =	vor.u32 $0xB, v1;
	v9 =	vld.idx.msk [tilespmem:v9+s2+$0x0], $0xffff;
	[tilespmem:s13+$0x9350] =	vst v2  }
0x90: {  	v10 =	vor.u32 $0xC, v20;
	v11 =	vld.idx.msk [tilespmem:v11+s2+$0x0], $0xffff;
	[tilespmem:s13+$0x9360] =	vst v12  }
0x91: {  	v2 =	vor.u32 $0xC, v21;
	v5 =	vld.idx.msk [tilespmem:v5+s2+$0x0], $0xffff;
	[tilespmem:s13+$0x93F0] =	vst v6  }
0x92: {  	v12 =	vor.u32 $0xC, v24;
	v13 =	vld.idx.msk [tilespmem:v13+s2+$0x0], $0xffff;
	[tilespmem:s13+$0x9390] =	vst v14  }
0x93: {  	v6 =	vor.u32 $0xC, v22;
	v7 =	vld.idx.msk [tilespmem:v7+s2+$0x0], $0xffff;
	[tilespmem:s13+$0x93A0] =	vst v3  }
0x94: {  	v14 =	vor.u32 $0xC, v15;
	v8 =	vld.idx.msk [tilespmem:v8+s2+$0x0], $0xffff;
	[tilespmem:s13+$0x93B0] =	vst v9  }
0x95: {  	v3 =	vld.idx.msk [tilespmem:v10+s2+$0x0], $0xffff;
	v9 =	vor.u32 $0xD, v50;
	[tilespmem:s13+$0x93C0] =	vst v11  }
0x96: {  	v10 =	vor.u32 $0xC, v4;
	v2 =	vld.idx.msk [tilespmem:v2+s2+$0x0], $0xffff;
	[tilespmem:s13+$0x93D0] =	vst v5  }
0x97: {  	v11 =	vor.u32 $0xC, v1;
	v12 =	vld.idx.msk [tilespmem:v12+s2+$0x0], $0xffff;
	[tilespmem:s13+$0x93E0] =	vst v13  }
0x98: {  	v5 =	vor.u32 $0xD, v20;
	v6 =	vld.idx.msk [tilespmem:v6+s2+$0x0], $0xffff;
	[tilespmem:s13+$0x9470] =	vst v7  }
0x99: {  	v13 =	vor.u32 $0xD, v21;
	v14 =	vld.idx.msk [tilespmem:v14+s2+$0x0], $0xffff;
	[tilespmem:s13+$0x9380] =	vst v8  }
0x9a: {  	v7 =	vor.u32 $0xD, v24;
	v8 =	vld.idx.msk [tilespmem:v9+s2+$0x0], $0xffff;
	[tilespmem:s13+$0x9410] =	vst v3  }
0x9b: {  	v9 =	vor.u32 $0xD, v22;
	v3 =	vld.idx.msk [tilespmem:v10+s2+$0x0], $0xffff;
	[tilespmem:s13+$0x9420] =	vst v2  }
0x9c: {  	v10 =	vld.idx.msk [tilespmem:v11+s2+$0x0], $0xffff;
	v2 =	vor.u32 $0xE, v50;
	[tilespmem:s13+$0x9430] =	vst v12  }
0x9d: {  	v11 =	vor.u32 $0xD, v15;
	v5 =	vld.idx.msk [tilespmem:v5+s2+$0x0], $0xffff;
	[tilespmem:s13+$0x9440] =	vst v6  }
0x9e: {  	v12 =	vor.u32 $0xD, v4;
	v13 =	vld.idx.msk [tilespmem:v13+s2+$0x0], $0xffff;
	[tilespmem:s13+$0x9450] =	vst v14  }
0x9f: {  	v6 =	vor.u32 $0xD, v1;
	v7 =	vld.idx.msk [tilespmem:v7+s2+$0x0], $0xffff;
	[tilespmem:s13+$0x94F0] =	vst v8  }
0xa0: {  	v14 =	vor.u32 $0xE, v20;
	v9 =	vld.idx.msk [tilespmem:v9+s2+$0x0], $0xffff;
	[tilespmem:s13+$0x9460] =	vst v3  }
0xa1: {  	v8 =	vor.u32 $0xE, v21;
	v2 =	vld.idx.msk [tilespmem:v2+s2+$0x0], $0xffff;
	[tilespmem:s13+$0x9400] =	vst v10  }
0xa2: {  	v3 =	vor.u32 $0xE, v24;
	v10 =	vld.idx.msk [tilespmem:v11+s2+$0x0], $0xffff;
	[tilespmem:s13+$0x9490] =	vst v5  }
0xa3: {  	v11 =	vor.u32 $0xF, v50;
	v5 =	vld.idx.msk [tilespmem:v12+s2+$0x0], $0xffff;
	[tilespmem:s13+$0x94A0] =	vst v13  }
0xa4: {  	v12 =	vor.u32 $0xE, v22;
	v6 =	vld.idx.msk [tilespmem:v6+s2+$0x0], $0xffff;
	[tilespmem:s13+$0x94B0] =	vst v7  }
0xa5: {  	v13 =	vor.u32 $0xE, v15;
	v14 =	vld.idx.msk [tilespmem:v14+s2+$0x0], $0xffff;
	[tilespmem:s13+$0x94C0] =	vst v9  }
0xa6: {  	v7 =	vor.u32 $0xE, v4;
	v8 =	vld.idx.msk [tilespmem:v8+s2+$0x0], $0xffff;
	[tilespmem:s13+$0x9570] =	vst v2  }
0xa7: {  	v9 =	vor.u32 $0xE, v1;
	v3 =	vld.idx.msk [tilespmem:v3+s2+$0x0], $0xffff;
	[tilespmem:s13+$0x94D0] =	vst v10  }
0xa8: {  	v2 =	vor.u32 $0xF, v20;
	v10 =	vld.idx.msk [tilespmem:v11+s2+$0x0], $0xffff;
	[tilespmem:s13+$0x94E0] =	vst v5  }
0xa9: {  	v11 =	vor.u32 $0xF, v21;
	v12 =	vld.idx.msk [tilespmem:v12+s2+$0x0], $0xffff;
	[tilespmem:s13+$0x9480] =	vst v6  }
0xaa: {  	v5 =	vld.idx.msk [tilespmem:v13+s2+$0x0], $0xffff;
	v6 =	vor.u32 $0x10, v50;
	[tilespmem:s13+$0x9510] =	vst v14  }
0xab: {  	v13 =	vor.u32 $0xF, v24;
	v7 =	vld.idx.msk [tilespmem:v7+s2+$0x0], $0xffff;
	[tilespmem:s13+$0x9520] =	vst v8  }
0xac: {  	v14 =	vor.u32 $0xF, v22;
	v9 =	vld.idx.msk [tilespmem:v9+s2+$0x0], $0xffff;
	[tilespmem:s13+$0x9530] =	vst v3  }
0xad: {  	v8 =	vor.u32 $0xF, v15;
	v2 =	vld.idx.msk [tilespmem:v2+s2+$0x0], $0xffff;
	[tilespmem:s13+$0x95F0] =	vst v10  }
0xae: {  	v3 =	vor.u32 $0xF, v4;
	v11 =	vld.idx.msk [tilespmem:v11+s2+$0x0], $0xffff;
	[tilespmem:s13+$0x9540] =	vst v12  }
0xaf: {  	v10 =	vor.u32 $0xF, v1;
	v6 =	vld.idx.msk [tilespmem:v6+s2+$0x0], $0xffff;
	[tilespmem:s13+$0x9550] =	vst v5  }
0xb0: {  	v12 =	vor.u32 $0x10, v20;
	v13 =	vld.idx.msk [tilespmem:v13+s2+$0x0], $0xffff;
	[tilespmem:s13+$0x9560] =	vst v7  }
0xb1: {  	v5 =	vld.idx.msk [tilespmem:v14+s2+$0x0], $0xffff;
	v14 =	vor.u32 $0x10, v21;
	[tilespmem:s13+$0x9500] =	vst v9  }
0xb2: {  	v7 =	vor.u32 $0x11, v50;
	v8 =	vld.idx.msk [tilespmem:v8+s2+$0x0], $0xffff;
	[tilespmem:s13+$0x9590] =	vst v2  }
0xb3: {  	v9 =	vor.u32 $0x10, v24;
	v2 =	vld.idx.msk [tilespmem:v3+s2+$0x0], $0xffff;
	[tilespmem:s13+$0x95A0] =	vst v11  }
0xb4: {  	v3 =	vor.u32 $0x10, v22;
	v10 =	vld.idx.msk [tilespmem:v10+s2+$0x0], $0xffff;
	[tilespmem:s13+$0xA270] =	vst v6  }
0xb5: {  	v11 =	vor.u32 $0x10, v15;
	v12 =	vld.idx.msk [tilespmem:v12+s2+$0x0], $0xffff;
	[tilespmem:s13+$0x95B0] =	vst v13  }
0xb6: {  	v6 =	vor.u32 $0x10, v4;
	v14 =	vld.idx.msk [tilespmem:v14+s2+$0x0], $0xffff;
	[tilespmem:s13+$0x95C0] =	vst v5  }
0xb7: {  	v13 =	vor.u32 $0x10, v1;
	v7 =	vld.idx.msk [tilespmem:v7+s2+$0x0], $0xffff;
	[tilespmem:s13+$0x95D0] =	vst v8  }
0xb8: {  	v5 =	vld.idx.msk [tilespmem:v9+s2+$0x0], $0xffff;
	v8 =	vor.u32 $0x12, v50;
	[tilespmem:s13+$0x95E0] =	vst v2  }
0xb9: {  	v9 =	vor.u32 $0x11, v20;
	v3 =	vld.idx.msk [tilespmem:v3+s2+$0x0], $0xffff;
	[tilespmem:s13+$0x9580] =	vst v10  }
0xba: {  	v2 =	vor.u32 $0x11, v21;
	v10 =	vld.idx.msk [tilespmem:v11+s2+$0x0], $0xffff;
	[tilespmem:s13+$0xA210] =	vst v12  }
0xbb: {  	v11 =	vor.u32 $0x11, v24;
	v6 =	vld.idx.msk [tilespmem:v6+s2+$0x0], $0xffff;
	[tilespmem:s13+$0xA220] =	vst v14  }
0xbc: {  	v12 =	vor.u32 $0x11, v22;
	v13 =	vld.idx.msk [tilespmem:v13+s2+$0x0], $0xffff;
	[tilespmem:s13+$0xA2F0] =	vst v7  }
0xbd: {  	v7 =	vor.u32 $0x11, v15;
	v8 =	vld.idx.msk [tilespmem:v8+s2+$0x0], $0xffff;
	[tilespmem:s13+$0xA230] =	vst v5  }
0xbe: {  	v14 =	vor.u32 $0x11, v4;
	v9 =	vld.idx.msk [tilespmem:v9+s2+$0x0], $0xffff;
	[tilespmem:s13+$0xA240] =	vst v3  }
0xbf: {  	v5 =	vor.u32 $0x11, v1;
	v2 =	vld.idx.msk [tilespmem:v2+s2+$0x0], $0xffff;
	[tilespmem:s13+$0xA250] =	vst v10  }
0xc0: {  	v3 =	vor.u32 $0x13, v50;
	v11 =	vld.idx.msk [tilespmem:v11+s2+$0x0], $0xffff;
	[tilespmem:s13+$0xA260] =	vst v6  }
0xc1: {  	v10 =	vor.u32 $0x12, v20;
	v12 =	vld.idx.msk [tilespmem:v12+s2+$0x0], $0xffff;
	[tilespmem:s13+$0xA200] =	vst v13  }
0xc2: {  	v6 =	vor.u32 $0x12, v21;
	v7 =	vld.idx.msk [tilespmem:v7+s2+$0x0], $0xffff;
	[tilespmem:s13+$0xA370] =	vst v8  }
0xc3: {  	v13 =	vor.u32 $0x12, v24;
	v14 =	vld.idx.msk [tilespmem:v14+s2+$0x0], $0xffff;
	[tilespmem:s13+$0xA290] =	vst v9  }
0xc4: {  	v8 =	vor.u32 $0x12, v22;
	v5 =	vld.idx.msk [tilespmem:v5+s2+$0x0], $0xffff;
	[tilespmem:s13+$0xA2A0] =	vst v2  }
0xc5: {  	v9 =	vor.u32 $0x12, v15;
	v3 =	vld.idx.msk [tilespmem:v3+s2+$0x0], $0xffff;
	[tilespmem:s13+$0xA2B0] =	vst v11  }
0xc6: {  	v2 =	vld.idx.msk [tilespmem:v10+s2+$0x0], $0xffff;
	v10 =	vor.u32 $0x14, v50;
	[tilespmem:s13+$0xA2C0] =	vst v12  }
0xc7: {  	v11 =	vor.u32 $0x12, v4;
	v6 =	vld.idx.msk [tilespmem:v6+s2+$0x0], $0xffff;
	[tilespmem:s13+$0xA2D0] =	vst v7  }
0xc8: {  	v12 =	vor.u32 $0x12, v1;
	v13 =	vld.idx.msk [tilespmem:v13+s2+$0x0], $0xffff;
	[tilespmem:s13+$0xA2E0] =	vst v14  }
0xc9: {  	v7 =	vor.u32 $0x13, v20;
	v8 =	vld.idx.msk [tilespmem:v8+s2+$0x0], $0xffff;
	[tilespmem:s13+$0xA280] =	vst v5  }
0xca: {  	v14 =	vor.u32 $0x13, v21;
	v9 =	vld.idx.msk [tilespmem:v9+s2+$0x0], $0xffff;
	[tilespmem:s13+$0xA3F0] =	vst v3  }
0xcb: {  	v3 =	vor.u32 $0x13, v24;
	v5 =	vld.idx.msk [tilespmem:v10+s2+$0x0], $0xffff;
	[tilespmem:s13+$0xA310] =	vst v2  }
0xcc: {  	v18 =	vor.u32 $0x14, v1;
	v16 =	vor.u32 $0x13, v22;
	v23 =	vor.u32 $0x15, v1;
	v2 =	vld.idx.msk [tilespmem:v11+s2+$0x0], $0xffff;
	[tilespmem:s13+$0xA320] =	vst v6  }
0xcd: {  	v51 =	vor.u32 $0x16, v1;
	v49 =	vor.u32 $0x17, v1;
	v11 =	vld.idx.msk [tilespmem:v12+s2+$0x0], $0xffff;
	v12 =	vor.u32 $0x13, v15;
	[tilespmem:s13+$0xA330] =	vst v13  }
0xce: {  	v48 =	vor.u32 $0x18, v1;
	v47 =	vor.u32 $0x19, v1;
	v6 =	vor.u32 $0x15, v50;
	v7 =	vld.idx.msk [tilespmem:v7+s2+$0x0], $0xffff;
	[tilespmem:s13+$0xA340] =	vst v8  }
0xcf: {  	v46 =	vor.u32 $0x1A, v1;
	v45 =	vor.u32 $0x1B, v1;
	v10 =	vor.u32 $0x13, v1;
	v14 =	vld.idx.msk [tilespmem:v14+s2+$0x0], $0xffff;
	[tilespmem:s13+$0xA350] =	vst v9  }
0xd0: {  	v44 =	vor.u32 $0x1C, v1;
	v35 =	vor.u32 $0x1D, v1;
	v13 =	vor.u32 $0x13, v4;
	v3 =	vld.idx.msk [tilespmem:v3+s2+$0x0], $0xffff;
	[tilespmem:s13+$0xA470] =	vst v5  }
0xd1: {  	v37 =	vor.u32 $0x1E, v1;
	v40 =	vor.u32 $0x1F, v1;
	v1 =	vor.u32 $0x14, v20;
	v8 =	vld.idx.msk [tilespmem:v16+s2+$0x0], $0xffff;
	[tilespmem:s13+$0xA360] =	vst v2  }
0xd2: {  	v5 =	vor.u32 $0x14, v21;
	[tilespmem:s13+$0xA300] =	vst v11;
	v11 =	vld.idx.msk [tilespmem:v12+s2+$0x0], $0xffff  }
0xd3: {  	v9 =	vor.u32 $0x14, v24;
	v2 =	vld.idx.msk [tilespmem:v6+s2+$0x0], $0xffff;
	[tilespmem:s13+$0xA390] =	vst v7  }
0xd4: {  	v25 =	vor.u32 $0x14, v22;
	v10 =	vld.idx.msk [tilespmem:v10+s2+$0x0], $0xffff;
	[tilespmem:s13+$0xA3A0] =	vst v14  }
0xd5: {  	v12 =	vor.u32 $0x16, v50;
	v7 =	vld.idx.msk [tilespmem:v13+s2+$0x0], $0xffff;
	[tilespmem:s13+$0xA3B0] =	vst v3  }
0xd6: {  	v26 =	vor.u32 $0x14, v15;
	v38 =	vld.idx.msk [tilespmem:v1+s2+$0x0], $0xffff;
	[tilespmem:s13+$0xA3C0] =	vst v8  }
0xd7: {  	v27 =	vor.u32 $0x14, v4;
	v3 =	vld.idx.msk [tilespmem:v5+s2+$0x0], $0xffff;
	[tilespmem:s13+$0xA3D0] =	vst v11  }
0xd8: {  	v5 =	vld.idx.msk [tilespmem:v9+s2+$0x0], $0xffff;
	[tilespmem:s13+$0xA4F0] =	vst v2  }
0xd9: {  	v8 =	vld.idx.msk [tilespmem:v25+s2+$0x0], $0xffff;
	[tilespmem:s13+$0xA380] =	vst v10  }
0xda: {  	v2 =	vld.idx.msk [tilespmem:v12+s2+$0x0], $0xffff;
	[tilespmem:s13+$0xA3E0] =	vst v7  }
0xdb: {  	v25 =	vor.u32 $0x1A, v20;
	v7 =	vld.idx.msk [tilespmem:v26+s2+$0x0], $0xffff;
	[tilespmem:s13+$0xA410] =	vst v38  }
0xdc: {  	v10 =	vld.idx.msk [tilespmem:v27+s2+$0x0], $0xffff;
	[tilespmem:$0x1FF00] =	vst v25;
	v25 =	vor.u32 $0x1A, v21  }
0xdd: {  	[tilespmem:$0x1FF10] =	vst v25;
	v25 =	vor.u32 $0x1A, v24  }
0xde: {  	[tilespmem:$0x1FF20] =	vst v25  }
0xdf: {  	v6 =	vor.u32 $0x15, v20;
	[tilespmem:s13+$0xA420] =	vst v3;
	v3 =	vor.u32 $0x1A, v22  }
0xe0: {  	v18 =	vld.idx.msk [tilespmem:v18+s2+$0x0], $0xffff;
	[tilespmem:$0x1FF30] =	vst v3;
	v3 =	vor.u32 $0x1B, v20  }
0xe1: {  	[tilespmem:$0x1FF40] =	vst v3;
	v3 =	vor.u32 $0x1B, v21  }
0xe2: {  	[tilespmem:$0x1FF50] =	vst v3  }
0xe3: {  	v28 =	vor.u32 $0x15, v21;
	[tilespmem:s13+$0xA430] =	vst v5;
	v5 =	vor.u32 $0x1B, v24  }
0xe4: {  	v3 =	vld.idx.msk [tilespmem:v6+s2+$0x0], $0xffff;
	[tilespmem:$0x1FF60] =	vst v5;
	v5 =	vor.u32 $0x1B, v22  }
0xe5: {  	[tilespmem:$0x1FF70] =	vst v5;
	v5 =	vor.u32 $0x1C, v20  }
0xe6: {  	v29 =	vor.u32 $0x15, v24;
	[tilespmem:$0x1FF80] =	vst v5  }
0xe7: {  	v30 =	vor.u32 $0x15, v22;
	v9 =	vor.u32 $0x17, v50;
	[tilespmem:s13+$0xA570] =	vst v2;
	v2 =	vor.u32 $0x1C, v21  }
0xe8: {  	v31 =	vor.u32 $0x16, v20;
	v32 =	vor.u32 $0x15, v15;
	v5 =	vld.idx.msk [tilespmem:v28+s2+$0x0], $0xffff;
	[tilespmem:$0x1FF90] =	vst v2;
	v2 =	vor.u32 $0x1C, v24  }
0xe9: {  	v43 =	vor.u32 $0x16, v21;
	v39 =	vor.u32 $0x16, v22;
	[tilespmem:$0x1FFA0] =	vst v2;
	v2 =	vor.u32 $0x1C, v22  }
0xea: {  	v42 =	vor.u32 $0x17, v20;
	v34 =	vor.u32 $0x17, v21;
	v19 =	vor.u32 $0x17, v24;
	[tilespmem:$0x1FFB0] =	vst v2  }
0xeb: {  	v17 =	vor.u32 $0x17, v22;
	v63 =	vor.u32 $0x18, v15;
	v6 =	vor.u32 $0x1D, v20;
	[tilespmem:s13+$0xA440] =	vst v8  }
0xec: {  	v61 =	vor.u32 $0x19, v20;
	v60 =	vor.u32 $0x19, v21;
	v2 =	vld.idx.msk [tilespmem:v9+s2+$0x0], $0xffff;
	[tilespmem:$0x1FFC0] =	vst v6;
	v6 =	vor.u32 $0x1D, v24  }
0xed: {  	v58 =	vor.u32 $0x19, v24;
	v57 =	vor.u32 $0x19, v22;
	v33 =	vor.u32 $0x15, v4;
	[tilespmem:$0x1FFD0] =	vst v6  }
0xee: {  	v36 =	vor.u32 $0x19, v15;
	v41 =	vor.u32 $0x1D, v21;
	v54 =	vor.u32 $0x1E, v20;
	[tilespmem:s13+$0xA450] =	vst v7  }
0xef: {  	v52 =	vor.u32 $0x1F, v20;
	v56 =	vor.u32 $0x1E, v24;
	v53 =	vor.u32 $0x1F, v24;
	v8 =	vld.idx.msk [tilespmem:v29+s2+$0x0], $0xffff;
	[tilespmem:s13+$0xA460] =	vst v10  }
0xf0: {  	v59 =	vor.u32 $0x1A, v15;
	v62 =	vor.u32 $0x1A, v4;
	v55 =	vor.u32 $0x1B, v4;
	v9 =	vld.idx.msk [tilespmem:v30+s2+$0x0], $0xffff;
	[tilespmem:s13+$0xA400] =	vst v18  }
0xf1: {  	v0 =	vor.u32 $0x16, v24;
	v16 =	vor.u32 $0x17, v15;
	v7 =	vor.u32 $0x18, v50;
	[tilespmem:s13+$0xA490] =	vst v3;
	v10 =	vld.idx.msk [tilespmem:v32+s2+$0x0], $0xffff  }
0xf2: {  	v14 =	vor.u32 $0x18, v20;
	v13 =	vor.u32 $0x18, v21;
	[tilespmem:s13+$0xA4A0] =	vst v5;
	v3 =	vor.u32 $0x1B, v15;
	v18 =	vld.idx.msk [tilespmem:v33+s2+$0x0], $0xffff  }
0xf3: {  	v1 =	vor.u32 $0x16, v15;
	v11 =	vor.u32 $0x18, v22;
	v12 =	vor.u32 $0x18, v24;
	v5 =	vld.idx.msk [tilespmem:v23+s2+$0x0], $0xffff;
	[tilespmem:$0x1FFE0] =	vst v3  }
0xf4: {  	v26 =	vor.u32 $0x18, v4;
	v38 =	vor.u32 $0x1D, v22;
	[tilespmem:s13+$0xA5F0] =	vst v2;
	v2 =	vor.u32 $0x1C, v15  }
0xf5: {  	v20 =	vor.u32 $0x1E, v4;
	v28 =	vor.u32 $0x1E, v21;
	v21 =	vor.u32 $0x1F, v21;
	v6 =	vld.idx.msk [tilespmem:v31+s2+$0x0], $0xffff;
	[tilespmem:$0x1FFF0] =	vst v2  }
0xf6: {  	v24 =	vor.u32 $0x1F, v15;
	v29 =	vor.u32 $0x1E, v22;
	v22 =	vor.u32 $0x1F, v22;
	[tilespmem:s13+$0xA4B0] =	vst v8;
	v7 =	vld.idx.msk [tilespmem:v7+s2+$0x0], $0xffff  }
0xf7: {  	v30 =	vor.u32 $0x1E, v15;
	v3 =	vor.u32 $0x16, v4;
	v32 =	vor.u32 $0x1D, v4;
	[tilespmem:s13+$0xA4C0] =	vst v9;
	v8 =	vld.idx.msk [tilespmem:v43+s2+$0x0], $0xffff  }
0xf8: {  	v33 =	vor.u32 $0x1F, v4;
	v31 =	vor.u32 $0x1D, v15;
	v15 =	vor.u32 $0x19, v4;
	[tilespmem:s13+$0xA4D0] =	vst v10;
	v9 =	vld.idx.msk [tilespmem:v0+s2+$0x0], $0xffff  }
0xf9: {  	s14 =	simm.s32 $0x8;
	v2 =	vor.u32 $0x17, v4;
	v43 =	vor.u32 $0x1C, v4;
	[tilespmem:s13+$0xA4E0] =	vst v18;
	v4 =	vld.idx.msk [tilespmem:v39+s2+$0x0], $0xffff;
	v10 =	vor.u32 $0x19, v50  }
.LBB2_2:
0xfa: {  	_ = 	snop  }
0xfb: {  	[tilespmem:s13+$0xB270] =	vst v7  }
0xfc: {  	v1 =	vld.idx.msk [tilespmem:v1+s2+$0x0], $0xffff;
	[tilespmem:s13+$0xA520] =	vst v8  }
0xfd: {  	[tilespmem:s13+$0xA530] =	vst v9;
	v9 =	vld.idx.msk [tilespmem:v34+s2+$0x0], $0xffff  }
0xfe: {  	[tilespmem:s13+$0xA480] =	vst v5;
	v5 =	vld.idx.msk [tilespmem:v3+s2+$0x0], $0xffff  }
0xff: {  	s15 =	sshll.u32 s14, $0x4;
	[tilespmem:s13+$0xA510] =	vst v6;
	v6 =	vld.idx.msk [tilespmem:v10+s2+$0x0], $0xffff  }
0x100: {  	s15 =	sand.u32 $0x3FFFFFF0, s15;
	v10 =	vld.idx.msk [tilespmem:v19+s2+$0x0], $0xffff  }
0x101: {  	[tilespmem:s13+$0xA540] =	vst v4;
	v3 =	vld [tilespmem:s15+$0x8000]  }
0x102: {  	v7 =	vld.idx.msk [tilespmem:v51+s2+$0x0], $0xffff;
	[tilespmem:s13+$0xA550] =	vst v1  }
0x103: {  	v8 =	vld.idx.msk [tilespmem:v42+s2+$0x0], $0xffff;
	[tilespmem:s13+$0xA5A0] =	vst v9  }
0x104: {  	v16 =	vld.idx.msk [tilespmem:v16+s2+$0x0], $0xffff;
	[tilespmem:s13+$0xA560] =	vst v5  }
0x105: {  	[tilespmem:s13+$0xB2F0] =	vst v6  }
0x106: {  	v13 =	vld.idx.msk [tilespmem:v13+s2+$0x0], $0xffff;
	[tilespmem:s13+$0xA5B0] =	vst v10  }
0x107: {  	[tilespmem:s13+$0xA500] =	vst v7  }
0x108: {  	v3 =	vshll.u32 v3, $0x5;
	[tilespmem:s13+$0xA590] =	vst v8  }
0x109: {  	v0 =	vor.u32 $0xB, v3;
	[tilespmem:s13+$0xA5D0] =	vst v16  }
0x10a: {  	[tilespmem:$0x1FA60] =	vst v0  }
0x10b: {  	v0 =	vor.u32 $0xC, v3;
	[tilespmem:s13+$0xB220] =	vst v13  }
0x10c: {  	v4 =	vor.u32 $0x1A, v50;
	[tilespmem:$0x1FAC0] =	vst v0;
	v0 =	vor.u32 $0xD, v3  }
0x10d: {  	[tilespmem:$0x1FB30] =	vst v0;
	v0 =	vor.u32 $0xE, v3  }
0x10e: {  	[tilespmem:$0x1FBA0] =	vst v0;
	v0 =	vor.u32 $0xF, v3  }
0x10f: {  	[tilespmem:$0x1FC10] =	vst v0;
	v0 =	vor.u32 $0x10, v3  }
0x110: {  	v5 =	vld.idx.msk [tilespmem:v17+s2+$0x0], $0xffff;
	[tilespmem:$0x1FC80] =	vst v0;
	v0 =	vor.u32 $0x11, v3  }
0x111: {  	v17 =	vld.idx.msk [tilespmem:v4+s2+$0x0], $0xffff;
	[tilespmem:$0x1FCF0] =	vst v0;
	v0 =	vor.u32 $0x12, v3  }
0x112: {  	v18 =	vld.idx.msk [tilespmem:v3+s2+$0x0], $0xffff;
	[tilespmem:$0x1FD60] =	vst v0;
	v0 =	vor.u32 $0x13, v3  }
0x113: {  	v10 =	vor.u32 $0x1, v3;
	[tilespmem:$0x1FDD0] =	vst v0;
	v0 =	vor.u32 $0x14, v3  }
0x114: {  	v8 =	vld.idx.msk [tilespmem:v2+s2+$0x0], $0xffff;
	[tilespmem:$0x1FE40] =	vst v0;
	v0 =	vor.u32 $0x15, v3  }
0x115: {  	s16 =	sshll.u32 s14, $0x7;
	v12 =	vld.idx.msk [tilespmem:v12+s2+$0x0], $0xffff;
	[tilespmem:$0x1FEB0] =	vst v0;
	v0 =	vor.u32 $0x16, v3  }
0x116: {  	s16 =	sand.u32 $0x3FFFFF80, s16;
	[tilespmem:s13+$0xB370] =	vst v17  }
0x117: {  	v2 =	vor.u32 $0x17, v3;
	v27 =	vld.idx.msk [tilespmem:v49+s2+$0x0], $0xffff;
	[tilespmem:s16+$0x8200] =	vst v18  }
0x118: {  	v10 =	vld.idx.msk [tilespmem:v10+s2+$0x0], $0xffff;
	[tilespmem:$0x1F950] =	vst v0;
	v0 =	vmov v2  }
0x119: {  	[tilespmem:s13+$0xA5E0] =	vst v8  }
0x11a: {  	v19 =	vor.u32 $0x18, v3;
	[tilespmem:s13+$0xB230] =	vst v12  }
0x11b: {  	v14 =	vld.idx.msk [tilespmem:v14+s2+$0x0], $0xffff;
	v16 =	vor.u32 $0x2, v3;
	[tilespmem:$0x1F920] =	vst v0;
	v0 =	vmov v19  }
0x11c: {  	v13 =	vld.idx.msk [tilespmem:v26+s2+$0x0], $0xffff;
	[tilespmem:s13+$0xA580] =	vst v27  }
0x11d: {  	v23 =	vor.u32 $0x19, v3;
	v17 =	vld.idx.msk [tilespmem:v48+s2+$0x0], $0xffff;
	[tilespmem:s16+$0x8280] =	vst v10  }
0x11e: {  	[tilespmem:$0x1F910] =	vst v0;
	v0 =	vmov v23  }
0x11f: {  	v9 =	vor.u32 $0x1B, v50;
	[tilespmem:$0x1FAA0] =	vst v0;
	v0 =	vld [tilespmem:$0x1FF00]  }
0x120: {  	[tilespmem:s13+$0xB210] =	vst v14;
	v10 =	vld.idx.msk [tilespmem:v16+s2+$0x0], $0xffff  }
0x121: {  	v12 =	vld.idx.msk [tilespmem:v61+s2+$0x0], $0xffff;
	[tilespmem:s13+$0xB260] =	vst v13;
	v13 =	vor.u32 $0x3, v3;
	_ =	sdelay $0x1  }
0x122: {  	[tilespmem:s13+$0xA5C0] =	vst v5  }
0x123: {  	v8 =	vld.idx.msk [tilespmem:v9+s2+$0x0], $0xffff;
	[tilespmem:s13+$0xB200] =	vst v17  }
0x124: {  	v9 =	vld.idx.msk [tilespmem:v11+s2+$0x0], $0xffff;
	[tilespmem:s16+$0x8300] =	vst v10  }
0x125: {  	[tilespmem:s13+$0xB290] =	vst v12;
	v10 =	vld.idx.msk [tilespmem:v13+s2+$0x0], $0xffff  }
0x126: {  	v11 =	vor.u32 $0x1C, v50;
	v13 =	vld.idx.msk [tilespmem:v0+s2+$0x0], $0xffff  }
0x127: {  	v0 =	vld [tilespmem:$0x1FF10];
	_ =	sdelay $0x1  }
0x128: {  	[tilespmem:s13+$0xB240] =	vst v9;
	v9 =	vld.idx.msk [tilespmem:v60+s2+$0x0], $0xffff  }
0x129: {  	[tilespmem:s13+$0xB3F0] =	vst v8;
	v16 =	vld.idx.msk [tilespmem:v57+s2+$0x0], $0xffff  }
0x12a: {  	v8 =	vld.idx.msk [tilespmem:v11+s2+$0x0], $0xffff  }
0x12b: {  	v11 =	vor.u32 $0x1D, v50  }
0x12c: {  	v14 =	vld.idx.msk [tilespmem:v63+s2+$0x0], $0xffff  }
0x12d: {  	[tilespmem:s13+$0xB2A0] =	vst v9  }
0x12e: {  	[tilespmem:s13+$0xB2C0] =	vst v16;
	v16 =	vld.idx.msk [tilespmem:v0+s2+$0x0], $0xffff  }
0x12f: {  	[tilespmem:s13+$0xB470] =	vst v8;
	v0 =	vld [tilespmem:$0x1FF20]  }
0x130: {  	v8 =	vld.idx.msk [tilespmem:v11+s2+$0x0], $0xffff  }
0x131: {  	[tilespmem:s13+$0xB250] =	vst v14;
	v14 =	vld.idx.msk [tilespmem:v58+s2+$0x0], $0xffff;
	v11 =	vor.u32 $0x1E, v50  }
0x132: {  	v12 =	vld.idx.msk [tilespmem:v36+s2+$0x0], $0xffff;
	_ =	sdelay $0x1  }
0x133: {  	v15 =	vld.idx.msk [tilespmem:v15+s2+$0x0], $0xffff  }
0x134: {  	v9 =	vld.idx.msk [tilespmem:v47+s2+$0x0], $0xffff;
	[tilespmem:s13+$0xB4F0] =	vst v8  }
0x135: {  	[tilespmem:s13+$0xB2B0] =	vst v14;
	v8 =	vld.idx.msk [tilespmem:v11+s2+$0x0], $0xffff  }
0x136: {  	[tilespmem:s13+$0xB2D0] =	vst v12;
	v12 =	vld.idx.msk [tilespmem:v0+s2+$0x0], $0xffff  }
0x137: {  	v14 =	vor.u32 $0x4, v3;
	v0 =	vld [tilespmem:$0x1FF30]  }
0x138: {  	[tilespmem:s13+$0xB2E0] =	vst v15  }
0x139: {  	[tilespmem:s13+$0xB280] =	vst v9  }
0x13a: {  	v11 =	vld.idx.msk [tilespmem:v62+s2+$0x0], $0xffff;
	[tilespmem:s16+$0x8380] =	vst v10  }
0x13b: {  	v9 =	vld.idx.msk [tilespmem:v59+s2+$0x0], $0xffff;
	[tilespmem:s13+$0xB570] =	vst v8  }
0x13c: {  	v25 =	vor.u32 $0x1A, v3;
	v10 =	vld.idx.msk [tilespmem:v14+s2+$0x0], $0xffff;
	[tilespmem:s13+$0xB310] =	vst v13  }
0x13d: {  	v8 =	vld [tilespmem:$0x1FF60];
	v13 =	vor.u32 $0x5, v3;
	[tilespmem:s13+$0xB330] =	vst v12;
	v12 =	vmov v25  }
0x13e: {  	[tilespmem:$0x1F930] =	vst v12;
	v12 =	vld [tilespmem:$0x1FF40]  }
0x13f: {  	v15 =	vld.idx.msk [tilespmem:v0+s2+$0x0], $0xffff  }
0x140: {  	[tilespmem:s13+$0xB360] =	vst v11;
	v14 =	vld.idx.msk [tilespmem:v46+s2+$0x0], $0xffff;
	v0 =	vor.u32 $0x1F, v50  }
0x141: {  	[tilespmem:s16+$0x8400] =	vst v10;
	v10 =	vld [tilespmem:$0x1FF70]  }
0x142: {  	[tilespmem:s13+$0xB350] =	vst v9;
	v9 =	vld.idx.msk [tilespmem:v13+s2+$0x0], $0xffff  }
0x143: {  	v13 =	vld.idx.msk [tilespmem:v55+s2+$0x0], $0xffff  }
0x144: {  	[tilespmem:s13+$0xB340] =	vst v15;
	v15 =	vld [tilespmem:$0x1FF50]  }
0x145: {  	v0 =	vld.idx.msk [tilespmem:v0+s2+$0x0], $0xffff  }
0x146: {  	[tilespmem:s13+$0xB300] =	vst v14;
	v12 =	vld.idx.msk [tilespmem:v12+s2+$0x0], $0xffff  }
0x147: {  	v14 =	vld.idx.msk [tilespmem:v45+s2+$0x0], $0xffff  }
0x148: {  	v11 =	vor.u32 $0x6, v3;
	[tilespmem:s13+$0xB320] =	vst v16;
	v8 =	vld.idx.msk [tilespmem:v8+s2+$0x0], $0xffff  }
0x149: {  	v7 =	vor.u32 $0x1B, v3;
	[tilespmem:s16+$0x8480] =	vst v9;
	v9 =	vld [tilespmem:$0x1FFA0]  }
0x14a: {  	[tilespmem:s13+$0xB5F0] =	vst v0;
	v0 =	vmov v7;
	v7 =	vld [tilespmem:$0x1FF90]  }
0x14b: {  	[tilespmem:s13+$0xB390] =	vst v12;
	v12 =	vld [tilespmem:$0x1FFE0]  }
0x14c: {  	v15 =	vld.idx.msk [tilespmem:v15+s2+$0x0], $0xffff  }
0x14d: {  	[tilespmem:s13+$0xB3B0] =	vst v8;
	v8 =	vld.idx.msk [tilespmem:v11+s2+$0x0], $0xffff  }
0x14e: {  	v11 =	vld [tilespmem:$0x1FFB0];
	_ =	sdelay $0x1  }
0x14f: {  	v10 =	vld.idx.msk [tilespmem:v10+s2+$0x0], $0xffff;
	[tilespmem:$0x1F940] =	vst v0  }
0x150: {  	v0 =	vld [tilespmem:$0x1FF80];
	[tilespmem:s13+$0xB3A0] =	vst v15  }
0x151: {  	v7 =	vld.idx.msk [tilespmem:v7+s2+$0x0], $0xffff  }
0x152: {  	[tilespmem:s13+$0xB3E0] =	vst v13;
	v12 =	vld.idx.msk [tilespmem:v12+s2+$0x0], $0xffff  }
0x153: {  	[tilespmem:s13+$0xB380] =	vst v14;
	v9 =	vld.idx.msk [tilespmem:v9+s2+$0x0], $0xffff  }
0x154: {  	v13 =	vld.idx.msk [tilespmem:v44+s2+$0x0], $0xffff;
	[tilespmem:s13+$0xB3C0] =	vst v10;
	v10 =	vor.u32 $0x7, v3  }
0x155: {  	v6 =	vor.u32 $0x1C, v3;
	v11 =	vld.idx.msk [tilespmem:v11+s2+$0x0], $0xffff  }
0x156: {  	[tilespmem:s13+$0xB420] =	vst v7;
	v7 =	vmov v6;
	v6 =	vld [tilespmem:$0x1FFC0]  }
0x157: {  	[tilespmem:s13+$0xB3D0] =	vst v12;
	v12 =	vld [tilespmem:$0x1FFF0]  }
0x158: {  	[tilespmem:s16+$0x8500] =	vst v8;
	v0 =	vld.idx.msk [tilespmem:v0+s2+$0x0], $0xffff  }
0x159: {  	[tilespmem:$0x1FA30] =	vst v7;
	v7 =	vld.idx.msk [tilespmem:v10+s2+$0x0], $0xffff  }
0x15a: {  	v10 =	vld [tilespmem:$0x1FFD0]  }
0x15b: {  	[tilespmem:s13+$0xB440] =	vst v11  }
0x15c: {  	v11 =	vld.idx.msk [tilespmem:v38+s2+$0x0], $0xffff  }
0x15d: {  	[tilespmem:s13+$0xB410] =	vst v0;
	v0 =	vld.idx.msk [tilespmem:v43+s2+$0x0], $0xffff  }
0x15e: {  	[tilespmem:s13+$0xB430] =	vst v9;
	v6 =	vld.idx.msk [tilespmem:v6+s2+$0x0], $0xffff  }
0x15f: {  	v9 =	vor.u32 $0x8, v3;
	[tilespmem:s13+$0xB400] =	vst v13;
	v12 =	vld.idx.msk [tilespmem:v12+s2+$0x0], $0xffff  }
0x160: {  	v8 =	vld.idx.msk [tilespmem:v41+s2+$0x0], $0xffff;
	[tilespmem:s16+$0x8580] =	vst v7  }
0x161: {  	[tilespmem:s13+$0xB4C0] =	vst v11;
	v7 =	vld.idx.msk [tilespmem:v35+s2+$0x0], $0xffff  }
0x162: {  	[tilespmem:s13+$0xB460] =	vst v0;
	v10 =	vld.idx.msk [tilespmem:v10+s2+$0x0], $0xffff  }
0x163: {  	v5 =	vor.u32 $0x1D, v3;
	[tilespmem:s13+$0xB490] =	vst v6;
	v6 =	vld.idx.msk [tilespmem:v32+s2+$0x0], $0xffff  }
0x164: {  	[tilespmem:s13+$0xB450] =	vst v12;
	v12 =	vmov v5;
	v5 =	vld.idx.msk [tilespmem:v9+s2+$0x0], $0xffff  }
0x165: {  	[tilespmem:s13+$0xB4A0] =	vst v8;
	v0 =	vld.idx.msk [tilespmem:v31+s2+$0x0], $0xffff  }
0x166: {  	v1 =	vor.u32 $0xA, v3;
	v9 =	vld.idx.msk [tilespmem:v28+s2+$0x0], $0xffff;
	[tilespmem:s13+$0xB480] =	vst v7  }
0x167: {  	v4 =	vor.u32 $0x1E, v3;
	v2 =	vor.u32 $0x1F, v3;
	v3 =	vor.u32 $0x9, v3;
	v8 =	vld.idx.msk [tilespmem:v54+s2+$0x0], $0xffff;
	[tilespmem:s13+$0xB4B0] =	vst v10  }
0x168: {  	[tilespmem:s13+$0xB4E0] =	vst v6  }
0x169: {  	v10 =	vld.idx.msk [tilespmem:v56+s2+$0x0], $0xffff;
	[tilespmem:s16+$0x9200] =	vst v5  }
0x16a: {  	[tilespmem:s13+$0xB4D0] =	vst v0;
	v0 =	vld.idx.msk [tilespmem:v29+s2+$0x0], $0xffff  }
0x16b: {  	[tilespmem:s13+$0xB520] =	vst v9;
	v5 =	vld.idx.msk [tilespmem:v20+s2+$0x0], $0xffff  }
0x16c: {  	v3 =	vld.idx.msk [tilespmem:v3+s2+$0x0], $0xffff;
	[tilespmem:s13+$0xB510] =	vst v8;
	v8 =	vmov v4  }
0x16d: {  	v6 =	vld.idx.msk [tilespmem:v30+s2+$0x0], $0xffff;
	[tilespmem:$0x1F9B0] =	vst v8  }
0x16e: {  	v7 =	vld.idx.msk [tilespmem:v37+s2+$0x0], $0xffff;
	[tilespmem:s13+$0xB530] =	vst v10  }
0x16f: {  	v4 =	vld.idx.msk [tilespmem:v52+s2+$0x0], $0xffff;
	[tilespmem:s13+$0xB540] =	vst v0  }
0x170: {  	v8 =	vld.idx.msk [tilespmem:v21+s2+$0x0], $0xffff;
	[tilespmem:s13+$0xB560] =	vst v5  }
0x171: {  	[tilespmem:s16+$0x9280] =	vst v3;
	v5 =	vld [tilespmem:s15+$0x8070]  }
0x172: {  	[tilespmem:s13+$0xB550] =	vst v6;
	v6 =	vld.idx.msk [tilespmem:v22+s2+$0x0], $0xffff  }
0x173: {  	[tilespmem:s13+$0xB500] =	vst v7;
	v7 =	vld [tilespmem:s15+$0x8010]  }
0x174: {  	[tilespmem:s13+$0xB590] =	vst v4;
	v4 =	vld [tilespmem:s15+$0x8020]  }
0x175: {  	[tilespmem:s13+$0xB5A0] =	vst v8;
	v8 =	vld [tilespmem:s15+$0x8030]  }
0x176: {  	v3 =	vld.idx.msk [tilespmem:v24+s2+$0x0], $0xffff  }
0x177: {  	v9 =	vld [tilespmem:s15+$0x8040]  }
0x178: {  	v0 =	vld.idx.msk [tilespmem:v53+s2+$0x0], $0xffff  }
0x179: {  	v50 =	vshll.u32 v5, $0x5;
	[tilespmem:s13+$0xB5C0] =	vst v6;
	v6 =	vld [tilespmem:s15+$0x8050]  }
0x17a: {  	v1 =	vld.idx.msk [tilespmem:v1+s2+$0x0], $0xffff;
	v20 =	vshll.u32 v7, $0x5  }
0x17b: {  	v22 =	vshll.u32 v8, $0x5;
	[tilespmem:s13+$0xB5D0] =	vst v3;
	v3 =	vld [tilespmem:s15+$0x8060]  }
0x17c: {  	v11 =	vld.idx.msk [tilespmem:v33+s2+$0x0], $0xffff;
	v24 =	vshll.u32 v9, $0x5  }
0x17d: {  	[tilespmem:$0x1F9D0] =	vst v12;
	v21 =	vshll.u32 v4, $0x5;
	v9 =	vld.idx.msk [tilespmem:v40+s2+$0x0], $0xffff  }
0x17e: {  	[tilespmem:s13+$0xB5B0] =	vst v0;
	v0 =	vmov v2;
	v2 =	vld.idx.msk [tilespmem:v50+s2+$0x0], $0xffff;
	v18 =	vshll.u32 v6, $0x5  }
0x17f: {  	[tilespmem:$0x1FA50] =	vst v0;
	v13 =	vor.u32 $0x1, v50;
	v6 =	vld.idx.msk [tilespmem:v20+s2+$0x0], $0xffff  }
0x180: {  	[tilespmem:s16+$0x9300] =	vst v1;
	v15 =	vld.idx.msk [tilespmem:v22+s2+$0x0], $0xffff;
	v8 =	vshll.u32 v3, $0x5  }
0x181: {  	v5 =	vor.u32 $0x1, v20;
	[tilespmem:s13+$0xB5E0] =	vst v11;
	v26 =	vld.idx.msk [tilespmem:v24+s2+$0x0], $0xffff  }
0x182: {  	v12 =	vor.u32 $0x1, v22;
	[tilespmem:s13+$0xB580] =	vst v9;
	s13 =	smov.u32 s16;
	v3 =	vld.idx.msk [tilespmem:v21+s2+$0x0], $0xffff  }
0x183: {  	v4 =	vor.u32 $0x1, v21;
	[tilespmem:s13+$0x8270] =	vst v2;
	v31 =	vld.idx.msk [tilespmem:v18+s2+$0x0], $0xffff  }
0x184: {  	v23 =	vor.u32 $0x1, v24;
	[tilespmem:s13+$0x8210] =	vst v6;
	v33 =	vld.idx.msk [tilespmem:v13+s2+$0x0], $0xffff  }
0x185: {  	v25 =	vor.u32 $0x1, v18;
	[tilespmem:s13+$0x8230] =	vst v15;
	v32 =	vld.idx.msk [tilespmem:v8+s2+$0x0], $0xffff  }
0x186: {  	v30 =	vor.u32 $0x1, v8;
	[tilespmem:s13+$0x8240] =	vst v26;
	v35 =	vld.idx.msk [tilespmem:v5+s2+$0x0], $0xffff  }
0x187: {  	v40 =	vor.u32 $0x2, v50;
	[tilespmem:s13+$0x8220] =	vst v3;
	v41 =	vld.idx.msk [tilespmem:v12+s2+$0x0], $0xffff  }
0x188: {  	v38 =	vld.idx.msk [tilespmem:v4+s2+$0x0], $0xffff;
	[tilespmem:s13+$0x8250] =	vst v31  }
0x189: {  	v43 =	vld.idx.msk [tilespmem:v23+s2+$0x0], $0xffff;
	[tilespmem:s13+$0x82F0] =	vst v33  }
0x18a: {  	v44 =	vld.idx.msk [tilespmem:v25+s2+$0x0], $0xffff;
	[tilespmem:s13+$0x8260] =	vst v32  }
0x18b: {  	v1 =	vor.u32 $0x9, v20;
	[tilespmem:s13+$0x8290] =	vst v35;
	v30 =	vld.idx.msk [tilespmem:v30+s2+$0x0], $0xffff  }
0x18c: {  	v40 =	vld.idx.msk [tilespmem:v40+s2+$0x0], $0xffff;
	[tilespmem:$0x1F960] =	vst v1  }
0x18d: {  	[tilespmem:s13+$0x82A0] =	vst v38  }
0x18e: {  	v28 =	vor.u32 $0x2, v24;
	v2 =	vor.u32 $0xA, v20;
	[tilespmem:s13+$0x82B0] =	vst v41  }
0x18f: {  	[tilespmem:$0x1F980] =	vst v2  }
0x190: {  	v7 =	vor.u32 $0x2, v20;
	v1 =	vor.u32 $0x9, v21;
	[tilespmem:s13+$0x82C0] =	vst v43  }
0x191: {  	v2 =	vor.u32 $0xA, v21;
	[tilespmem:$0x1F970] =	vst v1  }
0x192: {  	[tilespmem:$0x1F990] =	vst v2;
	v2 =	vor.u32 $0xA, v22  }
0x193: {  	v10 =	vor.u32 $0x2, v21;
	[tilespmem:$0x1F9A0] =	vst v2;
	v2 =	vld.idx.msk [tilespmem:v28+s2+$0x0], $0xffff;
	v28 =	vor.u32 $0xA, v24  }
0x194: {  	v27 =	vor.u32 $0x2, v22;
	[tilespmem:$0x1F9C0] =	vst v28  }
0x195: {  	v0 =	vld.idx.msk [tilespmem:v7+s2+$0x0], $0xffff;
	v28 =	vor.u32 $0xB, v20;
	[tilespmem:s13+$0x82D0] =	vst v44  }
0x196: {  	[tilespmem:$0x1F9F0] =	vst v28  }
0x197: {  	v28 =	vor.u32 $0xA, v8;
	[tilespmem:s13+$0x82E0] =	vst v30  }
0x198: {  	v1 =	vld.idx.msk [tilespmem:v10+s2+$0x0], $0xffff;
	[tilespmem:$0x1F9E0] =	vst v28  }
0x199: {  	v47 =	vld.idx.msk [tilespmem:v27+s2+$0x0], $0xffff;
	[tilespmem:s13+$0x8370] =	vst v40  }
0x19a: {  	v28 =	vor.u32 $0xB, v21;
	[tilespmem:s13+$0x8310] =	vst v0  }
0x19b: {  	v0 =	vor.u32 $0xC, v20;
	[tilespmem:$0x1FA00] =	vst v28  }
0x19c: {  	[tilespmem:$0x1FA70] =	vst v0  }
0x19d: {  	[tilespmem:s13+$0x8320] =	vst v1  }
0x19e: {  	v29 =	vor.u32 $0x2, v18;
	v28 =	vor.u32 $0xB, v22;
	[tilespmem:s13+$0x8330] =	vst v47  }
0x19f: {  	v14 =	vor.u32 $0x3, v21;
	v0 =	vor.u32 $0xB, v8;
	[tilespmem:$0x1FA10] =	vst v28  }
0x1a0: {  	v1 =	vor.u32 $0xC, v22;
	[tilespmem:$0x1FA40] =	vst v0  }
0x1a1: {  	v17 =	vor.u32 $0x3, v24;
	[tilespmem:$0x1FA80] =	vst v1  }
0x1a2: {  	v28 =	vor.u32 $0xB, v24;
	[tilespmem:s13+$0x8340] =	vst v2  }
0x1a3: {  	v37 =	vor.u32 $0x2, v8;
	v32 =	vld.idx.msk [tilespmem:v29+s2+$0x0], $0xffff;
	v1 =	vor.u32 $0xC, v24;
	[tilespmem:$0x1FA20] =	vst v28  }
0x1a4: {  	v45 =	vor.u32 $0x3, v50;
	[tilespmem:$0x1FA90] =	vst v1;
	v1 =	vld.idx.msk [tilespmem:v14+s2+$0x0], $0xffff;
	v14 =	vor.u32 $0xC, v8  }
0x1a5: {  	v28 =	vor.u32 $0xD, v20;
	[tilespmem:$0x1FAB0] =	vst v14  }
0x1a6: {  	v2 =	vld.idx.msk [tilespmem:v17+s2+$0x0], $0xffff;
	v17 =	vor.u32 $0xD, v24;
	[tilespmem:$0x1FAD0] =	vst v28  }
0x1a7: {  	v39 =	vor.u32 $0x3, v20;
	v28 =	vor.u32 $0xD, v21;
	[tilespmem:$0x1FB00] =	vst v17  }
0x1a8: {  	v16 =	vor.u32 $0x3, v22;
	v37 =	vld.idx.msk [tilespmem:v37+s2+$0x0], $0xffff;
	[tilespmem:$0x1FAE0] =	vst v28  }
0x1a9: {  	v45 =	vld.idx.msk [tilespmem:v45+s2+$0x0], $0xffff;
	v17 =	vor.u32 $0xD, v18;
	[tilespmem:s13+$0x8350] =	vst v32  }
0x1aa: {  	v28 =	vor.u32 $0xD, v22;
	[tilespmem:$0x1FB10] =	vst v17  }
0x1ab: {  	v17 =	vor.u32 $0xD, v8;
	[tilespmem:$0x1FAF0] =	vst v28  }
0x1ac: {  	v0 =	vld.idx.msk [tilespmem:v39+s2+$0x0], $0xffff;
	[tilespmem:$0x1FB20] =	vst v17  }
0x1ad: {  	v16 =	vld.idx.msk [tilespmem:v16+s2+$0x0], $0xffff;
	[tilespmem:s13+$0x8360] =	vst v37  }
0x1ae: {  	v17 =	vor.u32 $0xE, v20;
	[tilespmem:s13+$0x83F0] =	vst v45  }
0x1af: {  	v28 =	vor.u32 $0xE, v8;
	[tilespmem:$0x1FB40] =	vst v17  }
0x1b0: {  	[tilespmem:$0x1FB90] =	vst v28  }
0x1b1: {  	[tilespmem:s13+$0x8390] =	vst v0  }
0x1b2: {  	v17 =	vor.u32 $0xE, v21;
	[tilespmem:s13+$0x83B0] =	vst v16  }
0x1b3: {  	v0 =	vor.u32 $0xF, v20;
	[tilespmem:$0x1FB50] =	vst v17  }
0x1b4: {  	[tilespmem:$0x1FBB0] =	vst v0  }
0x1b5: {  	v28 =	vor.u32 $0x10, v21;
	[tilespmem:s13+$0x83A0] =	vst v1  }
0x1b6: {  	[tilespmem:$0x1FC30] =	vst v28  }
0x1b7: {  	v19 =	vor.u32 $0x3, v18;
	v17 =	vor.u32 $0xE, v22;
	[tilespmem:s13+$0x83C0] =	vst v2  }
0x1b8: {  	v0 =	vor.u32 $0xF, v21;
	[tilespmem:$0x1FB60] =	vst v17  }
0x1b9: {  	v1 =	vor.u32 $0xF, v24;
	[tilespmem:$0x1FBC0] =	vst v0  }
0x1ba: {  	v28 =	vor.u32 $0x10, v22;
	[tilespmem:$0x1FBE0] =	vst v1  }
0x1bb: {  	v2 =	vor.u32 $0x10, v24;
	[tilespmem:$0x1FC40] =	vst v28  }
0x1bc: {  	v17 =	vld.idx.msk [tilespmem:v19+s2+$0x0], $0xffff;
	v19 =	vor.u32 $0xE, v24;
	[tilespmem:$0x1FC50] =	vst v2  }
0x1bd: {  	v0 =	vor.u32 $0xF, v22;
	[tilespmem:$0x1FB70] =	vst v19  }
0x1be: {  	v1 =	vor.u32 $0xF, v18;
	[tilespmem:$0x1FBD0] =	vst v0  }
0x1bf: {  	v2 =	vor.u32 $0x10, v18;
	[tilespmem:$0x1FBF0] =	vst v1  }
0x1c0: {  	v28 =	vor.u32 $0x11, v18;
	[tilespmem:$0x1FC60] =	vst v2  }
0x1c1: {  	v19 =	vor.u32 $0xE, v18;
	[tilespmem:$0x1FCD0] =	vst v28  }
0x1c2: {  	v1 =	vor.u32 $0xF, v8;
	[tilespmem:$0x1FB80] =	vst v19  }
0x1c3: {  	v14 =	vor.u32 $0x4, v50;
	v2 =	vor.u32 $0x11, v20;
	[tilespmem:$0x1FC00] =	vst v1  }
0x1c4: {  	v61 =	vor.u32 $0x4, v20;
	v28 =	vor.u32 $0x11, v8;
	[tilespmem:$0x1FC90] =	vst v2  }
0x1c5: {  	v58 =	vor.u32 $0x4, v22;
	v1 =	vor.u32 $0x10, v20;
	[tilespmem:$0x1FCE0] =	vst v28  }
0x1c6: {  	v2 =	vor.u32 $0x11, v21;
	[tilespmem:$0x1FC20] =	vst v1  }
0x1c7: {  	v28 =	vor.u32 $0x1A, v22;
	[tilespmem:$0x1FCA0] =	vst v2  }
0x1c8: {  	v63 =	vor.u32 $0x3, v8;
	v0 =	vld.idx.msk [tilespmem:v14+s2+$0x0], $0xffff;
	[tilespmem:$0x1FF20] =	vst v28;
	v28 =	vor.u32 $0x1A, v24  }
0x1c9: {  	v14 =	vld.idx.msk [tilespmem:v61+s2+$0x0], $0xffff;
	[tilespmem:$0x1FF30] =	vst v28  }
0x1ca: {  	v61 =	vld.idx.msk [tilespmem:v58+s2+$0x0], $0xffff;
	v28 =	vor.u32 $0x1B, v20;
	[tilespmem:s13+$0x83D0] =	vst v17  }
0x1cb: {  	v17 =	vor.u32 $0x10, v8;
	[tilespmem:$0x1FF40] =	vst v28  }
0x1cc: {  	[tilespmem:$0x1FC70] =	vst v17  }
0x1cd: {  	v19 =	vld.idx.msk [tilespmem:v63+s2+$0x0], $0xffff;
	[tilespmem:s13+$0x8470] =	vst v0  }
0x1ce: {  	v60 =	vor.u32 $0x4, v21;
	[tilespmem:s13+$0x8410] =	vst v14  }
0x1cf: {  	v57 =	vor.u32 $0x4, v24;
	v28 =	vor.u32 $0x1B, v21;
	[tilespmem:s13+$0x8430] =	vst v61  }
0x1d0: {  	v17 =	vor.u32 $0x11, v22;
	[tilespmem:$0x1FF50] =	vst v28  }
0x1d1: {  	[tilespmem:$0x1FCB0] =	vst v17  }
0x1d2: {  	v0 =	vor.u32 $0x12, v22;
	[tilespmem:s13+$0x83E0] =	vst v19  }
0x1d3: {  	v1 =	vld.idx.msk [tilespmem:v60+s2+$0x0], $0xffff;
	v28 =	vor.u32 $0x1B, v18;
	[tilespmem:$0x1FD20] =	vst v0  }
0x1d4: {  	v2 =	vld.idx.msk [tilespmem:v57+s2+$0x0], $0xffff;
	v17 =	vor.u32 $0x11, v24;
	[tilespmem:$0x1FFE0] =	vst v28  }
0x1d5: {  	v19 =	vor.u32 $0x12, v20;
	[tilespmem:$0x1FCC0] =	vst v17  }
0x1d6: {  	v0 =	vor.u32 $0x12, v24;
	[tilespmem:$0x1FD00] =	vst v19  }
0x1d7: {  	[tilespmem:$0x1FD30] =	vst v0  }
0x1d8: {  	v16 =	vor.u32 $0x5, v50;
	[tilespmem:s13+$0x8420] =	vst v1  }
0x1d9: {  	v19 =	vor.u32 $0x12, v21;
	[tilespmem:s13+$0x8440] =	vst v2  }
0x1da: {  	v34 =	vor.u32 $0x5, v20;
	v0 =	vor.u32 $0x12, v18;
	[tilespmem:$0x1FD10] =	vst v19  }
0x1db: {  	v6 =	vor.u32 $0x5, v21;
	v1 =	vor.u32 $0x13, v21;
	[tilespmem:$0x1FD40] =	vst v0  }
0x1dc: {  	v9 =	vor.u32 $0x5, v22;
	v2 =	vor.u32 $0x13, v18;
	[tilespmem:$0x1FD80] =	vst v1  }
0x1dd: {  	v0 =	vld.idx.msk [tilespmem:v16+s2+$0x0], $0xffff;
	v16 =	vor.u32 $0x13, v20;
	[tilespmem:$0x1FDB0] =	vst v2  }
0x1de: {  	v42 =	vor.u32 $0x4, v18;
	v1 =	vor.u32 $0x12, v8;
	[tilespmem:$0x1FD70] =	vst v16  }
0x1df: {  	v14 =	vld.idx.msk [tilespmem:v34+s2+$0x0], $0xffff;
	v2 =	vor.u32 $0x13, v8;
	[tilespmem:$0x1FD50] =	vst v1  }
0x1e0: {  	v36 =	vor.u32 $0x4, v8;
	v1 =	vld.idx.msk [tilespmem:v6+s2+$0x0], $0xffff;
	v6 =	vor.u32 $0x13, v22;
	[tilespmem:$0x1FDC0] =	vst v2  }
0x1e1: {  	v3 =	vor.u32 $0x5, v24;
	v9 =	vld.idx.msk [tilespmem:v9+s2+$0x0], $0xffff;
	v2 =	vor.u32 $0x14, v21;
	[tilespmem:$0x1FD90] =	vst v6  }
0x1e2: {  	v6 =	vor.u32 $0x13, v24;
	[tilespmem:$0x1FDF0] =	vst v2  }
0x1e3: {  	v17 =	vld.idx.msk [tilespmem:v42+s2+$0x0], $0xffff;
	v2 =	vor.u32 $0x14, v22;
	[tilespmem:$0x1FDA0] =	vst v6  }
0x1e4: {  	[tilespmem:$0x1FE00] =	vst v2  }
0x1e5: {  	v19 =	vld.idx.msk [tilespmem:v36+s2+$0x0], $0xffff;
	[tilespmem:s13+$0x8490] =	vst v14  }
0x1e6: {  	v2 =	vld.idx.msk [tilespmem:v3+s2+$0x0], $0xffff;
	v3 =	vor.u32 $0x14, v24;
	[tilespmem:s13+$0x84B0] =	vst v9  }
0x1e7: {  	[tilespmem:$0x1FE10] =	vst v3  }
0x1e8: {  	[tilespmem:s13+$0x8450] =	vst v17;
	v3 =	vor.u32 $0x15, v20  }
0x1e9: {  	[tilespmem:$0x1FE50] =	vst v3  }
0x1ea: {  	[tilespmem:s13+$0x8460] =	vst v19  }
0x1eb: {  	v12 =	vor.u32 $0x6, v22;
	v3 =	vor.u32 $0x14, v18;
	[tilespmem:s13+$0x84F0] =	vst v0  }
0x1ec: {  	v0 =	vor.u32 $0x16, v20;
	[tilespmem:$0x1FE20] =	vst v3  }
0x1ed: {  	v5 =	vor.u32 $0x5, v18;
	[tilespmem:$0x1FEC0] =	vst v0  }
0x1ee: {  	v13 =	vor.u32 $0x5, v8;
	v3 =	vor.u32 $0x14, v8;
	[tilespmem:s13+$0x84A0] =	vst v1  }
0x1ef: {  	v4 =	vor.u32 $0x6, v21;
	v0 =	vor.u32 $0x15, v18;
	[tilespmem:$0x1FE30] =	vst v3  }
0x1f0: {  	v6 =	vor.u32 $0x6, v50;
	v37 =	vld.idx.msk [tilespmem:v12+s2+$0x0], $0xffff;
	v3 =	vor.u32 $0x15, v21;
	[tilespmem:$0x1FE90] =	vst v0  }
0x1f1: {  	v11 =	vor.u32 $0x6, v20;
	v0 =	vor.u32 $0x15, v8;
	[tilespmem:$0x1FE60] =	vst v3  }
0x1f2: {  	v5 =	vld.idx.msk [tilespmem:v5+s2+$0x0], $0xffff;
	[tilespmem:$0x1FEA0] =	vst v0  }
0x1f3: {  	v15 =	vor.u32 $0x6, v24;
	v63 =	vld.idx.msk [tilespmem:v13+s2+$0x0], $0xffff;
	v3 =	vor.u32 $0x15, v22;
	[tilespmem:s13+$0x84C0] =	vst v2  }
0x1f4: {  	v4 =	vld.idx.msk [tilespmem:v4+s2+$0x0], $0xffff;
	[tilespmem:$0x1FE70] =	vst v3  }
0x1f5: {  	v56 =	vor.u32 $0x7, v22;
	v0 =	vld.idx.msk [tilespmem:v6+s2+$0x0], $0xffff;
	v3 =	vor.u32 $0x15, v24;
	[tilespmem:s13+$0x8530] =	vst v37  }
0x1f6: {  	v46 =	vor.u32 $0x6, v18;
	v6 =	vld.idx.msk [tilespmem:v11+s2+$0x0], $0xffff;
	[tilespmem:$0x1FE80] =	vst v3  }
0x1f7: {  	v26 =	vor.u32 $0x6, v8;
	[tilespmem:s13+$0x84D0] =	vst v5  }
0x1f8: {  	v9 =	vor.u32 $0x7, v50;
	v41 =	vld.idx.msk [tilespmem:v15+s2+$0x0], $0xffff;
	[tilespmem:s13+$0x84E0] =	vst v63  }
0x1f9: {  	[tilespmem:s13+$0x8520] =	vst v4  }
0x1fa: {  	v59 =	vor.u32 $0x7, v21;
	v37 =	vld.idx.msk [tilespmem:v56+s2+$0x0], $0xffff;
	[tilespmem:s13+$0x8570] =	vst v0  }
0x1fb: {  	v5 =	vld.idx.msk [tilespmem:v46+s2+$0x0], $0xffff;
	v4 =	vor.u32 $0x1A, v20;
	[tilespmem:s13+$0x8510] =	vst v6  }
0x1fc: {  	v49 =	vor.u32 $0x7, v20;
	v43 =	vld.idx.msk [tilespmem:v26+s2+$0x0], $0xffff;
	[tilespmem:$0x1FF00] =	vst v4  }
0x1fd: {  	v0 =	vld.idx.msk [tilespmem:v9+s2+$0x0], $0xffff;
	v9 =	vor.u32 $0x1A, v21;
	[tilespmem:s13+$0x8540] =	vst v41  }
0x1fe: {  	v62 =	vor.u32 $0x7, v24;
	[tilespmem:$0x1FF10] =	vst v9  }
0x1ff: {  	v4 =	vld.idx.msk [tilespmem:v59+s2+$0x0], $0xffff;
	[tilespmem:s13+$0x85B0] =	vst v37  }
0x200: {  	[tilespmem:s13+$0x8550] =	vst v5;
	v5 =	vor.u32 $0x1B, v22  }
0x201: {  	v6 =	vld.idx.msk [tilespmem:v49+s2+$0x0], $0xffff;
	[tilespmem:$0x1FF60] =	vst v5  }
0x202: {  	v55 =	vor.u32 $0x7, v18;
	v5 =	vor.u32 $0x1B, v24;
	[tilespmem:s13+$0x8560] =	vst v43  }
0x203: {  	v25 =	vor.u32 $0x7, v8;
	v45 =	vld.idx.msk [tilespmem:v62+s2+$0x0], $0xffff;
	[tilespmem:$0x1FF70] =	vst v5  }
0x204: {  	v53 =	vor.u32 $0x8, v21;
	[tilespmem:s13+$0x85A0] =	vst v4  }
0x205: {  	v9 =	vor.u32 $0x8, v50;
	[tilespmem:s13+$0x85F0] =	vst v0  }
0x206: {  	v54 =	vor.u32 $0x8, v20;
	[tilespmem:s13+$0x8590] =	vst v6;
	v0 =	vor.u32 $0x1C, v22  }
0x207: {  	v35 =	vor.u32 $0x8, v24;
	v5 =	vld.idx.msk [tilespmem:v55+s2+$0x0], $0xffff;
	[tilespmem:$0x1FFA0] =	vst v0  }
0x208: {  	v52 =	vor.u32 $0x8, v22;
	v25 =	vld.idx.msk [tilespmem:v25+s2+$0x0], $0xffff;
	v0 =	vor.u32 $0x1C, v24;
	[tilespmem:s13+$0x85C0] =	vst v45  }
0x209: {  	v51 =	vor.u32 $0x8, v18;
	v4 =	vld.idx.msk [tilespmem:v53+s2+$0x0], $0xffff;
	[tilespmem:$0x1FFB0] =	vst v0;
	v0 =	vor.u32 $0x1C, v18  }
0x20a: {  	[tilespmem:$0x1FFF0] =	vst v0;
	v0 =	vld.idx.msk [tilespmem:v9+s2+$0x0], $0xffff;
	v9 =	vor.u32 $0x1D, v20  }
0x20b: {  	v33 =	vor.u32 $0x8, v8;
	v6 =	vld.idx.msk [tilespmem:v54+s2+$0x0], $0xffff;
	[tilespmem:$0x1FFC0] =	vst v9  }
0x20c: {  	v35 =	vld.idx.msk [tilespmem:v35+s2+$0x0], $0xffff;
	[tilespmem:s13+$0x85D0] =	vst v5  }
0x20d: {  	v10 =	vor.u32 $0x9, v24;
	v37 =	vld.idx.msk [tilespmem:v52+s2+$0x0], $0xffff;
	v9 =	vor.u32 $0x1D, v22;
	[tilespmem:s13+$0x85E0] =	vst v25  }
0x20e: {  	[tilespmem:$0x1FFD0] =	vst v9;
	v9 =	vor.u32 $0x9, v50;
	v5 =	vld.idx.msk [tilespmem:v51+s2+$0x0], $0xffff  }
0x20f: {  	v23 =	vor.u32 $0x9, v22;
	[tilespmem:s13+$0x9220] =	vst v4;
	v4 =	vld [tilespmem:$0x1F970]  }
0x210: {  	v7 =	vor.u32 $0x9, v18;
	v27 =	vor.u32 $0x9, v8;
	v25 =	vld.idx.msk [tilespmem:v33+s2+$0x0], $0xffff;
	[tilespmem:s13+$0x9210] =	vst v6  }
0x211: {  	v32 =	vor.u32 $0x1D, v8;
	v61 =	vor.u32 $0x19, v20;
	v28 =	vor.u32 $0x1C, v20;
	v6 =	vld [tilespmem:$0x1F960];
	[tilespmem:s13+$0x9240] =	vst v35  }
0x212: {  	v42 =	vor.u32 $0x17, v20;
	v16 =	vor.u32 $0x14, v20;
	v14 =	vor.u32 $0x18, v20;
	[tilespmem:s13+$0x9270] =	vst v0;
	v10 =	vld.idx.msk [tilespmem:v10+s2+$0x0], $0xffff  }
0x213: {  	v2 =	vor.u32 $0x17, v8;
	v15 =	vor.u32 $0x19, v8;
	v3 =	vor.u32 $0x16, v8;
	[tilespmem:s13+$0x9230] =	vst v37;
	v0 =	vld.idx.msk [tilespmem:v9+s2+$0x0], $0xffff  }
0x214: {  	v26 =	vor.u32 $0x18, v8;
	v62 =	vor.u32 $0x1A, v8;
	v52 =	vor.u32 $0x1F, v20;
	v9 =	vld.idx.msk [tilespmem:v23+s2+$0x0], $0xffff;
	[tilespmem:s13+$0x9250] =	vst v5  }
0x215: {  	v43 =	vor.u32 $0x1C, v8;
	v55 =	vor.u32 $0x1B, v8;
	v54 =	vor.u32 $0x1E, v20;
	[tilespmem:s13+$0x9260] =	vst v25;
	v5 =	vld.idx.msk [tilespmem:v7+s2+$0x0], $0xffff  }
0x216: {  	v20 =	vor.u32 $0x1E, v8;
	v33 =	vor.u32 $0x1F, v8;
	v8 =	vor.u32 $0xA, v50;
	v7 =	vld.idx.msk [tilespmem:v27+s2+$0x0], $0xffff  }
0x217: {  	v44 =	vor.u32 $0xA, v18;
	v4 =	vld.idx.msk [tilespmem:v4+s2+$0x0], $0xffff  }
0x218: {  	[tilespmem:s13+$0x92C0] =	vst v10;
	v10 =	vld [tilespmem:$0x1F9C0]  }
0x219: {  	v6 =	vld.idx.msk [tilespmem:v6+s2+$0x0], $0xffff;
	[tilespmem:s13+$0x92F0] =	vst v0  }
0x21a: {  	[tilespmem:s13+$0x92B0] =	vst v9;
	v9 =	vld [tilespmem:$0x1F9A0]  }
0x21b: {  	v0 =	vld.idx.msk [tilespmem:v8+s2+$0x0], $0xffff;
	[tilespmem:s13+$0x92D0] =	vst v5  }
0x21c: {  	v5 =	vld.idx.msk [tilespmem:v44+s2+$0x0], $0xffff  }
0x21d: {  	v8 =	vor.u32 $0xB, v50;
	[tilespmem:s13+$0x92A0] =	vst v4;
	v4 =	vld [tilespmem:$0x1F990]  }
0x21e: {  	[tilespmem:s13+$0x9290] =	vst v6;
	v6 =	vld [tilespmem:$0x1F980]  }
0x21f: {  	v40 =	vor.u32 $0xB, v18;
	[tilespmem:s13+$0x92E0] =	vst v7;
	v7 =	vld [tilespmem:$0x1F9E0];
	_ =	sdelay $0x1  }
0x220: {  	v10 =	vld.idx.msk [tilespmem:v10+s2+$0x0], $0xffff;
	[tilespmem:s13+$0x9370] =	vst v0  }
0x221: {  	v0 =	vld.idx.msk [tilespmem:v8+s2+$0x0], $0xffff  }
0x222: {  	[tilespmem:s13+$0x9350] =	vst v5;
	v9 =	vld.idx.msk [tilespmem:v9+s2+$0x0], $0xffff  }
0x223: {  	v5 =	vld.idx.msk [tilespmem:v40+s2+$0x0], $0xffff  }
0x224: {  	v4 =	vld.idx.msk [tilespmem:v4+s2+$0x0], $0xffff  }
0x225: {  	v6 =	vld.idx.msk [tilespmem:v6+s2+$0x0], $0xffff  }
0x226: {  	v7 =	vld.idx.msk [tilespmem:v7+s2+$0x0], $0xffff  }
0x227: {  	[tilespmem:s13+$0x9340] =	vst v10;
	v10 =	vld [tilespmem:$0x1FA20]  }
0x228: {  	[tilespmem:s13+$0x9330] =	vst v9;
	v9 =	vld [tilespmem:$0x1FA10]  }
0x229: {  	v8 =	vor.u32 $0xC, v50;
	[tilespmem:s13+$0x9320] =	vst v4;
	v4 =	vld [tilespmem:$0x1FA00]  }
0x22a: {  	[tilespmem:s13+$0x9310] =	vst v6;
	v6 =	vld [tilespmem:$0x1F9F0]  }
0x22b: {  	[tilespmem:s13+$0x9360] =	vst v7;
	v7 =	vld [tilespmem:$0x1FA40]  }
0x22c: {  	[tilespmem:s13+$0x93F0] =	vst v0  }
0x22d: {  	[tilespmem:s13+$0x93D0] =	vst v5;
	v5 =	vld [tilespmem:$0x1FA90]  }
0x22e: {  	v0 =	vld.idx.msk [tilespmem:v8+s2+$0x0], $0xffff  }
0x22f: {  	v10 =	vld.idx.msk [tilespmem:v10+s2+$0x0], $0xffff  }
0x230: {  	v9 =	vld.idx.msk [tilespmem:v9+s2+$0x0], $0xffff  }
0x231: {  	v4 =	vld.idx.msk [tilespmem:v4+s2+$0x0], $0xffff  }
0x232: {  	v6 =	vld.idx.msk [tilespmem:v6+s2+$0x0], $0xffff  }
0x233: {  	v47 =	vor.u32 $0xC, v18;
	v7 =	vld.idx.msk [tilespmem:v7+s2+$0x0], $0xffff  }
0x234: {  	v8 =	vor.u32 $0xD, v50;
	[tilespmem:s13+$0x93C0] =	vst v10;
	v10 =	vld [tilespmem:$0x1FA80]  }
0x235: {  	[tilespmem:s13+$0x9470] =	vst v0;
	v5 =	vld.idx.msk [tilespmem:v5+s2+$0x0], $0xffff  }
0x236: {  	v39 =	vor.u32 $0xC, v21;
	[tilespmem:s13+$0x93A0] =	vst v4;
	v4 =	vld [tilespmem:$0x1FA70]  }
0x237: {  	[tilespmem:s13+$0x9390] =	vst v6;
	v6 =	vld [tilespmem:$0x1FA60]  }
0x238: {  	[tilespmem:s13+$0x93E0] =	vst v7;
	v7 =	vld.idx.msk [tilespmem:v47+s2+$0x0], $0xffff  }
0x239: {  	v0 =	vld.idx.msk [tilespmem:v8+s2+$0x0], $0xffff  }
0x23a: {  	[tilespmem:s13+$0x9440] =	vst v5;
	v5 =	vld [tilespmem:$0x1FAF0]  }
0x23b: {  	[tilespmem:s13+$0x93B0] =	vst v9;
	v9 =	vld.idx.msk [tilespmem:v39+s2+$0x0], $0xffff  }
0x23c: {  	v10 =	vld.idx.msk [tilespmem:v10+s2+$0x0], $0xffff  }
0x23d: {  	[tilespmem:s13+$0x9450] =	vst v7;
	v7 =	vld [tilespmem:$0x1FB00]  }
0x23e: {  	v4 =	vld.idx.msk [tilespmem:v4+s2+$0x0], $0xffff  }
0x23f: {  	v6 =	vld.idx.msk [tilespmem:v6+s2+$0x0], $0xffff  }
0x240: {  	[tilespmem:s13+$0x9420] =	vst v9;
	v9 =	vld [tilespmem:$0x1FAD0]  }
0x241: {  	v8 =	vor.u32 $0xE, v50;
	[tilespmem:s13+$0x9430] =	vst v10;
	v10 =	vld [tilespmem:$0x1FAE0]  }
0x242: {  	v5 =	vld.idx.msk [tilespmem:v5+s2+$0x0], $0xffff  }
0x243: {  	[tilespmem:s13+$0x9410] =	vst v4;
	v4 =	vld [tilespmem:$0x1FAB0]  }
0x244: {  	[tilespmem:s13+$0x9380] =	vst v6;
	v6 =	vld [tilespmem:$0x1FAC0]  }
0x245: {  	[tilespmem:s13+$0x94F0] =	vst v0;
	v7 =	vld.idx.msk [tilespmem:v7+s2+$0x0], $0xffff  }
0x246: {  	v0 =	vld.idx.msk [tilespmem:v8+s2+$0x0], $0xffff  }
0x247: {  	[tilespmem:s13+$0x94B0] =	vst v5;
	v5 =	vld [tilespmem:$0x1FB50]  }
0x248: {  	v9 =	vld.idx.msk [tilespmem:v9+s2+$0x0], $0xffff  }
0x249: {  	v10 =	vld.idx.msk [tilespmem:v10+s2+$0x0], $0xffff  }
0x24a: {  	[tilespmem:s13+$0x94C0] =	vst v7;
	v7 =	vld [tilespmem:$0x1FB60]  }
0x24b: {  	v4 =	vld.idx.msk [tilespmem:v4+s2+$0x0], $0xffff  }
0x24c: {  	v6 =	vld.idx.msk [tilespmem:v6+s2+$0x0], $0xffff  }
0x24d: {  	[tilespmem:s13+$0x9490] =	vst v9;
	v9 =	vld [tilespmem:$0x1FB30]  }
0x24e: {  	v8 =	vor.u32 $0xF, v50;
	[tilespmem:s13+$0x94A0] =	vst v10;
	v10 =	vld [tilespmem:$0x1FB40]  }
0x24f: {  	v5 =	vld.idx.msk [tilespmem:v5+s2+$0x0], $0xffff  }
0x250: {  	[tilespmem:s13+$0x9460] =	vst v4;
	v4 =	vld [tilespmem:$0x1FB10]  }
0x251: {  	[tilespmem:s13+$0x9400] =	vst v6;
	v6 =	vld [tilespmem:$0x1FB20]  }
0x252: {  	[tilespmem:s13+$0x9570] =	vst v0;
	v7 =	vld.idx.msk [tilespmem:v7+s2+$0x0], $0xffff  }
0x253: {  	v0 =	vld.idx.msk [tilespmem:v8+s2+$0x0], $0xffff  }
0x254: {  	[tilespmem:s13+$0x9520] =	vst v5;
	v5 =	vld [tilespmem:$0x1FBB0]  }
0x255: {  	v9 =	vld.idx.msk [tilespmem:v9+s2+$0x0], $0xffff  }
0x256: {  	v10 =	vld.idx.msk [tilespmem:v10+s2+$0x0], $0xffff  }
0x257: {  	[tilespmem:s13+$0x9530] =	vst v7;
	v7 =	vld [tilespmem:$0x1FBC0]  }
0x258: {  	v4 =	vld.idx.msk [tilespmem:v4+s2+$0x0], $0xffff  }
0x259: {  	v6 =	vld.idx.msk [tilespmem:v6+s2+$0x0], $0xffff  }
0x25a: {  	[tilespmem:s13+$0x9480] =	vst v9;
	v9 =	vld [tilespmem:$0x1FB90]  }
0x25b: {  	v8 =	vor.u32 $0x10, v50;
	[tilespmem:s13+$0x9510] =	vst v10;
	v10 =	vld [tilespmem:$0x1FBA0]  }
0x25c: {  	v5 =	vld.idx.msk [tilespmem:v5+s2+$0x0], $0xffff  }
0x25d: {  	[tilespmem:s13+$0x94D0] =	vst v4;
	v4 =	vld [tilespmem:$0x1FB70]  }
0x25e: {  	[tilespmem:s13+$0x94E0] =	vst v6;
	v6 =	vld [tilespmem:$0x1FB80]  }
0x25f: {  	[tilespmem:s13+$0x95F0] =	vst v0;
	v7 =	vld.idx.msk [tilespmem:v7+s2+$0x0], $0xffff  }
0x260: {  	v0 =	vld.idx.msk [tilespmem:v8+s2+$0x0], $0xffff  }
0x261: {  	[tilespmem:s13+$0x9590] =	vst v5;
	v5 =	vld [tilespmem:$0x1FC00]  }
0x262: {  	v9 =	vld.idx.msk [tilespmem:v9+s2+$0x0], $0xffff  }
0x263: {  	v10 =	vld.idx.msk [tilespmem:v10+s2+$0x0], $0xffff  }
0x264: {  	[tilespmem:s13+$0x95A0] =	vst v7;
	v7 =	vld [tilespmem:$0x1FC20]  }
0x265: {  	v4 =	vld.idx.msk [tilespmem:v4+s2+$0x0], $0xffff  }
0x266: {  	v6 =	vld.idx.msk [tilespmem:v6+s2+$0x0], $0xffff  }
0x267: {  	[tilespmem:s13+$0x9560] =	vst v9;
	v9 =	vld [tilespmem:$0x1FBF0]  }
0x268: {  	v8 =	vor.u32 $0x11, v50;
	[tilespmem:s13+$0x9500] =	vst v10;
	v10 =	vld [tilespmem:$0x1FC10]  }
0x269: {  	v5 =	vld.idx.msk [tilespmem:v5+s2+$0x0], $0xffff  }
0x26a: {  	[tilespmem:s13+$0x9540] =	vst v4;
	v4 =	vld [tilespmem:$0x1FBD0]  }
0x26b: {  	[tilespmem:s13+$0x9550] =	vst v6;
	v6 =	vld [tilespmem:$0x1FBE0]  }
0x26c: {  	[tilespmem:s13+$0xA270] =	vst v0;
	v7 =	vld.idx.msk [tilespmem:v7+s2+$0x0], $0xffff  }
0x26d: {  	v0 =	vld.idx.msk [tilespmem:v8+s2+$0x0], $0xffff  }
0x26e: {  	[tilespmem:s13+$0x95E0] =	vst v5;
	v5 =	vld [tilespmem:$0x1FC60]  }
0x26f: {  	v9 =	vld.idx.msk [tilespmem:v9+s2+$0x0], $0xffff  }
0x270: {  	v10 =	vld.idx.msk [tilespmem:v10+s2+$0x0], $0xffff  }
0x271: {  	[tilespmem:s13+$0xA210] =	vst v7;
	v7 =	vld [tilespmem:$0x1FC70]  }
0x272: {  	v4 =	vld.idx.msk [tilespmem:v4+s2+$0x0], $0xffff  }
0x273: {  	v6 =	vld.idx.msk [tilespmem:v6+s2+$0x0], $0xffff  }
0x274: {  	[tilespmem:s13+$0x95D0] =	vst v9;
	v9 =	vld [tilespmem:$0x1FC50]  }
0x275: {  	v8 =	vor.u32 $0x12, v50;
	[tilespmem:s13+$0x9580] =	vst v10;
	v10 =	vld [tilespmem:$0x1FC80]  }
0x276: {  	v5 =	vld.idx.msk [tilespmem:v5+s2+$0x0], $0xffff  }
0x277: {  	[tilespmem:s13+$0x95B0] =	vst v4;
	v4 =	vld [tilespmem:$0x1FC30]  }
0x278: {  	[tilespmem:s13+$0x95C0] =	vst v6;
	v6 =	vld [tilespmem:$0x1FC40]  }
0x279: {  	[tilespmem:s13+$0xA2F0] =	vst v0;
	v7 =	vld.idx.msk [tilespmem:v7+s2+$0x0], $0xffff  }
0x27a: {  	v0 =	vld.idx.msk [tilespmem:v8+s2+$0x0], $0xffff  }
0x27b: {  	[tilespmem:s13+$0xA250] =	vst v5;
	v5 =	vld [tilespmem:$0x1FCC0]  }
0x27c: {  	v9 =	vld.idx.msk [tilespmem:v9+s2+$0x0], $0xffff  }
0x27d: {  	v10 =	vld.idx.msk [tilespmem:v10+s2+$0x0], $0xffff  }
0x27e: {  	[tilespmem:s13+$0xA260] =	vst v7;
	v7 =	vld [tilespmem:$0x1FCD0]  }
0x27f: {  	v4 =	vld.idx.msk [tilespmem:v4+s2+$0x0], $0xffff  }
0x280: {  	v6 =	vld.idx.msk [tilespmem:v6+s2+$0x0], $0xffff  }
0x281: {  	[tilespmem:s13+$0xA240] =	vst v9;
	v9 =	vld [tilespmem:$0x1FCB0]  }
0x282: {  	v8 =	vor.u32 $0x13, v50;
	[tilespmem:s13+$0xA200] =	vst v10;
	v10 =	vld [tilespmem:$0x1FCE0]  }
0x283: {  	v5 =	vld.idx.msk [tilespmem:v5+s2+$0x0], $0xffff  }
0x284: {  	[tilespmem:s13+$0xA220] =	vst v4;
	v4 =	vld [tilespmem:$0x1FC90]  }
0x285: {  	[tilespmem:s13+$0xA230] =	vst v6;
	v6 =	vld [tilespmem:$0x1FCA0]  }
0x286: {  	[tilespmem:s13+$0xA370] =	vst v0;
	v7 =	vld.idx.msk [tilespmem:v7+s2+$0x0], $0xffff  }
0x287: {  	v0 =	vld.idx.msk [tilespmem:v8+s2+$0x0], $0xffff  }
0x288: {  	[tilespmem:s13+$0xA2C0] =	vst v5;
	v5 =	vld [tilespmem:$0x1FD20]  }
0x289: {  	v9 =	vld.idx.msk [tilespmem:v9+s2+$0x0], $0xffff  }
0x28a: {  	v10 =	vld.idx.msk [tilespmem:v10+s2+$0x0], $0xffff  }
0x28b: {  	[tilespmem:s13+$0xA2D0] =	vst v7;
	v7 =	vld [tilespmem:$0x1FD30]  }
0x28c: {  	v4 =	vld.idx.msk [tilespmem:v4+s2+$0x0], $0xffff  }
0x28d: {  	v6 =	vld.idx.msk [tilespmem:v6+s2+$0x0], $0xffff  }
0x28e: {  	[tilespmem:s13+$0xA2B0] =	vst v9;
	v9 =	vld [tilespmem:$0x1FD10]  }
0x28f: {  	v8 =	vor.u32 $0x14, v50;
	[tilespmem:s13+$0xA2E0] =	vst v10;
	v10 =	vld [tilespmem:$0x1FD40]  }
0x290: {  	v5 =	vld.idx.msk [tilespmem:v5+s2+$0x0], $0xffff  }
0x291: {  	[tilespmem:s13+$0xA290] =	vst v4;
	v4 =	vld [tilespmem:$0x1FCF0]  }
0x292: {  	[tilespmem:s13+$0xA2A0] =	vst v6;
	v6 =	vld [tilespmem:$0x1FD00]  }
0x293: {  	v48 =	vld [tilespmem:$0x1F910];
	[tilespmem:s13+$0xA3F0] =	vst v0  }
0x294: {  	v0 =	vld.idx.msk [tilespmem:v8+s2+$0x0], $0xffff  }
0x295: {  	[tilespmem:s13+$0xA330] =	vst v5;
	v5 =	vld [tilespmem:$0x1FD80]  }
0x296: {  	v7 =	vld.idx.msk [tilespmem:v7+s2+$0x0], $0xffff  }
0x297: {  	v9 =	vld.idx.msk [tilespmem:v9+s2+$0x0], $0xffff  }
0x298: {  	v10 =	vld.idx.msk [tilespmem:v10+s2+$0x0], $0xffff  }
0x299: {  	v4 =	vld.idx.msk [tilespmem:v4+s2+$0x0], $0xffff  }
0x29a: {  	v6 =	vld.idx.msk [tilespmem:v6+s2+$0x0], $0xffff  }
0x29b: {  	[tilespmem:s13+$0xA340] =	vst v7;
	v7 =	vld [tilespmem:$0x1FD90]  }
0x29c: {  	[tilespmem:s13+$0xA320] =	vst v9;
	v9 =	vld [tilespmem:$0x1FD70]  }
0x29d: {  	v8 =	vor.u32 $0x15, v50;
	v5 =	vld.idx.msk [tilespmem:v5+s2+$0x0], $0xffff  }
0x29e: {  	[tilespmem:s13+$0xA280] =	vst v4;
	v4 =	vld [tilespmem:$0x1FD50]  }
0x29f: {  	[tilespmem:s13+$0xA310] =	vst v6;
	v6 =	vld [tilespmem:$0x1FD60]  }
0x2a0: {  	[tilespmem:s13+$0xA350] =	vst v10;
	v10 =	vld [tilespmem:$0x1FDA0]  }
0x2a1: {  	v46 =	vld [tilespmem:$0x1F930];
	[tilespmem:s13+$0xA470] =	vst v0  }
0x2a2: {  	v0 =	vld.idx.msk [tilespmem:v8+s2+$0x0], $0xffff  }
0x2a3: {  	[tilespmem:$0x1FDE0] =	vst v16;
	v7 =	vld.idx.msk [tilespmem:v7+s2+$0x0], $0xffff  }
0x2a4: {  	[tilespmem:s13+$0xA3A0] =	vst v5;
	v5 =	vld [tilespmem:$0x1FDE0]  }
0x2a5: {  	v8 =	vor.u32 $0x16, v50;
	v9 =	vld.idx.msk [tilespmem:v9+s2+$0x0], $0xffff  }
0x2a6: {  	v4 =	vld.idx.msk [tilespmem:v4+s2+$0x0], $0xffff  }
0x2a7: {  	v6 =	vld.idx.msk [tilespmem:v6+s2+$0x0], $0xffff  }
0x2a8: {  	[tilespmem:s13+$0xA4F0] =	vst v0;
	v10 =	vld.idx.msk [tilespmem:v10+s2+$0x0], $0xffff  }
0x2a9: {  	[tilespmem:s13+$0xA3B0] =	vst v7;
	v7 =	vld [tilespmem:$0x1FDF0]  }
0x2aa: {  	v0 =	vld.idx.msk [tilespmem:v8+s2+$0x0], $0xffff;
	[tilespmem:s13+$0xA390] =	vst v9  }
0x2ab: {  	v8 =	vor.u32 $0x17, v50;
	[tilespmem:s13+$0xA360] =	vst v4;
	v4 =	vld [tilespmem:$0x1FDB0]  }
0x2ac: {  	[tilespmem:s13+$0xA300] =	vst v6;
	v6 =	vld [tilespmem:$0x1FDC0]  }
0x2ad: {  	v5 =	vld.idx.msk [tilespmem:v5+s2+$0x0], $0xffff  }
0x2ae: {  	[tilespmem:s13+$0xA3C0] =	vst v10;
	v10 =	vld [tilespmem:$0x1FE00]  }
0x2af: {  	v49 =	vld [tilespmem:$0x1F920];
	[tilespmem:s13+$0xA570] =	vst v0  }
0x2b0: {  	v0 =	vld.idx.msk [tilespmem:v8+s2+$0x0], $0xffff  }
0x2b1: {  	v7 =	vld.idx.msk [tilespmem:v7+s2+$0x0], $0xffff  }
0x2b2: {  	[tilespmem:s13+$0xA410] =	vst v5;
	v5 =	vld [tilespmem:$0x1FE30]  }
0x2b3: {  	v4 =	vld.idx.msk [tilespmem:v4+s2+$0x0], $0xffff  }
0x2b4: {  	v6 =	vld.idx.msk [tilespmem:v6+s2+$0x0], $0xffff  }
0x2b5: {  	v9 =	vld [tilespmem:$0x1FDD0]  }
0x2b6: {  	v10 =	vld.idx.msk [tilespmem:v10+s2+$0x0], $0xffff  }
0x2b7: {  	[tilespmem:s13+$0xA420] =	vst v7;
	v7 =	vld [tilespmem:$0x1FE50]  }
0x2b8: {  	[tilespmem:s13+$0xA3D0] =	vst v4;
	v4 =	vld [tilespmem:$0x1FE10]  }
0x2b9: {  	[tilespmem:s13+$0xA3E0] =	vst v6;
	v6 =	vld [tilespmem:$0x1FE20]  }
0x2ba: {  	v1 =	vor.u32 $0x16, v21;
	v5 =	vld.idx.msk [tilespmem:v5+s2+$0x0], $0xffff  }
0x2bb: {  	[tilespmem:$0x1FED0] =	vst v1;
	v45 =	vld [tilespmem:$0x1F940]  }
0x2bc: {  	[tilespmem:s13+$0xA430] =	vst v10;
	v10 =	vld [tilespmem:$0x1FE60]  }
0x2bd: {  	[tilespmem:s13+$0xA5F0] =	vst v0;
	v0 =	vld [tilespmem:$0x1FED0]  }
0x2be: {  	v9 =	vld.idx.msk [tilespmem:v9+s2+$0x0], $0xffff  }
0x2bf: {  	[tilespmem:s13+$0xA460] =	vst v5;
	v5 =	vld [tilespmem:$0x1FE90]  }
0x2c0: {  	v4 =	vld.idx.msk [tilespmem:v4+s2+$0x0], $0xffff  }
0x2c1: {  	v8 =	vor.u32 $0x18, v50;
	v7 =	vld.idx.msk [tilespmem:v7+s2+$0x0], $0xffff  }
0x2c2: {  	v6 =	vld.idx.msk [tilespmem:v6+s2+$0x0], $0xffff  }
0x2c3: {  	[tilespmem:s13+$0xA380] =	vst v9;
	v9 =	vld [tilespmem:$0x1FE40]  }
0x2c4: {  	v10 =	vld.idx.msk [tilespmem:v10+s2+$0x0], $0xffff  }
0x2c5: {  	[tilespmem:s13+$0xA440] =	vst v4;
	v4 =	vld [tilespmem:$0x1FE70]  }
0x2c6: {  	[tilespmem:s13+$0xA490] =	vst v7;
	v7 =	vld.idx.msk [tilespmem:v8+s2+$0x0], $0xffff  }
0x2c7: {  	[tilespmem:s13+$0xA450] =	vst v6;
	v6 =	vld [tilespmem:$0x1FE80]  }
0x2c8: {  	v23 =	vld.idx.msk [tilespmem:v5+s2+$0x0], $0xffff  }
0x2c9: {  	v31 =	vor.u32 $0x1D, v18;
	v38 =	vor.u32 $0x1D, v24;
	v1 =	vor.u32 $0x16, v22;
	[tilespmem:s13+$0xA4A0] =	vst v10;
	v5 =	vld [tilespmem:$0x1FEA0]  }
0x2ca: {  	v29 =	vor.u32 $0x1E, v24;
	v30 =	vor.u32 $0x1E, v18;
	v58 =	vor.u32 $0x19, v22;
	[tilespmem:$0x1FEE0] =	vst v1;
	v8 =	vld.idx.msk [tilespmem:v0+s2+$0x0], $0xffff  }
0x2cb: {  	v57 =	vor.u32 $0x19, v24;
	v36 =	vor.u32 $0x19, v18;
	v16 =	vor.u32 $0x17, v18;
	v0 =	vld [tilespmem:$0x1FEE0]  }
0x2cc: {  	v17 =	vor.u32 $0x17, v24;
	v12 =	vor.u32 $0x18, v22;
	v1 =	vor.u32 $0x16, v24;
	v37 =	vld [tilespmem:$0x1F9B0]  }
0x2cd: {  	v19 =	vor.u32 $0x17, v22;
	v11 =	vor.u32 $0x18, v24;
	[tilespmem:$0x1FEF0] =	vst v1;
	v1 =	vor.u32 $0x16, v18;
	v4 =	vld.idx.msk [tilespmem:v4+s2+$0x0], $0xffff  }
0x2ce: {  	v56 =	vor.u32 $0x1E, v22;
	v63 =	vor.u32 $0x18, v18;
	v59 =	vor.u32 $0x1A, v18;
	v9 =	vld.idx.msk [tilespmem:v9+s2+$0x0], $0xffff  }
0x2cf: {  	v53 =	vor.u32 $0x1F, v22;
	v22 =	vor.u32 $0x1F, v24;
	v24 =	vor.u32 $0x1F, v18;
	v18 =	vld.idx.msk [tilespmem:v6+s2+$0x0], $0xffff  }
0x2d0: {  	v6 =	vld [tilespmem:$0x1FEC0]  }
0x2d1: {  	v25 =	vld.idx.msk [tilespmem:v5+s2+$0x0], $0xffff  }
0x2d2: {  	v5 =	vld [tilespmem:$0x1FEB0];
	[tilespmem:s13+$0xA4B0] =	vst v4  }
0x2d3: {  	[tilespmem:s13+$0xA400] =	vst v9;
	v9 =	vld.idx.msk [tilespmem:v0+s2+$0x0], $0xffff  }
0x2d4: {  	v0 =	vld [tilespmem:$0x1FEF0]  }
0x2d5: {  	v51 =	vld [tilespmem:$0x1F950]  }
0x2d6: {  	v35 =	vld [tilespmem:$0x1F9D0]  }
0x2d7: {  	p0 =	slt.u32 s14, $0x18;
	v44 =	vld [tilespmem:$0x1FA30]  }
.Ltmp0:
0x2d8: {  	[tilespmem:$0x1FF80] =	vst v28;
	v28 =	vor.u32 $0x1C, v21;
	v40 =	vld [tilespmem:$0x1FA50];
	(pc) =	sbr.rel @p0 .LBB2_2-.Ltmp0, $4  }
0x2d9: {  	[tilespmem:$0x1FF90] =	vst v28;
	v47 =	vld [tilespmem:$0x1FAA0]  }
0x2da: {  	v60 =	vor.u32 $0x19, v21;
	[tilespmem:s13+$0xA4D0] =	vst v23;
	v6 =	vld.idx.msk [tilespmem:v6+s2+$0x0], $0xffff  }
0x2db: {  	v34 =	vor.u32 $0x17, v21;
	v28 =	vor.u32 $0x1E, v21;
	v13 =	vor.u32 $0x18, v21;
	[tilespmem:s13+$0xA4C0] =	vst v18;
	v5 =	vld.idx.msk [tilespmem:v5+s2+$0x0], $0xffff  }
0x2dc: {  	s14 =	sadd.s32 $0x8, s14;
	v41 =	vor.u32 $0x1D, v21;
	v21 =	vor.u32 $0x1F, v21;
	v10 =	vor.u32 $0x19, v50;
	[tilespmem:s13+$0xA4E0] =	vst v25;
	v4 =	vld.idx.msk [tilespmem:v0+s2+$0x0], $0xffff  }
0x2dd: {  	_ =	sdelay $0x3  }
0x2de: {  	v0 =	vld.idx.msk [tilespmem:v1+s2+$0x0], $0xffff;
	[tilespmem:s13+$0xB270] =	vst v7  }
0x2df: {  	v27 =	vld.idx.msk [tilespmem:v3+s2+$0x0], $0xffff;
	[tilespmem:s13+$0xA520] =	vst v8  }
0x2e0: {  	[tilespmem:s13+$0xA530] =	vst v9;
	v39 =	vld.idx.msk [tilespmem:v10+s2+$0x0], $0xffff  }
0x2e1: {  	v8 =	vld.idx.msk [tilespmem:v34+s2+$0x0], $0xffff;
	[tilespmem:s13+$0xA510] =	vst v6  }
0x2e2: {  	v9 =	vld.idx.msk [tilespmem:v19+s2+$0x0], $0xffff;
	[tilespmem:s13+$0xA480] =	vst v5  }
0x2e3: {  	v5 =	vld.idx.msk [tilespmem:v51+s2+$0x0], $0xffff;
	[tilespmem:s13+$0xA540] =	vst v4;
	v51 =	vor.u32 $0x1A, v50  }
0x2e4: {  	v42 =	vld.idx.msk [tilespmem:v42+s2+$0x0], $0xffff;
	[tilespmem:s13+$0xA550] =	vst v0  }
0x2e5: {  	[tilespmem:s13+$0xA560] =	vst v27  }
0x2e6: {  	v10 =	vld.idx.msk [tilespmem:v17+s2+$0x0], $0xffff;
	[tilespmem:s13+$0xB2F0] =	vst v39  }
0x2e7: {  	v17 =	vld.idx.msk [tilespmem:v16+s2+$0x0], $0xffff;
	[tilespmem:s13+$0xA5A0] =	vst v8  }
0x2e8: {  	[tilespmem:s13+$0xA5B0] =	vst v9;
	v18 =	vld.idx.msk [tilespmem:v51+s2+$0x0], $0xffff  }
0x2e9: {  	v19 =	vor.u32 $0x1B, v50;
	v2 =	vld.idx.msk [tilespmem:v2+s2+$0x0], $0xffff;
	[tilespmem:s13+$0xA590] =	vst v42  }
0x2ea: {  	v27 =	vld.idx.msk [tilespmem:v13+s2+$0x0], $0xffff;
	[tilespmem:s13+$0xA500] =	vst v5  }
0x2eb: {  	v34 =	vld.idx.msk [tilespmem:v12+s2+$0x0], $0xffff;
	[tilespmem:s13+$0xA5C0] =	vst v10  }
0x2ec: {  	v25 =	vld.idx.msk [tilespmem:v14+s2+$0x0], $0xffff;
	[tilespmem:s13+$0xA5D0] =	vst v17  }
0x2ed: {  	v23 =	vld.idx.msk [tilespmem:v49+s2+$0x0], $0xffff;
	[tilespmem:s13+$0xB370] =	vst v18  }
0x2ee: {  	[tilespmem:s13+$0xA5E0] =	vst v2;
	v0 =	vld.idx.msk [tilespmem:v19+s2+$0x0], $0xffff  }
0x2ef: {  	v42 =	vor.u32 $0x1C, v50;
	v39 =	vld.idx.msk [tilespmem:v11+s2+$0x0], $0xffff;
	[tilespmem:s13+$0xB220] =	vst v27  }
0x2f0: {  	v49 =	vld.idx.msk [tilespmem:v63+s2+$0x0], $0xffff;
	[tilespmem:s13+$0xB230] =	vst v34  }
0x2f1: {  	v51 =	vld.idx.msk [tilespmem:v26+s2+$0x0], $0xffff;
	[tilespmem:s13+$0xB210] =	vst v25  }
0x2f2: {  	v9 =	vld.idx.msk [tilespmem:v60+s2+$0x0], $0xffff;
	[tilespmem:s13+$0xA580] =	vst v23  }
0x2f3: {  	v11 =	vld.idx.msk [tilespmem:v58+s2+$0x0], $0xffff;
	[tilespmem:s13+$0xB3F0] =	vst v0  }
0x2f4: {  	[tilespmem:s13+$0xB240] =	vst v39;
	v1 =	vld.idx.msk [tilespmem:v42+s2+$0x0], $0xffff  }
0x2f5: {  	v10 =	vor.u32 $0x1D, v50;
	v8 =	vld.idx.msk [tilespmem:v61+s2+$0x0], $0xffff;
	[tilespmem:s13+$0xB250] =	vst v49  }
0x2f6: {  	v63 =	vld.idx.msk [tilespmem:v48+s2+$0x0], $0xffff;
	[tilespmem:s13+$0xB260] =	vst v51  }
0x2f7: {  	v12 =	vld.idx.msk [tilespmem:v57+s2+$0x0], $0xffff;
	[tilespmem:s13+$0xB2A0] =	vst v9  }
0x2f8: {  	v13 =	vld.idx.msk [tilespmem:v36+s2+$0x0], $0xffff;
	[tilespmem:s13+$0xB2B0] =	vst v11  }
0x2f9: {  	v14 =	vld.idx.msk [tilespmem:v15+s2+$0x0], $0xffff;
	[tilespmem:s13+$0xB470] =	vst v1  }
0x2fa: {  	[tilespmem:s13+$0xB290] =	vst v8;
	v15 =	vld.idx.msk [tilespmem:v10+s2+$0x0], $0xffff  }
0x2fb: {  	[tilespmem:s13+$0xB200] =	vst v63  }
0x2fc: {  	[tilespmem:s13+$0xB2C0] =	vst v12  }
0x2fd: {  	v4 =	vld [tilespmem:$0x1FF00];
	[tilespmem:s13+$0xB2D0] =	vst v13  }
0x2fe: {  	v0 =	vld [tilespmem:$0x1FF10];
	[tilespmem:s13+$0xB2E0] =	vst v14  }
0x2ff: {  	v1 =	vld [tilespmem:$0x1FF20];
	[tilespmem:s13+$0xB4F0] =	vst v15  }
0x300: {  	v2 =	vld [tilespmem:$0x1FF30];
	_ =	sdelay $0x3  }
0x301: {  	v16 =	vld.idx.msk [tilespmem:v47+s2+$0x0], $0xffff  }
0x302: {  	v4 =	vld.idx.msk [tilespmem:v4+s2+$0x0], $0xffff  }
0x303: {  	v0 =	vld.idx.msk [tilespmem:v0+s2+$0x0], $0xffff  }
0x304: {  	v1 =	vld.idx.msk [tilespmem:v1+s2+$0x0], $0xffff  }
0x305: {  	v2 =	vld.idx.msk [tilespmem:v2+s2+$0x0], $0xffff  }
0x306: {  	[tilespmem:s13+$0xB280] =	vst v16  }
0x307: {  	[tilespmem:s13+$0xB310] =	vst v4  }
0x308: {  	[tilespmem:s13+$0xB320] =	vst v0  }
0x309: {  	[tilespmem:s13+$0xB330] =	vst v1  }
0x30a: {  	v17 =	vor.u32 $0x1E, v50;
	[tilespmem:s13+$0xB340] =	vst v2  }
0x30b: {  	v2 =	vld [tilespmem:$0x1FF40];
	_ =	sdelay $0x3  }
0x30c: {  	v18 =	vld.idx.msk [tilespmem:v17+s2+$0x0], $0xffff  }
0x30d: {  	v19 =	vld.idx.msk [tilespmem:v59+s2+$0x0], $0xffff  }
0x30e: {  	v25 =	vld.idx.msk [tilespmem:v62+s2+$0x0], $0xffff  }
0x30f: {  	v26 =	vld.idx.msk [tilespmem:v46+s2+$0x0], $0xffff  }
0x310: {  	v2 =	vld.idx.msk [tilespmem:v2+s2+$0x0], $0xffff  }
0x311: {  	[tilespmem:s13+$0xB570] =	vst v18  }
0x312: {  	v3 =	vld [tilespmem:$0x1FF50];
	[tilespmem:s13+$0xB350] =	vst v19  }
0x313: {  	[tilespmem:s13+$0xB360] =	vst v25  }
0x314: {  	v0 =	vld [tilespmem:$0x1FF60];
	[tilespmem:s13+$0xB300] =	vst v26  }
0x315: {  	v1 =	vld [tilespmem:$0x1FF70];
	[tilespmem:s13+$0xB390] =	vst v2  }
0x316: {  	v23 =	vor.u32 $0x1F, v50;
	v2 =	vld [tilespmem:$0x1FFE0];
	_ =	sdelay $0x3  }
0x317: {  	v3 =	vld.idx.msk [tilespmem:v3+s2+$0x0], $0xffff  }
0x318: {  	v27 =	vld.idx.msk [tilespmem:v23+s2+$0x0], $0xffff  }
0x319: {  	v0 =	vld.idx.msk [tilespmem:v0+s2+$0x0], $0xffff  }
0x31a: {  	v1 =	vld.idx.msk [tilespmem:v1+s2+$0x0], $0xffff  }
0x31b: {  	v2 =	vld.idx.msk [tilespmem:v2+s2+$0x0], $0xffff  }
0x31c: {  	v34 =	vld.idx.msk [tilespmem:v55+s2+$0x0], $0xffff;
	[tilespmem:s13+$0xB3A0] =	vst v3  }
0x31d: {  	v36 =	vld.idx.msk [tilespmem:v45+s2+$0x0], $0xffff;
	[tilespmem:s13+$0xB5F0] =	vst v27  }
0x31e: {  	[tilespmem:s13+$0xB3B0] =	vst v0  }
0x31f: {  	v0 =	vld [tilespmem:$0x1FF80];
	[tilespmem:s13+$0xB3C0] =	vst v1  }
0x320: {  	v1 =	vld [tilespmem:$0x1FF90];
	[tilespmem:s13+$0xB3D0] =	vst v2  }
0x321: {  	v2 =	vld [tilespmem:$0x1FFA0];
	[tilespmem:s13+$0xB3E0] =	vst v34  }
0x322: {  	v3 =	vld [tilespmem:$0x1FFB0];
	[tilespmem:s13+$0xB380] =	vst v36  }
0x323: {  	v4 =	vld [tilespmem:$0x1FFF0];
	_ =	sdelay $0x3  }
0x324: {  	v0 =	vld.idx.msk [tilespmem:v0+s2+$0x0], $0xffff  }
0x325: {  	v1 =	vld.idx.msk [tilespmem:v1+s2+$0x0], $0xffff  }
0x326: {  	v2 =	vld.idx.msk [tilespmem:v2+s2+$0x0], $0xffff  }
0x327: {  	v3 =	vld.idx.msk [tilespmem:v3+s2+$0x0], $0xffff  }
0x328: {  	v4 =	vld.idx.msk [tilespmem:v4+s2+$0x0], $0xffff  }
0x329: {  	[tilespmem:s13+$0xB410] =	vst v0  }
0x32a: {  	[tilespmem:s13+$0xB420] =	vst v1  }
0x32b: {  	v39 =	vld.idx.msk [tilespmem:v43+s2+$0x0], $0xffff;
	[tilespmem:s13+$0xB430] =	vst v2  }
0x32c: {  	v2 =	vld [tilespmem:$0x1FFC0];
	[tilespmem:s13+$0xB440] =	vst v3  }
0x32d: {  	v43 =	vld.idx.msk [tilespmem:v41+s2+$0x0], $0xffff;
	[tilespmem:s13+$0xB450] =	vst v4  }
0x32e: {  	v4 =	vld [tilespmem:$0x1FFD0]  }
0x32f: {  	v42 =	vld.idx.msk [tilespmem:v44+s2+$0x0], $0xffff  }
0x330: {  	v44 =	vld.idx.msk [tilespmem:v38+s2+$0x0], $0xffff  }
0x331: {  	[tilespmem:s13+$0xB460] =	vst v39;
	v45 =	vld.idx.msk [tilespmem:v31+s2+$0x0], $0xffff  }
0x332: {  	[tilespmem:s13+$0xB4A0] =	vst v43;
	v46 =	vld.idx.msk [tilespmem:v32+s2+$0x0], $0xffff  }
0x333: {  	v49 =	vld.idx.msk [tilespmem:v28+s2+$0x0], $0xffff  }
0x334: {  	[tilespmem:s13+$0xB400] =	vst v42;
	v2 =	vld.idx.msk [tilespmem:v2+s2+$0x0], $0xffff  }
0x335: {  	v47 =	vld.idx.msk [tilespmem:v35+s2+$0x0], $0xffff;
	[tilespmem:s13+$0xB4C0] =	vst v44  }
0x336: {  	[tilespmem:s13+$0xB4D0] =	vst v45;
	v4 =	vld.idx.msk [tilespmem:v4+s2+$0x0], $0xffff  }
0x337: {  	v51 =	vld.idx.msk [tilespmem:v29+s2+$0x0], $0xffff;
	[tilespmem:s13+$0xB4E0] =	vst v46  }
0x338: {  	[tilespmem:s13+$0xB520] =	vst v49;
	v55 =	vld.idx.msk [tilespmem:v20+s2+$0x0], $0xffff  }
0x339: {  	v58 =	vld.idx.msk [tilespmem:v21+s2+$0x0], $0xffff;
	[tilespmem:s13+$0xB490] =	vst v2  }
0x33a: {  	[tilespmem:s13+$0xB480] =	vst v47;
	v48 =	vld.idx.msk [tilespmem:v54+s2+$0x0], $0xffff  }
0x33b: {  	v54 =	vld.idx.msk [tilespmem:v30+s2+$0x0], $0xffff;
	[tilespmem:s13+$0xB4B0] =	vst v4  }
0x33c: {  	[tilespmem:s13+$0xB540] =	vst v51;
	v50 =	vld.idx.msk [tilespmem:v56+s2+$0x0], $0xffff  }
0x33d: {  	[tilespmem:s13+$0xB560] =	vst v55;
	v56 =	vld.idx.msk [tilespmem:v37+s2+$0x0], $0xffff  }
0x33e: {  	v60 =	vld.idx.msk [tilespmem:v22+s2+$0x0], $0xffff;
	[tilespmem:s13+$0xB5A0] =	vst v58  }
0x33f: {  	v62 =	vld.idx.msk [tilespmem:v33+s2+$0x0], $0xffff;
	[tilespmem:s13+$0xB510] =	vst v48  }
0x340: {  	[tilespmem:s13+$0xB550] =	vst v54;
	v57 =	vld.idx.msk [tilespmem:v52+s2+$0x0], $0xffff  }
0x341: {  	v61 =	vld.idx.msk [tilespmem:v24+s2+$0x0], $0xffff;
	[tilespmem:s13+$0xB530] =	vst v50  }
0x342: {  	[tilespmem:s13+$0xB500] =	vst v56;
	v59 =	vld.idx.msk [tilespmem:v53+s2+$0x0], $0xffff  }
0x343: {  	[tilespmem:s13+$0xB5C0] =	vst v60;
	v63 =	vld.idx.msk [tilespmem:v40+s2+$0x0], $0xffff  }
0x344: {  	[tilespmem:s13+$0xB5E0] =	vst v62  }
0x345: {  	[tilespmem:s13+$0xB590] =	vst v57  }
0x346: {  	s12 =	sadd.s32 $0x1, s12;
	[tilespmem:s13+$0xB5D0] =	vst v61  }
0x347: {  	p0 =	sne.s32 s12, s7;
	[tilespmem:s13+$0xB5B0] =	vst v59  }
.Ltmp1:
0x348: {  	[tilespmem:s13+$0xB580] =	vst v63;
	(pc) =	sbr.rel @p0 .LBB2_1-.Ltmp1, $4  }
0x349: {  	[hbm4b:s6+s9] =	stream.strided.scatter [tilespmem:s11], [sflag:$0x1], $0x4000, s10, s9, $0x38;
	[tilespmem:$0xC200] =	vst v63  }
0x34a: {  	_ =	swait.ge [sflag:s4], $0x4000  }
0x34b: {  	[sflag:s4] =	ssyncset.done $0x0  }
0x34c: {  	[sflag:s4] =	ssyncadd.s32 $0xFFFFC000  }
0x34d: {  	_ =	sfence.sel $0x180000  }
0x34e: {  	[bflag:$0x0] =	sbarrier.arrive $0xFFFF  }
0x34f: {  	p0 =	sne.s32 s0, $0x0;
	_ =	strace $0x90000047  }
0x350: {  	s0 =	sadd.s32 @!p0 $0x100000, s1;
	[bflag:$0x2] =	sbarrier.arrive $0xFFFF  }
0x351: {  	[sflag:s0] =	ssyncadd.tile.s32 @!p0 $0x1;
	_ =	shalt  }
.Lfunc_end2:
_tile_overlayer_lowered:
.L_overlay_start_2:
0x352: {  	(tag) =	ssettag $0x2  }
0x353: {  	s0 =	rddreg [dreg:$0x0];
	s2 =	stileid.u32  }
0x354: {  	s1 =	rddreg [dreg:$0x1];
	p0 =	sne.s32 s2, $0x0  }
0x355: {  	s3 =	rddreg [dreg:$0x2];
	[bflag:$0x3] =	sbarrier.arrive $0xFFFF;
	s2 =	simm.s32 @!p0 $0x1C01  }
0x356: {  	[timem:s3], [sflag:s2] =	dma.local @!p0 [hbm:s0], s1  }
0x357: {  	s0 =	simm.s32 @!p0 $0x1  }
0x358: {  	_ =	swait.ge @!p0 [sflag:s0], s1  }
0x359: {  	s1 =	ssub.s32 @!p0 $0x0, s1;
	[sflag:s0] =	ssyncset.done @!p0 $0x0  }
0x35a: {  	[sflag:s0] =	ssyncadd.s32 @!p0 s1  }
0x35b: {  	[bflag:$0x3] =	sbarrier.arrive $0xFFFF  }
0x35c: {  	_ =	shalt  }

// kernel: kernel.9.cloned.1.call-start
scs
__scs_entry_jumppad:
0x0: {  	(pc) =	sbr.rel $0x88, $3  }
0x1: {  	(tag) =	ssettag $0x0;
	lr =	simm.s32 $0x1  }
0x2: {  	[smem:$0x3F9F] =	sst lr;
	_ =	strace $0xD0000000  }
0x3: {  	_ = 	snop  }
0x4: {  	_ = 	snop  }
0x5: {  	_ = 	snop  }
0x6: {  	_ = 	snop  }
0x7: {  	_ = 	snop  }
__scs_overlays_trampoline_lowered:
0x8: {  	[smem:$0x3FAE] =	sst s0  }
0x9: {  	[smem:$0x3FAF] =	sst s1  }
0xa: {  	[smem:$0x3FB0] =	sst s2  }
0xb: {  	[smem:$0x3FB1] =	sst s3  }
0xc: {  	[smem:$0x3FB2] =	sst s4  }
0xd: {  	[smem:$0x3FB3] =	sst s5  }
0xe: {  	[smem:$0x3FB4] =	sst s6  }
0xf: {  	[smem:$0x3FB5] =	sst s7  }
0x10: {  	[smem:$0x3FB6] =	sst s8  }
0x11: {  	[smem:$0x3FB7] =	sst s9;
	s0 =	simm.s32 @!p0 $0x0  }
0x12: {  	s1 =	sld [smem:$0x3F9D];
	s0 =	simm.s32 @p0 $0x1  }
0x13: {  	[smem:$0x3FB8] =	sst s0;
	s0 =	simm.s32 @!p1 $0x0  }
0x14: {  	s2 =	sld [smem:$0x3F9C];
	s0 =	simm.s32 @p1 $0x1  }
0x15: {  	[smem:$0x3FB9] =	sst s0;
	s0 =	simm.s32 @!p2 $0x0  }
0x16: {  	s3 =	sld [smem:$0x3FDB];
	s0 =	simm.s32 @p2 $0x1  }
0x17: {  	s4 =	simm.s32 $0x1BF5;
	[smem:$0x3FBB] =	sst s0  }
0x18: {  	s0 =	sld [smem:$0x3F9E];
	_ =	swait.ge [sflag:s4], $0x0  }
0x19: {  	s7 =	sld [smem:$0x3F9F]  }
0x1a: {  	s8 =	sadd.s32 $0xFFFFE003, lr  }
0x1b: {  	s9 =	sadd.s32 $0xFFFFFEF7, lr;
	s5 =	simm.s32 $0xFFFFFFFF;
	p2 =	slt.u32 s8, $0xFFFFF086  }
0x1c: {  	p1 =	slt.u32 s9, $0xF7A;
	s5 =	simm.s32 @!p2 $0x0  }
0x1d: {  	s5 =	simm.s32 @p1 $0x1;
	p0 =	seq.s32 s7, s2  }
0x1e: {  	s7 =	smul.u32 @!p0 $0xF7A, s2;
	p2 =	seq.s32 @!p0 s5, $0x0  }
0x1f: {  	s9 =	smul.u32 $0xF7A, s1;
	s8 =	simm.s32 @!p0 $0x1BF5;
	p2 =	por !p2, p0  }
0x20: {  	[sflag:s8] =	ssyncset.s32 @!p0 $0xFFFFF086;
	s6 =	sadd.s32 @!p0 s3, s7;
	s7 =	simm.s32 @!p0 $0x108  }
0x21: {  	s3 =	sadd.s32 s3, s9;
	s6 =	sadd.s32 @!p0 $0x88, s6;
	s7 =	simm.s32 @p2 $0x1082  }
0x22: {  	[simem:s7], [sflag:s8] =	dma.local @!p0 [hbm:s6], $0xF7A  }
0x23: {  	s9 =	sor.u32 $0xD0000000, s2;
	s6 =	simm.s32 $0x108;
	_ =	swait.ge @!p0 [sflag:s8], $0x0  }
0x24: {  	s3 =	sadd.s32 $0x88, s3;
	s6 =	simm.s32 @!p1 $0x1082;
	[sflag:s4] =	ssyncset.s32 $0xFFFFF086  }
0x25: {  	[simem:s6], [sflag:s4] =	dma.local [hbm:s3], $0xF7A  }
0x26: {  	[smem:$0x3F9F] =	sst s1;
	(tag) =	ssettag s2;
	_ =	strace s9  }
0x27: {  	s1 =	sld [smem:$0x3FAF]  }
0x28: {  	s2 =	sld [smem:$0x3FB0]  }
0x29: {  	s4 =	sld [smem:$0x3FB2]  }
0x2a: {  	p0 =	seq.s32 s5, $0x0;
	s5 =	sld [smem:$0x3FB3]  }
0x2b: {  	s6 =	sld [smem:$0x3FB4]  }
0x2c: {  	s7 =	sld [smem:$0x3FB5]  }
0x2d: {  	s3 =	simm.s32 $0x108;
	s8 =	sld [smem:$0x3FB6]  }
0x2e: {  	s3 =	simm.s32 @!p0 $0x1082;
	s9 =	sld [smem:$0x3FB7]  }
0x2f: {  	lr =	sadd.s32 s0, s3;
	s0 =	sld [smem:$0x3FAE]  }
0x30: {  	s3 =	sld [smem:$0x3FB1]  }
0x31: {  	[smem:$0x3FBA] =	sst s10  }
0x32: {  	s10 =	sld [smem:$0x3FB8];
	_ =	sdelay $0x3  }
0x33: {  	p0 =	seq.s32 s10, $0x1;
	s10 =	sld [smem:$0x3FBA];
	_ =	sdelay $0x3  }
0x34: {  	[smem:$0x3FBA] =	sst s10  }
0x35: {  	s10 =	sld [smem:$0x3FB9];
	_ =	sdelay $0x3  }
0x36: {  	p1 =	seq.s32 s10, $0x1;
	s10 =	sld [smem:$0x3FBA];
	_ =	sdelay $0x3  }
0x37: {  	[smem:$0x3FBA] =	sst s10  }
0x38: {  	s10 =	sld [smem:$0x3FBB]  }
0x39: {  	_ = 	snop;
	(pc) =	sbr.ind lr, $3  }
0x3a: {  	_ = 	snop  }
0x3b: {  	_ = 	snop  }
0x3c: {  	p2 =	seq.s32 s10, $0x1;
	s10 =	sld [smem:$0x3FBA]  }
0x3d: {  	_ =	shalt  }
0x3e: {  	_ =	shalt  }
0x3f: {  	_ =	shalt  }
0x40: {  	_ =	shalt  }
0x41: {  	_ =	shalt  }
0x42: {  	_ =	shalt  }
0x43: {  	_ =	shalt  }
0x44: {  	_ =	shalt  }
0x45: {  	_ =	shalt  }
0x46: {  	_ =	shalt  }
0x47: {  	_ =	shalt  }
0x48: {  	_ =	shalt  }
0x49: {  	_ =	shalt  }
0x4a: {  	_ =	shalt  }
0x4b: {  	_ =	shalt  }
0x4c: {  	_ =	shalt  }
0x4d: {  	_ =	shalt  }
0x4e: {  	_ =	shalt  }
0x4f: {  	_ =	shalt  }
0x50: {  	_ =	shalt  }
0x51: {  	_ =	shalt  }
0x52: {  	_ =	shalt  }
0x53: {  	_ =	shalt  }
0x54: {  	_ =	shalt  }
0x55: {  	_ =	shalt  }
0x56: {  	_ =	shalt  }
0x57: {  	_ =	shalt  }
0x58: {  	_ =	shalt  }
0x59: {  	_ =	shalt  }
0x5a: {  	_ =	shalt  }
0x5b: {  	_ =	shalt  }
0x5c: {  	_ =	shalt  }
0x5d: {  	_ =	shalt  }
0x5e: {  	_ =	shalt  }
0x5f: {  	_ =	shalt  }
0x60: {  	_ =	shalt  }
0x61: {  	_ =	shalt  }
0x62: {  	_ =	shalt  }
0x63: {  	_ =	shalt  }
0x64: {  	_ =	shalt  }
0x65: {  	_ =	shalt  }
0x66: {  	_ =	shalt  }
0x67: {  	_ =	shalt  }
0x68: {  	_ =	shalt  }
0x69: {  	_ =	shalt  }
0x6a: {  	_ =	shalt  }
0x6b: {  	_ =	shalt  }
0x6c: {  	_ =	shalt  }
0x6d: {  	_ =	shalt  }
0x6e: {  	_ =	shalt  }
0x6f: {  	_ =	shalt  }
0x70: {  	_ =	shalt  }
0x71: {  	_ =	shalt  }
0x72: {  	_ =	shalt  }
0x73: {  	_ =	shalt  }
0x74: {  	_ =	shalt  }
0x75: {  	_ =	shalt  }
0x76: {  	_ =	shalt  }
0x77: {  	_ =	shalt  }
0x78: {  	_ =	shalt  }
0x79: {  	_ =	shalt  }
0x7a: {  	_ =	shalt  }
0x7b: {  	_ =	shalt  }
0x7c: {  	_ =	shalt  }
0x7d: {  	_ =	shalt  }
0x7e: {  	_ =	shalt  }
0x7f: {  	_ =	shalt  }
0x80: {  	_ =	shalt  }
0x81: {  	_ =	shalt  }
0x82: {  	_ =	shalt  }
0x83: {  	_ =	shalt  }
0x84: {  	_ =	shalt  }
0x85: {  	_ =	shalt  }
0x86: {  	_ =	shalt  }
0x87: {  	_ =	shalt  }
.Lfunc_end0:
.L_simem_size_0:
called_computation.1_lowered:
.L_overlay_start_0:
0x88: {  	s2 =	sld [smem:$0x3FD9]  }
0x89: {  	s3 =	sld [smem:$0x3FFE];
	_ =	sdelay $0x1  }
0x8a: {  	s1 =	srdreg.scid  }
0x8b: {  	s0 =	sand.u32 $0x1, s1  }
0x8c: {  	s15 =	sshll.u32 s0, $0xA;
	s2 =	sadd.s32 s3, s2  }
0x8d: {  	s2 =	sadd.s32 s2, s15  }
0x8e: {  	[smem:$0x3FC6] =	sst s2  }
0x8f: {  	_ = 	snop  }
0x90: {  	s2 =	sld [smem:$0x3FD0];
	_ =	sdelay $0x2  }
0x91: {  	s16 =	simm.s32 $0xB;
	s4 =	simm.s32 $0x10  }
0x92: {  	[smem:s4], [sflag:s16] =	dma.local [hbm:s2], $0x1  }
0x93: {  	_ =	swait.eq [sflag:s16], $0x1  }
0x94: {  	[sflag:s16] =	ssyncset.done $0x0  }
0x95: {  	[sflag:s16] =	ssyncadd.s32 $0xFFFFFFFF  }
0x96: {  	s17 =	sld [smem:$0x10];
	(tm) =	ssettm $0x1  }
0x97: {  	s18 =	sld [smem:$0x3FFB];
	_ =	sdelay $0x3  }
0x98: {  	_ =	strace s18  }
0x99: {  	s2 =	sld [smem:$0x3FFC];
	_ =	sdelay $0x3  }
0x9a: {  	_ =	strace s2  }
0x9b: {  	s2 =	sld [smem:$0x3FFD];
	_ =	sdelay $0x3  }
0x9c: {  	_ =	strace s2  }
0x9d: {  	_ =	strace $0x8FFFFFFF  }
0x9e: {  	s19 =	sld [smem:$0x3FDB];
	_ =	sdelay $0x1  }
0x9f: {  	s20 =	simm.s32 $_scs_section_size  }
0xa0: {  	s5 =	simm.s32 $_size__tile_overlayer_lowered;
	s6 =	simm.s32 $_tile_overlayer_lowered  }
0xa1: {  	s7 =	simm.s32 $0x1BFF;
	s21 =	sshll.u32 s6, $0x1;
	s4 =	sadd.s32 s20, s19  }
0xa2: {  	s22 =	simm.s32 $0x0;
	s5 =	sshll.u32 s5, $0x1;
	s6 =	sadd.s32 s21, s4  }
0xa3: {  	[timem:s22], [sflag:s7] =	dma.local [hbm:s6], s5  }
0xa4: {  	_ =	swait.ge [sflag:s7], s5  }
0xa5: {  	s5 =	ssub.s32 $0x0, s5;
	[sflag:s7] =	ssyncset.done $0x0  }
0xa6: {  	[sflag:s7] =	ssyncadd.s32 s5;
	_ =	sdelay $0x1  }
0xa7: {  	s23 =	simm.s32 $0x1B8B  }
0xa8: {  	_ =	swait.ge [sflag:s23], $0x1  }
0xa9: {  	[sflag:s23] =	ssyncset.done $0x0  }
0xaa: {  	[sflag:s23] =	ssyncadd.s32 $0xFFFFFFFF  }
0xab: {  	s5 =	sld [smem:$0x0]  }
0xac: {  	s6 =	sand.u32 $0xFFFFFFFE, s1  }
0xad: {  	p0 =	sne.s32 s1, s6  }
0xae: {  	s6 =	sshll.u32 @p0 s6, $0xE  }
0xaf: {  	s6 =	sadd.s32 @p0 $0x11B8D, s6;
	s7 =	sshll.u32 @p0 s5, $0x11  }
0xb0: {  	s6 =	sor.u32 @p0 s7, s6  }
0xb1: {  	[sflag:s6] =	ssyncadd.remote.s32 @p0 $0x1;
	_ =	sdelay $0x1  }
0xb2: {  	s6 =	simm.s32 @p0 $0x1B8D  }
0xb3: {  	_ =	swait.eq @p0 [sflag:s6], $0x1  }
0xb4: {  	[sflag:s6] =	ssyncadd.s32 @p0 $0xFFFFFFFF  }
0xb5: {  	s7 =	sshll.u32 @!p0 s1, $0xE  }
0xb6: {  	s7 =	sor.u32 @!p0 $0x4000, s7;
	s6 =	simm.s32 @!p0 $0x1B8D  }
0xb7: {  	s5 =	sshll.u32 @!p0 s5, $0x11;
	s7 =	sadd.s32 @!p0 $0x11B8D, s7;
	_ =	swait.eq @!p0 [sflag:s6], $0x1  }
0xb8: {  	s5 =	sor.u32 @!p0 s5, s7;
	[sflag:s6] =	ssyncadd.s32 @!p0 $0xFFFFFFFF  }
0xb9: {  	s25 =	simm.s32 $0x1B8E;
	s24 =	sld [smem:$0x3FFE];
	[sflag:s5] =	ssyncadd.remote.s32 @!p0 $0x1  }
0xba: {  	s26 =	simm.s32 $execute0_lowered;
	[smem:$0x3FD2] =	sst s25  }
0xbb: {  	s6 =	sshll.u32 s26, $0x1;
	_ =	strace $0x80000049;
	[dreg:$0x1] =	wrdreg $0xFFFFFFFF  }
0xbc: {  	s28 =	simm.s32 $_size_execute0_lowered;
	s4 =	sadd.s32 s4, s6;
	[dreg:$0x0] =	wrdreg $0x0  }
0xbd: {  	s6 =	sshll.u32 s28, $0x1;
	[dreg:$0x2] =	wrdreg s4  }
0xbe: {  	[dreg:$0x3] =	wrdreg s6  }
0xbf: {  	[dreg:$0x4] =	wrdreg $0xC0  }
0xc0: {  	_ =	task [dreg:s22], $0x5FFFF  }
0xc1: {  	[dreg:$0x1] =	wrdreg $0xFFFFFFFF  }
0xc2: {  	[dreg:$0x0] =	wrdreg $0x60  }
0xc3: {  	[dreg:$0x2] =	wrdreg s24  }
0xc4: {  	[dreg:$0x3] =	wrdreg s17  }
0xc5: {  	[dreg:$0x4] =	wrdreg $0xA  }
0xc6: {  	_ =	task.clear_ibuf [dreg:s22], $0x5FFFF;
	_ =	strace $0x90000049  }
0xc7: {  	s29 =	simm.s32 $0xA;
	_ =	strace $0x8000004B  }
0xc8: {  	_ =	swait.ge [sflag:s29], $0x1  }
0xc9: {  	[sflag:s29] =	ssyncadd.s32 $0xFFFFFFFF  }
0xca: {  	_ =	strace $0x9000004B  }
0xcb: {  	_ =	sfence  }
0xcc: {  	s30 =	sld [smem:$0x0];
	_ =	sdelay $0x2  }
0xcd: {  	s31 =	sshll.u32 s1, $0xD;
	s1 =	sshrl.u32 s1, $0x2  }
0xce: {  	s4 =	sand.u32 $0x4000, s31;
	s1 =	sadd.s32 s1, s30  }
0xcf: {  	s0 =	sor.u32 s4, s0;
	s1 =	sshll.u32 s1, $0x11  }
0xd0: {  	s0 =	sor.u32 s1, s0  }
0xd1: {  	s0 =	sadd.s32 $0x8F2B, s0  }
0xd2: {  	[sflag:s0] =	ssyncadd.remote.s32 $0x1  }
0xd3: {  	_ =	sfence.sel $0xFFFF  }
0xd4: {  	[dreg:$0x0] =	wrdreg $0xFFFFFFFF;
	(pc) =	sbr.abs _section_cstart, $3  }
0xd5: {  	[dreg:$0x1] =	wrdreg $0xFFFFFFFF  }
0xd6: {  	_ =	task.clear_ibuf [dreg:s22], $0x2FFFF;
	_ =	strace $0x9FFFFFFF  }
0xd7: {  	(tm) =	ssettm $0x7FFFFFFF  }
tec
execute0_lowered:
.L_overlay_start_1:
0x0: {  	(tag) =	ssettag $0x1  }
0x1: {  	s1 =	srdreg.scid  }
0x2: {  	s0 =	stileid.u32;
	s5 =	sand.u32 $0x1, s1  }
0x3: {  	s6 =	rddreg [dreg:$0x0];
	s1 =	sor.u32 s5, s0  }
0x4: {  	s3 =	simm.s32 $0x1;
	p1 =	seq.s32 s5, $0x1;
	p0 =	seq.s32 s1, $0x0  }
0x5: {  	s7 =	rddreg [dreg:$0x1];
	s2 =	simm.s32 $0x0;
	p0 =	por !p0, !p1  }
0x6: {  	s4 =	simm.s32 $0x1;
	s11 =	simm.s32 $0x8200;
	p0 =	por !p0, !p0  }
0x7: {  	s12 =	simm.s32 $0x0;
	[smem:$0x7FF] =	sst s2;
	s3 =	simm.s32 @!p0 $0x0  }
0x8: {  	s9 =	sshll.u32 s5, $0x9;
	s5 =	ssub.s32 $0x2, s5;
	s8 =	ssub.s32 s0, s3  }
0x9: {  	s1 =	rddreg [dreg:$0x2];
	_ =	strace $0x8000004A;
	s3 =	sshll.u32 s8, $0xA  }
0xa: {  	s30 =	sshrl.u32 s5, $0x1;
	s7 =	sadd.s32 s7, s9;
	s10 =	sor.u32 s9, s3  }
0xb: {  	s31 =	ssub.s32 s5, s30;
	s8 =	sshll.u32 s8, $0xC;
	s10 =	sshrl.u32 s10, $0x3  }
0xc: {  	s3 =	sadd.s32 $0x1000, s6;
	s8 =	sand.u32 $0x1FFFF000, s8;
	s6 =	sadd.s32 s10, s6  }
0xd: {  	s9 =	simm.s32 $0x1000;
	s10 =	simm.s32 $0x2000;
	s5 =	sadd.s32 $0x12A00, s6  }
0xe: {  	s6 =	sadd.s32 s8, s7;
	s7 =	smax.u32 s31, $0x1;
	s8 =	simm.s32 $0x8000  }
.LBB2_1:
0xf: {  	[tilespmem:s2], [sflag:$0x1] =	stream.linear.gather [hbm4b:s3+s2], $0x8000, $0x38;
	[tilespmem:$0xC200] =	vst v63  }
0x10: {  	_ =	swait.ge [sflag:s4], $0x8000  }
0x11: {  	[sflag:s4] =	ssyncset.done $0x0  }
0x12: {  	[sflag:s4] =	ssyncadd.s32 $0xFFFF8000  }
0x13: {  	[tilespmem:s8], [sflag:$0x1] =	stream.linear.gather [hbm4b:s5+s2], $0x200, $0x38;
	[tilespmem:$0xC200] =	vst v63  }
0x14: {  	_ =	swait.ge [sflag:s4], $0x200  }
0x15: {  	s13 =	simm.s32 $0x0;
	[sflag:s4] =	ssyncset.done $0x0  }
0x16: {  	s14 =	sand.u32 $0x3FFFFFF0, s13;
	[sflag:s4] =	ssyncadd.s32 $0xFFFFFE00  }
0x17: {  	v0 =	vld [tilespmem:s14+$0x8000];
	_ =	sdelay $0x4  }
0x18: {  	v1 =	vshll.u32 v0, $0x5;
	_ =	sdelay $0x4  }
0x19: {  	v0 =	vld.idx.msk [tilespmem:v1+s2+$0x0], $0xffff  }
0x1a: {  	v2 =	vor.u32 $0x1, v1;
	_ =	sdelay $0x1  }
0x1b: {  	s31 =	simm.s32 $0x0  }
0x1c: {  	s13 =	sand.u32 $0x3FFFFF80, s31  }
0x1d: {  	[tilespmem:s13+$0x8200] =	vst v0  }
0x1e: {  	v0 =	vld.idx.msk [tilespmem:v2+s2+$0x0], $0xffff  }
0x1f: {  	v2 =	vor.u32 $0x2, v1;
	_ =	sdelay $0x3  }
0x20: {  	[tilespmem:s13+$0x8280] =	vst v0  }
0x21: {  	v0 =	vld.idx.msk [tilespmem:v2+s2+$0x0], $0xffff  }
0x22: {  	v2 =	vor.u32 $0x3, v1;
	_ =	sdelay $0x3  }
0x23: {  	[tilespmem:s13+$0x8300] =	vst v0  }
0x24: {  	v0 =	vld.idx.msk [tilespmem:v2+s2+$0x0], $0xffff  }
0x25: {  	v2 =	vor.u32 $0x4, v1;
	_ =	sdelay $0x3  }
0x26: {  	[tilespmem:s13+$0x8380] =	vst v0  }
0x27: {  	v0 =	vld.idx.msk [tilespmem:v2+s2+$0x0], $0xffff  }
0x28: {  	v2 =	vor.u32 $0x5, v1;
	_ =	sdelay $0x3  }
0x29: {  	[tilespmem:s13+$0x8400] =	vst v0  }
0x2a: {  	v0 =	vld.idx.msk [tilespmem:v2+s2+$0x0], $0xffff  }
0x2b: {  	v2 =	vor.u32 $0x6, v1;
	_ =	sdelay $0x3  }
0x2c: {  	[tilespmem:s13+$0x8480] =	vst v0  }
0x2d: {  	v0 =	vld.idx.msk [tilespmem:v2+s2+$0x0], $0xffff  }
0x2e: {  	v2 =	vor.u32 $0x7, v1;
	_ =	sdelay $0x2  }
0x2f: {  	v3 =	vld [tilespmem:s14+$0x8010]  }
0x30: {  	v4 =	vld [tilespmem:s14+$0x8020];
	[tilespmem:s13+$0x8500] =	vst v0  }
0x31: {  	v0 =	vld.idx.msk [tilespmem:v2+s2+$0x0], $0xffff  }
0x32: {  	v2 =	vor.u32 $0x8, v1;
	_ =	sdelay $0x1  }
0x33: {  	v5 =	vld [tilespmem:s14+$0x8030]  }
0x34: {  	v7 =	vld [tilespmem:s14+$0x8040]  }
0x35: {  	v20 =	vshll.u32 v3, $0x5;
	v3 =	vld [tilespmem:s14+$0x8060];
	v21 =	vshll.u32 v4, $0x5;
	[tilespmem:s13+$0x8580] =	vst v0  }
0x36: {  	v0 =	vld.idx.msk [tilespmem:v2+s2+$0x0], $0xffff  }
0x37: {  	v2 =	vor.u32 $0x9, v1;
	_ =	sdelay $0x1  }
0x38: {  	v22 =	vshll.u32 v7, $0x5  }
0x39: {  	v24 =	vshll.u32 v5, $0x5;
	v4 =	vshll.u32 v3, $0x5;
	v3 =	vld.idx.msk [tilespmem:v21+s2+$0x0], $0xffff  }
0x3a: {  	[tilespmem:s13+$0x9200] =	vst v0;
	v0 =	vld [tilespmem:s14+$0x8070]  }
0x3b: {  	v10 =	vor.u32 $0x1, v21;
	v2 =	vld.idx.msk [tilespmem:v2+s2+$0x0], $0xffff  }
0x3c: {  	v8 =	vld [tilespmem:s14+$0x8050];
	v6 =	vor.u32 $0xA, v1  }
0x3d: {  	v11 =	vld.idx.msk [tilespmem:v22+s2+$0x0], $0xffff  }
0x3e: {  	v13 =	vor.u32 $0x1, v22;
	v9 =	vld.idx.msk [tilespmem:v24+s2+$0x0], $0xffff  }
0x3f: {  	v14 =	vld.idx.msk [tilespmem:v4+s2+$0x0], $0xffff;
	[tilespmem:s13+$0x8220] =	vst v3  }
0x40: {  	v3 =	vld.idx.msk [tilespmem:v10+s2+$0x0], $0xffff;
	v50 =	vshll.u32 v0, $0x5;
	[tilespmem:s13+$0x9280] =	vst v2  }
0x41: {  	v2 =	vld.idx.msk [tilespmem:v6+s2+$0x0], $0xffff  }
0x42: {  	[tilespmem:s13+$0x8240] =	vst v11;
	v11 =	vor.u32 $0x2, v21;
	v6 =	vld.idx.msk [tilespmem:v20+s2+$0x0], $0xffff  }
0x43: {  	v15 =	vshll.u32 v8, $0x5;
	v8 =	vor.u32 $0x1, v20;
	v13 =	vld.idx.msk [tilespmem:v13+s2+$0x0], $0xffff  }
0x44: {  	[tilespmem:s13+$0x8230] =	vst v9  }
0x45: {  	v12 =	vor.u32 $0x1, v24;
	[tilespmem:s13+$0x8260] =	vst v14;
	v5 =	vld.idx.msk [tilespmem:v50+s2+$0x0], $0xffff  }
0x46: {  	[tilespmem:s13+$0x82A0] =	vst v3;
	v7 =	vor.u32 $0x1, v50  }
0x47: {  	v14 =	vor.u32 $0x2, v22;
	v3 =	vld.idx.msk [tilespmem:v11+s2+$0x0], $0xffff;
	[tilespmem:s13+$0x8210] =	vst v6  }
0x48: {  	[tilespmem:s13+$0x82C0] =	vst v13;
	v13 =	vor.u32 $0x3, v21;
	v8 =	vld.idx.msk [tilespmem:v8+s2+$0x0], $0xffff  }
0x49: {  	v10 =	vor.u32 $0x2, v20;
	[tilespmem:s13+$0x9300] =	vst v2;
	v2 =	vld.idx.msk [tilespmem:v15+s2+$0x0], $0xffff  }
0x4a: {  	v12 =	vld.idx.msk [tilespmem:v12+s2+$0x0], $0xffff;
	[tilespmem:s13+$0x8270] =	vst v5;
	v5 =	vor.u32 $0x1, v15  }
0x4b: {  	v6 =	vld.idx.msk [tilespmem:v7+s2+$0x0], $0xffff;
	v7 =	vor.u32 $0x1, v4  }
0x4c: {  	v14 =	vld.idx.msk [tilespmem:v14+s2+$0x0], $0xffff;
	[tilespmem:s13+$0x8320] =	vst v3;
	v9 =	vor.u32 $0x2, v50  }
0x4d: {  	v3 =	vld.idx.msk [tilespmem:v13+s2+$0x0], $0xffff;
	[tilespmem:s13+$0x8290] =	vst v8  }
0x4e: {  	[tilespmem:s13+$0x8250] =	vst v2;
	v2 =	vor.u32 $0x2, v24;
	v10 =	vld.idx.msk [tilespmem:v10+s2+$0x0], $0xffff  }
0x4f: {  	[tilespmem:s13+$0x82B0] =	vst v12;
	v12 =	vor.u32 $0x3, v20;
	v5 =	vld.idx.msk [tilespmem:v5+s2+$0x0], $0xffff  }
0x50: {  	v7 =	vld.idx.msk [tilespmem:v7+s2+$0x0], $0xffff;
	[tilespmem:s13+$0x82F0] =	vst v6;
	v6 =	vor.u32 $0x2, v15  }
0x51: {  	v8 =	vld.idx.msk [tilespmem:v9+s2+$0x0], $0xffff;
	v9 =	vor.u32 $0x2, v4  }
0x52: {  	[tilespmem:s13+$0x8340] =	vst v14;
	v14 =	vor.u32 $0x4, v21  }
0x53: {  	v11 =	vor.u32 $0x3, v50;
	v2 =	vld.idx.msk [tilespmem:v2+s2+$0x0], $0xffff;
	[tilespmem:s13+$0x8310] =	vst v10  }
0x54: {  	[tilespmem:s13+$0x82D0] =	vst v5;
	v5 =	vor.u32 $0x3, v24;
	v12 =	vld.idx.msk [tilespmem:v12+s2+$0x0], $0xffff  }
0x55: {  	v6 =	vld.idx.msk [tilespmem:v6+s2+$0x0], $0xffff;
	[tilespmem:s13+$0x82E0] =	vst v7;
	v7 =	vor.u32 $0x3, v22  }
0x56: {  	v13 =	vor.u32 $0x4, v20;
	[tilespmem:s13+$0x83A0] =	vst v3;
	v9 =	vld.idx.msk [tilespmem:v9+s2+$0x0], $0xffff  }
0x57: {  	v3 =	vld.idx.msk [tilespmem:v14+s2+$0x0], $0xffff;
	[tilespmem:s13+$0x8370] =	vst v8;
	v8 =	vor.u32 $0x3, v15  }
0x58: {  	[tilespmem:s13+$0x8330] =	vst v2;
	v10 =	vld.idx.msk [tilespmem:v11+s2+$0x0], $0xffff;
	v11 =	vor.u32 $0x3, v4  }
0x59: {  	v2 =	vor.u32 $0x4, v50;
	v5 =	vld.idx.msk [tilespmem:v5+s2+$0x0], $0xffff;
	[tilespmem:s13+$0x8390] =	vst v12  }
0x5a: {  	v7 =	vld.idx.msk [tilespmem:v7+s2+$0x0], $0xffff;
	[tilespmem:s13+$0x8350] =	vst v6;
	v6 =	vor.u32 $0x4, v24  }
0x5b: {  	v13 =	vld.idx.msk [tilespmem:v13+s2+$0x0], $0xffff;
	[tilespmem:s13+$0x8360] =	vst v9;
	v9 =	vor.u32 $0x4, v22  }
0x5c: {  	v14 =	vor.u32 $0x5, v20;
	[tilespmem:s13+$0x8420] =	vst v3;
	v8 =	vld.idx.msk [tilespmem:v8+s2+$0x0], $0xffff  }
0x5d: {  	v11 =	vld.idx.msk [tilespmem:v11+s2+$0x0], $0xffff;
	[tilespmem:s13+$0x83F0] =	vst v10;
	v10 =	vor.u32 $0x4, v15  }
0x5e: {  	v12 =	vor.u32 $0x4, v4;
	v2 =	vld.idx.msk [tilespmem:v2+s2+$0x0], $0xffff;
	[tilespmem:s13+$0x83B0] =	vst v5  }
0x5f: {  	v5 =	vor.u32 $0x5, v50;
	v6 =	vld.idx.msk [tilespmem:v6+s2+$0x0], $0xffff;
	[tilespmem:s13+$0x83C0] =	vst v7  }
0x60: {  	v7 =	vor.u32 $0x5, v21;
	[tilespmem:s13+$0x8410] =	vst v13;
	v9 =	vld.idx.msk [tilespmem:v9+s2+$0x0], $0xffff  }
0x61: {  	[tilespmem:s13+$0x83D0] =	vst v8;
	v8 =	vor.u32 $0x5, v24;
	v14 =	vld.idx.msk [tilespmem:v14+s2+$0x0], $0xffff  }
0x62: {  	v10 =	vld.idx.msk [tilespmem:v10+s2+$0x0], $0xffff;
	[tilespmem:s13+$0x83E0] =	vst v11;
	v11 =	vor.u32 $0x5, v22  }
0x63: {  	v12 =	vld.idx.msk [tilespmem:v12+s2+$0x0], $0xffff;
	[tilespmem:s13+$0x8470] =	vst v2;
	v2 =	vor.u32 $0x5, v15  }
0x64: {  	v13 =	vor.u32 $0x5, v4;
	v5 =	vld.idx.msk [tilespmem:v5+s2+$0x0], $0xffff;
	[tilespmem:s13+$0x8430] =	vst v6  }
0x65: {  	v3 =	vld.idx.msk [tilespmem:v7+s2+$0x0], $0xffff;
	v6 =	vor.u32 $0x6, v50;
	[tilespmem:s13+$0x8440] =	vst v9  }
0x66: {  	v7 =	vor.u32 $0x6, v20;
	v8 =	vld.idx.msk [tilespmem:v8+s2+$0x0], $0xffff;
	[tilespmem:s13+$0x8490] =	vst v14  }
0x67: {  	v9 =	vor.u32 $0x6, v21;
	v11 =	vld.idx.msk [tilespmem:v11+s2+$0x0], $0xffff;
	[tilespmem:s13+$0x8450] =	vst v10  }
0x68: {  	v10 =	vor.u32 $0x6, v24;
	v2 =	vld.idx.msk [tilespmem:v2+s2+$0x0], $0xffff;
	[tilespmem:s13+$0x8460] =	vst v12  }
0x69: {  	v12 =	vor.u32 $0x6, v22;
	v13 =	vld.idx.msk [tilespmem:v13+s2+$0x0], $0xffff;
	[tilespmem:s13+$0x84F0] =	vst v5  }
0x6a: {  	v5 =	vor.u32 $0x6, v15;
	v6 =	vld.idx.msk [tilespmem:v6+s2+$0x0], $0xffff;
	[tilespmem:s13+$0x84A0] =	vst v3  }
0x6b: {  	v14 =	vor.u32 $0x6, v4;
	v7 =	vld.idx.msk [tilespmem:v7+s2+$0x0], $0xffff;
	[tilespmem:s13+$0x84B0] =	vst v8  }
0x6c: {  	v3 =	vld.idx.msk [tilespmem:v9+s2+$0x0], $0xffff;
	v8 =	vor.u32 $0x7, v50;
	[tilespmem:s13+$0x84C0] =	vst v11  }
0x6d: {  	v9 =	vor.u32 $0x7, v20;
	v10 =	vld.idx.msk [tilespmem:v10+s2+$0x0], $0xffff;
	[tilespmem:s13+$0x84D0] =	vst v2  }
0x6e: {  	v11 =	vor.u32 $0x7, v21;
	v12 =	vld.idx.msk [tilespmem:v12+s2+$0x0], $0xffff;
	[tilespmem:s13+$0x84E0] =	vst v13  }
0x6f: {  	v2 =	vor.u32 $0x7, v24;
	v5 =	vld.idx.msk [tilespmem:v5+s2+$0x0], $0xffff;
	[tilespmem:s13+$0x8570] =	vst v6  }
0x70: {  	v13 =	vor.u32 $0x7, v22;
	v14 =	vld.idx.msk [tilespmem:v14+s2+$0x0], $0xffff;
	[tilespmem:s13+$0x8510] =	vst v7  }
0x71: {  	v6 =	vor.u32 $0x7, v15;
	v7 =	vld.idx.msk [tilespmem:v8+s2+$0x0], $0xffff;
	[tilespmem:s13+$0x8520] =	vst v3  }
0x72: {  	v8 =	vor.u32 $0x7, v4;
	v9 =	vld.idx.msk [tilespmem:v9+s2+$0x0], $0xffff;
	[tilespmem:s13+$0x8530] =	vst v10  }
0x73: {  	v3 =	vld.idx.msk [tilespmem:v11+s2+$0x0], $0xffff;
	v10 =	vor.u32 $0x8, v50;
	[tilespmem:s13+$0x8540] =	vst v12  }
0x74: {  	v11 =	vor.u32 $0x8, v20;
	v2 =	vld.idx.msk [tilespmem:v2+s2+$0x0], $0xffff;
	[tilespmem:s13+$0x8550] =	vst v5  }
0x75: {  	v12 =	vor.u32 $0x8, v21;
	v13 =	vld.idx.msk [tilespmem:v13+s2+$0x0], $0xffff;
	[tilespmem:s13+$0x8560] =	vst v14  }
0x76: {  	v5 =	vor.u32 $0x8, v24;
	v6 =	vld.idx.msk [tilespmem:v6+s2+$0x0], $0xffff;
	[tilespmem:s13+$0x85F0] =	vst v7  }
0x77: {  	v14 =	vor.u32 $0x8, v22;
	v8 =	vld.idx.msk [tilespmem:v8+s2+$0x0], $0xffff;
	[tilespmem:s13+$0x8590] =	vst v9  }
0x78: {  	v7 =	vor.u32 $0x8, v15;
	v9 =	vld.idx.msk [tilespmem:v10+s2+$0x0], $0xffff;
	[tilespmem:s13+$0x85A0] =	vst v3  }
0x79: {  	v10 =	vor.u32 $0x8, v4;
	v11 =	vld.idx.msk [tilespmem:v11+s2+$0x0], $0xffff;
	[tilespmem:s13+$0x85B0] =	vst v2  }
0x7a: {  	v3 =	vld.idx.msk [tilespmem:v12+s2+$0x0], $0xffff;
	v2 =	vor.u32 $0x9, v50;
	[tilespmem:s13+$0x85C0] =	vst v13  }
0x7b: {  	v12 =	vor.u32 $0x9, v20;
	v5 =	vld.idx.msk [tilespmem:v5+s2+$0x0], $0xffff;
	[tilespmem:s13+$0x85D0] =	vst v6  }
0x7c: {  	v13 =	vor.u32 $0x9, v21;
	v14 =	vld.idx.msk [tilespmem:v14+s2+$0x0], $0xffff;
	[tilespmem:s13+$0x85E0] =	vst v8  }
0x7d: {  	v6 =	vor.u32 $0x9, v24;
	v7 =	vld.idx.msk [tilespmem:v7+s2+$0x0], $0xffff;
	[tilespmem:s13+$0x9270] =	vst v9  }
0x7e: {  	v8 =	vor.u32 $0x9, v22;
	v10 =	vld.idx.msk [tilespmem:v10+s2+$0x0], $0xffff;
	[tilespmem:s13+$0x9210] =	vst v11  }
0x7f: {  	v9 =	vor.u32 $0x9, v15;
	v2 =	vld.idx.msk [tilespmem:v2+s2+$0x0], $0xffff;
	[tilespmem:s13+$0x9220] =	vst v3  }
0x80: {  	v11 =	vor.u32 $0x9, v4;
	v12 =	vld.idx.msk [tilespmem:v12+s2+$0x0], $0xffff;
	[tilespmem:s13+$0x9230] =	vst v5  }
0x81: {  	v3 =	vld.idx.msk [tilespmem:v13+s2+$0x0], $0xffff;
	v5 =	vor.u32 $0xA, v50;
	[tilespmem:s13+$0x9240] =	vst v14  }
0x82: {  	v13 =	vor.u32 $0xA, v20;
	v6 =	vld.idx.msk [tilespmem:v6+s2+$0x0], $0xffff;
	[tilespmem:s13+$0x9250] =	vst v7  }
0x83: {  	v14 =	vor.u32 $0xA, v21;
	v8 =	vld.idx.msk [tilespmem:v8+s2+$0x0], $0xffff;
	[tilespmem:s13+$0x9260] =	vst v10  }
0x84: {  	v7 =	vor.u32 $0xA, v24;
	v9 =	vld.idx.msk [tilespmem:v9+s2+$0x0], $0xffff;
	[tilespmem:s13+$0x92F0] =	vst v2  }
0x85: {  	v10 =	vor.u32 $0xA, v22;
	v11 =	vld.idx.msk [tilespmem:v11+s2+$0x0], $0xffff;
	[tilespmem:s13+$0x9290] =	vst v12  }
0x86: {  	v2 =	vor.u32 $0xA, v15;
	v5 =	vld.idx.msk [tilespmem:v5+s2+$0x0], $0xffff;
	[tilespmem:s13+$0x92A0] =	vst v3  }
0x87: {  	v12 =	vor.u32 $0xA, v4;
	v13 =	vld.idx.msk [tilespmem:v13+s2+$0x0], $0xffff;
	[tilespmem:s13+$0x92B0] =	vst v6  }
0x88: {  	v3 =	vld.idx.msk [tilespmem:v14+s2+$0x0], $0xffff;
	v6 =	vor.u32 $0xB, v50;
	[tilespmem:s13+$0x92C0] =	vst v8  }
0x89: {  	v14 =	vor.u32 $0xB, v20;
	v7 =	vld.idx.msk [tilespmem:v7+s2+$0x0], $0xffff;
	[tilespmem:s13+$0x92D0] =	vst v9  }
0x8a: {  	v8 =	vor.u32 $0xB, v21;
	v10 =	vld.idx.msk [tilespmem:v10+s2+$0x0], $0xffff;
	[tilespmem:s13+$0x92E0] =	vst v11  }
0x8b: {  	v9 =	vor.u32 $0xB, v24;
	v2 =	vld.idx.msk [tilespmem:v2+s2+$0x0], $0xffff;
	[tilespmem:s13+$0x9370] =	vst v5  }
0x8c: {  	v11 =	vor.u32 $0xB, v22;
	v12 =	vld.idx.msk [tilespmem:v12+s2+$0x0], $0xffff;
	[tilespmem:s13+$0x9310] =	vst v13  }
0x8d: {  	v5 =	vor.u32 $0xB, v15;
	v6 =	vld.idx.msk [tilespmem:v6+s2+$0x0], $0xffff;
	[tilespmem:s13+$0x9320] =	vst v3  }
0x8e: {  	v13 =	vor.u32 $0xB, v4;
	v14 =	vld.idx.msk [tilespmem:v14+s2+$0x0], $0xffff;
	[tilespmem:s13+$0x9330] =	vst v7  }
0x8f: {  	v3 =	vld.idx.msk [tilespmem:v8+s2+$0x0], $0xffff;
	v7 =	vor.u32 $0xC, v50;
	[tilespmem:s13+$0x9340] =	vst v10  }
0x90: {  	v8 =	vor.u32 $0xB, v1;
	v9 =	vld.idx.msk [tilespmem:v9+s2+$0x0], $0xffff;
	[tilespmem:s13+$0x9350] =	vst v2  }
0x91: {  	v10 =	vor.u32 $0xC, v20;
	v11 =	vld.idx.msk [tilespmem:v11+s2+$0x0], $0xffff;
	[tilespmem:s13+$0x9360] =	vst v12  }
0x92: {  	v2 =	vor.u32 $0xC, v21;
	v5 =	vld.idx.msk [tilespmem:v5+s2+$0x0], $0xffff;
	[tilespmem:s13+$0x93F0] =	vst v6  }
0x93: {  	v12 =	vor.u32 $0xC, v24;
	v13 =	vld.idx.msk [tilespmem:v13+s2+$0x0], $0xffff;
	[tilespmem:s13+$0x9390] =	vst v14  }
0x94: {  	v6 =	vor.u32 $0xC, v22;
	v7 =	vld.idx.msk [tilespmem:v7+s2+$0x0], $0xffff;
	[tilespmem:s13+$0x93A0] =	vst v3  }
0x95: {  	v14 =	vor.u32 $0xC, v15;
	v8 =	vld.idx.msk [tilespmem:v8+s2+$0x0], $0xffff;
	[tilespmem:s13+$0x93B0] =	vst v9  }
0x96: {  	v3 =	vld.idx.msk [tilespmem:v10+s2+$0x0], $0xffff;
	v9 =	vor.u32 $0xD, v50;
	[tilespmem:s13+$0x93C0] =	vst v11  }
0x97: {  	v10 =	vor.u32 $0xC, v4;
	v2 =	vld.idx.msk [tilespmem:v2+s2+$0x0], $0xffff;
	[tilespmem:s13+$0x93D0] =	vst v5  }
0x98: {  	v11 =	vor.u32 $0xC, v1;
	v12 =	vld.idx.msk [tilespmem:v12+s2+$0x0], $0xffff;
	[tilespmem:s13+$0x93E0] =	vst v13  }
0x99: {  	v5 =	vor.u32 $0xD, v20;
	v6 =	vld.idx.msk [tilespmem:v6+s2+$0x0], $0xffff;
	[tilespmem:s13+$0x9470] =	vst v7  }
0x9a: {  	v13 =	vor.u32 $0xD, v21;
	v14 =	vld.idx.msk [tilespmem:v14+s2+$0x0], $0xffff;
	[tilespmem:s13+$0x9380] =	vst v8  }
0x9b: {  	v7 =	vor.u32 $0xD, v24;
	v8 =	vld.idx.msk [tilespmem:v9+s2+$0x0], $0xffff;
	[tilespmem:s13+$0x9410] =	vst v3  }
0x9c: {  	v9 =	vor.u32 $0xD, v22;
	v3 =	vld.idx.msk [tilespmem:v10+s2+$0x0], $0xffff;
	[tilespmem:s13+$0x9420] =	vst v2  }
0x9d: {  	v10 =	vld.idx.msk [tilespmem:v11+s2+$0x0], $0xffff;
	v2 =	vor.u32 $0xE, v50;
	[tilespmem:s13+$0x9430] =	vst v12  }
0x9e: {  	v11 =	vor.u32 $0xD, v15;
	v5 =	vld.idx.msk [tilespmem:v5+s2+$0x0], $0xffff;
	[tilespmem:s13+$0x9440] =	vst v6  }
0x9f: {  	v12 =	vor.u32 $0xD, v4;
	v13 =	vld.idx.msk [tilespmem:v13+s2+$0x0], $0xffff;
	[tilespmem:s13+$0x9450] =	vst v14  }
0xa0: {  	v6 =	vor.u32 $0xD, v1;
	v7 =	vld.idx.msk [tilespmem:v7+s2+$0x0], $0xffff;
	[tilespmem:s13+$0x94F0] =	vst v8  }
0xa1: {  	v14 =	vor.u32 $0xE, v20;
	v9 =	vld.idx.msk [tilespmem:v9+s2+$0x0], $0xffff;
	[tilespmem:s13+$0x9460] =	vst v3  }
0xa2: {  	v8 =	vor.u32 $0xE, v21;
	v2 =	vld.idx.msk [tilespmem:v2+s2+$0x0], $0xffff;
	[tilespmem:s13+$0x9400] =	vst v10  }
0xa3: {  	v3 =	vor.u32 $0xE, v24;
	v10 =	vld.idx.msk [tilespmem:v11+s2+$0x0], $0xffff;
	[tilespmem:s13+$0x9490] =	vst v5  }
0xa4: {  	v11 =	vor.u32 $0xF, v50;
	v5 =	vld.idx.msk [tilespmem:v12+s2+$0x0], $0xffff;
	[tilespmem:s13+$0x94A0] =	vst v13  }
0xa5: {  	v12 =	vor.u32 $0xE, v22;
	v6 =	vld.idx.msk [tilespmem:v6+s2+$0x0], $0xffff;
	[tilespmem:s13+$0x94B0] =	vst v7  }
0xa6: {  	v13 =	vor.u32 $0xE, v15;
	v14 =	vld.idx.msk [tilespmem:v14+s2+$0x0], $0xffff;
	[tilespmem:s13+$0x94C0] =	vst v9  }
0xa7: {  	v7 =	vor.u32 $0xE, v4;
	v8 =	vld.idx.msk [tilespmem:v8+s2+$0x0], $0xffff;
	[tilespmem:s13+$0x9570] =	vst v2  }
0xa8: {  	v9 =	vor.u32 $0xE, v1;
	v3 =	vld.idx.msk [tilespmem:v3+s2+$0x0], $0xffff;
	[tilespmem:s13+$0x94D0] =	vst v10  }
0xa9: {  	v2 =	vor.u32 $0xF, v20;
	v10 =	vld.idx.msk [tilespmem:v11+s2+$0x0], $0xffff;
	[tilespmem:s13+$0x94E0] =	vst v5  }
0xaa: {  	v11 =	vor.u32 $0xF, v21;
	v12 =	vld.idx.msk [tilespmem:v12+s2+$0x0], $0xffff;
	[tilespmem:s13+$0x9480] =	vst v6  }
0xab: {  	v5 =	vld.idx.msk [tilespmem:v13+s2+$0x0], $0xffff;
	v6 =	vor.u32 $0x10, v50;
	[tilespmem:s13+$0x9510] =	vst v14  }
0xac: {  	v13 =	vor.u32 $0xF, v24;
	v7 =	vld.idx.msk [tilespmem:v7+s2+$0x0], $0xffff;
	[tilespmem:s13+$0x9520] =	vst v8  }
0xad: {  	v14 =	vor.u32 $0xF, v22;
	v9 =	vld.idx.msk [tilespmem:v9+s2+$0x0], $0xffff;
	[tilespmem:s13+$0x9530] =	vst v3  }
0xae: {  	v8 =	vor.u32 $0xF, v15;
	v2 =	vld.idx.msk [tilespmem:v2+s2+$0x0], $0xffff;
	[tilespmem:s13+$0x95F0] =	vst v10  }
0xaf: {  	v3 =	vor.u32 $0xF, v4;
	v11 =	vld.idx.msk [tilespmem:v11+s2+$0x0], $0xffff;
	[tilespmem:s13+$0x9540] =	vst v12  }
0xb0: {  	v10 =	vor.u32 $0xF, v1;
	v6 =	vld.idx.msk [tilespmem:v6+s2+$0x0], $0xffff;
	[tilespmem:s13+$0x9550] =	vst v5  }
0xb1: {  	v12 =	vor.u32 $0x10, v20;
	v13 =	vld.idx.msk [tilespmem:v13+s2+$0x0], $0xffff;
	[tilespmem:s13+$0x9560] =	vst v7  }
0xb2: {  	v5 =	vld.idx.msk [tilespmem:v14+s2+$0x0], $0xffff;
	v14 =	vor.u32 $0x10, v21;
	[tilespmem:s13+$0x9500] =	vst v9  }
0xb3: {  	v7 =	vor.u32 $0x11, v50;
	v8 =	vld.idx.msk [tilespmem:v8+s2+$0x0], $0xffff;
	[tilespmem:s13+$0x9590] =	vst v2  }
0xb4: {  	v9 =	vor.u32 $0x10, v24;
	v2 =	vld.idx.msk [tilespmem:v3+s2+$0x0], $0xffff;
	[tilespmem:s13+$0x95A0] =	vst v11  }
0xb5: {  	v3 =	vor.u32 $0x10, v22;
	v10 =	vld.idx.msk [tilespmem:v10+s2+$0x0], $0xffff;
	[tilespmem:s13+$0xA270] =	vst v6  }
0xb6: {  	v11 =	vor.u32 $0x10, v15;
	v12 =	vld.idx.msk [tilespmem:v12+s2+$0x0], $0xffff;
	[tilespmem:s13+$0x95B0] =	vst v13  }
0xb7: {  	v6 =	vor.u32 $0x10, v4;
	v14 =	vld.idx.msk [tilespmem:v14+s2+$0x0], $0xffff;
	[tilespmem:s13+$0x95C0] =	vst v5  }
0xb8: {  	v13 =	vor.u32 $0x10, v1;
	v7 =	vld.idx.msk [tilespmem:v7+s2+$0x0], $0xffff;
	[tilespmem:s13+$0x95D0] =	vst v8  }
0xb9: {  	v5 =	vld.idx.msk [tilespmem:v9+s2+$0x0], $0xffff;
	v8 =	vor.u32 $0x12, v50;
	[tilespmem:s13+$0x95E0] =	vst v2  }
0xba: {  	v9 =	vor.u32 $0x11, v20;
	v3 =	vld.idx.msk [tilespmem:v3+s2+$0x0], $0xffff;
	[tilespmem:s13+$0x9580] =	vst v10  }
0xbb: {  	v2 =	vor.u32 $0x11, v21;
	v10 =	vld.idx.msk [tilespmem:v11+s2+$0x0], $0xffff;
	[tilespmem:s13+$0xA210] =	vst v12  }
0xbc: {  	v11 =	vor.u32 $0x11, v24;
	v6 =	vld.idx.msk [tilespmem:v6+s2+$0x0], $0xffff;
	[tilespmem:s13+$0xA220] =	vst v14  }
0xbd: {  	v12 =	vor.u32 $0x11, v22;
	v13 =	vld.idx.msk [tilespmem:v13+s2+$0x0], $0xffff;
	[tilespmem:s13+$0xA2F0] =	vst v7  }
0xbe: {  	v7 =	vor.u32 $0x11, v15;
	v8 =	vld.idx.msk [tilespmem:v8+s2+$0x0], $0xffff;
	[tilespmem:s13+$0xA230] =	vst v5  }
0xbf: {  	v14 =	vor.u32 $0x11, v4;
	v9 =	vld.idx.msk [tilespmem:v9+s2+$0x0], $0xffff;
	[tilespmem:s13+$0xA240] =	vst v3  }
0xc0: {  	v5 =	vor.u32 $0x11, v1;
	v2 =	vld.idx.msk [tilespmem:v2+s2+$0x0], $0xffff;
	[tilespmem:s13+$0xA250] =	vst v10  }
0xc1: {  	v3 =	vor.u32 $0x13, v50;
	v11 =	vld.idx.msk [tilespmem:v11+s2+$0x0], $0xffff;
	[tilespmem:s13+$0xA260] =	vst v6  }
0xc2: {  	v10 =	vor.u32 $0x12, v20;
	v12 =	vld.idx.msk [tilespmem:v12+s2+$0x0], $0xffff;
	[tilespmem:s13+$0xA200] =	vst v13  }
0xc3: {  	v6 =	vor.u32 $0x12, v21;
	v7 =	vld.idx.msk [tilespmem:v7+s2+$0x0], $0xffff;
	[tilespmem:s13+$0xA370] =	vst v8  }
0xc4: {  	v13 =	vor.u32 $0x12, v24;
	v14 =	vld.idx.msk [tilespmem:v14+s2+$0x0], $0xffff;
	[tilespmem:s13+$0xA290] =	vst v9  }
0xc5: {  	v8 =	vor.u32 $0x12, v22;
	v5 =	vld.idx.msk [tilespmem:v5+s2+$0x0], $0xffff;
	[tilespmem:s13+$0xA2A0] =	vst v2  }
0xc6: {  	v9 =	vor.u32 $0x12, v15;
	v3 =	vld.idx.msk [tilespmem:v3+s2+$0x0], $0xffff;
	[tilespmem:s13+$0xA2B0] =	vst v11  }
0xc7: {  	v2 =	vld.idx.msk [tilespmem:v10+s2+$0x0], $0xffff;
	v10 =	vor.u32 $0x14, v50;
	[tilespmem:s13+$0xA2C0] =	vst v12  }
0xc8: {  	v11 =	vor.u32 $0x12, v4;
	v6 =	vld.idx.msk [tilespmem:v6+s2+$0x0], $0xffff;
	[tilespmem:s13+$0xA2D0] =	vst v7  }
0xc9: {  	v12 =	vor.u32 $0x12, v1;
	v13 =	vld.idx.msk [tilespmem:v13+s2+$0x0], $0xffff;
	[tilespmem:s13+$0xA2E0] =	vst v14  }
0xca: {  	v7 =	vor.u32 $0x13, v20;
	v8 =	vld.idx.msk [tilespmem:v8+s2+$0x0], $0xffff;
	[tilespmem:s13+$0xA280] =	vst v5  }
0xcb: {  	v14 =	vor.u32 $0x13, v21;
	v9 =	vld.idx.msk [tilespmem:v9+s2+$0x0], $0xffff;
	[tilespmem:s13+$0xA3F0] =	vst v3  }
0xcc: {  	v3 =	vor.u32 $0x13, v24;
	v5 =	vld.idx.msk [tilespmem:v10+s2+$0x0], $0xffff;
	[tilespmem:s13+$0xA310] =	vst v2  }
0xcd: {  	v18 =	vor.u32 $0x14, v1;
	v16 =	vor.u32 $0x13, v22;
	v23 =	vor.u32 $0x15, v1;
	v2 =	vld.idx.msk [tilespmem:v11+s2+$0x0], $0xffff;
	[tilespmem:s13+$0xA320] =	vst v6  }
0xce: {  	v51 =	vor.u32 $0x16, v1;
	v49 =	vor.u32 $0x17, v1;
	v11 =	vld.idx.msk [tilespmem:v12+s2+$0x0], $0xffff;
	v12 =	vor.u32 $0x13, v15;
	[tilespmem:s13+$0xA330] =	vst v13  }
0xcf: {  	v48 =	vor.u32 $0x18, v1;
	v47 =	vor.u32 $0x19, v1;
	v6 =	vor.u32 $0x15, v50;
	v7 =	vld.idx.msk [tilespmem:v7+s2+$0x0], $0xffff;
	[tilespmem:s13+$0xA340] =	vst v8  }
0xd0: {  	v46 =	vor.u32 $0x1A, v1;
	v45 =	vor.u32 $0x1B, v1;
	v10 =	vor.u32 $0x13, v1;
	v14 =	vld.idx.msk [tilespmem:v14+s2+$0x0], $0xffff;
	[tilespmem:s13+$0xA350] =	vst v9  }
0xd1: {  	v44 =	vor.u32 $0x1C, v1;
	v35 =	vor.u32 $0x1D, v1;
	v13 =	vor.u32 $0x13, v4;
	v3 =	vld.idx.msk [tilespmem:v3+s2+$0x0], $0xffff;
	[tilespmem:s13+$0xA470] =	vst v5  }
0xd2: {  	v37 =	vor.u32 $0x1E, v1;
	v40 =	vor.u32 $0x1F, v1;
	v1 =	vor.u32 $0x14, v20;
	v8 =	vld.idx.msk [tilespmem:v16+s2+$0x0], $0xffff;
	[tilespmem:s13+$0xA360] =	vst v2  }
0xd3: {  	v5 =	vor.u32 $0x14, v21;
	[tilespmem:s13+$0xA300] =	vst v11;
	v11 =	vld.idx.msk [tilespmem:v12+s2+$0x0], $0xffff  }
0xd4: {  	v9 =	vor.u32 $0x14, v24;
	v2 =	vld.idx.msk [tilespmem:v6+s2+$0x0], $0xffff;
	[tilespmem:s13+$0xA390] =	vst v7  }
0xd5: {  	v25 =	vor.u32 $0x14, v22;
	v10 =	vld.idx.msk [tilespmem:v10+s2+$0x0], $0xffff;
	[tilespmem:s13+$0xA3A0] =	vst v14  }
0xd6: {  	v12 =	vor.u32 $0x16, v50;
	v7 =	vld.idx.msk [tilespmem:v13+s2+$0x0], $0xffff;
	[tilespmem:s13+$0xA3B0] =	vst v3  }
0xd7: {  	v26 =	vor.u32 $0x14, v15;
	v38 =	vld.idx.msk [tilespmem:v1+s2+$0x0], $0xffff;
	[tilespmem:s13+$0xA3C0] =	vst v8  }
0xd8: {  	v27 =	vor.u32 $0x14, v4;
	v3 =	vld.idx.msk [tilespmem:v5+s2+$0x0], $0xffff;
	[tilespmem:s13+$0xA3D0] =	vst v11  }
0xd9: {  	v5 =	vld.idx.msk [tilespmem:v9+s2+$0x0], $0xffff;
	[tilespmem:s13+$0xA4F0] =	vst v2  }
0xda: {  	v8 =	vld.idx.msk [tilespmem:v25+s2+$0x0], $0xffff;
	[tilespmem:s13+$0xA380] =	vst v10  }
0xdb: {  	v2 =	vld.idx.msk [tilespmem:v12+s2+$0x0], $0xffff;
	[tilespmem:s13+$0xA3E0] =	vst v7  }
0xdc: {  	v25 =	vor.u32 $0x1A, v20;
	v7 =	vld.idx.msk [tilespmem:v26+s2+$0x0], $0xffff;
	[tilespmem:s13+$0xA410] =	vst v38  }
0xdd: {  	v10 =	vld.idx.msk [tilespmem:v27+s2+$0x0], $0xffff;
	[tilespmem:$0x1FF00] =	vst v25;
	v25 =	vor.u32 $0x1A, v21  }
0xde: {  	[tilespmem:$0x1FF10] =	vst v25;
	v25 =	vor.u32 $0x1A, v24  }
0xdf: {  	[tilespmem:$0x1FF20] =	vst v25  }
0xe0: {  	v6 =	vor.u32 $0x15, v20;
	[tilespmem:s13+$0xA420] =	vst v3;
	v3 =	vor.u32 $0x1A, v22  }
0xe1: {  	v18 =	vld.idx.msk [tilespmem:v18+s2+$0x0], $0xffff;
	[tilespmem:$0x1FF30] =	vst v3;
	v3 =	vor.u32 $0x1B, v20  }
0xe2: {  	[tilespmem:$0x1FF40] =	vst v3;
	v3 =	vor.u32 $0x1B, v21  }
0xe3: {  	[tilespmem:$0x1FF50] =	vst v3  }
0xe4: {  	v28 =	vor.u32 $0x15, v21;
	[tilespmem:s13+$0xA430] =	vst v5;
	v5 =	vor.u32 $0x1B, v24  }
0xe5: {  	v3 =	vld.idx.msk [tilespmem:v6+s2+$0x0], $0xffff;
	[tilespmem:$0x1FF60] =	vst v5;
	v5 =	vor.u32 $0x1B, v22  }
0xe6: {  	[tilespmem:$0x1FF70] =	vst v5;
	v5 =	vor.u32 $0x1C, v20  }
0xe7: {  	v29 =	vor.u32 $0x15, v24;
	[tilespmem:$0x1FF80] =	vst v5  }
0xe8: {  	v30 =	vor.u32 $0x15, v22;
	v9 =	vor.u32 $0x17, v50;
	[tilespmem:s13+$0xA570] =	vst v2;
	v2 =	vor.u32 $0x1C, v21  }
0xe9: {  	v31 =	vor.u32 $0x16, v20;
	v32 =	vor.u32 $0x15, v15;
	v5 =	vld.idx.msk [tilespmem:v28+s2+$0x0], $0xffff;
	[tilespmem:$0x1FF90] =	vst v2;
	v2 =	vor.u32 $0x1C, v24  }
0xea: {  	v43 =	vor.u32 $0x16, v21;
	v39 =	vor.u32 $0x16, v22;
	[tilespmem:$0x1FFA0] =	vst v2;
	v2 =	vor.u32 $0x1C, v22  }
0xeb: {  	v42 =	vor.u32 $0x17, v20;
	v34 =	vor.u32 $0x17, v21;
	v19 =	vor.u32 $0x17, v24;
	[tilespmem:$0x1FFB0] =	vst v2  }
0xec: {  	v17 =	vor.u32 $0x17, v22;
	v63 =	vor.u32 $0x18, v15;
	v6 =	vor.u32 $0x1D, v20;
	[tilespmem:s13+$0xA440] =	vst v8  }
0xed: {  	v61 =	vor.u32 $0x19, v20;
	v60 =	vor.u32 $0x19, v21;
	v2 =	vld.idx.msk [tilespmem:v9+s2+$0x0], $0xffff;
	[tilespmem:$0x1FFC0] =	vst v6;
	v6 =	vor.u32 $0x1D, v24  }
0xee: {  	v58 =	vor.u32 $0x19, v24;
	v57 =	vor.u32 $0x19, v22;
	v33 =	vor.u32 $0x15, v4;
	[tilespmem:$0x1FFD0] =	vst v6  }
0xef: {  	v36 =	vor.u32 $0x19, v15;
	v41 =	vor.u32 $0x1D, v21;
	v54 =	vor.u32 $0x1E, v20;
	[tilespmem:s13+$0xA450] =	vst v7  }
0xf0: {  	v52 =	vor.u32 $0x1F, v20;
	v56 =	vor.u32 $0x1E, v24;
	v53 =	vor.u32 $0x1F, v24;
	v8 =	vld.idx.msk [tilespmem:v29+s2+$0x0], $0xffff;
	[tilespmem:s13+$0xA460] =	vst v10  }
0xf1: {  	v59 =	vor.u32 $0x1A, v15;
	v62 =	vor.u32 $0x1A, v4;
	v55 =	vor.u32 $0x1B, v4;
	v9 =	vld.idx.msk [tilespmem:v30+s2+$0x0], $0xffff;
	[tilespmem:s13+$0xA400] =	vst v18  }
0xf2: {  	v0 =	vor.u32 $0x16, v24;
	v16 =	vor.u32 $0x17, v15;
	v7 =	vor.u32 $0x18, v50;
	[tilespmem:s13+$0xA490] =	vst v3;
	v10 =	vld.idx.msk [tilespmem:v32+s2+$0x0], $0xffff  }
0xf3: {  	v14 =	vor.u32 $0x18, v20;
	v13 =	vor.u32 $0x18, v21;
	[tilespmem:s13+$0xA4A0] =	vst v5;
	v3 =	vor.u32 $0x1B, v15;
	v18 =	vld.idx.msk [tilespmem:v33+s2+$0x0], $0xffff  }
0xf4: {  	v1 =	vor.u32 $0x16, v15;
	v11 =	vor.u32 $0x18, v22;
	v12 =	vor.u32 $0x18, v24;
	v5 =	vld.idx.msk [tilespmem:v23+s2+$0x0], $0xffff;
	[tilespmem:$0x1FFE0] =	vst v3  }
0xf5: {  	v26 =	vor.u32 $0x18, v4;
	v38 =	vor.u32 $0x1D, v22;
	[tilespmem:s13+$0xA5F0] =	vst v2;
	v2 =	vor.u32 $0x1C, v15  }
0xf6: {  	v20 =	vor.u32 $0x1E, v4;
	v28 =	vor.u32 $0x1E, v21;
	v21 =	vor.u32 $0x1F, v21;
	v6 =	vld.idx.msk [tilespmem:v31+s2+$0x0], $0xffff;
	[tilespmem:$0x1FFF0] =	vst v2  }
0xf7: {  	v24 =	vor.u32 $0x1F, v15;
	v29 =	vor.u32 $0x1E, v22;
	v22 =	vor.u32 $0x1F, v22;
	[tilespmem:s13+$0xA4B0] =	vst v8;
	v7 =	vld.idx.msk [tilespmem:v7+s2+$0x0], $0xffff  }
0xf8: {  	v30 =	vor.u32 $0x1E, v15;
	v3 =	vor.u32 $0x16, v4;
	v32 =	vor.u32 $0x1D, v4;
	[tilespmem:s13+$0xA4C0] =	vst v9;
	v8 =	vld.idx.msk [tilespmem:v43+s2+$0x0], $0xffff  }
0xf9: {  	v33 =	vor.u32 $0x1F, v4;
	v31 =	vor.u32 $0x1D, v15;
	v15 =	vor.u32 $0x19, v4;
	[tilespmem:s13+$0xA4D0] =	vst v10;
	v9 =	vld.idx.msk [tilespmem:v0+s2+$0x0], $0xffff  }
0xfa: {  	s14 =	simm.s32 $0x8;
	v2 =	vor.u32 $0x17, v4;
	v43 =	vor.u32 $0x1C, v4;
	[tilespmem:s13+$0xA4E0] =	vst v18;
	v4 =	vld.idx.msk [tilespmem:v39+s2+$0x0], $0xffff;
	v10 =	vor.u32 $0x19, v50  }
.LBB2_2:
0xfb: {  	_ = 	snop  }
0xfc: {  	[tilespmem:s13+$0xB270] =	vst v7  }
0xfd: {  	v1 =	vld.idx.msk [tilespmem:v1+s2+$0x0], $0xffff;
	[tilespmem:s13+$0xA520] =	vst v8  }
0xfe: {  	[tilespmem:s13+$0xA530] =	vst v9;
	v9 =	vld.idx.msk [tilespmem:v34+s2+$0x0], $0xffff  }
0xff: {  	[tilespmem:s13+$0xA480] =	vst v5;
	v5 =	vld.idx.msk [tilespmem:v3+s2+$0x0], $0xffff  }
0x100: {  	s15 =	sshll.u32 s14, $0x4;
	[tilespmem:s13+$0xA510] =	vst v6;
	v6 =	vld.idx.msk [tilespmem:v10+s2+$0x0], $0xffff  }
0x101: {  	s15 =	sand.u32 $0x3FFFFFF0, s15;
	v10 =	vld.idx.msk [tilespmem:v19+s2+$0x0], $0xffff  }
0x102: {  	[tilespmem:s13+$0xA540] =	vst v4;
	v3 =	vld [tilespmem:s15+$0x8000]  }
0x103: {  	v7 =	vld.idx.msk [tilespmem:v51+s2+$0x0], $0xffff;
	[tilespmem:s13+$0xA550] =	vst v1  }
0x104: {  	v8 =	vld.idx.msk [tilespmem:v42+s2+$0x0], $0xffff;
	[tilespmem:s13+$0xA5A0] =	vst v9  }
0x105: {  	v16 =	vld.idx.msk [tilespmem:v16+s2+$0x0], $0xffff;
	[tilespmem:s13+$0xA560] =	vst v5  }
0x106: {  	[tilespmem:s13+$0xB2F0] =	vst v6  }
0x107: {  	v13 =	vld.idx.msk [tilespmem:v13+s2+$0x0], $0xffff;
	[tilespmem:s13+$0xA5B0] =	vst v10  }
0x108: {  	[tilespmem:s13+$0xA500] =	vst v7  }
0x109: {  	v3 =	vshll.u32 v3, $0x5;
	[tilespmem:s13+$0xA590] =	vst v8  }
0x10a: {  	v0 =	vor.u32 $0xB, v3;
	[tilespmem:s13+$0xA5D0] =	vst v16  }
0x10b: {  	[tilespmem:$0x1FA60] =	vst v0  }
0x10c: {  	v0 =	vor.u32 $0xC, v3;
	[tilespmem:s13+$0xB220] =	vst v13  }
0x10d: {  	v4 =	vor.u32 $0x1A, v50;
	[tilespmem:$0x1FAC0] =	vst v0;
	v0 =	vor.u32 $0xD, v3  }
0x10e: {  	[tilespmem:$0x1FB30] =	vst v0;
	v0 =	vor.u32 $0xE, v3  }
0x10f: {  	[tilespmem:$0x1FBA0] =	vst v0;
	v0 =	vor.u32 $0xF, v3  }
0x110: {  	[tilespmem:$0x1FC10] =	vst v0;
	v0 =	vor.u32 $0x10, v3  }
0x111: {  	v5 =	vld.idx.msk [tilespmem:v17+s2+$0x0], $0xffff;
	[tilespmem:$0x1FC80] =	vst v0;
	v0 =	vor.u32 $0x11, v3  }
0x112: {  	v17 =	vld.idx.msk [tilespmem:v4+s2+$0x0], $0xffff;
	[tilespmem:$0x1FCF0] =	vst v0;
	v0 =	vor.u32 $0x12, v3  }
0x113: {  	v18 =	vld.idx.msk [tilespmem:v3+s2+$0x0], $0xffff;
	[tilespmem:$0x1FD60] =	vst v0;
	v0 =	vor.u32 $0x13, v3  }
0x114: {  	v10 =	vor.u32 $0x1, v3;
	[tilespmem:$0x1FDD0] =	vst v0;
	v0 =	vor.u32 $0x14, v3  }
0x115: {  	v8 =	vld.idx.msk [tilespmem:v2+s2+$0x0], $0xffff;
	[tilespmem:$0x1FE40] =	vst v0;
	v0 =	vor.u32 $0x15, v3  }
0x116: {  	s16 =	sshll.u32 s14, $0x7;
	v12 =	vld.idx.msk [tilespmem:v12+s2+$0x0], $0xffff;
	[tilespmem:$0x1FEB0] =	vst v0;
	v0 =	vor.u32 $0x16, v3  }
0x117: {  	s16 =	sand.u32 $0x3FFFFF80, s16;
	[tilespmem:s13+$0xB370] =	vst v17  }
0x118: {  	v2 =	vor.u32 $0x17, v3;
	v27 =	vld.idx.msk [tilespmem:v49+s2+$0x0], $0xffff;
	[tilespmem:s16+$0x8200] =	vst v18  }
0x119: {  	v10 =	vld.idx.msk [tilespmem:v10+s2+$0x0], $0xffff;
	[tilespmem:$0x1F950] =	vst v0;
	v0 =	vmov v2  }
0x11a: {  	[tilespmem:s13+$0xA5E0] =	vst v8  }
0x11b: {  	v19 =	vor.u32 $0x18, v3;
	[tilespmem:s13+$0xB230] =	vst v12  }
0x11c: {  	v14 =	vld.idx.msk [tilespmem:v14+s2+$0x0], $0xffff;
	v16 =	vor.u32 $0x2, v3;
	[tilespmem:$0x1F920] =	vst v0;
	v0 =	vmov v19  }
0x11d: {  	v13 =	vld.idx.msk [tilespmem:v26+s2+$0x0], $0xffff;
	[tilespmem:s13+$0xA580] =	vst v27  }
0x11e: {  	v23 =	vor.u32 $0x19, v3;
	v17 =	vld.idx.msk [tilespmem:v48+s2+$0x0], $0xffff;
	[tilespmem:s16+$0x8280] =	vst v10  }
0x11f: {  	[tilespmem:$0x1F910] =	vst v0;
	v0 =	vmov v23  }
0x120: {  	v9 =	vor.u32 $0x1B, v50;
	[tilespmem:$0x1FAA0] =	vst v0;
	v0 =	vld [tilespmem:$0x1FF00]  }
0x121: {  	[tilespmem:s13+$0xB210] =	vst v14;
	v10 =	vld.idx.msk [tilespmem:v16+s2+$0x0], $0xffff  }
0x122: {  	v12 =	vld.idx.msk [tilespmem:v61+s2+$0x0], $0xffff;
	[tilespmem:s13+$0xB260] =	vst v13;
	v13 =	vor.u32 $0x3, v3;
	_ =	sdelay $0x1  }
0x123: {  	[tilespmem:s13+$0xA5C0] =	vst v5  }
0x124: {  	v8 =	vld.idx.msk [tilespmem:v9+s2+$0x0], $0xffff;
	[tilespmem:s13+$0xB200] =	vst v17  }
0x125: {  	v9 =	vld.idx.msk [tilespmem:v11+s2+$0x0], $0xffff;
	[tilespmem:s16+$0x8300] =	vst v10  }
0x126: {  	[tilespmem:s13+$0xB290] =	vst v12;
	v10 =	vld.idx.msk [tilespmem:v13+s2+$0x0], $0xffff  }
0x127: {  	v11 =	vor.u32 $0x1C, v50;
	v13 =	vld.idx.msk [tilespmem:v0+s2+$0x0], $0xffff  }
0x128: {  	v0 =	vld [tilespmem:$0x1FF10];
	_ =	sdelay $0x1  }
0x129: {  	[tilespmem:s13+$0xB240] =	vst v9;
	v9 =	vld.idx.msk [tilespmem:v60+s2+$0x0], $0xffff  }
0x12a: {  	[tilespmem:s13+$0xB3F0] =	vst v8;
	v16 =	vld.idx.msk [tilespmem:v57+s2+$0x0], $0xffff  }
0x12b: {  	v8 =	vld.idx.msk [tilespmem:v11+s2+$0x0], $0xffff  }
0x12c: {  	v11 =	vor.u32 $0x1D, v50  }
0x12d: {  	v14 =	vld.idx.msk [tilespmem:v63+s2+$0x0], $0xffff  }
0x12e: {  	[tilespmem:s13+$0xB2A0] =	vst v9  }
0x12f: {  	[tilespmem:s13+$0xB2C0] =	vst v16;
	v16 =	vld.idx.msk [tilespmem:v0+s2+$0x0], $0xffff  }
0x130: {  	[tilespmem:s13+$0xB470] =	vst v8;
	v0 =	vld [tilespmem:$0x1FF20]  }
0x131: {  	v8 =	vld.idx.msk [tilespmem:v11+s2+$0x0], $0xffff  }
0x132: {  	[tilespmem:s13+$0xB250] =	vst v14;
	v14 =	vld.idx.msk [tilespmem:v58+s2+$0x0], $0xffff;
	v11 =	vor.u32 $0x1E, v50  }
0x133: {  	v12 =	vld.idx.msk [tilespmem:v36+s2+$0x0], $0xffff;
	_ =	sdelay $0x1  }
0x134: {  	v15 =	vld.idx.msk [tilespmem:v15+s2+$0x0], $0xffff  }
0x135: {  	v9 =	vld.idx.msk [tilespmem:v47+s2+$0x0], $0xffff;
	[tilespmem:s13+$0xB4F0] =	vst v8  }
0x136: {  	[tilespmem:s13+$0xB2B0] =	vst v14;
	v8 =	vld.idx.msk [tilespmem:v11+s2+$0x0], $0xffff  }
0x137: {  	[tilespmem:s13+$0xB2D0] =	vst v12;
	v12 =	vld.idx.msk [tilespmem:v0+s2+$0x0], $0xffff  }
0x138: {  	v14 =	vor.u32 $0x4, v3;
	v0 =	vld [tilespmem:$0x1FF30]  }
0x139: {  	[tilespmem:s13+$0xB2E0] =	vst v15  }
0x13a: {  	[tilespmem:s13+$0xB280] =	vst v9  }
0x13b: {  	v11 =	vld.idx.msk [tilespmem:v62+s2+$0x0], $0xffff;
	[tilespmem:s16+$0x8380] =	vst v10  }
0x13c: {  	v9 =	vld.idx.msk [tilespmem:v59+s2+$0x0], $0xffff;
	[tilespmem:s13+$0xB570] =	vst v8  }
0x13d: {  	v25 =	vor.u32 $0x1A, v3;
	v10 =	vld.idx.msk [tilespmem:v14+s2+$0x0], $0xffff;
	[tilespmem:s13+$0xB310] =	vst v13  }
0x13e: {  	v8 =	vld [tilespmem:$0x1FF60];
	v13 =	vor.u32 $0x5, v3;
	[tilespmem:s13+$0xB330] =	vst v12;
	v12 =	vmov v25  }
0x13f: {  	[tilespmem:$0x1F930] =	vst v12;
	v12 =	vld [tilespmem:$0x1FF40]  }
0x140: {  	v15 =	vld.idx.msk [tilespmem:v0+s2+$0x0], $0xffff  }
0x141: {  	[tilespmem:s13+$0xB360] =	vst v11;
	v14 =	vld.idx.msk [tilespmem:v46+s2+$0x0], $0xffff;
	v0 =	vor.u32 $0x1F, v50  }
0x142: {  	[tilespmem:s16+$0x8400] =	vst v10;
	v10 =	vld [tilespmem:$0x1FF70]  }
0x143: {  	[tilespmem:s13+$0xB350] =	vst v9;
	v9 =	vld.idx.msk [tilespmem:v13+s2+$0x0], $0xffff  }
0x144: {  	v13 =	vld.idx.msk [tilespmem:v55+s2+$0x0], $0xffff  }
0x145: {  	[tilespmem:s13+$0xB340] =	vst v15;
	v15 =	vld [tilespmem:$0x1FF50]  }
0x146: {  	v0 =	vld.idx.msk [tilespmem:v0+s2+$0x0], $0xffff  }
0x147: {  	[tilespmem:s13+$0xB300] =	vst v14;
	v12 =	vld.idx.msk [tilespmem:v12+s2+$0x0], $0xffff  }
0x148: {  	v14 =	vld.idx.msk [tilespmem:v45+s2+$0x0], $0xffff  }
0x149: {  	v11 =	vor.u32 $0x6, v3;
	[tilespmem:s13+$0xB320] =	vst v16;
	v8 =	vld.idx.msk [tilespmem:v8+s2+$0x0], $0xffff  }
0x14a: {  	v7 =	vor.u32 $0x1B, v3;
	[tilespmem:s16+$0x8480] =	vst v9;
	v9 =	vld [tilespmem:$0x1FFA0]  }
0x14b: {  	[tilespmem:s13+$0xB5F0] =	vst v0;
	v0 =	vmov v7;
	v7 =	vld [tilespmem:$0x1FF90]  }
0x14c: {  	[tilespmem:s13+$0xB390] =	vst v12;
	v12 =	vld [tilespmem:$0x1FFE0]  }
0x14d: {  	v15 =	vld.idx.msk [tilespmem:v15+s2+$0x0], $0xffff  }
0x14e: {  	[tilespmem:s13+$0xB3B0] =	vst v8;
	v8 =	vld.idx.msk [tilespmem:v11+s2+$0x0], $0xffff  }
0x14f: {  	v11 =	vld [tilespmem:$0x1FFB0];
	_ =	sdelay $0x1  }
0x150: {  	v10 =	vld.idx.msk [tilespmem:v10+s2+$0x0], $0xffff;
	[tilespmem:$0x1F940] =	vst v0  }
0x151: {  	v0 =	vld [tilespmem:$0x1FF80];
	[tilespmem:s13+$0xB3A0] =	vst v15  }
0x152: {  	v7 =	vld.idx.msk [tilespmem:v7+s2+$0x0], $0xffff  }
0x153: {  	[tilespmem:s13+$0xB3E0] =	vst v13;
	v12 =	vld.idx.msk [tilespmem:v12+s2+$0x0], $0xffff  }
0x154: {  	[tilespmem:s13+$0xB380] =	vst v14;
	v9 =	vld.idx.msk [tilespmem:v9+s2+$0x0], $0xffff  }
0x155: {  	v13 =	vld.idx.msk [tilespmem:v44+s2+$0x0], $0xffff;
	[tilespmem:s13+$0xB3C0] =	vst v10;
	v10 =	vor.u32 $0x7, v3  }
0x156: {  	v6 =	vor.u32 $0x1C, v3;
	v11 =	vld.idx.msk [tilespmem:v11+s2+$0x0], $0xffff  }
0x157: {  	[tilespmem:s13+$0xB420] =	vst v7;
	v7 =	vmov v6;
	v6 =	vld [tilespmem:$0x1FFC0]  }
0x158: {  	[tilespmem:s13+$0xB3D0] =	vst v12;
	v12 =	vld [tilespmem:$0x1FFF0]  }
0x159: {  	[tilespmem:s16+$0x8500] =	vst v8;
	v0 =	vld.idx.msk [tilespmem:v0+s2+$0x0], $0xffff  }
0x15a: {  	[tilespmem:$0x1FA30] =	vst v7;
	v7 =	vld.idx.msk [tilespmem:v10+s2+$0x0], $0xffff  }
0x15b: {  	v10 =	vld [tilespmem:$0x1FFD0]  }
0x15c: {  	[tilespmem:s13+$0xB440] =	vst v11  }
0x15d: {  	v11 =	vld.idx.msk [tilespmem:v38+s2+$0x0], $0xffff  }
0x15e: {  	[tilespmem:s13+$0xB410] =	vst v0;
	v0 =	vld.idx.msk [tilespmem:v43+s2+$0x0], $0xffff  }
0x15f: {  	[tilespmem:s13+$0xB430] =	vst v9;
	v6 =	vld.idx.msk [tilespmem:v6+s2+$0x0], $0xffff  }
0x160: {  	v9 =	vor.u32 $0x8, v3;
	[tilespmem:s13+$0xB400] =	vst v13;
	v12 =	vld.idx.msk [tilespmem:v12+s2+$0x0], $0xffff  }
0x161: {  	v8 =	vld.idx.msk [tilespmem:v41+s2+$0x0], $0xffff;
	[tilespmem:s16+$0x8580] =	vst v7  }
0x162: {  	[tilespmem:s13+$0xB4C0] =	vst v11;
	v7 =	vld.idx.msk [tilespmem:v35+s2+$0x0], $0xffff  }
0x163: {  	[tilespmem:s13+$0xB460] =	vst v0;
	v10 =	vld.idx.msk [tilespmem:v10+s2+$0x0], $0xffff  }
0x164: {  	v5 =	vor.u32 $0x1D, v3;
	[tilespmem:s13+$0xB490] =	vst v6;
	v6 =	vld.idx.msk [tilespmem:v32+s2+$0x0], $0xffff  }
0x165: {  	[tilespmem:s13+$0xB450] =	vst v12;
	v12 =	vmov v5;
	v5 =	vld.idx.msk [tilespmem:v9+s2+$0x0], $0xffff  }
0x166: {  	[tilespmem:s13+$0xB4A0] =	vst v8;
	v0 =	vld.idx.msk [tilespmem:v31+s2+$0x0], $0xffff  }
0x167: {  	v1 =	vor.u32 $0xA, v3;
	v9 =	vld.idx.msk [tilespmem:v28+s2+$0x0], $0xffff;
	[tilespmem:s13+$0xB480] =	vst v7  }
0x168: {  	v4 =	vor.u32 $0x1E, v3;
	v2 =	vor.u32 $0x1F, v3;
	v3 =	vor.u32 $0x9, v3;
	v8 =	vld.idx.msk [tilespmem:v54+s2+$0x0], $0xffff;
	[tilespmem:s13+$0xB4B0] =	vst v10  }
0x169: {  	[tilespmem:s13+$0xB4E0] =	vst v6  }
0x16a: {  	v10 =	vld.idx.msk [tilespmem:v56+s2+$0x0], $0xffff;
	[tilespmem:s16+$0x9200] =	vst v5  }
0x16b: {  	[tilespmem:s13+$0xB4D0] =	vst v0;
	v0 =	vld.idx.msk [tilespmem:v29+s2+$0x0], $0xffff  }
0x16c: {  	[tilespmem:s13+$0xB520] =	vst v9;
	v5 =	vld.idx.msk [tilespmem:v20+s2+$0x0], $0xffff  }
0x16d: {  	v3 =	vld.idx.msk [tilespmem:v3+s2+$0x0], $0xffff;
	[tilespmem:s13+$0xB510] =	vst v8;
	v8 =	vmov v4  }
0x16e: {  	v6 =	vld.idx.msk [tilespmem:v30+s2+$0x0], $0xffff;
	[tilespmem:$0x1F9B0] =	vst v8  }
0x16f: {  	v7 =	vld.idx.msk [tilespmem:v37+s2+$0x0], $0xffff;
	[tilespmem:s13+$0xB530] =	vst v10  }
0x170: {  	v4 =	vld.idx.msk [tilespmem:v52+s2+$0x0], $0xffff;
	[tilespmem:s13+$0xB540] =	vst v0  }
0x171: {  	v8 =	vld.idx.msk [tilespmem:v21+s2+$0x0], $0xffff;
	[tilespmem:s13+$0xB560] =	vst v5  }
0x172: {  	[tilespmem:s16+$0x9280] =	vst v3;
	v5 =	vld [tilespmem:s15+$0x8070]  }
0x173: {  	[tilespmem:s13+$0xB550] =	vst v6;
	v6 =	vld.idx.msk [tilespmem:v22+s2+$0x0], $0xffff  }
0x174: {  	[tilespmem:s13+$0xB500] =	vst v7;
	v7 =	vld [tilespmem:s15+$0x8010]  }
0x175: {  	[tilespmem:s13+$0xB590] =	vst v4;
	v4 =	vld [tilespmem:s15+$0x8020]  }
0x176: {  	[tilespmem:s13+$0xB5A0] =	vst v8;
	v8 =	vld [tilespmem:s15+$0x8030]  }
0x177: {  	v3 =	vld.idx.msk [tilespmem:v24+s2+$0x0], $0xffff  }
0x178: {  	v9 =	vld [tilespmem:s15+$0x8040]  }
0x179: {  	v0 =	vld.idx.msk [tilespmem:v53+s2+$0x0], $0xffff  }
0x17a: {  	v50 =	vshll.u32 v5, $0x5;
	[tilespmem:s13+$0xB5C0] =	vst v6;
	v6 =	vld [tilespmem:s15+$0x8050]  }
0x17b: {  	v1 =	vld.idx.msk [tilespmem:v1+s2+$0x0], $0xffff;
	v20 =	vshll.u32 v7, $0x5  }
0x17c: {  	v22 =	vshll.u32 v8, $0x5;
	[tilespmem:s13+$0xB5D0] =	vst v3;
	v3 =	vld [tilespmem:s15+$0x8060]  }
0x17d: {  	v11 =	vld.idx.msk [tilespmem:v33+s2+$0x0], $0xffff;
	v24 =	vshll.u32 v9, $0x5  }
0x17e: {  	[tilespmem:$0x1F9D0] =	vst v12;
	v21 =	vshll.u32 v4, $0x5;
	v9 =	vld.idx.msk [tilespmem:v40+s2+$0x0], $0xffff  }
0x17f: {  	[tilespmem:s13+$0xB5B0] =	vst v0;
	v0 =	vmov v2;
	v2 =	vld.idx.msk [tilespmem:v50+s2+$0x0], $0xffff;
	v18 =	vshll.u32 v6, $0x5  }
0x180: {  	[tilespmem:$0x1FA50] =	vst v0;
	v13 =	vor.u32 $0x1, v50;
	v6 =	vld.idx.msk [tilespmem:v20+s2+$0x0], $0xffff  }
0x181: {  	[tilespmem:s16+$0x9300] =	vst v1;
	v15 =	vld.idx.msk [tilespmem:v22+s2+$0x0], $0xffff;
	v8 =	vshll.u32 v3, $0x5  }
0x182: {  	v5 =	vor.u32 $0x1, v20;
	[tilespmem:s13+$0xB5E0] =	vst v11;
	v26 =	vld.idx.msk [tilespmem:v24+s2+$0x0], $0xffff  }
0x183: {  	v12 =	vor.u32 $0x1, v22;
	[tilespmem:s13+$0xB580] =	vst v9;
	s13 =	smov.u32 s16;
	v3 =	vld.idx.msk [tilespmem:v21+s2+$0x0], $0xffff  }
0x184: {  	v4 =	vor.u32 $0x1, v21;
	[tilespmem:s13+$0x8270] =	vst v2;
	v31 =	vld.idx.msk [tilespmem:v18+s2+$0x0], $0xffff  }
0x185: {  	v23 =	vor.u32 $0x1, v24;
	[tilespmem:s13+$0x8210] =	vst v6;
	v33 =	vld.idx.msk [tilespmem:v13+s2+$0x0], $0xffff  }
0x186: {  	v25 =	vor.u32 $0x1, v18;
	[tilespmem:s13+$0x8230] =	vst v15;
	v32 =	vld.idx.msk [tilespmem:v8+s2+$0x0], $0xffff  }
0x187: {  	v30 =	vor.u32 $0x1, v8;
	[tilespmem:s13+$0x8240] =	vst v26;
	v35 =	vld.idx.msk [tilespmem:v5+s2+$0x0], $0xffff  }
0x188: {  	v40 =	vor.u32 $0x2, v50;
	[tilespmem:s13+$0x8220] =	vst v3;
	v41 =	vld.idx.msk [tilespmem:v12+s2+$0x0], $0xffff  }
0x189: {  	v38 =	vld.idx.msk [tilespmem:v4+s2+$0x0], $0xffff;
	[tilespmem:s13+$0x8250] =	vst v31  }
0x18a: {  	v43 =	vld.idx.msk [tilespmem:v23+s2+$0x0], $0xffff;
	[tilespmem:s13+$0x82F0] =	vst v33  }
0x18b: {  	v44 =	vld.idx.msk [tilespmem:v25+s2+$0x0], $0xffff;
	[tilespmem:s13+$0x8260] =	vst v32  }
0x18c: {  	v1 =	vor.u32 $0x9, v20;
	[tilespmem:s13+$0x8290] =	vst v35;
	v30 =	vld.idx.msk [tilespmem:v30+s2+$0x0], $0xffff  }
0x18d: {  	v40 =	vld.idx.msk [tilespmem:v40+s2+$0x0], $0xffff;
	[tilespmem:$0x1F960] =	vst v1  }
0x18e: {  	[tilespmem:s13+$0x82A0] =	vst v38  }
0x18f: {  	v28 =	vor.u32 $0x2, v24;
	v2 =	vor.u32 $0xA, v20;
	[tilespmem:s13+$0x82B0] =	vst v41  }
0x190: {  	[tilespmem:$0x1F980] =	vst v2  }
0x191: {  	v7 =	vor.u32 $0x2, v20;
	v1 =	vor.u32 $0x9, v21;
	[tilespmem:s13+$0x82C0] =	vst v43  }
0x192: {  	v2 =	vor.u32 $0xA, v21;
	[tilespmem:$0x1F970] =	vst v1  }
0x193: {  	[tilespmem:$0x1F990] =	vst v2;
	v2 =	vor.u32 $0xA, v22  }
0x194: {  	v10 =	vor.u32 $0x2, v21;
	[tilespmem:$0x1F9A0] =	vst v2;
	v2 =	vld.idx.msk [tilespmem:v28+s2+$0x0], $0xffff;
	v28 =	vor.u32 $0xA, v24  }
0x195: {  	v27 =	vor.u32 $0x2, v22;
	[tilespmem:$0x1F9C0] =	vst v28  }
0x196: {  	v0 =	vld.idx.msk [tilespmem:v7+s2+$0x0], $0xffff;
	v28 =	vor.u32 $0xB, v20;
	[tilespmem:s13+$0x82D0] =	vst v44  }
0x197: {  	[tilespmem:$0x1F9F0] =	vst v28  }
0x198: {  	v28 =	vor.u32 $0xA, v8;
	[tilespmem:s13+$0x82E0] =	vst v30  }
0x199: {  	v1 =	vld.idx.msk [tilespmem:v10+s2+$0x0], $0xffff;
	[tilespmem:$0x1F9E0] =	vst v28  }
0x19a: {  	v47 =	vld.idx.msk [tilespmem:v27+s2+$0x0], $0xffff;
	[tilespmem:s13+$0x8370] =	vst v40  }
0x19b: {  	v28 =	vor.u32 $0xB, v21;
	[tilespmem:s13+$0x8310] =	vst v0  }
0x19c: {  	v0 =	vor.u32 $0xC, v20;
	[tilespmem:$0x1FA00] =	vst v28  }
0x19d: {  	[tilespmem:$0x1FA70] =	vst v0  }
0x19e: {  	[tilespmem:s13+$0x8320] =	vst v1  }
0x19f: {  	v29 =	vor.u32 $0x2, v18;
	v28 =	vor.u32 $0xB, v22;
	[tilespmem:s13+$0x8330] =	vst v47  }
0x1a0: {  	v14 =	vor.u32 $0x3, v21;
	v0 =	vor.u32 $0xB, v8;
	[tilespmem:$0x1FA10] =	vst v28  }
0x1a1: {  	v1 =	vor.u32 $0xC, v22;
	[tilespmem:$0x1FA40] =	vst v0  }
0x1a2: {  	v17 =	vor.u32 $0x3, v24;
	[tilespmem:$0x1FA80] =	vst v1  }
0x1a3: {  	v28 =	vor.u32 $0xB, v24;
	[tilespmem:s13+$0x8340] =	vst v2  }
0x1a4: {  	v37 =	vor.u32 $0x2, v8;
	v32 =	vld.idx.msk [tilespmem:v29+s2+$0x0], $0xffff;
	v1 =	vor.u32 $0xC, v24;
	[tilespmem:$0x1FA20] =	vst v28  }
0x1a5: {  	v45 =	vor.u32 $0x3, v50;
	[tilespmem:$0x1FA90] =	vst v1;
	v1 =	vld.idx.msk [tilespmem:v14+s2+$0x0], $0xffff;
	v14 =	vor.u32 $0xC, v8  }
0x1a6: {  	v28 =	vor.u32 $0xD, v20;
	[tilespmem:$0x1FAB0] =	vst v14  }
0x1a7: {  	v2 =	vld.idx.msk [tilespmem:v17+s2+$0x0], $0xffff;
	v17 =	vor.u32 $0xD, v24;
	[tilespmem:$0x1FAD0] =	vst v28  }
0x1a8: {  	v39 =	vor.u32 $0x3, v20;
	v28 =	vor.u32 $0xD, v21;
	[tilespmem:$0x1FB00] =	vst v17  }
0x1a9: {  	v16 =	vor.u32 $0x3, v22;
	v37 =	vld.idx.msk [tilespmem:v37+s2+$0x0], $0xffff;
	[tilespmem:$0x1FAE0] =	vst v28  }
0x1aa: {  	v45 =	vld.idx.msk [tilespmem:v45+s2+$0x0], $0xffff;
	v17 =	vor.u32 $0xD, v18;
	[tilespmem:s13+$0x8350] =	vst v32  }
0x1ab: {  	v28 =	vor.u32 $0xD, v22;
	[tilespmem:$0x1FB10] =	vst v17  }
0x1ac: {  	v17 =	vor.u32 $0xD, v8;
	[tilespmem:$0x1FAF0] =	vst v28  }
0x1ad: {  	v0 =	vld.idx.msk [tilespmem:v39+s2+$0x0], $0xffff;
	[tilespmem:$0x1FB20] =	vst v17  }
0x1ae: {  	v16 =	vld.idx.msk [tilespmem:v16+s2+$0x0], $0xffff;
	[tilespmem:s13+$0x8360] =	vst v37  }
0x1af: {  	v17 =	vor.u32 $0xE, v20;
	[tilespmem:s13+$0x83F0] =	vst v45  }
0x1b0: {  	v28 =	vor.u32 $0xE, v8;
	[tilespmem:$0x1FB40] =	vst v17  }
0x1b1: {  	[tilespmem:$0x1FB90] =	vst v28  }
0x1b2: {  	[tilespmem:s13+$0x8390] =	vst v0  }
0x1b3: {  	v17 =	vor.u32 $0xE, v21;
	[tilespmem:s13+$0x83B0] =	vst v16  }
0x1b4: {  	v0 =	vor.u32 $0xF, v20;
	[tilespmem:$0x1FB50] =	vst v17  }
0x1b5: {  	[tilespmem:$0x1FBB0] =	vst v0  }
0x1b6: {  	v28 =	vor.u32 $0x10, v21;
	[tilespmem:s13+$0x83A0] =	vst v1  }
0x1b7: {  	[tilespmem:$0x1FC30] =	vst v28  }
0x1b8: {  	v19 =	vor.u32 $0x3, v18;
	v17 =	vor.u32 $0xE, v22;
	[tilespmem:s13+$0x83C0] =	vst v2  }
0x1b9: {  	v0 =	vor.u32 $0xF, v21;
	[tilespmem:$0x1FB60] =	vst v17  }
0x1ba: {  	v1 =	vor.u32 $0xF, v24;
	[tilespmem:$0x1FBC0] =	vst v0  }
0x1bb: {  	v28 =	vor.u32 $0x10, v22;
	[tilespmem:$0x1FBE0] =	vst v1  }
0x1bc: {  	v2 =	vor.u32 $0x10, v24;
	[tilespmem:$0x1FC40] =	vst v28  }
0x1bd: {  	v17 =	vld.idx.msk [tilespmem:v19+s2+$0x0], $0xffff;
	v19 =	vor.u32 $0xE, v24;
	[tilespmem:$0x1FC50] =	vst v2  }
0x1be: {  	v0 =	vor.u32 $0xF, v22;
	[tilespmem:$0x1FB70] =	vst v19  }
0x1bf: {  	v1 =	vor.u32 $0xF, v18;
	[tilespmem:$0x1FBD0] =	vst v0  }
0x1c0: {  	v2 =	vor.u32 $0x10, v18;
	[tilespmem:$0x1FBF0] =	vst v1  }
0x1c1: {  	v28 =	vor.u32 $0x11, v18;
	[tilespmem:$0x1FC60] =	vst v2  }
0x1c2: {  	v19 =	vor.u32 $0xE, v18;
	[tilespmem:$0x1FCD0] =	vst v28  }
0x1c3: {  	v1 =	vor.u32 $0xF, v8;
	[tilespmem:$0x1FB80] =	vst v19  }
0x1c4: {  	v14 =	vor.u32 $0x4, v50;
	v2 =	vor.u32 $0x11, v20;
	[tilespmem:$0x1FC00] =	vst v1  }
0x1c5: {  	v61 =	vor.u32 $0x4, v20;
	v28 =	vor.u32 $0x11, v8;
	[tilespmem:$0x1FC90] =	vst v2  }
0x1c6: {  	v58 =	vor.u32 $0x4, v22;
	v1 =	vor.u32 $0x10, v20;
	[tilespmem:$0x1FCE0] =	vst v28  }
0x1c7: {  	v2 =	vor.u32 $0x11, v21;
	[tilespmem:$0x1FC20] =	vst v1  }
0x1c8: {  	v28 =	vor.u32 $0x1A, v22;
	[tilespmem:$0x1FCA0] =	vst v2  }
0x1c9: {  	v63 =	vor.u32 $0x3, v8;
	v0 =	vld.idx.msk [tilespmem:v14+s2+$0x0], $0xffff;
	[tilespmem:$0x1FF20] =	vst v28;
	v28 =	vor.u32 $0x1A, v24  }
0x1ca: {  	v14 =	vld.idx.msk [tilespmem:v61+s2+$0x0], $0xffff;
	[tilespmem:$0x1FF30] =	vst v28  }
0x1cb: {  	v61 =	vld.idx.msk [tilespmem:v58+s2+$0x0], $0xffff;
	v28 =	vor.u32 $0x1B, v20;
	[tilespmem:s13+$0x83D0] =	vst v17  }
0x1cc: {  	v17 =	vor.u32 $0x10, v8;
	[tilespmem:$0x1FF40] =	vst v28  }
0x1cd: {  	[tilespmem:$0x1FC70] =	vst v17  }
0x1ce: {  	v19 =	vld.idx.msk [tilespmem:v63+s2+$0x0], $0xffff;
	[tilespmem:s13+$0x8470] =	vst v0  }
0x1cf: {  	v60 =	vor.u32 $0x4, v21;
	[tilespmem:s13+$0x8410] =	vst v14  }
0x1d0: {  	v57 =	vor.u32 $0x4, v24;
	v28 =	vor.u32 $0x1B, v21;
	[tilespmem:s13+$0x8430] =	vst v61  }
0x1d1: {  	v17 =	vor.u32 $0x11, v22;
	[tilespmem:$0x1FF50] =	vst v28  }
0x1d2: {  	[tilespmem:$0x1FCB0] =	vst v17  }
0x1d3: {  	v0 =	vor.u32 $0x12, v22;
	[tilespmem:s13+$0x83E0] =	vst v19  }
0x1d4: {  	v1 =	vld.idx.msk [tilespmem:v60+s2+$0x0], $0xffff;
	v28 =	vor.u32 $0x1B, v18;
	[tilespmem:$0x1FD20] =	vst v0  }
0x1d5: {  	v2 =	vld.idx.msk [tilespmem:v57+s2+$0x0], $0xffff;
	v17 =	vor.u32 $0x11, v24;
	[tilespmem:$0x1FFE0] =	vst v28  }
0x1d6: {  	v19 =	vor.u32 $0x12, v20;
	[tilespmem:$0x1FCC0] =	vst v17  }
0x1d7: {  	v0 =	vor.u32 $0x12, v24;
	[tilespmem:$0x1FD00] =	vst v19  }
0x1d8: {  	[tilespmem:$0x1FD30] =	vst v0  }
0x1d9: {  	v16 =	vor.u32 $0x5, v50;
	[tilespmem:s13+$0x8420] =	vst v1  }
0x1da: {  	v19 =	vor.u32 $0x12, v21;
	[tilespmem:s13+$0x8440] =	vst v2  }
0x1db: {  	v34 =	vor.u32 $0x5, v20;
	v0 =	vor.u32 $0x12, v18;
	[tilespmem:$0x1FD10] =	vst v19  }
0x1dc: {  	v6 =	vor.u32 $0x5, v21;
	v1 =	vor.u32 $0x13, v21;
	[tilespmem:$0x1FD40] =	vst v0  }
0x1dd: {  	v9 =	vor.u32 $0x5, v22;
	v2 =	vor.u32 $0x13, v18;
	[tilespmem:$0x1FD80] =	vst v1  }
0x1de: {  	v0 =	vld.idx.msk [tilespmem:v16+s2+$0x0], $0xffff;
	v16 =	vor.u32 $0x13, v20;
	[tilespmem:$0x1FDB0] =	vst v2  }
0x1df: {  	v42 =	vor.u32 $0x4, v18;
	v1 =	vor.u32 $0x12, v8;
	[tilespmem:$0x1FD70] =	vst v16  }
0x1e0: {  	v14 =	vld.idx.msk [tilespmem:v34+s2+$0x0], $0xffff;
	v2 =	vor.u32 $0x13, v8;
	[tilespmem:$0x1FD50] =	vst v1  }
0x1e1: {  	v36 =	vor.u32 $0x4, v8;
	v1 =	vld.idx.msk [tilespmem:v6+s2+$0x0], $0xffff;
	v6 =	vor.u32 $0x13, v22;
	[tilespmem:$0x1FDC0] =	vst v2  }
0x1e2: {  	v3 =	vor.u32 $0x5, v24;
	v9 =	vld.idx.msk [tilespmem:v9+s2+$0x0], $0xffff;
	v2 =	vor.u32 $0x14, v21;
	[tilespmem:$0x1FD90] =	vst v6  }
0x1e3: {  	v6 =	vor.u32 $0x13, v24;
	[tilespmem:$0x1FDF0] =	vst v2  }
0x1e4: {  	v17 =	vld.idx.msk [tilespmem:v42+s2+$0x0], $0xffff;
	v2 =	vor.u32 $0x14, v22;
	[tilespmem:$0x1FDA0] =	vst v6  }
0x1e5: {  	[tilespmem:$0x1FE00] =	vst v2  }
0x1e6: {  	v19 =	vld.idx.msk [tilespmem:v36+s2+$0x0], $0xffff;
	[tilespmem:s13+$0x8490] =	vst v14  }
0x1e7: {  	v2 =	vld.idx.msk [tilespmem:v3+s2+$0x0], $0xffff;
	v3 =	vor.u32 $0x14, v24;
	[tilespmem:s13+$0x84B0] =	vst v9  }
0x1e8: {  	[tilespmem:$0x1FE10] =	vst v3  }
0x1e9: {  	[tilespmem:s13+$0x8450] =	vst v17;
	v3 =	vor.u32 $0x15, v20  }
0x1ea: {  	[tilespmem:$0x1FE50] =	vst v3  }
0x1eb: {  	[tilespmem:s13+$0x8460] =	vst v19  }
0x1ec: {  	v12 =	vor.u32 $0x6, v22;
	v3 =	vor.u32 $0x14, v18;
	[tilespmem:s13+$0x84F0] =	vst v0  }
0x1ed: {  	v0 =	vor.u32 $0x16, v20;
	[tilespmem:$0x1FE20] =	vst v3  }
0x1ee: {  	v5 =	vor.u32 $0x5, v18;
	[tilespmem:$0x1FEC0] =	vst v0  }
0x1ef: {  	v13 =	vor.u32 $0x5, v8;
	v3 =	vor.u32 $0x14, v8;
	[tilespmem:s13+$0x84A0] =	vst v1  }
0x1f0: {  	v4 =	vor.u32 $0x6, v21;
	v0 =	vor.u32 $0x15, v18;
	[tilespmem:$0x1FE30] =	vst v3  }
0x1f1: {  	v6 =	vor.u32 $0x6, v50;
	v37 =	vld.idx.msk [tilespmem:v12+s2+$0x0], $0xffff;
	v3 =	vor.u32 $0x15, v21;
	[tilespmem:$0x1FE90] =	vst v0  }
0x1f2: {  	v11 =	vor.u32 $0x6, v20;
	v0 =	vor.u32 $0x15, v8;
	[tilespmem:$0x1FE60] =	vst v3  }
0x1f3: {  	v5 =	vld.idx.msk [tilespmem:v5+s2+$0x0], $0xffff;
	[tilespmem:$0x1FEA0] =	vst v0  }
0x1f4: {  	v15 =	vor.u32 $0x6, v24;
	v63 =	vld.idx.msk [tilespmem:v13+s2+$0x0], $0xffff;
	v3 =	vor.u32 $0x15, v22;
	[tilespmem:s13+$0x84C0] =	vst v2  }
0x1f5: {  	v4 =	vld.idx.msk [tilespmem:v4+s2+$0x0], $0xffff;
	[tilespmem:$0x1FE70] =	vst v3  }
0x1f6: {  	v56 =	vor.u32 $0x7, v22;
	v0 =	vld.idx.msk [tilespmem:v6+s2+$0x0], $0xffff;
	v3 =	vor.u32 $0x15, v24;
	[tilespmem:s13+$0x8530] =	vst v37  }
0x1f7: {  	v46 =	vor.u32 $0x6, v18;
	v6 =	vld.idx.msk [tilespmem:v11+s2+$0x0], $0xffff;
	[tilespmem:$0x1FE80] =	vst v3  }
0x1f8: {  	v26 =	vor.u32 $0x6, v8;
	[tilespmem:s13+$0x84D0] =	vst v5  }
0x1f9: {  	v9 =	vor.u32 $0x7, v50;
	v41 =	vld.idx.msk [tilespmem:v15+s2+$0x0], $0xffff;
	[tilespmem:s13+$0x84E0] =	vst v63  }
0x1fa: {  	[tilespmem:s13+$0x8520] =	vst v4  }
0x1fb: {  	v59 =	vor.u32 $0x7, v21;
	v37 =	vld.idx.msk [tilespmem:v56+s2+$0x0], $0xffff;
	[tilespmem:s13+$0x8570] =	vst v0  }
0x1fc: {  	v5 =	vld.idx.msk [tilespmem:v46+s2+$0x0], $0xffff;
	v4 =	vor.u32 $0x1A, v20;
	[tilespmem:s13+$0x8510] =	vst v6  }
0x1fd: {  	v49 =	vor.u32 $0x7, v20;
	v43 =	vld.idx.msk [tilespmem:v26+s2+$0x0], $0xffff;
	[tilespmem:$0x1FF00] =	vst v4  }
0x1fe: {  	v0 =	vld.idx.msk [tilespmem:v9+s2+$0x0], $0xffff;
	v9 =	vor.u32 $0x1A, v21;
	[tilespmem:s13+$0x8540] =	vst v41  }
0x1ff: {  	v62 =	vor.u32 $0x7, v24;
	[tilespmem:$0x1FF10] =	vst v9  }
0x200: {  	v4 =	vld.idx.msk [tilespmem:v59+s2+$0x0], $0xffff;
	[tilespmem:s13+$0x85B0] =	vst v37  }
0x201: {  	[tilespmem:s13+$0x8550] =	vst v5;
	v5 =	vor.u32 $0x1B, v22  }
0x202: {  	v6 =	vld.idx.msk [tilespmem:v49+s2+$0x0], $0xffff;
	[tilespmem:$0x1FF60] =	vst v5  }
0x203: {  	v55 =	vor.u32 $0x7, v18;
	v5 =	vor.u32 $0x1B, v24;
	[tilespmem:s13+$0x8560] =	vst v43  }
0x204: {  	v25 =	vor.u32 $0x7, v8;
	v45 =	vld.idx.msk [tilespmem:v62+s2+$0x0], $0xffff;
	[tilespmem:$0x1FF70] =	vst v5  }
0x205: {  	v53 =	vor.u32 $0x8, v21;
	[tilespmem:s13+$0x85A0] =	vst v4  }
0x206: {  	v9 =	vor.u32 $0x8, v50;
	[tilespmem:s13+$0x85F0] =	vst v0  }
0x207: {  	v54 =	vor.u32 $0x8, v20;
	[tilespmem:s13+$0x8590] =	vst v6;
	v0 =	vor.u32 $0x1C, v22  }
0x208: {  	v35 =	vor.u32 $0x8, v24;
	v5 =	vld.idx.msk [tilespmem:v55+s2+$0x0], $0xffff;
	[tilespmem:$0x1FFA0] =	vst v0  }
0x209: {  	v52 =	vor.u32 $0x8, v22;
	v25 =	vld.idx.msk [tilespmem:v25+s2+$0x0], $0xffff;
	v0 =	vor.u32 $0x1C, v24;
	[tilespmem:s13+$0x85C0] =	vst v45  }
0x20a: {  	v51 =	vor.u32 $0x8, v18;
	v4 =	vld.idx.msk [tilespmem:v53+s2+$0x0], $0xffff;
	[tilespmem:$0x1FFB0] =	vst v0;
	v0 =	vor.u32 $0x1C, v18  }
0x20b: {  	[tilespmem:$0x1FFF0] =	vst v0;
	v0 =	vld.idx.msk [tilespmem:v9+s2+$0x0], $0xffff;
	v9 =	vor.u32 $0x1D, v20  }
0x20c: {  	v33 =	vor.u32 $0x8, v8;
	v6 =	vld.idx.msk [tilespmem:v54+s2+$0x0], $0xffff;
	[tilespmem:$0x1FFC0] =	vst v9  }
0x20d: {  	v35 =	vld.idx.msk [tilespmem:v35+s2+$0x0], $0xffff;
	[tilespmem:s13+$0x85D0] =	vst v5  }
0x20e: {  	v10 =	vor.u32 $0x9, v24;
	v37 =	vld.idx.msk [tilespmem:v52+s2+$0x0], $0xffff;
	v9 =	vor.u32 $0x1D, v22;
	[tilespmem:s13+$0x85E0] =	vst v25  }
0x20f: {  	[tilespmem:$0x1FFD0] =	vst v9;
	v9 =	vor.u32 $0x9, v50;
	v5 =	vld.idx.msk [tilespmem:v51+s2+$0x0], $0xffff  }
0x210: {  	v23 =	vor.u32 $0x9, v22;
	[tilespmem:s13+$0x9220] =	vst v4;
	v4 =	vld [tilespmem:$0x1F970]  }
0x211: {  	v7 =	vor.u32 $0x9, v18;
	v27 =	vor.u32 $0x9, v8;
	v25 =	vld.idx.msk [tilespmem:v33+s2+$0x0], $0xffff;
	[tilespmem:s13+$0x9210] =	vst v6  }
0x212: {  	v32 =	vor.u32 $0x1D, v8;
	v61 =	vor.u32 $0x19, v20;
	v28 =	vor.u32 $0x1C, v20;
	v6 =	vld [tilespmem:$0x1F960];
	[tilespmem:s13+$0x9240] =	vst v35  }
0x213: {  	v42 =	vor.u32 $0x17, v20;
	v16 =	vor.u32 $0x14, v20;
	v14 =	vor.u32 $0x18, v20;
	[tilespmem:s13+$0x9270] =	vst v0;
	v10 =	vld.idx.msk [tilespmem:v10+s2+$0x0], $0xffff  }
0x214: {  	v2 =	vor.u32 $0x17, v8;
	v15 =	vor.u32 $0x19, v8;
	v3 =	vor.u32 $0x16, v8;
	[tilespmem:s13+$0x9230] =	vst v37;
	v0 =	vld.idx.msk [tilespmem:v9+s2+$0x0], $0xffff  }
0x215: {  	v26 =	vor.u32 $0x18, v8;
	v62 =	vor.u32 $0x1A, v8;
	v52 =	vor.u32 $0x1F, v20;
	v9 =	vld.idx.msk [tilespmem:v23+s2+$0x0], $0xffff;
	[tilespmem:s13+$0x9250] =	vst v5  }
0x216: {  	v43 =	vor.u32 $0x1C, v8;
	v55 =	vor.u32 $0x1B, v8;
	v54 =	vor.u32 $0x1E, v20;
	[tilespmem:s13+$0x9260] =	vst v25;
	v5 =	vld.idx.msk [tilespmem:v7+s2+$0x0], $0xffff  }
0x217: {  	v20 =	vor.u32 $0x1E, v8;
	v33 =	vor.u32 $0x1F, v8;
	v8 =	vor.u32 $0xA, v50;
	v7 =	vld.idx.msk [tilespmem:v27+s2+$0x0], $0xffff  }
0x218: {  	v44 =	vor.u32 $0xA, v18;
	v4 =	vld.idx.msk [tilespmem:v4+s2+$0x0], $0xffff  }
0x219: {  	[tilespmem:s13+$0x92C0] =	vst v10;
	v10 =	vld [tilespmem:$0x1F9C0]  }
0x21a: {  	v6 =	vld.idx.msk [tilespmem:v6+s2+$0x0], $0xffff;
	[tilespmem:s13+$0x92F0] =	vst v0  }
0x21b: {  	[tilespmem:s13+$0x92B0] =	vst v9;
	v9 =	vld [tilespmem:$0x1F9A0]  }
0x21c: {  	v0 =	vld.idx.msk [tilespmem:v8+s2+$0x0], $0xffff;
	[tilespmem:s13+$0x92D0] =	vst v5  }
0x21d: {  	v5 =	vld.idx.msk [tilespmem:v44+s2+$0x0], $0xffff  }
0x21e: {  	v8 =	vor.u32 $0xB, v50;
	[tilespmem:s13+$0x92A0] =	vst v4;
	v4 =	vld [tilespmem:$0x1F990]  }
0x21f: {  	[tilespmem:s13+$0x9290] =	vst v6;
	v6 =	vld [tilespmem:$0x1F980]  }
0x220: {  	v40 =	vor.u32 $0xB, v18;
	[tilespmem:s13+$0x92E0] =	vst v7;
	v7 =	vld [tilespmem:$0x1F9E0];
	_ =	sdelay $0x1  }
0x221: {  	v10 =	vld.idx.msk [tilespmem:v10+s2+$0x0], $0xffff;
	[tilespmem:s13+$0x9370] =	vst v0  }
0x222: {  	v0 =	vld.idx.msk [tilespmem:v8+s2+$0x0], $0xffff  }
0x223: {  	[tilespmem:s13+$0x9350] =	vst v5;
	v9 =	vld.idx.msk [tilespmem:v9+s2+$0x0], $0xffff  }
0x224: {  	v5 =	vld.idx.msk [tilespmem:v40+s2+$0x0], $0xffff  }
0x225: {  	v4 =	vld.idx.msk [tilespmem:v4+s2+$0x0], $0xffff  }
0x226: {  	v6 =	vld.idx.msk [tilespmem:v6+s2+$0x0], $0xffff  }
0x227: {  	v7 =	vld.idx.msk [tilespmem:v7+s2+$0x0], $0xffff  }
0x228: {  	[tilespmem:s13+$0x9340] =	vst v10;
	v10 =	vld [tilespmem:$0x1FA20]  }
0x229: {  	[tilespmem:s13+$0x9330] =	vst v9;
	v9 =	vld [tilespmem:$0x1FA10]  }
0x22a: {  	v8 =	vor.u32 $0xC, v50;
	[tilespmem:s13+$0x9320] =	vst v4;
	v4 =	vld [tilespmem:$0x1FA00]  }
0x22b: {  	[tilespmem:s13+$0x9310] =	vst v6;
	v6 =	vld [tilespmem:$0x1F9F0]  }
0x22c: {  	[tilespmem:s13+$0x9360] =	vst v7;
	v7 =	vld [tilespmem:$0x1FA40]  }
0x22d: {  	[tilespmem:s13+$0x93F0] =	vst v0  }
0x22e: {  	[tilespmem:s13+$0x93D0] =	vst v5;
	v5 =	vld [tilespmem:$0x1FA90]  }
0x22f: {  	v0 =	vld.idx.msk [tilespmem:v8+s2+$0x0], $0xffff  }
0x230: {  	v10 =	vld.idx.msk [tilespmem:v10+s2+$0x0], $0xffff  }
0x231: {  	v9 =	vld.idx.msk [tilespmem:v9+s2+$0x0], $0xffff  }
0x232: {  	v4 =	vld.idx.msk [tilespmem:v4+s2+$0x0], $0xffff  }
0x233: {  	v6 =	vld.idx.msk [tilespmem:v6+s2+$0x0], $0xffff  }
0x234: {  	v47 =	vor.u32 $0xC, v18;
	v7 =	vld.idx.msk [tilespmem:v7+s2+$0x0], $0xffff  }
0x235: {  	v8 =	vor.u32 $0xD, v50;
	[tilespmem:s13+$0x93C0] =	vst v10;
	v10 =	vld [tilespmem:$0x1FA80]  }
0x236: {  	[tilespmem:s13+$0x9470] =	vst v0;
	v5 =	vld.idx.msk [tilespmem:v5+s2+$0x0], $0xffff  }
0x237: {  	v39 =	vor.u32 $0xC, v21;
	[tilespmem:s13+$0x93A0] =	vst v4;
	v4 =	vld [tilespmem:$0x1FA70]  }
0x238: {  	[tilespmem:s13+$0x9390] =	vst v6;
	v6 =	vld [tilespmem:$0x1FA60]  }
0x239: {  	[tilespmem:s13+$0x93E0] =	vst v7;
	v7 =	vld.idx.msk [tilespmem:v47+s2+$0x0], $0xffff  }
0x23a: {  	v0 =	vld.idx.msk [tilespmem:v8+s2+$0x0], $0xffff  }
0x23b: {  	[tilespmem:s13+$0x9440] =	vst v5;
	v5 =	vld [tilespmem:$0x1FAF0]  }
0x23c: {  	[tilespmem:s13+$0x93B0] =	vst v9;
	v9 =	vld.idx.msk [tilespmem:v39+s2+$0x0], $0xffff  }
0x23d: {  	v10 =	vld.idx.msk [tilespmem:v10+s2+$0x0], $0xffff  }
0x23e: {  	[tilespmem:s13+$0x9450] =	vst v7;
	v7 =	vld [tilespmem:$0x1FB00]  }
0x23f: {  	v4 =	vld.idx.msk [tilespmem:v4+s2+$0x0], $0xffff  }
0x240: {  	v6 =	vld.idx.msk [tilespmem:v6+s2+$0x0], $0xffff  }
0x241: {  	[tilespmem:s13+$0x9420] =	vst v9;
	v9 =	vld [tilespmem:$0x1FAD0]  }
0x242: {  	v8 =	vor.u32 $0xE, v50;
	[tilespmem:s13+$0x9430] =	vst v10;
	v10 =	vld [tilespmem:$0x1FAE0]  }
0x243: {  	v5 =	vld.idx.msk [tilespmem:v5+s2+$0x0], $0xffff  }
0x244: {  	[tilespmem:s13+$0x9410] =	vst v4;
	v4 =	vld [tilespmem:$0x1FAB0]  }
0x245: {  	[tilespmem:s13+$0x9380] =	vst v6;
	v6 =	vld [tilespmem:$0x1FAC0]  }
0x246: {  	[tilespmem:s13+$0x94F0] =	vst v0;
	v7 =	vld.idx.msk [tilespmem:v7+s2+$0x0], $0xffff  }
0x247: {  	v0 =	vld.idx.msk [tilespmem:v8+s2+$0x0], $0xffff  }
0x248: {  	[tilespmem:s13+$0x94B0] =	vst v5;
	v5 =	vld [tilespmem:$0x1FB50]  }
0x249: {  	v9 =	vld.idx.msk [tilespmem:v9+s2+$0x0], $0xffff  }
0x24a: {  	v10 =	vld.idx.msk [tilespmem:v10+s2+$0x0], $0xffff  }
0x24b: {  	[tilespmem:s13+$0x94C0] =	vst v7;
	v7 =	vld [tilespmem:$0x1FB60]  }
0x24c: {  	v4 =	vld.idx.msk [tilespmem:v4+s2+$0x0], $0xffff  }
0x24d: {  	v6 =	vld.idx.msk [tilespmem:v6+s2+$0x0], $0xffff  }
0x24e: {  	[tilespmem:s13+$0x9490] =	vst v9;
	v9 =	vld [tilespmem:$0x1FB30]  }
0x24f: {  	v8 =	vor.u32 $0xF, v50;
	[tilespmem:s13+$0x94A0] =	vst v10;
	v10 =	vld [tilespmem:$0x1FB40]  }
0x250: {  	v5 =	vld.idx.msk [tilespmem:v5+s2+$0x0], $0xffff  }
0x251: {  	[tilespmem:s13+$0x9460] =	vst v4;
	v4 =	vld [tilespmem:$0x1FB10]  }
0x252: {  	[tilespmem:s13+$0x9400] =	vst v6;
	v6 =	vld [tilespmem:$0x1FB20]  }
0x253: {  	[tilespmem:s13+$0x9570] =	vst v0;
	v7 =	vld.idx.msk [tilespmem:v7+s2+$0x0], $0xffff  }
0x254: {  	v0 =	vld.idx.msk [tilespmem:v8+s2+$0x0], $0xffff  }
0x255: {  	[tilespmem:s13+$0x9520] =	vst v5;
	v5 =	vld [tilespmem:$0x1FBB0]  }
0x256: {  	v9 =	vld.idx.msk [tilespmem:v9+s2+$0x0], $0xffff  }
0x257: {  	v10 =	vld.idx.msk [tilespmem:v10+s2+$0x0], $0xffff  }
0x258: {  	[tilespmem:s13+$0x9530] =	vst v7;
	v7 =	vld [tilespmem:$0x1FBC0]  }
0x259: {  	v4 =	vld.idx.msk [tilespmem:v4+s2+$0x0], $0xffff  }
0x25a: {  	v6 =	vld.idx.msk [tilespmem:v6+s2+$0x0], $0xffff  }
0x25b: {  	[tilespmem:s13+$0x9480] =	vst v9;
	v9 =	vld [tilespmem:$0x1FB90]  }
0x25c: {  	v8 =	vor.u32 $0x10, v50;
	[tilespmem:s13+$0x9510] =	vst v10;
	v10 =	vld [tilespmem:$0x1FBA0]  }
0x25d: {  	v5 =	vld.idx.msk [tilespmem:v5+s2+$0x0], $0xffff  }
0x25e: {  	[tilespmem:s13+$0x94D0] =	vst v4;
	v4 =	vld [tilespmem:$0x1FB70]  }
0x25f: {  	[tilespmem:s13+$0x94E0] =	vst v6;
	v6 =	vld [tilespmem:$0x1FB80]  }
0x260: {  	[tilespmem:s13+$0x95F0] =	vst v0;
	v7 =	vld.idx.msk [tilespmem:v7+s2+$0x0], $0xffff  }
0x261: {  	v0 =	vld.idx.msk [tilespmem:v8+s2+$0x0], $0xffff  }
0x262: {  	[tilespmem:s13+$0x9590] =	vst v5;
	v5 =	vld [tilespmem:$0x1FC00]  }
0x263: {  	v9 =	vld.idx.msk [tilespmem:v9+s2+$0x0], $0xffff  }
0x264: {  	v10 =	vld.idx.msk [tilespmem:v10+s2+$0x0], $0xffff  }
0x265: {  	[tilespmem:s13+$0x95A0] =	vst v7;
	v7 =	vld [tilespmem:$0x1FC20]  }
0x266: {  	v4 =	vld.idx.msk [tilespmem:v4+s2+$0x0], $0xffff  }
0x267: {  	v6 =	vld.idx.msk [tilespmem:v6+s2+$0x0], $0xffff  }
0x268: {  	[tilespmem:s13+$0x9560] =	vst v9;
	v9 =	vld [tilespmem:$0x1FBF0]  }
0x269: {  	v8 =	vor.u32 $0x11, v50;
	[tilespmem:s13+$0x9500] =	vst v10;
	v10 =	vld [tilespmem:$0x1FC10]  }
0x26a: {  	v5 =	vld.idx.msk [tilespmem:v5+s2+$0x0], $0xffff  }
0x26b: {  	[tilespmem:s13+$0x9540] =	vst v4;
	v4 =	vld [tilespmem:$0x1FBD0]  }
0x26c: {  	[tilespmem:s13+$0x9550] =	vst v6;
	v6 =	vld [tilespmem:$0x1FBE0]  }
0x26d: {  	[tilespmem:s13+$0xA270] =	vst v0;
	v7 =	vld.idx.msk [tilespmem:v7+s2+$0x0], $0xffff  }
0x26e: {  	v0 =	vld.idx.msk [tilespmem:v8+s2+$0x0], $0xffff  }
0x26f: {  	[tilespmem:s13+$0x95E0] =	vst v5;
	v5 =	vld [tilespmem:$0x1FC60]  }
0x270: {  	v9 =	vld.idx.msk [tilespmem:v9+s2+$0x0], $0xffff  }
0x271: {  	v10 =	vld.idx.msk [tilespmem:v10+s2+$0x0], $0xffff  }
0x272: {  	[tilespmem:s13+$0xA210] =	vst v7;
	v7 =	vld [tilespmem:$0x1FC70]  }
0x273: {  	v4 =	vld.idx.msk [tilespmem:v4+s2+$0x0], $0xffff  }
0x274: {  	v6 =	vld.idx.msk [tilespmem:v6+s2+$0x0], $0xffff  }
0x275: {  	[tilespmem:s13+$0x95D0] =	vst v9;
	v9 =	vld [tilespmem:$0x1FC50]  }
0x276: {  	v8 =	vor.u32 $0x12, v50;
	[tilespmem:s13+$0x9580] =	vst v10;
	v10 =	vld [tilespmem:$0x1FC80]  }
0x277: {  	v5 =	vld.idx.msk [tilespmem:v5+s2+$0x0], $0xffff  }
0x278: {  	[tilespmem:s13+$0x95B0] =	vst v4;
	v4 =	vld [tilespmem:$0x1FC30]  }
0x279: {  	[tilespmem:s13+$0x95C0] =	vst v6;
	v6 =	vld [tilespmem:$0x1FC40]  }
0x27a: {  	[tilespmem:s13+$0xA2F0] =	vst v0;
	v7 =	vld.idx.msk [tilespmem:v7+s2+$0x0], $0xffff  }
0x27b: {  	v0 =	vld.idx.msk [tilespmem:v8+s2+$0x0], $0xffff  }
0x27c: {  	[tilespmem:s13+$0xA250] =	vst v5;
	v5 =	vld [tilespmem:$0x1FCC0]  }
0x27d: {  	v9 =	vld.idx.msk [tilespmem:v9+s2+$0x0], $0xffff  }
0x27e: {  	v10 =	vld.idx.msk [tilespmem:v10+s2+$0x0], $0xffff  }
0x27f: {  	[tilespmem:s13+$0xA260] =	vst v7;
	v7 =	vld [tilespmem:$0x1FCD0]  }
0x280: {  	v4 =	vld.idx.msk [tilespmem:v4+s2+$0x0], $0xffff  }
0x281: {  	v6 =	vld.idx.msk [tilespmem:v6+s2+$0x0], $0xffff  }
0x282: {  	[tilespmem:s13+$0xA240] =	vst v9;
	v9 =	vld [tilespmem:$0x1FCB0]  }
0x283: {  	v8 =	vor.u32 $0x13, v50;
	[tilespmem:s13+$0xA200] =	vst v10;
	v10 =	vld [tilespmem:$0x1FCE0]  }
0x284: {  	v5 =	vld.idx.msk [tilespmem:v5+s2+$0x0], $0xffff  }
0x285: {  	[tilespmem:s13+$0xA220] =	vst v4;
	v4 =	vld [tilespmem:$0x1FC90]  }
0x286: {  	[tilespmem:s13+$0xA230] =	vst v6;
	v6 =	vld [tilespmem:$0x1FCA0]  }
0x287: {  	[tilespmem:s13+$0xA370] =	vst v0;
	v7 =	vld.idx.msk [tilespmem:v7+s2+$0x0], $0xffff  }
0x288: {  	v0 =	vld.idx.msk [tilespmem:v8+s2+$0x0], $0xffff  }
0x289: {  	[tilespmem:s13+$0xA2C0] =	vst v5;
	v5 =	vld [tilespmem:$0x1FD20]  }
0x28a: {  	v9 =	vld.idx.msk [tilespmem:v9+s2+$0x0], $0xffff  }
0x28b: {  	v10 =	vld.idx.msk [tilespmem:v10+s2+$0x0], $0xffff  }
0x28c: {  	[tilespmem:s13+$0xA2D0] =	vst v7;
	v7 =	vld [tilespmem:$0x1FD30]  }
0x28d: {  	v4 =	vld.idx.msk [tilespmem:v4+s2+$0x0], $0xffff  }
0x28e: {  	v6 =	vld.idx.msk [tilespmem:v6+s2+$0x0], $0xffff  }
0x28f: {  	[tilespmem:s13+$0xA2B0] =	vst v9;
	v9 =	vld [tilespmem:$0x1FD10]  }
0x290: {  	v8 =	vor.u32 $0x14, v50;
	[tilespmem:s13+$0xA2E0] =	vst v10;
	v10 =	vld [tilespmem:$0x1FD40]  }
0x291: {  	v5 =	vld.idx.msk [tilespmem:v5+s2+$0x0], $0xffff  }
0x292: {  	[tilespmem:s13+$0xA290] =	vst v4;
	v4 =	vld [tilespmem:$0x1FCF0]  }
0x293: {  	[tilespmem:s13+$0xA2A0] =	vst v6;
	v6 =	vld [tilespmem:$0x1FD00]  }
0x294: {  	v48 =	vld [tilespmem:$0x1F910];
	[tilespmem:s13+$0xA3F0] =	vst v0  }
0x295: {  	v0 =	vld.idx.msk [tilespmem:v8+s2+$0x0], $0xffff  }
0x296: {  	[tilespmem:s13+$0xA330] =	vst v5;
	v5 =	vld [tilespmem:$0x1FD80]  }
0x297: {  	v7 =	vld.idx.msk [tilespmem:v7+s2+$0x0], $0xffff  }
0x298: {  	v9 =	vld.idx.msk [tilespmem:v9+s2+$0x0], $0xffff  }
0x299: {  	v10 =	vld.idx.msk [tilespmem:v10+s2+$0x0], $0xffff  }
0x29a: {  	v4 =	vld.idx.msk [tilespmem:v4+s2+$0x0], $0xffff  }
0x29b: {  	v6 =	vld.idx.msk [tilespmem:v6+s2+$0x0], $0xffff  }
0x29c: {  	[tilespmem:s13+$0xA340] =	vst v7;
	v7 =	vld [tilespmem:$0x1FD90]  }
0x29d: {  	[tilespmem:s13+$0xA320] =	vst v9;
	v9 =	vld [tilespmem:$0x1FD70]  }
0x29e: {  	v8 =	vor.u32 $0x15, v50;
	v5 =	vld.idx.msk [tilespmem:v5+s2+$0x0], $0xffff  }
0x29f: {  	[tilespmem:s13+$0xA280] =	vst v4;
	v4 =	vld [tilespmem:$0x1FD50]  }
0x2a0: {  	[tilespmem:s13+$0xA310] =	vst v6;
	v6 =	vld [tilespmem:$0x1FD60]  }
0x2a1: {  	[tilespmem:s13+$0xA350] =	vst v10;
	v10 =	vld [tilespmem:$0x1FDA0]  }
0x2a2: {  	v46 =	vld [tilespmem:$0x1F930];
	[tilespmem:s13+$0xA470] =	vst v0  }
0x2a3: {  	v0 =	vld.idx.msk [tilespmem:v8+s2+$0x0], $0xffff  }
0x2a4: {  	[tilespmem:$0x1FDE0] =	vst v16;
	v7 =	vld.idx.msk [tilespmem:v7+s2+$0x0], $0xffff  }
0x2a5: {  	[tilespmem:s13+$0xA3A0] =	vst v5;
	v5 =	vld [tilespmem:$0x1FDE0]  }
0x2a6: {  	v8 =	vor.u32 $0x16, v50;
	v9 =	vld.idx.msk [tilespmem:v9+s2+$0x0], $0xffff  }
0x2a7: {  	v4 =	vld.idx.msk [tilespmem:v4+s2+$0x0], $0xffff  }
0x2a8: {  	v6 =	vld.idx.msk [tilespmem:v6+s2+$0x0], $0xffff  }
0x2a9: {  	[tilespmem:s13+$0xA4F0] =	vst v0;
	v10 =	vld.idx.msk [tilespmem:v10+s2+$0x0], $0xffff  }
0x2aa: {  	[tilespmem:s13+$0xA3B0] =	vst v7;
	v7 =	vld [tilespmem:$0x1FDF0]  }
0x2ab: {  	v0 =	vld.idx.msk [tilespmem:v8+s2+$0x0], $0xffff;
	[tilespmem:s13+$0xA390] =	vst v9  }
0x2ac: {  	v8 =	vor.u32 $0x17, v50;
	[tilespmem:s13+$0xA360] =	vst v4;
	v4 =	vld [tilespmem:$0x1FDB0]  }
0x2ad: {  	[tilespmem:s13+$0xA300] =	vst v6;
	v6 =	vld [tilespmem:$0x1FDC0]  }
0x2ae: {  	v5 =	vld.idx.msk [tilespmem:v5+s2+$0x0], $0xffff  }
0x2af: {  	[tilespmem:s13+$0xA3C0] =	vst v10;
	v10 =	vld [tilespmem:$0x1FE00]  }
0x2b0: {  	v49 =	vld [tilespmem:$0x1F920];
	[tilespmem:s13+$0xA570] =	vst v0  }
0x2b1: {  	v0 =	vld.idx.msk [tilespmem:v8+s2+$0x0], $0xffff  }
0x2b2: {  	v7 =	vld.idx.msk [tilespmem:v7+s2+$0x0], $0xffff  }
0x2b3: {  	[tilespmem:s13+$0xA410] =	vst v5;
	v5 =	vld [tilespmem:$0x1FE30]  }
0x2b4: {  	v4 =	vld.idx.msk [tilespmem:v4+s2+$0x0], $0xffff  }
0x2b5: {  	v6 =	vld.idx.msk [tilespmem:v6+s2+$0x0], $0xffff  }
0x2b6: {  	v9 =	vld [tilespmem:$0x1FDD0]  }
0x2b7: {  	v10 =	vld.idx.msk [tilespmem:v10+s2+$0x0], $0xffff  }
0x2b8: {  	[tilespmem:s13+$0xA420] =	vst v7;
	v7 =	vld [tilespmem:$0x1FE50]  }
0x2b9: {  	[tilespmem:s13+$0xA3D0] =	vst v4;
	v4 =	vld [tilespmem:$0x1FE10]  }
0x2ba: {  	[tilespmem:s13+$0xA3E0] =	vst v6;
	v6 =	vld [tilespmem:$0x1FE20]  }
0x2bb: {  	v1 =	vor.u32 $0x16, v21;
	v5 =	vld.idx.msk [tilespmem:v5+s2+$0x0], $0xffff  }
0x2bc: {  	[tilespmem:$0x1FED0] =	vst v1;
	v45 =	vld [tilespmem:$0x1F940]  }
0x2bd: {  	[tilespmem:s13+$0xA430] =	vst v10;
	v10 =	vld [tilespmem:$0x1FE60]  }
0x2be: {  	[tilespmem:s13+$0xA5F0] =	vst v0;
	v0 =	vld [tilespmem:$0x1FED0]  }
0x2bf: {  	v9 =	vld.idx.msk [tilespmem:v9+s2+$0x0], $0xffff  }
0x2c0: {  	[tilespmem:s13+$0xA460] =	vst v5;
	v5 =	vld [tilespmem:$0x1FE90]  }
0x2c1: {  	v4 =	vld.idx.msk [tilespmem:v4+s2+$0x0], $0xffff  }
0x2c2: {  	v8 =	vor.u32 $0x18, v50;
	v7 =	vld.idx.msk [tilespmem:v7+s2+$0x0], $0xffff  }
0x2c3: {  	v6 =	vld.idx.msk [tilespmem:v6+s2+$0x0], $0xffff  }
0x2c4: {  	[tilespmem:s13+$0xA380] =	vst v9;
	v9 =	vld [tilespmem:$0x1FE40]  }
0x2c5: {  	v10 =	vld.idx.msk [tilespmem:v10+s2+$0x0], $0xffff  }
0x2c6: {  	[tilespmem:s13+$0xA440] =	vst v4;
	v4 =	vld [tilespmem:$0x1FE70]  }
0x2c7: {  	[tilespmem:s13+$0xA490] =	vst v7;
	v7 =	vld.idx.msk [tilespmem:v8+s2+$0x0], $0xffff  }
0x2c8: {  	[tilespmem:s13+$0xA450] =	vst v6;
	v6 =	vld [tilespmem:$0x1FE80]  }
0x2c9: {  	v23 =	vld.idx.msk [tilespmem:v5+s2+$0x0], $0xffff  }
0x2ca: {  	v31 =	vor.u32 $0x1D, v18;
	v38 =	vor.u32 $0x1D, v24;
	v1 =	vor.u32 $0x16, v22;
	[tilespmem:s13+$0xA4A0] =	vst v10;
	v5 =	vld [tilespmem:$0x1FEA0]  }
0x2cb: {  	v29 =	vor.u32 $0x1E, v24;
	v30 =	vor.u32 $0x1E, v18;
	v58 =	vor.u32 $0x19, v22;
	[tilespmem:$0x1FEE0] =	vst v1;
	v8 =	vld.idx.msk [tilespmem:v0+s2+$0x0], $0xffff  }
0x2cc: {  	v57 =	vor.u32 $0x19, v24;
	v36 =	vor.u32 $0x19, v18;
	v16 =	vor.u32 $0x17, v18;
	v0 =	vld [tilespmem:$0x1FEE0]  }
0x2cd: {  	v17 =	vor.u32 $0x17, v24;
	v12 =	vor.u32 $0x18, v22;
	v1 =	vor.u32 $0x16, v24;
	v37 =	vld [tilespmem:$0x1F9B0]  }
0x2ce: {  	v19 =	vor.u32 $0x17, v22;
	v11 =	vor.u32 $0x18, v24;
	[tilespmem:$0x1FEF0] =	vst v1;
	v1 =	vor.u32 $0x16, v18;
	v4 =	vld.idx.msk [tilespmem:v4+s2+$0x0], $0xffff  }
0x2cf: {  	v56 =	vor.u32 $0x1E, v22;
	v63 =	vor.u32 $0x18, v18;
	v59 =	vor.u32 $0x1A, v18;
	v9 =	vld.idx.msk [tilespmem:v9+s2+$0x0], $0xffff  }
0x2d0: {  	v53 =	vor.u32 $0x1F, v22;
	v22 =	vor.u32 $0x1F, v24;
	v24 =	vor.u32 $0x1F, v18;
	v18 =	vld.idx.msk [tilespmem:v6+s2+$0x0], $0xffff  }
0x2d1: {  	v6 =	vld [tilespmem:$0x1FEC0]  }
0x2d2: {  	v25 =	vld.idx.msk [tilespmem:v5+s2+$0x0], $0xffff  }
0x2d3: {  	v5 =	vld [tilespmem:$0x1FEB0];
	[tilespmem:s13+$0xA4B0] =	vst v4  }
0x2d4: {  	[tilespmem:s13+$0xA400] =	vst v9;
	v9 =	vld.idx.msk [tilespmem:v0+s2+$0x0], $0xffff  }
0x2d5: {  	v0 =	vld [tilespmem:$0x1FEF0]  }
0x2d6: {  	v51 =	vld [tilespmem:$0x1F950]  }
0x2d7: {  	v35 =	vld [tilespmem:$0x1F9D0]  }
0x2d8: {  	p0 =	slt.u32 s14, $0x18;
	v44 =	vld [tilespmem:$0x1FA30]  }
.Ltmp0:
0x2d9: {  	[tilespmem:$0x1FF80] =	vst v28;
	v28 =	vor.u32 $0x1C, v21;
	v40 =	vld [tilespmem:$0x1FA50];
	(pc) =	sbr.rel @p0 .LBB2_2-.Ltmp0, $4  }
0x2da: {  	[tilespmem:$0x1FF90] =	vst v28;
	v47 =	vld [tilespmem:$0x1FAA0]  }
0x2db: {  	v60 =	vor.u32 $0x19, v21;
	[tilespmem:s13+$0xA4D0] =	vst v23;
	v6 =	vld.idx.msk [tilespmem:v6+s2+$0x0], $0xffff  }
0x2dc: {  	v34 =	vor.u32 $0x17, v21;
	v28 =	vor.u32 $0x1E, v21;
	v13 =	vor.u32 $0x18, v21;
	[tilespmem:s13+$0xA4C0] =	vst v18;
	v5 =	vld.idx.msk [tilespmem:v5+s2+$0x0], $0xffff  }
0x2dd: {  	s14 =	sadd.s32 $0x8, s14;
	v41 =	vor.u32 $0x1D, v21;
	v21 =	vor.u32 $0x1F, v21;
	v10 =	vor.u32 $0x19, v50;
	[tilespmem:s13+$0xA4E0] =	vst v25;
	v4 =	vld.idx.msk [tilespmem:v0+s2+$0x0], $0xffff  }
0x2de: {  	_ =	sdelay $0x3  }
0x2df: {  	v0 =	vld.idx.msk [tilespmem:v1+s2+$0x0], $0xffff;
	[tilespmem:s13+$0xB270] =	vst v7  }
0x2e0: {  	v27 =	vld.idx.msk [tilespmem:v3+s2+$0x0], $0xffff;
	[tilespmem:s13+$0xA520] =	vst v8  }
0x2e1: {  	[tilespmem:s13+$0xA530] =	vst v9;
	v39 =	vld.idx.msk [tilespmem:v10+s2+$0x0], $0xffff  }
0x2e2: {  	v8 =	vld.idx.msk [tilespmem:v34+s2+$0x0], $0xffff;
	[tilespmem:s13+$0xA510] =	vst v6  }
0x2e3: {  	v9 =	vld.idx.msk [tilespmem:v19+s2+$0x0], $0xffff;
	[tilespmem:s13+$0xA480] =	vst v5  }
0x2e4: {  	v5 =	vld.idx.msk [tilespmem:v51+s2+$0x0], $0xffff;
	[tilespmem:s13+$0xA540] =	vst v4;
	v51 =	vor.u32 $0x1A, v50  }
0x2e5: {  	v42 =	vld.idx.msk [tilespmem:v42+s2+$0x0], $0xffff;
	[tilespmem:s13+$0xA550] =	vst v0  }
0x2e6: {  	[tilespmem:s13+$0xA560] =	vst v27  }
0x2e7: {  	v10 =	vld.idx.msk [tilespmem:v17+s2+$0x0], $0xffff;
	[tilespmem:s13+$0xB2F0] =	vst v39  }
0x2e8: {  	v17 =	vld.idx.msk [tilespmem:v16+s2+$0x0], $0xffff;
	[tilespmem:s13+$0xA5A0] =	vst v8  }
0x2e9: {  	[tilespmem:s13+$0xA5B0] =	vst v9;
	v18 =	vld.idx.msk [tilespmem:v51+s2+$0x0], $0xffff  }
0x2ea: {  	v19 =	vor.u32 $0x1B, v50;
	v2 =	vld.idx.msk [tilespmem:v2+s2+$0x0], $0xffff;
	[tilespmem:s13+$0xA590] =	vst v42  }
0x2eb: {  	v27 =	vld.idx.msk [tilespmem:v13+s2+$0x0], $0xffff;
	[tilespmem:s13+$0xA500] =	vst v5  }
0x2ec: {  	v34 =	vld.idx.msk [tilespmem:v12+s2+$0x0], $0xffff;
	[tilespmem:s13+$0xA5C0] =	vst v10  }
0x2ed: {  	v25 =	vld.idx.msk [tilespmem:v14+s2+$0x0], $0xffff;
	[tilespmem:s13+$0xA5D0] =	vst v17  }
0x2ee: {  	v23 =	vld.idx.msk [tilespmem:v49+s2+$0x0], $0xffff;
	[tilespmem:s13+$0xB370] =	vst v18  }
0x2ef: {  	[tilespmem:s13+$0xA5E0] =	vst v2;
	v0 =	vld.idx.msk [tilespmem:v19+s2+$0x0], $0xffff  }
0x2f0: {  	v42 =	vor.u32 $0x1C, v50;
	v39 =	vld.idx.msk [tilespmem:v11+s2+$0x0], $0xffff;
	[tilespmem:s13+$0xB220] =	vst v27  }
0x2f1: {  	v49 =	vld.idx.msk [tilespmem:v63+s2+$0x0], $0xffff;
	[tilespmem:s13+$0xB230] =	vst v34  }
0x2f2: {  	v51 =	vld.idx.msk [tilespmem:v26+s2+$0x0], $0xffff;
	[tilespmem:s13+$0xB210] =	vst v25  }
0x2f3: {  	v9 =	vld.idx.msk [tilespmem:v60+s2+$0x0], $0xffff;
	[tilespmem:s13+$0xA580] =	vst v23  }
0x2f4: {  	v11 =	vld.idx.msk [tilespmem:v58+s2+$0x0], $0xffff;
	[tilespmem:s13+$0xB3F0] =	vst v0  }
0x2f5: {  	[tilespmem:s13+$0xB240] =	vst v39;
	v1 =	vld.idx.msk [tilespmem:v42+s2+$0x0], $0xffff  }
0x2f6: {  	v10 =	vor.u32 $0x1D, v50;
	v8 =	vld.idx.msk [tilespmem:v61+s2+$0x0], $0xffff;
	[tilespmem:s13+$0xB250] =	vst v49  }
0x2f7: {  	v63 =	vld.idx.msk [tilespmem:v48+s2+$0x0], $0xffff;
	[tilespmem:s13+$0xB260] =	vst v51  }
0x2f8: {  	v12 =	vld.idx.msk [tilespmem:v57+s2+$0x0], $0xffff;
	[tilespmem:s13+$0xB2A0] =	vst v9  }
0x2f9: {  	v13 =	vld.idx.msk [tilespmem:v36+s2+$0x0], $0xffff;
	[tilespmem:s13+$0xB2B0] =	vst v11  }
0x2fa: {  	v14 =	vld.idx.msk [tilespmem:v15+s2+$0x0], $0xffff;
	[tilespmem:s13+$0xB470] =	vst v1  }
0x2fb: {  	[tilespmem:s13+$0xB290] =	vst v8;
	v15 =	vld.idx.msk [tilespmem:v10+s2+$0x0], $0xffff  }
0x2fc: {  	[tilespmem:s13+$0xB200] =	vst v63  }
0x2fd: {  	[tilespmem:s13+$0xB2C0] =	vst v12  }
0x2fe: {  	v4 =	vld [tilespmem:$0x1FF00];
	[tilespmem:s13+$0xB2D0] =	vst v13  }
0x2ff: {  	v0 =	vld [tilespmem:$0x1FF10];
	[tilespmem:s13+$0xB2E0] =	vst v14  }
0x300: {  	v1 =	vld [tilespmem:$0x1FF20];
	[tilespmem:s13+$0xB4F0] =	vst v15  }
0x301: {  	v2 =	vld [tilespmem:$0x1FF30];
	_ =	sdelay $0x3  }
0x302: {  	v16 =	vld.idx.msk [tilespmem:v47+s2+$0x0], $0xffff  }
0x303: {  	v4 =	vld.idx.msk [tilespmem:v4+s2+$0x0], $0xffff  }
0x304: {  	v0 =	vld.idx.msk [tilespmem:v0+s2+$0x0], $0xffff  }
0x305: {  	v1 =	vld.idx.msk [tilespmem:v1+s2+$0x0], $0xffff  }
0x306: {  	v2 =	vld.idx.msk [tilespmem:v2+s2+$0x0], $0xffff  }
0x307: {  	[tilespmem:s13+$0xB280] =	vst v16  }
0x308: {  	[tilespmem:s13+$0xB310] =	vst v4  }
0x309: {  	[tilespmem:s13+$0xB320] =	vst v0  }
0x30a: {  	[tilespmem:s13+$0xB330] =	vst v1  }
0x30b: {  	v17 =	vor.u32 $0x1E, v50;
	[tilespmem:s13+$0xB340] =	vst v2  }
0x30c: {  	v2 =	vld [tilespmem:$0x1FF40];
	_ =	sdelay $0x3  }
0x30d: {  	v18 =	vld.idx.msk [tilespmem:v17+s2+$0x0], $0xffff  }
0x30e: {  	v19 =	vld.idx.msk [tilespmem:v59+s2+$0x0], $0xffff  }
0x30f: {  	v25 =	vld.idx.msk [tilespmem:v62+s2+$0x0], $0xffff  }
0x310: {  	v26 =	vld.idx.msk [tilespmem:v46+s2+$0x0], $0xffff  }
0x311: {  	v2 =	vld.idx.msk [tilespmem:v2+s2+$0x0], $0xffff  }
0x312: {  	[tilespmem:s13+$0xB570] =	vst v18  }
0x313: {  	v3 =	vld [tilespmem:$0x1FF50];
	[tilespmem:s13+$0xB350] =	vst v19  }
0x314: {  	[tilespmem:s13+$0xB360] =	vst v25  }
0x315: {  	v0 =	vld [tilespmem:$0x1FF60];
	[tilespmem:s13+$0xB300] =	vst v26  }
0x316: {  	v1 =	vld [tilespmem:$0x1FF70];
	[tilespmem:s13+$0xB390] =	vst v2  }
0x317: {  	v23 =	vor.u32 $0x1F, v50;
	v2 =	vld [tilespmem:$0x1FFE0];
	_ =	sdelay $0x3  }
0x318: {  	v3 =	vld.idx.msk [tilespmem:v3+s2+$0x0], $0xffff  }
0x319: {  	v27 =	vld.idx.msk [tilespmem:v23+s2+$0x0], $0xffff  }
0x31a: {  	v0 =	vld.idx.msk [tilespmem:v0+s2+$0x0], $0xffff  }
0x31b: {  	v1 =	vld.idx.msk [tilespmem:v1+s2+$0x0], $0xffff  }
0x31c: {  	v2 =	vld.idx.msk [tilespmem:v2+s2+$0x0], $0xffff  }
0x31d: {  	v34 =	vld.idx.msk [tilespmem:v55+s2+$0x0], $0xffff;
	[tilespmem:s13+$0xB3A0] =	vst v3  }
0x31e: {  	v36 =	vld.idx.msk [tilespmem:v45+s2+$0x0], $0xffff;
	[tilespmem:s13+$0xB5F0] =	vst v27  }
0x31f: {  	[tilespmem:s13+$0xB3B0] =	vst v0  }
0x320: {  	v0 =	vld [tilespmem:$0x1FF80];
	[tilespmem:s13+$0xB3C0] =	vst v1  }
0x321: {  	v1 =	vld [tilespmem:$0x1FF90];
	[tilespmem:s13+$0xB3D0] =	vst v2  }
0x322: {  	v2 =	vld [tilespmem:$0x1FFA0];
	[tilespmem:s13+$0xB3E0] =	vst v34  }
0x323: {  	v3 =	vld [tilespmem:$0x1FFB0];
	[tilespmem:s13+$0xB380] =	vst v36  }
0x324: {  	v4 =	vld [tilespmem:$0x1FFF0];
	_ =	sdelay $0x3  }
0x325: {  	v0 =	vld.idx.msk [tilespmem:v0+s2+$0x0], $0xffff  }
0x326: {  	v1 =	vld.idx.msk [tilespmem:v1+s2+$0x0], $0xffff  }
0x327: {  	v2 =	vld.idx.msk [tilespmem:v2+s2+$0x0], $0xffff  }
0x328: {  	v3 =	vld.idx.msk [tilespmem:v3+s2+$0x0], $0xffff  }
0x329: {  	v4 =	vld.idx.msk [tilespmem:v4+s2+$0x0], $0xffff  }
0x32a: {  	[tilespmem:s13+$0xB410] =	vst v0  }
0x32b: {  	[tilespmem:s13+$0xB420] =	vst v1  }
0x32c: {  	v39 =	vld.idx.msk [tilespmem:v43+s2+$0x0], $0xffff;
	[tilespmem:s13+$0xB430] =	vst v2  }
0x32d: {  	v2 =	vld [tilespmem:$0x1FFC0];
	[tilespmem:s13+$0xB440] =	vst v3  }
0x32e: {  	v43 =	vld.idx.msk [tilespmem:v41+s2+$0x0], $0xffff;
	[tilespmem:s13+$0xB450] =	vst v4  }
0x32f: {  	v4 =	vld [tilespmem:$0x1FFD0]  }
0x330: {  	v42 =	vld.idx.msk [tilespmem:v44+s2+$0x0], $0xffff  }
0x331: {  	v44 =	vld.idx.msk [tilespmem:v38+s2+$0x0], $0xffff  }
0x332: {  	[tilespmem:s13+$0xB460] =	vst v39;
	v45 =	vld.idx.msk [tilespmem:v31+s2+$0x0], $0xffff  }
0x333: {  	[tilespmem:s13+$0xB4A0] =	vst v43;
	v46 =	vld.idx.msk [tilespmem:v32+s2+$0x0], $0xffff  }
0x334: {  	v49 =	vld.idx.msk [tilespmem:v28+s2+$0x0], $0xffff  }
0x335: {  	[tilespmem:s13+$0xB400] =	vst v42;
	v2 =	vld.idx.msk [tilespmem:v2+s2+$0x0], $0xffff  }
0x336: {  	v47 =	vld.idx.msk [tilespmem:v35+s2+$0x0], $0xffff;
	[tilespmem:s13+$0xB4C0] =	vst v44  }
0x337: {  	[tilespmem:s13+$0xB4D0] =	vst v45;
	v4 =	vld.idx.msk [tilespmem:v4+s2+$0x0], $0xffff  }
0x338: {  	v51 =	vld.idx.msk [tilespmem:v29+s2+$0x0], $0xffff;
	[tilespmem:s13+$0xB4E0] =	vst v46  }
0x339: {  	[tilespmem:s13+$0xB520] =	vst v49;
	v55 =	vld.idx.msk [tilespmem:v20+s2+$0x0], $0xffff  }
0x33a: {  	v58 =	vld.idx.msk [tilespmem:v21+s2+$0x0], $0xffff;
	[tilespmem:s13+$0xB490] =	vst v2  }
0x33b: {  	[tilespmem:s13+$0xB480] =	vst v47;
	v48 =	vld.idx.msk [tilespmem:v54+s2+$0x0], $0xffff  }
0x33c: {  	v54 =	vld.idx.msk [tilespmem:v30+s2+$0x0], $0xffff;
	[tilespmem:s13+$0xB4B0] =	vst v4  }
0x33d: {  	[tilespmem:s13+$0xB540] =	vst v51;
	v50 =	vld.idx.msk [tilespmem:v56+s2+$0x0], $0xffff  }
0x33e: {  	[tilespmem:s13+$0xB560] =	vst v55;
	v56 =	vld.idx.msk [tilespmem:v37+s2+$0x0], $0xffff  }
0x33f: {  	v60 =	vld.idx.msk [tilespmem:v22+s2+$0x0], $0xffff;
	[tilespmem:s13+$0xB5A0] =	vst v58  }
0x340: {  	v62 =	vld.idx.msk [tilespmem:v33+s2+$0x0], $0xffff;
	[tilespmem:s13+$0xB510] =	vst v48  }
0x341: {  	[tilespmem:s13+$0xB550] =	vst v54;
	v57 =	vld.idx.msk [tilespmem:v52+s2+$0x0], $0xffff  }
0x342: {  	v61 =	vld.idx.msk [tilespmem:v24+s2+$0x0], $0xffff;
	[tilespmem:s13+$0xB530] =	vst v50  }
0x343: {  	[tilespmem:s13+$0xB500] =	vst v56;
	v59 =	vld.idx.msk [tilespmem:v53+s2+$0x0], $0xffff  }
0x344: {  	[tilespmem:s13+$0xB5C0] =	vst v60;
	v63 =	vld.idx.msk [tilespmem:v40+s2+$0x0], $0xffff  }
0x345: {  	[tilespmem:s13+$0xB5E0] =	vst v62  }
0x346: {  	[tilespmem:s13+$0xB590] =	vst v57  }
0x347: {  	s12 =	sadd.s32 $0x1, s12;
	[tilespmem:s13+$0xB5D0] =	vst v61  }
0x348: {  	p0 =	sne.s32 s12, s7;
	[tilespmem:s13+$0xB5B0] =	vst v59  }
.Ltmp1:
0x349: {  	[tilespmem:s13+$0xB580] =	vst v63;
	(pc) =	sbr.rel @p0 .LBB2_1-.Ltmp1, $4  }
0x34a: {  	[hbm4b:s6+s9] =	stream.strided.scatter [tilespmem:s11], [sflag:$0x1], $0x4000, s10, s9, $0x38;
	[tilespmem:$0xC200] =	vst v63  }
0x34b: {  	_ =	swait.ge [sflag:s4], $0x4000  }
0x34c: {  	[sflag:s4] =	ssyncset.done $0x0  }
0x34d: {  	[sflag:s4] =	ssyncadd.s32 $0xFFFFC000  }
0x34e: {  	_ =	sfence.sel $0x180000  }
0x34f: {  	[bflag:$0x0] =	sbarrier.arrive $0xFFFF  }
0x350: {  	p0 =	sne.s32 s0, $0x0;
	_ =	strace $0x9000004A  }
0x351: {  	s0 =	sadd.s32 @!p0 $0x100000, s1;
	[bflag:$0x2] =	sbarrier.arrive $0xFFFF  }
0x352: {  	[sflag:s0] =	ssyncadd.tile.s32 @!p0 $0x1;
	_ =	shalt  }
.Lfunc_end2:
_tile_overlayer_lowered:
.L_overlay_start_2:
0x353: {  	(tag) =	ssettag $0x2  }
0x354: {  	s0 =	rddreg [dreg:$0x0];
	s2 =	stileid.u32  }
0x355: {  	s1 =	rddreg [dreg:$0x1];
	p0 =	sne.s32 s2, $0x0  }
0x356: {  	s3 =	rddreg [dreg:$0x2];
	[bflag:$0x3] =	sbarrier.arrive $0xFFFF;
	s2 =	simm.s32 @!p0 $0x1C01  }
0x357: {  	[timem:s3], [sflag:s2] =	dma.local @!p0 [hbm:s0], s1  }
0x358: {  	s0 =	simm.s32 @!p0 $0x1  }
0x359: {  	_ =	swait.ge @!p0 [sflag:s0], s1  }
0x35a: {  	s1 =	ssub.s32 @!p0 $0x0, s1;
	[sflag:s0] =	ssyncset.done @!p0 $0x0  }
0x35b: {  	[sflag:s0] =	ssyncadd.s32 @!p0 s1  }
0x35c: {  	[bflag:$0x3] =	sbarrier.arrive $0xFFFF  }
0x35d: {  	_ =	shalt  }

</sc_bundles>
